<compile_context>
chip_gen: v7x
topology: tpu7x:2x2x1
jax: 0.10.2.dev20260603
libtpu: 0.0.44.dev20260713+nightly
codegen_flags: <defaults>
</compile_context>

<pallas_src>
import functools

import jax
import jax.numpy as jnp
from jax import lax
from jax.experimental import pallas as pl
from jax.experimental.pallas import tpu as pltpu
from jax.experimental.pallas import tpu_sc as plsc

N = 50000
E = 800000
D = 64
LAT = 32
HALF = 32

NTILES = 16
BLK = 128
EROWS = 6272
EPAD = EROWS * BLK
ROWS_PER_TILE = EROWS // NTILES
BATCH = 4
NBATCH = ROWS_PER_TILE // BATCH

NPAD = 51200
STRIPE = NPAD // NTILES
TRASH = NPAD - 1

_MESH = plsc.VectorSubcoreMesh(core_axis_name="c", subcore_axis_name="s")


def _seg_body(gidx, sidx, table, out, acc, zeros, gbuf, sbuf, rows,
              sem_i, sem_g, sem_s, sid):
    base = sid * STRIPE
    pltpu.sync_copy(zeros.at[pl.ds(base, STRIPE)], acc.at[pl.ds(base, STRIPE)])
    plsc.subcore_barrier()

    def body(i, _):
        r0 = sid * ROWS_PER_TILE + i * BATCH
        ci = pltpu.async_copy(gidx.at[pl.ds(r0, BATCH)], gbuf, sem_i)
        cs = pltpu.async_copy(sidx.at[pl.ds(r0, BATCH)], sbuf, sem_i)
        ci.wait()
        cs.wait()
        gs = [pltpu.async_copy(table.at[gbuf.at[k]],
                               rows.at[pl.ds(k * BLK, BLK)], sem_g)
              for k in range(BATCH)]
        for g in gs:
            g.wait()
        ss = [pltpu.async_copy(rows.at[pl.ds(k * BLK, BLK)],
                               acc.at[sbuf.at[k]], sem_s, add=True)
              for k in range(BATCH)]
        for ss_ in ss:
            ss_.wait()
        return _

    lax.fori_loop(0, NBATCH, body, None)
    plsc.subcore_barrier()
    pltpu.sync_copy(acc.at[pl.ds(base, STRIPE)], out.at[pl.ds(base, STRIPE)])


@functools.partial(
    pl.kernel,
    out_type=jax.ShapeDtypeStruct((2, NPAD, HALF), jnp.float32),
    mesh=_MESH,
    compiler_params=pltpu.CompilerParams(use_tc_tiling_on_sc=False),
    scratch_types=[
        pltpu.VMEM((BATCH, BLK), jnp.int32),
        pltpu.VMEM((BATCH, BLK), jnp.int32),
        pltpu.VMEM((BATCH * BLK, HALF), jnp.float32),
        pltpu.VMEM_SHARED((NPAD, HALF), jnp.float32),
        pltpu.SemaphoreType.DMA,
        pltpu.SemaphoreType.DMA,
        pltpu.SemaphoreType.DMA,
    ],
)
def _sc_segsum(tlo, thi, gidx, sidx, zeros, out,
               gbuf, sbuf, rows, acc, sem_i, sem_g, sem_s):
    cid = lax.axis_index("c")
    sid = lax.axis_index("s")

    @pl.when(cid == 0)
    def _():
        _seg_body(gidx, sidx, tlo, out.at[0], acc, zeros, gbuf, sbuf, rows,
                  sem_i, sem_g, sem_s, sid)

    @pl.when(cid == 1)
    def _():
        _seg_body(gidx, sidx, thi, out.at[1], acc, zeros, gbuf, sbuf, rows,
                  sem_i, sem_g, sem_s, sid)


def _cnt_body(cidx, out, acc, zeros, ones, ibuf, sem_i, sem_s, sid):
    base = sid * STRIPE
    pltpu.sync_copy(zeros.at[pl.ds(base, STRIPE)], acc.at[pl.ds(base, STRIPE)])
    for j in range(8):
        ones[pl.ds(j * 16, 16)] = jnp.full((16,), 1.0, jnp.float32)
    plsc.subcore_barrier()

    def body(i, _):
        r0 = sid * ROWS_PER_TILE + i * BATCH
        pltpu.async_copy(cidx.at[pl.ds(r0, BATCH)], ibuf, sem_i).wait()
        ss = [pltpu.async_copy(ones, acc.at[ibuf.at[k]], sem_s, add=True)
              for k in range(BATCH)]
        for s in ss:
            s.wait()
        return _

    lax.fori_loop(0, NBATCH, body, None)
    plsc.subcore_barrier()
    pltpu.sync_copy(acc.at[pl.ds(base, STRIPE)], out.at[pl.ds(base, STRIPE)])


@functools.partial(
    pl.kernel,
    out_type=jax.ShapeDtypeStruct((2, NPAD), jnp.float32),
    mesh=_MESH,
    compiler_params=pltpu.CompilerParams(use_tc_tiling_on_sc=False),
    scratch_types=[
        pltpu.VMEM((BATCH, BLK), jnp.int32),
        pltpu.VMEM((BLK,), jnp.float32),
        pltpu.VMEM_SHARED((NPAD,), jnp.float32),
        pltpu.SemaphoreType.DMA,
        pltpu.SemaphoreType.DMA,
    ],
)
def _sc_counts(cidx2, zeros, out, ibuf, ones, acc, sem_i, sem_s):
    cid = lax.axis_index("c")
    sid = lax.axis_index("s")

    @pl.when(cid == 0)
    def _():
        _cnt_body(cidx2.at[0], out.at[0], acc, zeros, ones, ibuf,
                  sem_i, sem_s, sid)

    @pl.when(cid == 1)
    def _():
        _cnt_body(cidx2.at[1], out.at[1], acc, zeros, ones, ibuf,
                  sem_i, sem_s, sid)


ROWBLK = 400
GRID = N // ROWBLK


def _tc1_body(sums, cnt, x, wn_lo, wn_hi, ws, out):
    inv = 1.0 / jnp.maximum(cnt[...], 1.0)
    m_lo = sums[0] * inv
    m_hi = sums[1] * inv
    h = (jnp.dot(m_lo, wn_lo[...], preferred_element_type=jnp.float32)
         + jnp.dot(m_hi, wn_hi[...], preferred_element_type=jnp.float32)
         + jnp.dot(x[...], ws[...], preferred_element_type=jnp.float32))
    h = jnp.maximum(h, 0.0)
    out[0] = h[:, :HALF]
    out[1] = h[:, HALF:]


def _tc1(sums, cnt, x, wn, ws):
    return pl.pallas_call(
        _tc1_body,
        grid=(GRID,),
        in_specs=[
            pl.BlockSpec((2, ROWBLK, HALF), lambda i: (0, i, 0)),
            pl.BlockSpec((ROWBLK, 1), lambda i: (i, 0)),
            pl.BlockSpec((ROWBLK, D), lambda i: (i, 0)),
            pl.BlockSpec((HALF, D), lambda i: (0, 0)),
            pl.BlockSpec((HALF, D), lambda i: (0, 0)),
            pl.BlockSpec((D, D), lambda i: (0, 0)),
        ],
        out_specs=pl.BlockSpec((2, ROWBLK, HALF), lambda i: (0, i, 0)),
        out_shape=jax.ShapeDtypeStruct((2, N, HALF), jnp.float32),
    )(sums, cnt, x, wn[:HALF], wn[HALF:], ws)


def _tc2_body(sums, cnt, h, eps,
              wmun_lo, wmun_hi, wmus_lo, wmus_hi,
              wlvn_lo, wlvn_hi, wlvs_lo, wlvs_hi,
              z_out, mu_out, lv_out):
    inv = 1.0 / jnp.maximum(cnt[...], 1.0)
    a_lo = sums[0] * inv
    a_hi = sums[1] * inv
    h_lo = h[0]
    h_hi = h[1]

    def mix(wn_lo, wn_hi, ws_lo, ws_hi):
        return (jnp.dot(a_lo, wn_lo[...], preferred_element_type=jnp.float32)
                + jnp.dot(a_hi, wn_hi[...], preferred_element_type=jnp.float32)
                + jnp.dot(h_lo, ws_lo[...], preferred_element_type=jnp.float32)
                + jnp.dot(h_hi, ws_hi[...], preferred_element_type=jnp.float32))

    mu = mix(wmun_lo, wmun_hi, wmus_lo, wmus_hi)
    lv = mix(wlvn_lo, wlvn_hi, wlvs_lo, wlvs_hi)
    z = mu + eps[...] * jnp.exp(0.5 * lv)
    z_out[...] = z
    mu_out[...] = mu
    lv_out[...] = lv


def _tc2(sums, cnt, h, eps, wmun, wmus, wlvn, wlvs):
    wspec = pl.BlockSpec((HALF, LAT), lambda i: (0, 0))
    return pl.pallas_call(
        _tc2_body,
        grid=(GRID,),
        in_specs=[
            pl.BlockSpec((2, ROWBLK, HALF), lambda i: (0, i, 0)),
            pl.BlockSpec((ROWBLK, 1), lambda i: (i, 0)),
            pl.BlockSpec((2, ROWBLK, HALF), lambda i: (0, i, 0)),
            pl.BlockSpec((ROWBLK, LAT), lambda i: (i, 0)),
            wspec, wspec, wspec, wspec, wspec, wspec, wspec, wspec,
        ],
        out_specs=[
            pl.BlockSpec((ROWBLK, LAT), lambda i: (i, 0)),
            pl.BlockSpec((ROWBLK, LAT), lambda i: (i, 0)),
            pl.BlockSpec((ROWBLK, LAT), lambda i: (i, 0)),
        ],
        out_shape=[
            jax.ShapeDtypeStruct((N, LAT), jnp.float32),
            jax.ShapeDtypeStruct((N, LAT), jnp.float32),
            jax.ShapeDtypeStruct((N, LAT), jnp.float32),
        ],
    )(sums, cnt, h, eps,
      wmun[:HALF], wmun[HALF:], wmus[:HALF], wmus[HALF:],
      wlvn[:HALF], wlvn[HALF:], wlvs[:HALF], wlvs[HALF:])


def _pad_flat(v, fill):
    return jnp.concatenate([v, jnp.full((EPAD - E,), fill, jnp.int32)])


def _pad_idx(v, fill):
    return _pad_flat(v, fill).reshape(EROWS, BLK)


def kernel(user_node_id, item_node_id, edge_index, user_emb_table,
           item_emb_table, W1_ui_n, W1_ui_s, W1_iu_n, W1_iu_s,
           Wmu_ui_n, Wmu_ui_s, Wmu_iu_n, Wmu_iu_s,
           Wlv_ui_n, Wlv_ui_s, Wlv_iu_n, Wlv_iu_s):
    src = edge_index[0]
    dst = edge_index[1]
    g_src = _pad_idx(src, 0)
    g_dst = _pad_idx(dst, 0)
    s_src = _pad_idx(src, TRASH)
    s_dst = _pad_idx(dst, TRASH)

    zeros2 = jnp.zeros((NPAD, HALF), jnp.float32)
    zeros1 = jnp.zeros((NPAD,), jnp.float32)

    cnts = _sc_counts(jnp.stack([s_dst, s_src]), zeros1)
    cnt_i = cnts[0].reshape(NPAD, 1)
    cnt_u = cnts[1].reshape(NPAD, 1)

    sum_item = _sc_segsum(user_emb_table[:, :HALF], user_emb_table[:, HALF:],
                          g_src, s_dst, zeros2)
    sum_user = _sc_segsum(item_emb_table[:, :HALF], item_emb_table[:, HALF:],
                          g_dst, s_src, zeros2)

    h_item = _tc1(sum_item, cnt_i, item_emb_table, W1_ui_n, W1_ui_s)
    h_user = _tc1(sum_user, cnt_u, user_emb_table, W1_iu_n, W1_iu_s)

    sum2_item = _sc_segsum(h_user[0], h_user[1], g_src, s_dst, zeros2)
    sum2_user = _sc_segsum(h_item[0], h_item[1], g_dst, s_src, zeros2)

    eps_u = jax.random.normal(jax.random.key(42), (N, LAT), jnp.float32)
    eps_i = jax.random.normal(jax.random.key(43), (N, LAT), jnp.float32)

    z_item, mu_item, lv_item = _tc2(sum2_item, cnt_i, h_item, eps_i,
                                    Wmu_ui_n, Wmu_ui_s, Wlv_ui_n, Wlv_ui_s)
    z_user, mu_user, lv_user = _tc2(sum2_user, cnt_u, h_user, eps_u,
                                    Wmu_iu_n, Wmu_iu_s, Wlv_iu_n, Wlv_iu_s)

    return (z_user, z_item, mu_user, lv_user, mu_item, lv_item)

# --- scband reference (transcript-rebuilt; emitter-appended) ---
"""Pipeline reference for scband-gae-17875653886572 (READ-ONLY COPY).

The authoritative reference and input builder live on the scoring server;
editing this copy changes nothing except your own understanding.
"""

import jax, jax.numpy as jnp
import numpy as np

N_USER = 50000
N_ITEM = 50000
E = 800000
EMB = 64
HID = 64
LAT = 32


def _glorot(k, shape):
    lim = np.sqrt(6.0 / (shape[0] + shape[1]))
    return jax.random.uniform(k, shape, minval=-lim, maxval=lim, dtype=jnp.float32)


def _mean_aggr(msgs, dst, num_seg):
    s = jax.ops.segment_sum(msgs, dst, num_segments=num_seg)
    cnt = jax.ops.segment_sum(jnp.ones((msgs.shape[0], 1), dtype=msgs.dtype), dst, num_segments=num_seg)
    return s / jnp.maximum(cnt, 1.0)


def setup_inputs(seed: int = 0) -> dict:
    key = jax.random.key(seed)
    ks = jax.random.split(key, 20)
    user_node_id = jnp.arange(N_USER, dtype=jnp.int32)
    item_node_id = jnp.arange(N_ITEM, dtype=jnp.int32)
    src = jax.random.randint(ks[0], (E,), 0, N_USER, dtype=jnp.int32)
    dst = jax.random.randint(ks[1], (E,), 0, N_ITEM, dtype=jnp.int32)
    edge_index = jnp.stack([src, dst], axis=0)
    inp = {
        'user_node_id': user_node_id,
        'item_node_id': item_node_id,
        'edge_index': edge_index,
        'user_emb_table': _glorot(ks[2], (N_USER, EMB)),
        'item_emb_table': _glorot(ks[3], (N_ITEM, EMB)),
        'W1_ui_n': _glorot(ks[4], (EMB, HID)),
        'W1_ui_s': _glorot(ks[5], (EMB, HID)),
        'W1_iu_n': _glorot(ks[6], (EMB, HID)),
        'W1_iu_s': _glorot(ks[7], (EMB, HID)),
        'Wmu_ui_n': _glorot(ks[8], (HID, LAT)),
        'Wmu_ui_s': _glorot(ks[9], (HID, LAT)),
        'Wmu_iu_n': _glorot(ks[10], (HID, LAT)),
        'Wmu_iu_s': _glorot(ks[11], (HID, LAT)),
        'Wlv_ui_n': _glorot(ks[12], (HID, LAT)),
        'Wlv_ui_s': _glorot(ks[13], (HID, LAT)),
        'Wlv_iu_n': _glorot(ks[14], (HID, LAT)),
        'Wlv_iu_s': _glorot(ks[15], (HID, LAT)),
    }
    return inp


def reference(user_node_id, item_node_id, edge_index,
              user_emb_table, item_emb_table,
              W1_ui_n, W1_ui_s, W1_iu_n, W1_iu_s,
              Wmu_ui_n, Wmu_ui_s, Wmu_iu_n, Wmu_iu_s,
              Wlv_ui_n, Wlv_ui_s, Wlv_iu_n, Wlv_iu_s):
    n_user = user_emb_table.shape[0]
    n_item = item_emb_table.shape[0]
    # embedding lookups (SparseCore gather)
    x_user = jnp.take(user_emb_table, user_node_id, axis=0)
    x_item = jnp.take(item_emb_table, item_node_id, axis=0)
    src = edge_index[0]
    dst = edge_index[1]
    # hetero SAGE conv layer 1 (mean aggregation), user->item and item->user (reversed edges)
    m_item = _mean_aggr(jnp.take(x_user, src, axis=0), dst, n_item)
    h_item = m_item @ W1_ui_n + x_item @ W1_ui_s
    m_user = _mean_aggr(jnp.take(x_item, dst, axis=0), src, n_user)
    h_user = m_user @ W1_iu_n + x_user @ W1_iu_s
    h_user = jax.nn.relu(h_user)
    h_item = jax.nn.relu(h_item)
    # mu / logvar heads (variational encoder)
    mu_item = _mean_aggr(jnp.take(h_user, src, axis=0), dst, n_item) @ Wmu_ui_n + h_item @ Wmu_ui_s
    mu_user = _mean_aggr(jnp.take(h_item, dst, axis=0), src, n_user) @ Wmu_iu_n + h_user @ Wmu_iu_s
    lv_item = _mean_aggr(jnp.take(h_user, src, axis=0), dst, n_item) @ Wlv_ui_n + h_item @ Wlv_ui_s
    lv_user = _mean_aggr(jnp.take(h_item, dst, axis=0), src, n_user) @ Wlv_iu_n + h_user @ Wlv_iu_s
    # reparameterize with deterministic noise
    eps_u = jax.random.normal(jax.random.key(42), mu_user.shape, dtype=jnp.float32)
    eps_i = jax.random.normal(jax.random.key(43), mu_item.shape, dtype=jnp.float32)
    z_user = mu_user + eps_u * jnp.exp(0.5 * lv_user)
    z_item = mu_item + eps_i * jnp.exp(0.5 * lv_item)
    return (z_user, z_item, mu_user, lv_user, mu_item, lv_item)

if __name__ == "__main__":
    import jax
    _d = setup_inputs()
    print(jax.jit(kernel)(*tuple(_d.values())))

</pallas_src>

<mosaic_0001>
#map = affine_map<(d0, d1) -> (0, 0)>
#map1 = affine_map<(d0, d1) -> (0, 0, 0)>
module attributes {stable_mosaic.version = 14 : i64} {
  func.func @_sc_segsum(%arg0: i32, %arg1: i32, %arg2: memref<50000x32xf32, #tpu.memory_space<hbm>>, %arg3: memref<50000x32xf32, #tpu.memory_space<hbm>>, %arg4: memref<6272x128xi32, #tpu.memory_space<hbm>>, %arg5: memref<6272x128xi32, #tpu.memory_space<hbm>>, %arg6: memref<51200x32xf32, #tpu.memory_space<hbm>>, %arg7: memref<2x51200x32xf32, #tpu.memory_space<hbm>>, %arg8: memref<4x128xi32, #tpu.memory_space<vmem>>, %arg9: memref<4x128xi32, #tpu.memory_space<vmem>>, %arg10: memref<512x32xf32, #tpu.memory_space<vmem>>, %arg11: memref<51200x32xf32, #tpu.memory_space<vmem_shared>>, %arg12: memref<!tpu.dma_semaphore, #tpu.memory_space<semaphore_mem>>, %arg13: memref<!tpu.dma_semaphore, #tpu.memory_space<semaphore_mem>>, %arg14: memref<!tpu.dma_semaphore, #tpu.memory_space<semaphore_mem>>) attributes {dimension_semantics = [#tpu.dimension_semantics<core_parallel>, #tpu.dimension_semantics<subcore_parallel>], iteration_bounds = array<i64: 2, 16>, scalar_prefetch = 0 : i64, scratch_operands = 7 : i64, tpu.core_type = #tpu.core_type<sc_vector_subcore>, window_params = [{transform_indices = #map}, {transform_indices = #map}, {transform_indices = #map}, {transform_indices = #map}, {transform_indices = #map}, {transform_indices = #map1}]} {
    %eq3A = arith.constant 0 : i32
    %eq3A_0 = arith.cmpi eq, %arg0, %eq3A : i32
    %convert_element_type3A = arith.extui %eq3A_0 : i1 to i32
    %cond3A = arith.constant 0 : i32
    %cond3A_1 = arith.cmpi ne, %convert_element_type3A, %cond3A : i32
    scf.if %cond3A_1 {
      %mul3A = arith.constant 3200 : i32
      %mul3A_7 = arith.muli %arg1, %mul3A : i32
      "tpu.region"() ({
        %run_scoped3A_13 = tpu.sem_alloc : memref<!tpu.dma_semaphore, #tpu.memory_space<semaphore_mem>>
        %dma_start3A = arith.constant 0 : i32
        %dma_start3A_14 = tpu.memref_slice %arg11[%mul3A_7, %dma_start3A] : memref<51200x32xf32, #tpu.memory_space<vmem_shared>> -> memref<3200x32xf32, #tpu.memory_space<vmem_shared>>
        %dma_start3A_15 = arith.constant 0 : i32
        %dma_start3A_16 = tpu.memref_slice %arg6[%mul3A_7, %dma_start3A_15] : memref<51200x32xf32, #tpu.memory_space<hbm>> -> memref<3200x32xf32, #tpu.memory_space<hbm>>
        tpu.enqueue_dma source(%dma_start3A_16 : memref<3200x32xf32, #tpu.memory_space<hbm>>) target(%dma_start3A_14 : memref<3200x32xf32, #tpu.memory_space<vmem_shared>>) target_semaphore(%run_scoped3A_13 : memref<!tpu.dma_semaphore, #tpu.memory_space<semaphore_mem>>)
        %dma_wait3A = arith.constant 0 : i32
        %dma_wait3A_17 = tpu.memref_slice %arg11[%mul3A_7, %dma_wait3A] : memref<51200x32xf32, #tpu.memory_space<vmem_shared>> -> memref<3200x32xf32, #tpu.memory_space<vmem_shared>>
        %dma_wait3A_18 = arith.constant 0 : i32
        %dma_wait3A_19 = tpu.memref_slice %arg6[%mul3A_7, %dma_wait3A_18] : memref<51200x32xf32, #tpu.memory_space<hbm>> -> memref<3200x32xf32, #tpu.memory_space<hbm>>
        tpu.wait_dma2 semaphore(%run_scoped3A_13 : memref<!tpu.dma_semaphore, #tpu.memory_space<semaphore_mem>>) src(%dma_wait3A_19 : memref<3200x32xf32, #tpu.memory_space<hbm>>) dst(%dma_wait3A_17 : memref<3200x32xf32, #tpu.memory_space<vmem_shared>>)
        tpu.yield
      }) : () -> ()
      %barrier3A = arith.constant 0 : index
      tpu.barrier barrier_id(%barrier3A)
      %scan3A = arith.constant 0 : i32
      %scan3A_8 = arith.constant 98 : i32
      %scan3A_9 = arith.addi %scan3A, %scan3A_8 : i32
      %scan3A_10 = arith.constant 1 : i32
      scf.for %scan3A_13 = %scan3A to %scan3A_9 step %scan3A_10  : i32 {
        %mul3A_14 = arith.constant 392 : i32
        %mul3A_15 = arith.muli %arg1, %mul3A_14 : i32
        %mul3A_16 = arith.constant 4 : i32
        %mul3A_17 = arith.muli %scan3A_13, %mul3A_16 : i32
        %add3A = arith.addi %mul3A_15, %mul3A_17 : i32
        %dma_start3A = arith.constant 0 : i32
        %dma_start3A_18 = tpu.memref_slice %arg4[%add3A, %dma_start3A] : memref<6272x128xi32, #tpu.memory_space<hbm>> -> memref<4x128xi32, #tpu.memory_space<hbm>>
        %dma_start3A_19 = arith.constant 0 : i32
        %dma_start3A_20 = tpu.memref_slice %arg4[%add3A, %dma_start3A_19] : memref<6272x128xi32, #tpu.memory_space<hbm>> -> memref<4x128xi32, #tpu.memory_space<hbm>>
        tpu.enqueue_dma source(%dma_start3A_20 : memref<4x128xi32, #tpu.memory_space<hbm>>) target(%arg8 : memref<4x128xi32, #tpu.memory_space<vmem>>) target_semaphore(%arg12 : memref<!tpu.dma_semaphore, #tpu.memory_space<semaphore_mem>>)
        %dma_start3A_21 = arith.constant 0 : i32
        %dma_start3A_22 = tpu.memref_slice %arg5[%add3A, %dma_start3A_21] : memref<6272x128xi32, #tpu.memory_space<hbm>> -> memref<4x128xi32, #tpu.memory_space<hbm>>
        %dma_start3A_23 = arith.constant 0 : i32
        %dma_start3A_24 = tpu.memref_slice %arg5[%add3A, %dma_start3A_23] : memref<6272x128xi32, #tpu.memory_space<hbm>> -> memref<4x128xi32, #tpu.memory_space<hbm>>
        tpu.enqueue_dma source(%dma_start3A_24 : memref<4x128xi32, #tpu.memory_space<hbm>>) target(%arg9 : memref<4x128xi32, #tpu.memory_space<vmem>>) target_semaphore(%arg12 : memref<!tpu.dma_semaphore, #tpu.memory_space<semaphore_mem>>)
        %dma_wait3A = arith.constant 0 : i32
        %dma_wait3A_25 = tpu.memref_slice %arg4[%add3A, %dma_wait3A] : memref<6272x128xi32, #tpu.memory_space<hbm>> -> memref<4x128xi32, #tpu.memory_space<hbm>>
        %dma_wait3A_26 = arith.constant 0 : i32
        %dma_wait3A_27 = tpu.memref_slice %arg4[%add3A, %dma_wait3A_26] : memref<6272x128xi32, #tpu.memory_space<hbm>> -> memref<4x128xi32, #tpu.memory_space<hbm>>
        tpu.wait_dma2 semaphore(%arg12 : memref<!tpu.dma_semaphore, #tpu.memory_space<semaphore_mem>>) src(%dma_wait3A_27 : memref<4x128xi32, #tpu.memory_space<hbm>>) dst(%arg8 : memref<4x128xi32, #tpu.memory_space<vmem>>)
        %dma_wait3A_28 = arith.constant 0 : i32
        %dma_wait3A_29 = tpu.memref_slice %arg5[%add3A, %dma_wait3A_28] : memref<6272x128xi32, #tpu.memory_space<hbm>> -> memref<4x128xi32, #tpu.memory_space<hbm>>
        %dma_wait3A_30 = arith.constant 0 : i32
        %dma_wait3A_31 = tpu.memref_slice %arg5[%add3A, %dma_wait3A_30] : memref<6272x128xi32, #tpu.memory_space<hbm>> -> memref<4x128xi32, #tpu.memory_space<hbm>>
        tpu.wait_dma2 semaphore(%arg12 : memref<!tpu.dma_semaphore, #tpu.memory_space<semaphore_mem>>) src(%dma_wait3A_31 : memref<4x128xi32, #tpu.memory_space<hbm>>) dst(%arg9 : memref<4x128xi32, #tpu.memory_space<vmem>>)
        %dma_start3A_32 = arith.constant 0 : i32
        %dma_start3A_33 = arith.constant 0 : i32
        %dma_start3A_34 = arith.constant 0 : i32
        %dma_start3A_35 = tpu.memref_slice %arg10[%dma_start3A_33, %dma_start3A_34] : memref<512x32xf32, #tpu.memory_space<vmem>> -> memref<128x32xf32, #tpu.memory_space<vmem>>
        %dma_start3A_36 = arith.constant 0 : i32
        %dma_start3A_37 = tpu.memref_slice %arg8[%dma_start3A_32, %dma_start3A_36] : memref<4x128xi32, #tpu.memory_space<vmem>> -> memref<1x128xi32, #tpu.memory_space<vmem>>
        %dma_start3A_38 = tpu.memref_squeeze %dma_start3A_37 : memref<1x128xi32, #tpu.memory_space<vmem>> -> memref<128xi32, #tpu.memory_space<vmem>>
        %dma_start3A_39 = arith.constant 0 : i32
        %dma_start3A_40 = arith.constant 0 : i32
        %dma_start3A_41 = tpu.memref_slice %arg2[%dma_start3A_39, %dma_start3A_40] : memref<50000x32xf32, #tpu.memory_space<hbm>> -> memref<50000x32xf32, #tpu.memory_space<hbm>>
        tpu.enqueue_indirect_dma source(%dma_start3A_41 : memref<50000x32xf32, #tpu.memory_space<hbm>>) target(%dma_start3A_35 : memref<128x32xf32, #tpu.memory_space<vmem>>) offsets(%dma_start3A_38 : memref<128xi32, #tpu.memory_space<vmem>>) semaphore(%arg13 : memref<!tpu.dma_semaphore, #tpu.memory_space<semaphore_mem>>)
        %dma_start3A_42 = arith.constant 1 : i32
        %dma_start3A_43 = arith.constant 128 : i32
        %dma_start3A_44 = arith.constant 0 : i32
        %dma_start3A_45 = tpu.memref_slice %arg10[%dma_start3A_43, %dma_start3A_44] : memref<512x32xf32, #tpu.memory_space<vmem>> -> memref<128x32xf32, #tpu.memory_space<vmem>>
        %dma_start3A_46 = arith.constant 0 : i32
        %dma_start3A_47 = tpu.memref_slice %arg8[%dma_start3A_42, %dma_start3A_46] : memref<4x128xi32, #tpu.memory_space<vmem>> -> memref<1x128xi32, #tpu.memory_space<vmem>>
        %dma_start3A_48 = tpu.memref_squeeze %dma_start3A_47 : memref<1x128xi32, #tpu.memory_space<vmem>> -> memref<128xi32, #tpu.memory_space<vmem>>
        %dma_start3A_49 = arith.constant 0 : i32
        %dma_start3A_50 = arith.constant 0 : i32
        %dma_start3A_51 = tpu.memref_slice %arg2[%dma_start3A_49, %dma_start3A_50] : memref<50000x32xf32, #tpu.memory_space<hbm>> -> memref<50000x32xf32, #tpu.memory_space<hbm>>
        tpu.enqueue_indirect_dma source(%dma_start3A_51 : memref<50000x32xf32, #tpu.memory_space<hbm>>) target(%dma_start3A_45 : memref<128x32xf32, #tpu.memory_space<vmem>>) offsets(%dma_start3A_48 : memref<128xi32, #tpu.memory_space<vmem>>) semaphore(%arg13 : memref<!tpu.dma_semaphore, #tpu.memory_space<semaphore_mem>>)
        %dma_start3A_52 = arith.constant 2 : i32
        %dma_start3A_53 = arith.constant 256 : i32
        %dma_start3A_54 = arith.constant 0 : i32
        %dma_start3A_55 = tpu.memref_slice %arg10[%dma_start3A_53, %dma_start3A_54] : memref<512x32xf32, #tpu.memory_space<vmem>> -> memref<128x32xf32, #tpu.memory_space<vmem>>
        %dma_start3A_56 = arith.constant 0 : i32
        %dma_start3A_57 = tpu.memref_slice %arg8[%dma_start3A_52, %dma_start3A_56] : memref<4x128xi32, #tpu.memory_space<vmem>> -> memref<1x128xi32, #tpu.memory_space<vmem>>
        %dma_start3A_58 = tpu.memref_squeeze %dma_start3A_57 : memref<1x128xi32, #tpu.memory_space<vmem>> -> memref<128xi32, #tpu.memory_space<vmem>>
        %dma_start3A_59 = arith.constant 0 : i32
        %dma_start3A_60 = arith.constant 0 : i32
        %dma_start3A_61 = tpu.memref_slice %arg2[%dma_start3A_59, %dma_start3A_60] : memref<50000x32xf32, #tpu.memory_space<hbm>> -> memref<50000x32xf32, #tpu.memory_space<hbm>>
        tpu.enqueue_indirect_dma source(%dma_start3A_61 : memref<50000x32xf32, #tpu.memory_space<hbm>>) target(%dma_start3A_55 : memref<128x32xf32, #tpu.memory_space<vmem>>) offsets(%dma_start3A_58 : memref<128xi32, #tpu.memory_space<vmem>>) semaphore(%arg13 : memref<!tpu.dma_semaphore, #tpu.memory_space<semaphore_mem>>)
        %dma_start3A_62 = arith.constant 3 : i32
        %dma_start3A_63 = arith.constant 384 : i32
        %dma_start3A_64 = arith.constant 0 : i32
        %dma_start3A_65 = tpu.memref_slice %arg10[%dma_start3A_63, %dma_start3A_64] : memref<512x32xf32, #tpu.memory_space<vmem>> -> memref<128x32xf32, #tpu.memory_space<vmem>>
        %dma_start3A_66 = arith.constant 0 : i32
        %dma_start3A_67 = tpu.memref_slice %arg8[%dma_start3A_62, %dma_start3A_66] : memref<4x128xi32, #tpu.memory_space<vmem>> -> memref<1x128xi32, #tpu.memory_space<vmem>>
        %dma_start3A_68 = tpu.memref_squeeze %dma_start3A_67 : memref<1x128xi32, #tpu.memory_space<vmem>> -> memref<128xi32, #tpu.memory_space<vmem>>
        %dma_start3A_69 = arith.constant 0 : i32
        %dma_start3A_70 = arith.constant 0 : i32
        %dma_start3A_71 = tpu.memref_slice %arg2[%dma_start3A_69, %dma_start3A_70] : memref<50000x32xf32, #tpu.memory_space<hbm>> -> memref<50000x32xf32, #tpu.memory_space<hbm>>
        tpu.enqueue_indirect_dma source(%dma_start3A_71 : memref<50000x32xf32, #tpu.memory_space<hbm>>) target(%dma_start3A_65 : memref<128x32xf32, #tpu.memory_space<vmem>>) offsets(%dma_start3A_68 : memref<128xi32, #tpu.memory_space<vmem>>) semaphore(%arg13 : memref<!tpu.dma_semaphore, #tpu.memory_space<semaphore_mem>>)
        %dma_wait3A_72 = arith.constant 0 : i32
        %dma_wait3A_73 = arith.constant 0 : i32
        %dma_wait3A_74 = arith.constant 0 : i32
        %dma_wait3A_75 = tpu.memref_slice %arg10[%dma_wait3A_73, %dma_wait3A_74] : memref<512x32xf32, #tpu.memory_space<vmem>> -> memref<128x32xf32, #tpu.memory_space<vmem>>
        %dma_wait3A_76 = arith.constant 0 : i32
        %dma_wait3A_77 = tpu.memref_slice %arg8[%dma_wait3A_72, %dma_wait3A_76] : memref<4x128xi32, #tpu.memory_space<vmem>> -> memref<1x128xi32, #tpu.memory_space<vmem>>
        %dma_wait3A_78 = tpu.memref_squeeze %dma_wait3A_77 : memref<1x128xi32, #tpu.memory_space<vmem>> -> memref<128xi32, #tpu.memory_space<vmem>>
        %dma_wait3A_79 = arith.constant 0 : i32
        %dma_wait3A_80 = arith.constant 0 : i32
        %dma_wait3A_81 = tpu.memref_slice %arg2[%dma_wait3A_79, %dma_wait3A_80] : memref<50000x32xf32, #tpu.memory_space<hbm>> -> memref<50000x32xf32, #tpu.memory_space<hbm>>
        tpu.wait_indirect_dma semaphore(%arg13 : memref<!tpu.dma_semaphore, #tpu.memory_space<semaphore_mem>>) src(%dma_wait3A_81 : memref<50000x32xf32, #tpu.memory_space<hbm>>) dst(%dma_wait3A_75 : memref<128x32xf32, #tpu.memory_space<vmem>>)
        %dma_wait3A_82 = arith.constant 1 : i32
        %dma_wait3A_83 = arith.constant 128 : i32
        %dma_wait3A_84 = arith.constant 0 : i32
        %dma_wait3A_85 = tpu.memref_slice %arg10[%dma_wait3A_83, %dma_wait3A_84] : memref<512x32xf32, #tpu.memory_space<vmem>> -> memref<128x32xf32, #tpu.memory_space<vmem>>
        %dma_wait3A_86 = arith.constant 0 : i32
        %dma_wait3A_87 = tpu.memref_slice %arg8[%dma_wait3A_82, %dma_wait3A_86] : memref<4x128xi32, #tpu.memory_space<vmem>> -> memref<1x128xi32, #tpu.memory_space<vmem>>
        %dma_wait3A_88 = tpu.memref_squeeze %dma_wait3A_87 : memref<1x128xi32, #tpu.memory_space<vmem>> -> memref<128xi32, #tpu.memory_space<vmem>>
        %dma_wait3A_89 = arith.constant 0 : i32
        %dma_wait3A_90 = arith.constant 0 : i32
        %dma_wait3A_91 = tpu.memref_slice %arg2[%dma_wait3A_89, %dma_wait3A_90] : memref<50000x32xf32, #tpu.memory_space<hbm>> -> memref<50000x32xf32, #tpu.memory_space<hbm>>
        tpu.wait_indirect_dma semaphore(%arg13 : memref<!tpu.dma_semaphore, #tpu.memory_space<semaphore_mem>>) src(%dma_wait3A_91 : memref<50000x32xf32, #tpu.memory_space<hbm>>) dst(%dma_wait3A_85 : memref<128x32xf32, #tpu.memory_space<vmem>>)
        %dma_wait3A_92 = arith.constant 2 : i32
        %dma_wait3A_93 = arith.constant 256 : i32
        %dma_wait3A_94 = arith.constant 0 : i32
        %dma_wait3A_95 = tpu.memref_slice %arg10[%dma_wait3A_93, %dma_wait3A_94] : memref<512x32xf32, #tpu.memory_space<vmem>> -> memref<128x32xf32, #tpu.memory_space<vmem>>
        %dma_wait3A_96 = arith.constant 0 : i32
        %dma_wait3A_97 = tpu.memref_slice %arg8[%dma_wait3A_92, %dma_wait3A_96] : memref<4x128xi32, #tpu.memory_space<vmem>> -> memref<1x128xi32, #tpu.memory_space<vmem>>
        %dma_wait3A_98 = tpu.memref_squeeze %dma_wait3A_97 : memref<1x128xi32, #tpu.memory_space<vmem>> -> memref<128xi32, #tpu.memory_space<vmem>>
        %dma_wait3A_99 = arith.constant 0 : i32
        %dma_wait3A_100 = arith.constant 0 : i32
        %dma_wait3A_101 = tpu.memref_slice %arg2[%dma_wait3A_99, %dma_wait3A_100] : memref<50000x32xf32, #tpu.memory_space<hbm>> -> memref<50000x32xf32, #tpu.memory_space<hbm>>
        tpu.wait_indirect_dma semaphore(%arg13 : memref<!tpu.dma_semaphore, #tpu.memory_space<semaphore_mem>>) src(%dma_wait3A_101 : memref<50000x32xf32, #tpu.memory_space<hbm>>) dst(%dma_wait3A_95 : memref<128x32xf32, #tpu.memory_space<vmem>>)
        %dma_wait3A_102 = arith.constant 3 : i32
        %dma_wait3A_103 = arith.constant 384 : i32
        %dma_wait3A_104 = arith.constant 0 : i32
        %dma_wait3A_105 = tpu.memref_slice %arg10[%dma_wait3A_103, %dma_wait3A_104] : memref<512x32xf32, #tpu.memory_space<vmem>> -> memref<128x32xf32, #tpu.memory_space<vmem>>
        %dma_wait3A_106 = arith.constant 0 : i32
        %dma_wait3A_107 = tpu.memref_slice %arg8[%dma_wait3A_102, %dma_wait3A_106] : memref<4x128xi32, #tpu.memory_space<vmem>> -> memref<1x128xi32, #tpu.memory_space<vmem>>
        %dma_wait3A_108 = tpu.memref_squeeze %dma_wait3A_107 : memref<1x128xi32, #tpu.memory_space<vmem>> -> memref<128xi32, #tpu.memory_space<vmem>>
        %dma_wait3A_109 = arith.constant 0 : i32
        %dma_wait3A_110 = arith.constant 0 : i32
        %dma_wait3A_111 = tpu.memref_slice %arg2[%dma_wait3A_109, %dma_wait3A_110] : memref<50000x32xf32, #tpu.memory_space<hbm>> -> memref<50000x32xf32, #tpu.memory_space<hbm>>
        tpu.wait_indirect_dma semaphore(%arg13 : memref<!tpu.dma_semaphore, #tpu.memory_space<semaphore_mem>>) src(%dma_wait3A_111 : memref<50000x32xf32, #tpu.memory_space<hbm>>) dst(%dma_wait3A_105 : memref<128x32xf32, #tpu.memory_space<vmem>>)
        %dma_start3A_112 = arith.constant 0 : i32
        %dma_start3A_113 = arith.constant 0 : i32
        %dma_start3A_114 = arith.constant 0 : i32
        %dma_start3A_115 = tpu.memref_slice %arg10[%dma_start3A_113, %dma_start3A_114] : memref<512x32xf32, #tpu.memory_space<vmem>> -> memref<128x32xf32, #tpu.memory_space<vmem>>
        %dma_start3A_116 = arith.constant 0 : i32
        %dma_start3A_117 = tpu.memref_slice %arg9[%dma_start3A_112, %dma_start3A_116] : memref<4x128xi32, #tpu.memory_space<vmem>> -> memref<1x128xi32, #tpu.memory_space<vmem>>
        %dma_start3A_118 = tpu.memref_squeeze %dma_start3A_117 : memref<1x128xi32, #tpu.memory_space<vmem>> -> memref<128xi32, #tpu.memory_space<vmem>>
        %dma_start3A_119 = arith.constant 0 : i32
        %dma_start3A_120 = arith.constant 0 : i32
        %dma_start3A_121 = tpu.memref_slice %arg11[%dma_start3A_119, %dma_start3A_120] : memref<51200x32xf32, #tpu.memory_space<vmem_shared>> -> memref<51200x32xf32, #tpu.memory_space<vmem_shared>>
        tpu.enqueue_indirect_dma source(%dma_start3A_115 : memref<128x32xf32, #tpu.memory_space<vmem>>) target(%dma_start3A_121 : memref<51200x32xf32, #tpu.memory_space<vmem_shared>>) offsets(%dma_start3A_118 : memref<128xi32, #tpu.memory_space<vmem>>) semaphore(%arg14 : memref<!tpu.dma_semaphore, #tpu.memory_space<semaphore_mem>>) {add = true}
        %dma_start3A_122 = arith.constant 1 : i32
        %dma_start3A_123 = arith.constant 128 : i32
        %dma_start3A_124 = arith.constant 0 : i32
        %dma_start3A_125 = tpu.memref_slice %arg10[%dma_start3A_123, %dma_start3A_124] : memref<512x32xf32, #tpu.memory_space<vmem>> -> memref<128x32xf32, #tpu.memory_space<vmem>>
        %dma_start3A_126 = arith.constant 0 : i32
        %dma_start3A_127 = tpu.memref_slice %arg9[%dma_start3A_122, %dma_start3A_126] : memref<4x128xi32, #tpu.memory_space<vmem>> -> memref<1x128xi32, #tpu.memory_space<vmem>>
        %dma_start3A_128 = tpu.memref_squeeze %dma_start3A_127 : memref<1x128xi32, #tpu.memory_space<vmem>> -> memref<128xi32, #tpu.memory_space<vmem>>
        %dma_start3A_129 = arith.constant 0 : i32
        %dma_start3A_130 = arith.constant 0 : i32
        %dma_start3A_131 = tpu.memref_slice %arg11[%dma_start3A_129, %dma_start3A_130] : memref<51200x32xf32, #tpu.memory_space<vmem_shared>> -> memref<51200x32xf32, #tpu.memory_space<vmem_shared>>
        tpu.enqueue_indirect_dma source(%dma_start3A_125 : memref<128x32xf32, #tpu.memory_space<vmem>>) target(%dma_start3A_131 : memref<51200x32xf32, #tpu.memory_space<vmem_shared>>) offsets(%dma_start3A_128 : memref<128xi32, #tpu.memory_space<vmem>>) semaphore(%arg14 : memref<!tpu.dma_semaphore, #tpu.memory_space<semaphore_mem>>) {add = true}
        %dma_start3A_132 = arith.constant 2 : i32
        %dma_start3A_133 = arith.constant 256 : i32
        %dma_start3A_134 = arith.constant 0 : i32
        %dma_start3A_135 = tpu.memref_slice %arg10[%dma_start3A_133, %dma_start3A_134] : memref<512x32xf32, #tpu.memory_space<vmem>> -> memref<128x32xf32, #tpu.memory_space<vmem>>
        %dma_start3A_136 = arith.constant 0 : i32
        %dma_start3A_137 = tpu.memref_slice %arg9[%dma_start3A_132, %dma_start3A_136] : memref<4x128xi32, #tpu.memory_space<vmem>> -> memref<1x128xi32, #tpu.memory_space<vmem>>
        %dma_start3A_138 = tpu.memref_squeeze %dma_start3A_137 : memref<1x128xi32, #tpu.memory_space<vmem>> -> memref<128xi32, #tpu.memory_space<vmem>>
        %dma_start3A_139 = arith.constant 0 : i32
        %dma_start3A_140 = arith.constant 0 : i32
        %dma_start3A_141 = tpu.memref_slice %arg11[%dma_start3A_139, %dma_start3A_140] : memref<51200x32xf32, #tpu.memory_space<vmem_shared>> -> memref<51200x32xf32, #tpu.memory_space<vmem_shared>>
        tpu.enqueue_indirect_dma source(%dma_start3A_135 : memref<128x32xf32, #tpu.memory_space<vmem>>) target(%dma_start3A_141 : memref<51200x32xf32, #tpu.memory_space<vmem_shared>>) offsets(%dma_start3A_138 : memref<128xi32, #tpu.memory_space<vmem>>) semaphore(%arg14 : memref<!tpu.dma_semaphore, #tpu.memory_space<semaphore_mem>>) {add = true}
        %dma_start3A_142 = arith.constant 3 : i32
        %dma_start3A_143 = arith.constant 384 : i32
        %dma_start3A_144 = arith.constant 0 : i32
        %dma_start3A_145 = tpu.memref_slice %arg10[%dma_start3A_143, %dma_start3A_144] : memref<512x32xf32, #tpu.memory_space<vmem>> -> memref<128x32xf32, #tpu.memory_space<vmem>>
        %dma_start3A_146 = arith.constant 0 : i32
        %dma_start3A_147 = tpu.memref_slice %arg9[%dma_start3A_142, %dma_start3A_146] : memref<4x128xi32, #tpu.memory_space<vmem>> -> memref<1x128xi32, #tpu.memory_space<vmem>>
        %dma_start3A_148 = tpu.memref_squeeze %dma_start3A_147 : memref<1x128xi32, #tpu.memory_space<vmem>> -> memref<128xi32, #tpu.memory_space<vmem>>
        %dma_start3A_149 = arith.constant 0 : i32
        %dma_start3A_150 = arith.constant 0 : i32
        %dma_start3A_151 = tpu.memref_slice %arg11[%dma_start3A_149, %dma_start3A_150] : memref<51200x32xf32, #tpu.memory_space<vmem_shared>> -> memref<51200x32xf32, #tpu.memory_space<vmem_shared>>
        tpu.enqueue_indirect_dma source(%dma_start3A_145 : memref<128x32xf32, #tpu.memory_space<vmem>>) target(%dma_start3A_151 : memref<51200x32xf32, #tpu.memory_space<vmem_shared>>) offsets(%dma_start3A_148 : memref<128xi32, #tpu.memory_space<vmem>>) semaphore(%arg14 : memref<!tpu.dma_semaphore, #tpu.memory_space<semaphore_mem>>) {add = true}
        %dma_wait3A_152 = arith.constant 0 : i32
        %dma_wait3A_153 = arith.constant 0 : i32
        %dma_wait3A_154 = arith.constant 0 : i32
        %dma_wait3A_155 = tpu.memref_slice %arg10[%dma_wait3A_153, %dma_wait3A_154] : memref<512x32xf32, #tpu.memory_space<vmem>> -> memref<128x32xf32, #tpu.memory_space<vmem>>
        %dma_wait3A_156 = arith.constant 0 : i32
        %dma_wait3A_157 = tpu.memref_slice %arg9[%dma_wait3A_152, %dma_wait3A_156] : memref<4x128xi32, #tpu.memory_space<vmem>> -> memref<1x128xi32, #tpu.memory_space<vmem>>
        %dma_wait3A_158 = tpu.memref_squeeze %dma_wait3A_157 : memref<1x128xi32, #tpu.memory_space<vmem>> -> memref<128xi32, #tpu.memory_space<vmem>>
        %dma_wait3A_159 = arith.constant 0 : i32
        %dma_wait3A_160 = arith.constant 0 : i32
        %dma_wait3A_161 = tpu.memref_slice %arg11[%dma_wait3A_159, %dma_wait3A_160] : memref<51200x32xf32, #tpu.memory_space<vmem_shared>> -> memref<51200x32xf32, #tpu.memory_space<vmem_shared>>
        tpu.wait_indirect_dma semaphore(%arg14 : memref<!tpu.dma_semaphore, #tpu.memory_space<semaphore_mem>>) src(%dma_wait3A_155 : memref<128x32xf32, #tpu.memory_space<vmem>>) dst(%dma_wait3A_161 : memref<51200x32xf32, #tpu.memory_space<vmem_shared>>)
        %dma_wait3A_162 = arith.constant 1 : i32
        %dma_wait3A_163 = arith.constant 128 : i32
        %dma_wait3A_164 = arith.constant 0 : i32
        %dma_wait3A_165 = tpu.memref_slice %arg10[%dma_wait3A_163, %dma_wait3A_164] : memref<512x32xf32, #tpu.memory_space<vmem>> -> memref<128x32xf32, #tpu.memory_space<vmem>>
        %dma_wait3A_166 = arith.constant 0 : i32
        %dma_wait3A_167 = tpu.memref_slice %arg9[%dma_wait3A_162, %dma_wait3A_166] : memref<4x128xi32, #tpu.memory_space<vmem>> -> memref<1x128xi32, #tpu.memory_space<vmem>>
        %dma_wait3A_168 = tpu.memref_squeeze %dma_wait3A_167 : memref<1x128xi32, #tpu.memory_space<vmem>> -> memref<128xi32, #tpu.memory_space<vmem>>
        %dma_wait3A_169 = arith.constant 0 : i32
        %dma_wait3A_170 = arith.constant 0 : i32
        %dma_wait3A_171 = tpu.memref_slice %arg11[%dma_wait3A_169, %dma_wait3A_170] : memref<51200x32xf32, #tpu.memory_space<vmem_shared>> -> memref<51200x32xf32, #tpu.memory_space<vmem_shared>>
        tpu.wait_indirect_dma semaphore(%arg14 : memref<!tpu.dma_semaphore, #tpu.memory_space<semaphore_mem>>) src(%dma_wait3A_165 : memref<128x32xf32, #tpu.memory_space<vmem>>) dst(%dma_wait3A_171 : memref<51200x32xf32, #tpu.memory_space<vmem_shared>>)
        %dma_wait3A_172 = arith.constant 2 : i32
        %dma_wait3A_173 = arith.constant 256 : i32
        %dma_wait3A_174 = arith.constant 0 : i32
        %dma_wait3A_175 = tpu.memref_slice %arg10[%dma_wait3A_173, %dma_wait3A_174] : memref<512x32xf32, #tpu.memory_space<vmem>> -> memref<128x32xf32, #tpu.memory_space<vmem>>
        %dma_wait3A_176 = arith.constant 0 : i32
        %dma_wait3A_177 = tpu.memref_slice %arg9[%dma_wait3A_172, %dma_wait3A_176] : memref<4x128xi32, #tpu.memory_space<vmem>> -> memref<1x128xi32, #tpu.memory_space<vmem>>
        %dma_wait3A_178 = tpu.memref_squeeze %dma_wait3A_177 : memref<1x128xi32, #tpu.memory_space<vmem>> -> memref<128xi32, #tpu.memory_space<vmem>>
        %dma_wait3A_179 = arith.constant 0 : i32
        %dma_wait3A_180 = arith.constant 0 : i32
        %dma_wait3A_181 = tpu.memref_slice %arg11[%dma_wait3A_179, %dma_wait3A_180] : memref<51200x32xf32, #tpu.memory_space<vmem_shared>> -> memref<51200x32xf32, #tpu.memory_space<vmem_shared>>
        tpu.wait_indirect_dma semaphore(%arg14 : memref<!tpu.dma_semaphore, #tpu.memory_space<semaphore_mem>>) src(%dma_wait3A_175 : memref<128x32xf32, #tpu.memory_space<vmem>>) dst(%dma_wait3A_181 : memref<51200x32xf32, #tpu.memory_space<vmem_shared>>)
        %dma_wait3A_182 = arith.constant 3 : i32
        %dma_wait3A_183 = arith.constant 384 : i32
        %dma_wait3A_184 = arith.constant 0 : i32
        %dma_wait3A_185 = tpu.memref_slice %arg10[%dma_wait3A_183, %dma_wait3A_184] : memref<512x32xf32, #tpu.memory_space<vmem>> -> memref<128x32xf32, #tpu.memory_space<vmem>>
        %dma_wait3A_186 = arith.constant 0 : i32
        %dma_wait3A_187 = tpu.memref_slice %arg9[%dma_wait3A_182, %dma_wait3A_186] : memref<4x128xi32, #tpu.memory_space<vmem>> -> memref<1x128xi32, #tpu.memory_space<vmem>>
        %dma_wait3A_188 = tpu.memref_squeeze %dma_wait3A_187 : memref<1x128xi32, #tpu.memory_space<vmem>> -> memref<128xi32, #tpu.memory_space<vmem>>
        %dma_wait3A_189 = arith.constant 0 : i32
        %dma_wait3A_190 = arith.constant 0 : i32
        %dma_wait3A_191 = tpu.memref_slice %arg11[%dma_wait3A_189, %dma_wait3A_190] : memref<51200x32xf32, #tpu.memory_space<vmem_shared>> -> memref<51200x32xf32, #tpu.memory_space<vmem_shared>>
        tpu.wait_indirect_dma semaphore(%arg14 : memref<!tpu.dma_semaphore, #tpu.memory_space<semaphore_mem>>) src(%dma_wait3A_185 : memref<128x32xf32, #tpu.memory_space<vmem>>) dst(%dma_wait3A_191 : memref<51200x32xf32, #tpu.memory_space<vmem_shared>>)
      }
      %scan3A_11 = arith.constant 98 : i32
      %barrier3A_12 = arith.constant 0 : index
      tpu.barrier barrier_id(%barrier3A_12)
      %run_scoped3A = arith.constant 0 : i32
      "tpu.region"() ({
        %run_scoped3A_13 = tpu.sem_alloc : memref<!tpu.dma_semaphore, #tpu.memory_space<semaphore_mem>>
        %dma_start3A = arith.constant 0 : i32
        %dma_start3A_14 = arith.constant 0 : i32
        %dma_start3A_15 = tpu.memref_slice %arg7[%run_scoped3A, %dma_start3A, %dma_start3A_14] : memref<2x51200x32xf32, #tpu.memory_space<hbm>> -> memref<1x51200x32xf32, #tpu.memory_space<hbm>>
        %dma_start3A_16 = tpu.memref_squeeze %dma_start3A_15 : memref<1x51200x32xf32, #tpu.memory_space<hbm>> -> memref<51200x32xf32, #tpu.memory_space<hbm>>
        %dma_start3A_17 = arith.constant 0 : i32
        %dma_start3A_18 = tpu.memref_slice %dma_start3A_16[%mul3A_7, %dma_start3A_17] : memref<51200x32xf32, #tpu.memory_space<hbm>> -> memref<3200x32xf32, #tpu.memory_space<hbm>>
        %dma_start3A_19 = arith.constant 0 : i32
        %dma_start3A_20 = tpu.memref_slice %arg11[%mul3A_7, %dma_start3A_19] : memref<51200x32xf32, #tpu.memory_space<vmem_shared>> -> memref<3200x32xf32, #tpu.memory_space<vmem_shared>>
        tpu.enqueue_dma source(%dma_start3A_20 : memref<3200x32xf32, #tpu.memory_space<vmem_shared>>) target(%dma_start3A_18 : memref<3200x32xf32, #tpu.memory_space<hbm>>) target_semaphore(%run_scoped3A_13 : memref<!tpu.dma_semaphore, #tpu.memory_space<semaphore_mem>>)
        %dma_wait3A = arith.constant 0 : i32
        %dma_wait3A_21 = arith.constant 0 : i32
        %dma_wait3A_22 = tpu.memref_slice %arg7[%run_scoped3A, %dma_wait3A, %dma_wait3A_21] : memref<2x51200x32xf32, #tpu.memory_space<hbm>> -> memref<1x51200x32xf32, #tpu.memory_space<hbm>>
        %dma_wait3A_23 = tpu.memref_squeeze %dma_wait3A_22 : memref<1x51200x32xf32, #tpu.memory_space<hbm>> -> memref<51200x32xf32, #tpu.memory_space<hbm>>
        %dma_wait3A_24 = arith.constant 0 : i32
        %dma_wait3A_25 = tpu.memref_slice %dma_wait3A_23[%mul3A_7, %dma_wait3A_24] : memref<51200x32xf32, #tpu.memory_space<hbm>> -> memref<3200x32xf32, #tpu.memory_space<hbm>>
        %dma_wait3A_26 = arith.constant 0 : i32
        %dma_wait3A_27 = tpu.memref_slice %arg11[%mul3A_7, %dma_wait3A_26] : memref<51200x32xf32, #tpu.memory_space<vmem_shared>> -> memref<3200x32xf32, #tpu.memory_space<vmem_shared>>
        tpu.wait_dma2 semaphore(%run_scoped3A_13 : memref<!tpu.dma_semaphore, #tpu.memory_space<semaphore_mem>>) src(%dma_wait3A_27 : memref<3200x32xf32, #tpu.memory_space<vmem_shared>>) dst(%dma_wait3A_25 : memref<3200x32xf32, #tpu.memory_space<hbm>>)
        tpu.yield
      }) : () -> ()
    } else {
    }
    %eq3A_2 = arith.constant 1 : i32
    %eq3A_3 = arith.cmpi eq, %arg0, %eq3A_2 : i32
    %convert_element_type3A_4 = arith.extui %eq3A_3 : i1 to i32
    %cond3A_5 = arith.constant 0 : i32
    %cond3A_6 = arith.cmpi ne, %convert_element_type3A_4, %cond3A_5 : i32
    scf.if %cond3A_6 {
      %mul3A = arith.constant 3200 : i32
      %mul3A_7 = arith.muli %arg1, %mul3A : i32
      "tpu.region"() ({
        %run_scoped3A_13 = tpu.sem_alloc : memref<!tpu.dma_semaphore, #tpu.memory_space<semaphore_mem>>
        %dma_start3A = arith.constant 0 : i32
        %dma_start3A_14 = tpu.memref_slice %arg11[%mul3A_7, %dma_start3A] : memref<51200x32xf32, #tpu.memory_space<vmem_shared>> -> memref<3200x32xf32, #tpu.memory_space<vmem_shared>>
        %dma_start3A_15 = arith.constant 0 : i32
        %dma_start3A_16 = tpu.memref_slice %arg6[%mul3A_7, %dma_start3A_15] : memref<51200x32xf32, #tpu.memory_space<hbm>> -> memref<3200x32xf32, #tpu.memory_space<hbm>>
        tpu.enqueue_dma source(%dma_start3A_16 : memref<3200x32xf32, #tpu.memory_space<hbm>>) target(%dma_start3A_14 : memref<3200x32xf32, #tpu.memory_space<vmem_shared>>) target_semaphore(%run_scoped3A_13 : memref<!tpu.dma_semaphore, #tpu.memory_space<semaphore_mem>>)
        %dma_wait3A = arith.constant 0 : i32
        %dma_wait3A_17 = tpu.memref_slice %arg11[%mul3A_7, %dma_wait3A] : memref<51200x32xf32, #tpu.memory_space<vmem_shared>> -> memref<3200x32xf32, #tpu.memory_space<vmem_shared>>
        %dma_wait3A_18 = arith.constant 0 : i32
        %dma_wait3A_19 = tpu.memref_slice %arg6[%mul3A_7, %dma_wait3A_18] : memref<51200x32xf32, #tpu.memory_space<hbm>> -> memref<3200x32xf32, #tpu.memory_space<hbm>>
        tpu.wait_dma2 semaphore(%run_scoped3A_13 : memref<!tpu.dma_semaphore, #tpu.memory_space<semaphore_mem>>) src(%dma_wait3A_19 : memref<3200x32xf32, #tpu.memory_space<hbm>>) dst(%dma_wait3A_17 : memref<3200x32xf32, #tpu.memory_space<vmem_shared>>)
        tpu.yield
      }) : () -> ()
      %barrier3A = arith.constant 0 : index
      tpu.barrier barrier_id(%barrier3A)
      %scan3A = arith.constant 0 : i32
      %scan3A_8 = arith.constant 98 : i32
      %scan3A_9 = arith.addi %scan3A, %scan3A_8 : i32
      %scan3A_10 = arith.constant 1 : i32
      scf.for %scan3A_13 = %scan3A to %scan3A_9 step %scan3A_10  : i32 {
        %mul3A_14 = arith.constant 392 : i32
        %mul3A_15 = arith.muli %arg1, %mul3A_14 : i32
        %mul3A_16 = arith.constant 4 : i32
        %mul3A_17 = arith.muli %scan3A_13, %mul3A_16 : i32
        %add3A = arith.addi %mul3A_15, %mul3A_17 : i32
        %dma_start3A = arith.constant 0 : i32
        %dma_start3A_18 = tpu.memref_slice %arg4[%add3A, %dma_start3A] : memref<6272x128xi32, #tpu.memory_space<hbm>> -> memref<4x128xi32, #tpu.memory_space<hbm>>
        %dma_start3A_19 = arith.constant 0 : i32
        %dma_start3A_20 = tpu.memref_slice %arg4[%add3A, %dma_start3A_19] : memref<6272x128xi32, #tpu.memory_space<hbm>> -> memref<4x128xi32, #tpu.memory_space<hbm>>
        tpu.enqueue_dma source(%dma_start3A_20 : memref<4x128xi32, #tpu.memory_space<hbm>>) target(%arg8 : memref<4x128xi32, #tpu.memory_space<vmem>>) target_semaphore(%arg12 : memref<!tpu.dma_semaphore, #tpu.memory_space<semaphore_mem>>)
        %dma_start3A_21 = arith.constant 0 : i32
        %dma_start3A_22 = tpu.memref_slice %arg5[%add3A, %dma_start3A_21] : memref<6272x128xi32, #tpu.memory_space<hbm>> -> memref<4x128xi32, #tpu.memory_space<hbm>>
        %dma_start3A_23 = arith.constant 0 : i32
        %dma_start3A_24 = tpu.memref_slice %arg5[%add3A, %dma_start3A_23] : memref<6272x128xi32, #tpu.memory_space<hbm>> -> memref<4x128xi32, #tpu.memory_space<hbm>>
        tpu.enqueue_dma source(%dma_start3A_24 : memref<4x128xi32, #tpu.memory_space<hbm>>) target(%arg9 : memref<4x128xi32, #tpu.memory_space<vmem>>) target_semaphore(%arg12 : memref<!tpu.dma_semaphore, #tpu.memory_space<semaphore_mem>>)
        %dma_wait3A = arith.constant 0 : i32
        %dma_wait3A_25 = tpu.memref_slice %arg4[%add3A, %dma_wait3A] : memref<6272x128xi32, #tpu.memory_space<hbm>> -> memref<4x128xi32, #tpu.memory_space<hbm>>
        %dma_wait3A_26 = arith.constant 0 : i32
        %dma_wait3A_27 = tpu.memref_slice %arg4[%add3A, %dma_wait3A_26] : memref<6272x128xi32, #tpu.memory_space<hbm>> -> memref<4x128xi32, #tpu.memory_space<hbm>>
        tpu.wait_dma2 semaphore(%arg12 : memref<!tpu.dma_semaphore, #tpu.memory_space<semaphore_mem>>) src(%dma_wait3A_27 : memref<4x128xi32, #tpu.memory_space<hbm>>) dst(%arg8 : memref<4x128xi32, #tpu.memory_space<vmem>>)
        %dma_wait3A_28 = arith.constant 0 : i32
        %dma_wait3A_29 = tpu.memref_slice %arg5[%add3A, %dma_wait3A_28] : memref<6272x128xi32, #tpu.memory_space<hbm>> -> memref<4x128xi32, #tpu.memory_space<hbm>>
        %dma_wait3A_30 = arith.constant 0 : i32
        %dma_wait3A_31 = tpu.memref_slice %arg5[%add3A, %dma_wait3A_30] : memref<6272x128xi32, #tpu.memory_space<hbm>> -> memref<4x128xi32, #tpu.memory_space<hbm>>
        tpu.wait_dma2 semaphore(%arg12 : memref<!tpu.dma_semaphore, #tpu.memory_space<semaphore_mem>>) src(%dma_wait3A_31 : memref<4x128xi32, #tpu.memory_space<hbm>>) dst(%arg9 : memref<4x128xi32, #tpu.memory_space<vmem>>)
        %dma_start3A_32 = arith.constant 0 : i32
        %dma_start3A_33 = arith.constant 0 : i32
        %dma_start3A_34 = arith.constant 0 : i32
        %dma_start3A_35 = tpu.memref_slice %arg10[%dma_start3A_33, %dma_start3A_34] : memref<512x32xf32, #tpu.memory_space<vmem>> -> memref<128x32xf32, #tpu.memory_space<vmem>>
        %dma_start3A_36 = arith.constant 0 : i32
        %dma_start3A_37 = tpu.memref_slice %arg8[%dma_start3A_32, %dma_start3A_36] : memref<4x128xi32, #tpu.memory_space<vmem>> -> memref<1x128xi32, #tpu.memory_space<vmem>>
        %dma_start3A_38 = tpu.memref_squeeze %dma_start3A_37 : memref<1x128xi32, #tpu.memory_space<vmem>> -> memref<128xi32, #tpu.memory_space<vmem>>
        %dma_start3A_39 = arith.constant 0 : i32
        %dma_start3A_40 = arith.constant 0 : i32
        %dma_start3A_41 = tpu.memref_slice %arg3[%dma_start3A_39, %dma_start3A_40] : memref<50000x32xf32, #tpu.memory_space<hbm>> -> memref<50000x32xf32, #tpu.memory_space<hbm>>
        tpu.enqueue_indirect_dma source(%dma_start3A_41 : memref<50000x32xf32, #tpu.memory_space<hbm>>) target(%dma_start3A_35 : memref<128x32xf32, #tpu.memory_space<vmem>>) offsets(%dma_start3A_38 : memref<128xi32, #tpu.memory_space<vmem>>) semaphore(%arg13 : memref<!tpu.dma_semaphore, #tpu.memory_space<semaphore_mem>>)
        %dma_start3A_42 = arith.constant 1 : i32
        %dma_start3A_43 = arith.constant 128 : i32
        %dma_start3A_44 = arith.constant 0 : i32
        %dma_start3A_45 = tpu.memref_slice %arg10[%dma_start3A_43, %dma_start3A_44] : memref<512x32xf32, #tpu.memory_space<vmem>> -> memref<128x32xf32, #tpu.memory_space<vmem>>
        %dma_start3A_46 = arith.constant 0 : i32
        %dma_start3A_47 = tpu.memref_slice %arg8[%dma_start3A_42, %dma_start3A_46] : memref<4x128xi32, #tpu.memory_space<vmem>> -> memref<1x128xi32, #tpu.memory_space<vmem>>
        %dma_start3A_48 = tpu.memref_squeeze %dma_start3A_47 : memref<1x128xi32, #tpu.memory_space<vmem>> -> memref<128xi32, #tpu.memory_space<vmem>>
        %dma_start3A_49 = arith.constant 0 : i32
        %dma_start3A_50 = arith.constant 0 : i32
        %dma_start3A_51 = tpu.memref_slice %arg3[%dma_start3A_49, %dma_start3A_50] : memref<50000x32xf32, #tpu.memory_space<hbm>> -> memref<50000x32xf32, #tpu.memory_space<hbm>>
        tpu.enqueue_indirect_dma source(%dma_start3A_51 : memref<50000x32xf32, #tpu.memory_space<hbm>>) target(%dma_start3A_45 : memref<128x32xf32, #tpu.memory_space<vmem>>) offsets(%dma_start3A_48 : memref<128xi32, #tpu.memory_space<vmem>>) semaphore(%arg13 : memref<!tpu.dma_semaphore, #tpu.memory_space<semaphore_mem>>)
        %dma_start3A_52 = arith.constant 2 : i32
        %dma_start3A_53 = arith.constant 256 : i32
        %dma_start3A_54 = arith.constant 0 : i32
        %dma_start3A_55 = tpu.memref_slice %arg10[%dma_start3A_53, %dma_start3A_54] : memref<512x32xf32, #tpu.memory_space<vmem>> -> memref<128x32xf32, #tpu.memory_space<vmem>>
        %dma_start3A_56 = arith.constant 0 : i32
        %dma_start3A_57 = tpu.memref_slice %arg8[%dma_start3A_52, %dma_start3A_56] : memref<4x128xi32, #tpu.memory_space<vmem>> -> memref<1x128xi32, #tpu.memory_space<vmem>>
        %dma_start3A_58 = tpu.memref_squeeze %dma_start3A_57 : memref<1x128xi32, #tpu.memory_space<vmem>> -> memref<128xi32, #tpu.memory_space<vmem>>
        %dma_start3A_59 = arith.constant 0 : i32
        %dma_start3A_60 = arith.constant 0 : i32
        %dma_start3A_61 = tpu.memref_slice %arg3[%dma_start3A_59, %dma_start3A_60] : memref<50000x32xf32, #tpu.memory_space<hbm>> -> memref<50000x32xf32, #tpu.memory_space<hbm>>
        tpu.enqueue_indirect_dma source(%dma_start3A_61 : memref<50000x32xf32, #tpu.memory_space<hbm>>) target(%dma_start3A_55 : memref<128x32xf32, #tpu.memory_space<vmem>>) offsets(%dma_start3A_58 : memref<128xi32, #tpu.memory_space<vmem>>) semaphore(%arg13 : memref<!tpu.dma_semaphore, #tpu.memory_space<semaphore_mem>>)
        %dma_start3A_62 = arith.constant 3 : i32
        %dma_start3A_63 = arith.constant 384 : i32
        %dma_start3A_64 = arith.constant 0 : i32
        %dma_start3A_65 = tpu.memref_slice %arg10[%dma_start3A_63, %dma_start3A_64] : memref<512x32xf32, #tpu.memory_space<vmem>> -> memref<128x32xf32, #tpu.memory_space<vmem>>
        %dma_start3A_66 = arith.constant 0 : i32
        %dma_start3A_67 = tpu.memref_slice %arg8[%dma_start3A_62, %dma_start3A_66] : memref<4x128xi32, #tpu.memory_space<vmem>> -> memref<1x128xi32, #tpu.memory_space<vmem>>
        %dma_start3A_68 = tpu.memref_squeeze %dma_start3A_67 : memref<1x128xi32, #tpu.memory_space<vmem>> -> memref<128xi32, #tpu.memory_space<vmem>>
        %dma_start3A_69 = arith.constant 0 : i32
        %dma_start3A_70 = arith.constant 0 : i32
        %dma_start3A_71 = tpu.memref_slice %arg3[%dma_start3A_69, %dma_start3A_70] : memref<50000x32xf32, #tpu.memory_space<hbm>> -> memref<50000x32xf32, #tpu.memory_space<hbm>>
        tpu.enqueue_indirect_dma source(%dma_start3A_71 : memref<50000x32xf32, #tpu.memory_space<hbm>>) target(%dma_start3A_65 : memref<128x32xf32, #tpu.memory_space<vmem>>) offsets(%dma_start3A_68 : memref<128xi32, #tpu.memory_space<vmem>>) semaphore(%arg13 : memref<!tpu.dma_semaphore, #tpu.memory_space<semaphore_mem>>)
        %dma_wait3A_72 = arith.constant 0 : i32
        %dma_wait3A_73 = arith.constant 0 : i32
        %dma_wait3A_74 = arith.constant 0 : i32
        %dma_wait3A_75 = tpu.memref_slice %arg10[%dma_wait3A_73, %dma_wait3A_74] : memref<512x32xf32, #tpu.memory_space<vmem>> -> memref<128x32xf32, #tpu.memory_space<vmem>>
        %dma_wait3A_76 = arith.constant 0 : i32
        %dma_wait3A_77 = tpu.memref_slice %arg8[%dma_wait3A_72, %dma_wait3A_76] : memref<4x128xi32, #tpu.memory_space<vmem>> -> memref<1x128xi32, #tpu.memory_space<vmem>>
        %dma_wait3A_78 = tpu.memref_squeeze %dma_wait3A_77 : memref<1x128xi32, #tpu.memory_space<vmem>> -> memref<128xi32, #tpu.memory_space<vmem>>
        %dma_wait3A_79 = arith.constant 0 : i32
        %dma_wait3A_80 = arith.constant 0 : i32
        %dma_wait3A_81 = tpu.memref_slice %arg3[%dma_wait3A_79, %dma_wait3A_80] : memref<50000x32xf32, #tpu.memory_space<hbm>> -> memref<50000x32xf32, #tpu.memory_space<hbm>>
        tpu.wait_indirect_dma semaphore(%arg13 : memref<!tpu.dma_semaphore, #tpu.memory_space<semaphore_mem>>) src(%dma_wait3A_81 : memref<50000x32xf32, #tpu.memory_space<hbm>>) dst(%dma_wait3A_75 : memref<128x32xf32, #tpu.memory_space<vmem>>)
        %dma_wait3A_82 = arith.constant 1 : i32
        %dma_wait3A_83 = arith.constant 128 : i32
        %dma_wait3A_84 = arith.constant 0 : i32
        %dma_wait3A_85 = tpu.memref_slice %arg10[%dma_wait3A_83, %dma_wait3A_84] : memref<512x32xf32, #tpu.memory_space<vmem>> -> memref<128x32xf32, #tpu.memory_space<vmem>>
        %dma_wait3A_86 = arith.constant 0 : i32
        %dma_wait3A_87 = tpu.memref_slice %arg8[%dma_wait3A_82, %dma_wait3A_86] : memref<4x128xi32, #tpu.memory_space<vmem>> -> memref<1x128xi32, #tpu.memory_space<vmem>>
        %dma_wait3A_88 = tpu.memref_squeeze %dma_wait3A_87 : memref<1x128xi32, #tpu.memory_space<vmem>> -> memref<128xi32, #tpu.memory_space<vmem>>
        %dma_wait3A_89 = arith.constant 0 : i32
        %dma_wait3A_90 = arith.constant 0 : i32
        %dma_wait3A_91 = tpu.memref_slice %arg3[%dma_wait3A_89, %dma_wait3A_90] : memref<50000x32xf32, #tpu.memory_space<hbm>> -> memref<50000x32xf32, #tpu.memory_space<hbm>>
        tpu.wait_indirect_dma semaphore(%arg13 : memref<!tpu.dma_semaphore, #tpu.memory_space<semaphore_mem>>) src(%dma_wait3A_91 : memref<50000x32xf32, #tpu.memory_space<hbm>>) dst(%dma_wait3A_85 : memref<128x32xf32, #tpu.memory_space<vmem>>)
        %dma_wait3A_92 = arith.constant 2 : i32
        %dma_wait3A_93 = arith.constant 256 : i32
        %dma_wait3A_94 = arith.constant 0 : i32
        %dma_wait3A_95 = tpu.memref_slice %arg10[%dma_wait3A_93, %dma_wait3A_94] : memref<512x32xf32, #tpu.memory_space<vmem>> -> memref<128x32xf32, #tpu.memory_space<vmem>>
        %dma_wait3A_96 = arith.constant 0 : i32
        %dma_wait3A_97 = tpu.memref_slice %arg8[%dma_wait3A_92, %dma_wait3A_96] : memref<4x128xi32, #tpu.memory_space<vmem>> -> memref<1x128xi32, #tpu.memory_space<vmem>>
        %dma_wait3A_98 = tpu.memref_squeeze %dma_wait3A_97 : memref<1x128xi32, #tpu.memory_space<vmem>> -> memref<128xi32, #tpu.memory_space<vmem>>
        %dma_wait3A_99 = arith.constant 0 : i32
        %dma_wait3A_100 = arith.constant 0 : i32
        %dma_wait3A_101 = tpu.memref_slice %arg3[%dma_wait3A_99, %dma_wait3A_100] : memref<50000x32xf32, #tpu.memory_space<hbm>> -> memref<50000x32xf32, #tpu.memory_space<hbm>>
        tpu.wait_indirect_dma semaphore(%arg13 : memref<!tpu.dma_semaphore, #tpu.memory_space<semaphore_mem>>) src(%dma_wait3A_101 : memref<50000x32xf32, #tpu.memory_space<hbm>>) dst(%dma_wait3A_95 : memref<128x32xf32, #tpu.memory_space<vmem>>)
        %dma_wait3A_102 = arith.constant 3 : i32
        %dma_wait3A_103 = arith.constant 384 : i32
        %dma_wait3A_104 = arith.constant 0 : i32
        %dma_wait3A_105 = tpu.memref_slice %arg10[%dma_wait3A_103, %dma_wait3A_104] : memref<512x32xf32, #tpu.memory_space<vmem>> -> memref<128x32xf32, #tpu.memory_space<vmem>>
        %dma_wait3A_106 = arith.constant 0 : i32
        %dma_wait3A_107 = tpu.memref_slice %arg8[%dma_wait3A_102, %dma_wait3A_106] : memref<4x128xi32, #tpu.memory_space<vmem>> -> memref<1x128xi32, #tpu.memory_space<vmem>>
        %dma_wait3A_108 = tpu.memref_squeeze %dma_wait3A_107 : memref<1x128xi32, #tpu.memory_space<vmem>> -> memref<128xi32, #tpu.memory_space<vmem>>
        %dma_wait3A_109 = arith.constant 0 : i32
        %dma_wait3A_110 = arith.constant 0 : i32
        %dma_wait3A_111 = tpu.memref_slice %arg3[%dma_wait3A_109, %dma_wait3A_110] : memref<50000x32xf32, #tpu.memory_space<hbm>> -> memref<50000x32xf32, #tpu.memory_space<hbm>>
        tpu.wait_indirect_dma semaphore(%arg13 : memref<!tpu.dma_semaphore, #tpu.memory_space<semaphore_mem>>) src(%dma_wait3A_111 : memref<50000x32xf32, #tpu.memory_space<hbm>>) dst(%dma_wait3A_105 : memref<128x32xf32, #tpu.memory_space<vmem>>)
        %dma_start3A_112 = arith.constant 0 : i32
        %dma_start3A_113 = arith.constant 0 : i32
        %dma_start3A_114 = arith.constant 0 : i32
        %dma_start3A_115 = tpu.memref_slice %arg10[%dma_start3A_113, %dma_start3A_114] : memref<512x32xf32, #tpu.memory_space<vmem>> -> memref<128x32xf32, #tpu.memory_space<vmem>>
        %dma_start3A_116 = arith.constant 0 : i32
        %dma_start3A_117 = tpu.memref_slice %arg9[%dma_start3A_112, %dma_start3A_116] : memref<4x128xi32, #tpu.memory_space<vmem>> -> memref<1x128xi32, #tpu.memory_space<vmem>>
        %dma_start3A_118 = tpu.memref_squeeze %dma_start3A_117 : memref<1x128xi32, #tpu.memory_space<vmem>> -> memref<128xi32, #tpu.memory_space<vmem>>
        %dma_start3A_119 = arith.constant 0 : i32
        %dma_start3A_120 = arith.constant 0 : i32
        %dma_start3A_121 = tpu.memref_slice %arg11[%dma_start3A_119, %dma_start3A_120] : memref<51200x32xf32, #tpu.memory_space<vmem_shared>> -> memref<51200x32xf32, #tpu.memory_space<vmem_shared>>
        tpu.enqueue_indirect_dma source(%dma_start3A_115 : memref<128x32xf32, #tpu.memory_space<vmem>>) target(%dma_start3A_121 : memref<51200x32xf32, #tpu.memory_space<vmem_shared>>) offsets(%dma_start3A_118 : memref<128xi32, #tpu.memory_space<vmem>>) semaphore(%arg14 : memref<!tpu.dma_semaphore, #tpu.memory_space<semaphore_mem>>) {add = true}
        %dma_start3A_122 = arith.constant 1 : i32
        %dma_start3A_123 = arith.constant 128 : i32
        %dma_start3A_124 = arith.constant 0 : i32
        %dma_start3A_125 = tpu.memref_slice %arg10[%dma_start3A_123, %dma_start3A_124] : memref<512x32xf32, #tpu.memory_space<vmem>> -> memref<128x32xf32, #tpu.memory_space<vmem>>
        %dma_start3A_126 = arith.constant 0 : i32
        %dma_start3A_127 = tpu.memref_slice %arg9[%dma_start3A_122, %dma_start3A_126] : memref<4x128xi32, #tpu.memory_space<vmem>> -> memref<1x128xi32, #tpu.memory_space<vmem>>
        %dma_start3A_128 = tpu.memref_squeeze %dma_start3A_127 : memref<1x128xi32, #tpu.memory_space<vmem>> -> memref<128xi32, #tpu.memory_space<vmem>>
        %dma_start3A_129 = arith.constant 0 : i32
        %dma_start3A_130 = arith.constant 0 : i32
        %dma_start3A_131 = tpu.memref_slice %arg11[%dma_start3A_129, %dma_start3A_130] : memref<51200x32xf32, #tpu.memory_space<vmem_shared>> -> memref<51200x32xf32, #tpu.memory_space<vmem_shared>>
        tpu.enqueue_indirect_dma source(%dma_start3A_125 : memref<128x32xf32, #tpu.memory_space<vmem>>) target(%dma_start3A_131 : memref<51200x32xf32, #tpu.memory_space<vmem_shared>>) offsets(%dma_start3A_128 : memref<128xi32, #tpu.memory_space<vmem>>) semaphore(%arg14 : memref<!tpu.dma_semaphore, #tpu.memory_space<semaphore_mem>>) {add = true}
        %dma_start3A_132 = arith.constant 2 : i32
        %dma_start3A_133 = arith.constant 256 : i32
        %dma_start3A_134 = arith.constant 0 : i32
        %dma_start3A_135 = tpu.memref_slice %arg10[%dma_start3A_133, %dma_start3A_134] : memref<512x32xf32, #tpu.memory_space<vmem>> -> memref<128x32xf32, #tpu.memory_space<vmem>>
        %dma_start3A_136 = arith.constant 0 : i32
        %dma_start3A_137 = tpu.memref_slice %arg9[%dma_start3A_132, %dma_start3A_136] : memref<4x128xi32, #tpu.memory_space<vmem>> -> memref<1x128xi32, #tpu.memory_space<vmem>>
        %dma_start3A_138 = tpu.memref_squeeze %dma_start3A_137 : memref<1x128xi32, #tpu.memory_space<vmem>> -> memref<128xi32, #tpu.memory_space<vmem>>
        %dma_start3A_139 = arith.constant 0 : i32
        %dma_start3A_140 = arith.constant 0 : i32
        %dma_start3A_141 = tpu.memref_slice %arg11[%dma_start3A_139, %dma_start3A_140] : memref<51200x32xf32, #tpu.memory_space<vmem_shared>> -> memref<51200x32xf32, #tpu.memory_space<vmem_shared>>
        tpu.enqueue_indirect_dma source(%dma_start3A_135 : memref<128x32xf32, #tpu.memory_space<vmem>>) target(%dma_start3A_141 : memref<51200x32xf32, #tpu.memory_space<vmem_shared>>) offsets(%dma_start3A_138 : memref<128xi32, #tpu.memory_space<vmem>>) semaphore(%arg14 : memref<!tpu.dma_semaphore, #tpu.memory_space<semaphore_mem>>) {add = true}
        %dma_start3A_142 = arith.constant 3 : i32
        %dma_start3A_143 = arith.constant 384 : i32
        %dma_start3A_144 = arith.constant 0 : i32
        %dma_start3A_145 = tpu.memref_slice %arg10[%dma_start3A_143, %dma_start3A_144] : memref<512x32xf32, #tpu.memory_space<vmem>> -> memref<128x32xf32, #tpu.memory_space<vmem>>
        %dma_start3A_146 = arith.constant 0 : i32
        %dma_start3A_147 = tpu.memref_slice %arg9[%dma_start3A_142, %dma_start3A_146] : memref<4x128xi32, #tpu.memory_space<vmem>> -> memref<1x128xi32, #tpu.memory_space<vmem>>
        %dma_start3A_148 = tpu.memref_squeeze %dma_start3A_147 : memref<1x128xi32, #tpu.memory_space<vmem>> -> memref<128xi32, #tpu.memory_space<vmem>>
        %dma_start3A_149 = arith.constant 0 : i32
        %dma_start3A_150 = arith.constant 0 : i32
        %dma_start3A_151 = tpu.memref_slice %arg11[%dma_start3A_149, %dma_start3A_150] : memref<51200x32xf32, #tpu.memory_space<vmem_shared>> -> memref<51200x32xf32, #tpu.memory_space<vmem_shared>>
        tpu.enqueue_indirect_dma source(%dma_start3A_145 : memref<128x32xf32, #tpu.memory_space<vmem>>) target(%dma_start3A_151 : memref<51200x32xf32, #tpu.memory_space<vmem_shared>>) offsets(%dma_start3A_148 : memref<128xi32, #tpu.memory_space<vmem>>) semaphore(%arg14 : memref<!tpu.dma_semaphore, #tpu.memory_space<semaphore_mem>>) {add = true}
        %dma_wait3A_152 = arith.constant 0 : i32
        %dma_wait3A_153 = arith.constant 0 : i32
        %dma_wait3A_154 = arith.constant 0 : i32
        %dma_wait3A_155 = tpu.memref_slice %arg10[%dma_wait3A_153, %dma_wait3A_154] : memref<512x32xf32, #tpu.memory_space<vmem>> -> memref<128x32xf32, #tpu.memory_space<vmem>>
        %dma_wait3A_156 = arith.constant 0 : i32
        %dma_wait3A_157 = tpu.memref_slice %arg9[%dma_wait3A_152, %dma_wait3A_156] : memref<4x128xi32, #tpu.memory_space<vmem>> -> memref<1x128xi32, #tpu.memory_space<vmem>>
        %dma_wait3A_158 = tpu.memref_squeeze %dma_wait3A_157 : memref<1x128xi32, #tpu.memory_space<vmem>> -> memref<128xi32, #tpu.memory_space<vmem>>
        %dma_wait3A_159 = arith.constant 0 : i32
        %dma_wait3A_160 = arith.constant 0 : i32
        %dma_wait3A_161 = tpu.memref_slice %arg11[%dma_wait3A_159, %dma_wait3A_160] : memref<51200x32xf32, #tpu.memory_space<vmem_shared>> -> memref<51200x32xf32, #tpu.memory_space<vmem_shared>>
        tpu.wait_indirect_dma semaphore(%arg14 : memref<!tpu.dma_semaphore, #tpu.memory_space<semaphore_mem>>) src(%dma_wait3A_155 : memref<128x32xf32, #tpu.memory_space<vmem>>) dst(%dma_wait3A_161 : memref<51200x32xf32, #tpu.memory_space<vmem_shared>>)
        %dma_wait3A_162 = arith.constant 1 : i32
        %dma_wait3A_163 = arith.constant 128 : i32
        %dma_wait3A_164 = arith.constant 0 : i32
        %dma_wait3A_165 = tpu.memref_slice %arg10[%dma_wait3A_163, %dma_wait3A_164] : memref<512x32xf32, #tpu.memory_space<vmem>> -> memref<128x32xf32, #tpu.memory_space<vmem>>
        %dma_wait3A_166 = arith.constant 0 : i32
        %dma_wait3A_167 = tpu.memref_slice %arg9[%dma_wait3A_162, %dma_wait3A_166] : memref<4x128xi32, #tpu.memory_space<vmem>> -> memref<1x128xi32, #tpu.memory_space<vmem>>
        %dma_wait3A_168 = tpu.memref_squeeze %dma_wait3A_167 : memref<1x128xi32, #tpu.memory_space<vmem>> -> memref<128xi32, #tpu.memory_space<vmem>>
        %dma_wait3A_169 = arith.constant 0 : i32
        %dma_wait3A_170 = arith.constant 0 : i32
        %dma_wait3A_171 = tpu.memref_slice %arg11[%dma_wait3A_169, %dma_wait3A_170] : memref<51200x32xf32, #tpu.memory_space<vmem_shared>> -> memref<51200x32xf32, #tpu.memory_space<vmem_shared>>
        tpu.wait_indirect_dma semaphore(%arg14 : memref<!tpu.dma_semaphore, #tpu.memory_space<semaphore_mem>>) src(%dma_wait3A_165 : memref<128x32xf32, #tpu.memory_space<vmem>>) dst(%dma_wait3A_171 : memref<51200x32xf32, #tpu.memory_space<vmem_shared>>)
        %dma_wait3A_172 = arith.constant 2 : i32
        %dma_wait3A_173 = arith.constant 256 : i32
        %dma_wait3A_174 = arith.constant 0 : i32
        %dma_wait3A_175 = tpu.memref_slice %arg10[%dma_wait3A_173, %dma_wait3A_174] : memref<512x32xf32, #tpu.memory_space<vmem>> -> memref<128x32xf32, #tpu.memory_space<vmem>>
        %dma_wait3A_176 = arith.constant 0 : i32
        %dma_wait3A_177 = tpu.memref_slice %arg9[%dma_wait3A_172, %dma_wait3A_176] : memref<4x128xi32, #tpu.memory_space<vmem>> -> memref<1x128xi32, #tpu.memory_space<vmem>>
        %dma_wait3A_178 = tpu.memref_squeeze %dma_wait3A_177 : memref<1x128xi32, #tpu.memory_space<vmem>> -> memref<128xi32, #tpu.memory_space<vmem>>
        %dma_wait3A_179 = arith.constant 0 : i32
        %dma_wait3A_180 = arith.constant 0 : i32
        %dma_wait3A_181 = tpu.memref_slice %arg11[%dma_wait3A_179, %dma_wait3A_180] : memref<51200x32xf32, #tpu.memory_space<vmem_shared>> -> memref<51200x32xf32, #tpu.memory_space<vmem_shared>>
        tpu.wait_indirect_dma semaphore(%arg14 : memref<!tpu.dma_semaphore, #tpu.memory_space<semaphore_mem>>) src(%dma_wait3A_175 : memref<128x32xf32, #tpu.memory_space<vmem>>) dst(%dma_wait3A_181 : memref<51200x32xf32, #tpu.memory_space<vmem_shared>>)
        %dma_wait3A_182 = arith.constant 3 : i32
        %dma_wait3A_183 = arith.constant 384 : i32
        %dma_wait3A_184 = arith.constant 0 : i32
        %dma_wait3A_185 = tpu.memref_slice %arg10[%dma_wait3A_183, %dma_wait3A_184] : memref<512x32xf32, #tpu.memory_space<vmem>> -> memref<128x32xf32, #tpu.memory_space<vmem>>
        %dma_wait3A_186 = arith.constant 0 : i32
        %dma_wait3A_187 = tpu.memref_slice %arg9[%dma_wait3A_182, %dma_wait3A_186] : memref<4x128xi32, #tpu.memory_space<vmem>> -> memref<1x128xi32, #tpu.memory_space<vmem>>
        %dma_wait3A_188 = tpu.memref_squeeze %dma_wait3A_187 : memref<1x128xi32, #tpu.memory_space<vmem>> -> memref<128xi32, #tpu.memory_space<vmem>>
        %dma_wait3A_189 = arith.constant 0 : i32
        %dma_wait3A_190 = arith.constant 0 : i32
        %dma_wait3A_191 = tpu.memref_slice %arg11[%dma_wait3A_189, %dma_wait3A_190] : memref<51200x32xf32, #tpu.memory_space<vmem_shared>> -> memref<51200x32xf32, #tpu.memory_space<vmem_shared>>
        tpu.wait_indirect_dma semaphore(%arg14 : memref<!tpu.dma_semaphore, #tpu.memory_space<semaphore_mem>>) src(%dma_wait3A_185 : memref<128x32xf32, #tpu.memory_space<vmem>>) dst(%dma_wait3A_191 : memref<51200x32xf32, #tpu.memory_space<vmem_shared>>)
      }
      %scan3A_11 = arith.constant 98 : i32
      %barrier3A_12 = arith.constant 0 : index
      tpu.barrier barrier_id(%barrier3A_12)
      %run_scoped3A = arith.constant 1 : i32
      "tpu.region"() ({
        %run_scoped3A_13 = tpu.sem_alloc : memref<!tpu.dma_semaphore, #tpu.memory_space<semaphore_mem>>
        %dma_start3A = arith.constant 0 : i32
        %dma_start3A_14 = arith.constant 0 : i32
        %dma_start3A_15 = tpu.memref_slice %arg7[%run_scoped3A, %dma_start3A, %dma_start3A_14] : memref<2x51200x32xf32, #tpu.memory_space<hbm>> -> memref<1x51200x32xf32, #tpu.memory_space<hbm>>
        %dma_start3A_16 = tpu.memref_squeeze %dma_start3A_15 : memref<1x51200x32xf32, #tpu.memory_space<hbm>> -> memref<51200x32xf32, #tpu.memory_space<hbm>>
        %dma_start3A_17 = arith.constant 0 : i32
        %dma_start3A_18 = tpu.memref_slice %dma_start3A_16[%mul3A_7, %dma_start3A_17] : memref<51200x32xf32, #tpu.memory_space<hbm>> -> memref<3200x32xf32, #tpu.memory_space<hbm>>
        %dma_start3A_19 = arith.constant 0 : i32
        %dma_start3A_20 = tpu.memref_slice %arg11[%mul3A_7, %dma_start3A_19] : memref<51200x32xf32, #tpu.memory_space<vmem_shared>> -> memref<3200x32xf32, #tpu.memory_space<vmem_shared>>
        tpu.enqueue_dma source(%dma_start3A_20 : memref<3200x32xf32, #tpu.memory_space<vmem_shared>>) target(%dma_start3A_18 : memref<3200x32xf32, #tpu.memory_space<hbm>>) target_semaphore(%run_scoped3A_13 : memref<!tpu.dma_semaphore, #tpu.memory_space<semaphore_mem>>)
        %dma_wait3A = arith.constant 0 : i32
        %dma_wait3A_21 = arith.constant 0 : i32
        %dma_wait3A_22 = tpu.memref_slice %arg7[%run_scoped3A, %dma_wait3A, %dma_wait3A_21] : memref<2x51200x32xf32, #tpu.memory_space<hbm>> -> memref<1x51200x32xf32, #tpu.memory_space<hbm>>
        %dma_wait3A_23 = tpu.memref_squeeze %dma_wait3A_22 : memref<1x51200x32xf32, #tpu.memory_space<hbm>> -> memref<51200x32xf32, #tpu.memory_space<hbm>>
        %dma_wait3A_24 = arith.constant 0 : i32
        %dma_wait3A_25 = tpu.memref_slice %dma_wait3A_23[%mul3A_7, %dma_wait3A_24] : memref<51200x32xf32, #tpu.memory_space<hbm>> -> memref<3200x32xf32, #tpu.memory_space<hbm>>
        %dma_wait3A_26 = arith.constant 0 : i32
        %dma_wait3A_27 = tpu.memref_slice %arg11[%mul3A_7, %dma_wait3A_26] : memref<51200x32xf32, #tpu.memory_space<vmem_shared>> -> memref<3200x32xf32, #tpu.memory_space<vmem_shared>>
        tpu.wait_dma2 semaphore(%run_scoped3A_13 : memref<!tpu.dma_semaphore, #tpu.memory_space<semaphore_mem>>) src(%dma_wait3A_27 : memref<3200x32xf32, #tpu.memory_space<vmem_shared>>) dst(%dma_wait3A_25 : memref<3200x32xf32, #tpu.memory_space<hbm>>)
        tpu.yield
      }) : () -> ()
    } else {
    }
    return
  }
}

#map = affine_map<(d0, d1) -> (0, 0)>
#map1 = affine_map<(d0, d1) -> (0, 0, 0)>
module attributes {stable_mosaic.version = 14 : i64} {
  func.func @_sc_segsum(%arg0: i32, %arg1: i32, %arg2: memref<50000x32xf32, #tpu.memory_space<hbm>>, %arg3: memref<50000x32xf32, #tpu.memory_space<hbm>>, %arg4: memref<6272x128xi32, #tpu.memory_space<hbm>>, %arg5: memref<6272x128xi32, #tpu.memory_space<hbm>>, %arg6: memref<51200x32xf32, #tpu.memory_space<hbm>>, %arg7: memref<2x51200x32xf32, #tpu.memory_space<hbm>>, %arg8: memref<4x128xi32, #tpu.memory_space<vmem>>, %arg9: memref<4x128xi32, #tpu.memory_space<vmem>>, %arg10: memref<512x32xf32, #tpu.memory_space<vmem>>, %arg11: memref<51200x32xf32, #tpu.memory_space<vmem_shared>>, %arg12: memref<!tpu.dma_semaphore, #tpu.memory_space<semaphore_mem>>, %arg13: memref<!tpu.dma_semaphore, #tpu.memory_space<semaphore_mem>>, %arg14: memref<!tpu.dma_semaphore, #tpu.memory_space<semaphore_mem>>) attributes {dimension_semantics = [#tpu.dimension_semantics<core_parallel>, #tpu.dimension_semantics<subcore_parallel>], iteration_bounds = array<i64: 2, 16>, scalar_prefetch = 0 : i64, scratch_operands = 7 : i64, tpu.core_type = #tpu.core_type<sc_vector_subcore>, window_params = [{transform_indices = #map}, {transform_indices = #map}, {transform_indices = #map}, {transform_indices = #map}, {transform_indices = #map}, {transform_indices = #map1}]} {
    %eq3A = arith.constant 0 : i32
    %eq3A_0 = arith.cmpi eq, %arg0, %eq3A : i32
    %convert_element_type3A = arith.extui %eq3A_0 : i1 to i32
    %cond3A = arith.constant 0 : i32
    %cond3A_1 = arith.cmpi ne, %convert_element_type3A, %cond3A : i32
    scf.if %cond3A_1 {
      %mul3A = arith.constant 3200 : i32
      %mul3A_7 = arith.muli %arg1, %mul3A : i32
      "tpu.region"() ({
        %run_scoped3A_13 = tpu.sem_alloc : memref<!tpu.dma_semaphore, #tpu.memory_space<semaphore_mem>>
        %dma_start3A = arith.constant 0 : i32
        %dma_start3A_14 = tpu.memref_slice %arg11[%mul3A_7, %dma_start3A] : memref<51200x32xf32, #tpu.memory_space<vmem_shared>> -> memref<3200x32xf32, #tpu.memory_space<vmem_shared>>
        %dma_start3A_15 = arith.constant 0 : i32
        %dma_start3A_16 = tpu.memref_slice %arg6[%mul3A_7, %dma_start3A_15] : memref<51200x32xf32, #tpu.memory_space<hbm>> -> memref<3200x32xf32, #tpu.memory_space<hbm>>
        tpu.enqueue_dma source(%dma_start3A_16 : memref<3200x32xf32, #tpu.memory_space<hbm>>) target(%dma_start3A_14 : memref<3200x32xf32, #tpu.memory_space<vmem_shared>>) target_semaphore(%run_scoped3A_13 : memref<!tpu.dma_semaphore, #tpu.memory_space<semaphore_mem>>)
        %dma_wait3A = arith.constant 0 : i32
        %dma_wait3A_17 = tpu.memref_slice %arg11[%mul3A_7, %dma_wait3A] : memref<51200x32xf32, #tpu.memory_space<vmem_shared>> -> memref<3200x32xf32, #tpu.memory_space<vmem_shared>>
        %dma_wait3A_18 = arith.constant 0 : i32
        %dma_wait3A_19 = tpu.memref_slice %arg6[%mul3A_7, %dma_wait3A_18] : memref<51200x32xf32, #tpu.memory_space<hbm>> -> memref<3200x32xf32, #tpu.memory_space<hbm>>
        tpu.wait_dma2 semaphore(%run_scoped3A_13 : memref<!tpu.dma_semaphore, #tpu.memory_space<semaphore_mem>>) src(%dma_wait3A_19 : memref<3200x32xf32, #tpu.memory_space<hbm>>) dst(%dma_wait3A_17 : memref<3200x32xf32, #tpu.memory_space<vmem_shared>>)
        tpu.yield
      }) : () -> ()
      %barrier3A = arith.constant 0 : index
      tpu.barrier barrier_id(%barrier3A)
      %scan3A = arith.constant 0 : i32
      %scan3A_8 = arith.constant 98 : i32
      %scan3A_9 = arith.addi %scan3A, %scan3A_8 : i32
      %scan3A_10 = arith.constant 1 : i32
      scf.for %scan3A_13 = %scan3A to %scan3A_9 step %scan3A_10  : i32 {
        %mul3A_14 = arith.constant 392 : i32
        %mul3A_15 = arith.muli %arg1, %mul3A_14 : i32
        %mul3A_16 = arith.constant 4 : i32
        %mul3A_17 = arith.muli %scan3A_13, %mul3A_16 : i32
        %add3A = arith.addi %mul3A_15, %mul3A_17 : i32
        %dma_start3A = arith.constant 0 : i32
        %dma_start3A_18 = tpu.memref_slice %arg4[%add3A, %dma_start3A] : memref<6272x128xi32, #tpu.memory_space<hbm>> -> memref<4x128xi32, #tpu.memory_space<hbm>>
        %dma_start3A_19 = arith.constant 0 : i32
        %dma_start3A_20 = tpu.memref_slice %arg4[%add3A, %dma_start3A_19] : memref<6272x128xi32, #tpu.memory_space<hbm>> -> memref<4x128xi32, #tpu.memory_space<hbm>>
        tpu.enqueue_dma source(%dma_start3A_20 : memref<4x128xi32, #tpu.memory_space<hbm>>) target(%arg8 : memref<4x128xi32, #tpu.memory_space<vmem>>) target_semaphore(%arg12 : memref<!tpu.dma_semaphore, #tpu.memory_space<semaphore_mem>>)
        %dma_start3A_21 = arith.constant 0 : i32
        %dma_start3A_22 = tpu.memref_slice %arg5[%add3A, %dma_start3A_21] : memref<6272x128xi32, #tpu.memory_space<hbm>> -> memref<4x128xi32, #tpu.memory_space<hbm>>
        %dma_start3A_23 = arith.constant 0 : i32
        %dma_start3A_24 = tpu.memref_slice %arg5[%add3A, %dma_start3A_23] : memref<6272x128xi32, #tpu.memory_space<hbm>> -> memref<4x128xi32, #tpu.memory_space<hbm>>
        tpu.enqueue_dma source(%dma_start3A_24 : memref<4x128xi32, #tpu.memory_space<hbm>>) target(%arg9 : memref<4x128xi32, #tpu.memory_space<vmem>>) target_semaphore(%arg12 : memref<!tpu.dma_semaphore, #tpu.memory_space<semaphore_mem>>)
        %dma_wait3A = arith.constant 0 : i32
        %dma_wait3A_25 = tpu.memref_slice %arg4[%add3A, %dma_wait3A] : memref<6272x128xi32, #tpu.memory_space<hbm>> -> memref<4x128xi32, #tpu.memory_space<hbm>>
        %dma_wait3A_26 = arith.constant 0 : i32
        %dma_wait3A_27 = tpu.memref_slice %arg4[%add3A, %dma_wait3A_26] : memref<6272x128xi32, #tpu.memory_space<hbm>> -> memref<4x128xi32, #tpu.memory_space<hbm>>
        tpu.wait_dma2 semaphore(%arg12 : memref<!tpu.dma_semaphore, #tpu.memory_space<semaphore_mem>>) src(%dma_wait3A_27 : memref<4x128xi32, #tpu.memory_space<hbm>>) dst(%arg8 : memref<4x128xi32, #tpu.memory_space<vmem>>)
        %dma_wait3A_28 = arith.constant 0 : i32
        %dma_wait3A_29 = tpu.memref_slice %arg5[%add3A, %dma_wait3A_28] : memref<6272x128xi32, #tpu.memory_space<hbm>> -> memref<4x128xi32, #tpu.memory_space<hbm>>
        %dma_wait3A_30 = arith.constant 0 : i32
        %dma_wait3A_31 = tpu.memref_slice %arg5[%add3A, %dma_wait3A_30] : memref<6272x128xi32, #tpu.memory_space<hbm>> -> memref<4x128xi32, #tpu.memory_space<hbm>>
        tpu.wait_dma2 semaphore(%arg12 : memref<!tpu.dma_semaphore, #tpu.memory_space<semaphore_mem>>) src(%dma_wait3A_31 : memref<4x128xi32, #tpu.memory_space<hbm>>) dst(%arg9 : memref<4x128xi32, #tpu.memory_space<vmem>>)
        %dma_start3A_32 = arith.constant 0 : i32
        %dma_start3A_33 = arith.constant 0 : i32
        %dma_start3A_34 = arith.constant 0 : i32
        %dma_start3A_35 = tpu.memref_slice %arg10[%dma_start3A_33, %dma_start3A_34] : memref<512x32xf32, #tpu.memory_space<vmem>> -> memref<128x32xf32, #tpu.memory_space<vmem>>
        %dma_start3A_36 = arith.constant 0 : i32
        %dma_start3A_37 = tpu.memref_slice %arg8[%dma_start3A_32, %dma_start3A_36] : memref<4x128xi32, #tpu.memory_space<vmem>> -> memref<1x128xi32, #tpu.memory_space<vmem>>
        %dma_start3A_38 = tpu.memref_squeeze %dma_start3A_37 : memref<1x128xi32, #tpu.memory_space<vmem>> -> memref<128xi32, #tpu.memory_space<vmem>>
        %dma_start3A_39 = arith.constant 0 : i32
        %dma_start3A_40 = arith.constant 0 : i32
        %dma_start3A_41 = tpu.memref_slice %arg2[%dma_start3A_39, %dma_start3A_40] : memref<50000x32xf32, #tpu.memory_space<hbm>> -> memref<50000x32xf32, #tpu.memory_space<hbm>>
        tpu.enqueue_indirect_dma source(%dma_start3A_41 : memref<50000x32xf32, #tpu.memory_space<hbm>>) target(%dma_start3A_35 : memref<128x32xf32, #tpu.memory_space<vmem>>) offsets(%dma_start3A_38 : memref<128xi32, #tpu.memory_space<vmem>>) semaphore(%arg13 : memref<!tpu.dma_semaphore, #tpu.memory_space<semaphore_mem>>)
        %dma_start3A_42 = arith.constant 1 : i32
        %dma_start3A_43 = arith.constant 128 : i32
        %dma_start3A_44 = arith.constant 0 : i32
        %dma_start3A_45 = tpu.memref_slice %arg10[%dma_start3A_43, %dma_start3A_44] : memref<512x32xf32, #tpu.memory_space<vmem>> -> memref<128x32xf32, #tpu.memory_space<vmem>>
        %dma_start3A_46 = arith.constant 0 : i32
        %dma_start3A_47 = tpu.memref_slice %arg8[%dma_start3A_42, %dma_start3A_46] : memref<4x128xi32, #tpu.memory_space<vmem>> -> memref<1x128xi32, #tpu.memory_space<vmem>>
        %dma_start3A_48 = tpu.memref_squeeze %dma_start3A_47 : memref<1x128xi32, #tpu.memory_space<vmem>> -> memref<128xi32, #tpu.memory_space<vmem>>
        %dma_start3A_49 = arith.constant 0 : i32
        %dma_start3A_50 = arith.constant 0 : i32
        %dma_start3A_51 = tpu.memref_slice %arg2[%dma_start3A_49, %dma_start3A_50] : memref<50000x32xf32, #tpu.memory_space<hbm>> -> memref<50000x32xf32, #tpu.memory_space<hbm>>
        tpu.enqueue_indirect_dma source(%dma_start3A_51 : memref<50000x32xf32, #tpu.memory_space<hbm>>) target(%dma_start3A_45 : memref<128x32xf32, #tpu.memory_space<vmem>>) offsets(%dma_start3A_48 : memref<128xi32, #tpu.memory_space<vmem>>) semaphore(%arg13 : memref<!tpu.dma_semaphore, #tpu.memory_space<semaphore_mem>>)
        %dma_start3A_52 = arith.constant 2 : i32
        %dma_start3A_53 = arith.constant 256 : i32
        %dma_start3A_54 = arith.constant 0 : i32
        %dma_start3A_55 = tpu.memref_slice %arg10[%dma_start3A_53, %dma_start3A_54] : memref<512x32xf32, #tpu.memory_space<vmem>> -> memref<128x32xf32, #tpu.memory_space<vmem>>
        %dma_start3A_56 = arith.constant 0 : i32
        %dma_start3A_57 = tpu.memref_slice %arg8[%dma_start3A_52, %dma_start3A_56] : memref<4x128xi32, #tpu.memory_space<vmem>> -> memref<1x128xi32, #tpu.memory_space<vmem>>
        %dma_start3A_58 = tpu.memref_squeeze %dma_start3A_57 : memref<1x128xi32, #tpu.memory_space<vmem>> -> memref<128xi32, #tpu.memory_space<vmem>>
        %dma_start3A_59 = arith.constant 0 : i32
        %dma_start3A_60 = arith.constant 0 : i32
        %dma_start3A_61 = tpu.memref_slice %arg2[%dma_start3A_59, %dma_start3A_60] : memref<50000x32xf32, #tpu.memory_space<hbm>> -> memref<50000x32xf32, #tpu.memory_space<hbm>>
        tpu.enqueue_indirect_dma source(%dma_start3A_61 : memref<50000x32xf32, #tpu.memory_space<hbm>>) target(%dma_start3A_55 : memref<128x32xf32, #tpu.memory_space<vmem>>) offsets(%dma_start3A_58 : memref<128xi32, #tpu.memory_space<vmem>>) semaphore(%arg13 : memref<!tpu.dma_semaphore, #tpu.memory_space<semaphore_mem>>)
        %dma_start3A_62 = arith.constant 3 : i32
        %dma_start3A_63 = arith.constant 384 : i32
        %dma_start3A_64 = arith.constant 0 : i32
        %dma_start3A_65 = tpu.memref_slice %arg10[%dma_start3A_63, %dma_start3A_64] : memref<512x32xf32, #tpu.memory_space<vmem>> -> memref<128x32xf32, #tpu.memory_space<vmem>>
        %dma_start3A_66 = arith.constant 0 : i32
        %dma_start3A_67 = tpu.memref_slice %arg8[%dma_start3A_62, %dma_start3A_66] : memref<4x128xi32, #tpu.memory_space<vmem>> -> memref<1x128xi32, #tpu.memory_space<vmem>>
        %dma_start3A_68 = tpu.memref_squeeze %dma_start3A_67 : memref<1x128xi32, #tpu.memory_space<vmem>> -> memref<128xi32, #tpu.memory_space<vmem>>
        %dma_start3A_69 = arith.constant 0 : i32
        %dma_start3A_70 = arith.constant 0 : i32
        %dma_start3A_71 = tpu.memref_slice %arg2[%dma_start3A_69, %dma_start3A_70] : memref<50000x32xf32, #tpu.memory_space<hbm>> -> memref<50000x32xf32, #tpu.memory_space<hbm>>
        tpu.enqueue_indirect_dma source(%dma_start3A_71 : memref<50000x32xf32, #tpu.memory_space<hbm>>) target(%dma_start3A_65 : memref<128x32xf32, #tpu.memory_space<vmem>>) offsets(%dma_start3A_68 : memref<128xi32, #tpu.memory_space<vmem>>) semaphore(%arg13 : memref<!tpu.dma_semaphore, #tpu.memory_space<semaphore_mem>>)
        %dma_wait3A_72 = arith.constant 0 : i32
        %dma_wait3A_73 = arith.constant 0 : i32
        %dma_wait3A_74 = arith.constant 0 : i32
        %dma_wait3A_75 = tpu.memref_slice %arg10[%dma_wait3A_73, %dma_wait3A_74] : memref<512x32xf32, #tpu.memory_space<vmem>> -> memref<128x32xf32, #tpu.memory_space<vmem>>
        %dma_wait3A_76 = arith.constant 0 : i32
        %dma_wait3A_77 = tpu.memref_slice %arg8[%dma_wait3A_72, %dma_wait3A_76] : memref<4x128xi32, #tpu.memory_space<vmem>> -> memref<1x128xi32, #tpu.memory_space<vmem>>
        %dma_wait3A_78 = tpu.memref_squeeze %dma_wait3A_77 : memref<1x128xi32, #tpu.memory_space<vmem>> -> memref<128xi32, #tpu.memory_space<vmem>>
        %dma_wait3A_79 = arith.constant 0 : i32
        %dma_wait3A_80 = arith.constant 0 : i32
        %dma_wait3A_81 = tpu.memref_slice %arg2[%dma_wait3A_79, %dma_wait3A_80] : memref<50000x32xf32, #tpu.memory_space<hbm>> -> memref<50000x32xf32, #tpu.memory_space<hbm>>
        tpu.wait_indirect_dma semaphore(%arg13 : memref<!tpu.dma_semaphore, #tpu.memory_space<semaphore_mem>>) src(%dma_wait3A_81 : memref<50000x32xf32, #tpu.memory_space<hbm>>) dst(%dma_wait3A_75 : memref<128x32xf32, #tpu.memory_space<vmem>>)
        %dma_wait3A_82 = arith.constant 1 : i32
        %dma_wait3A_83 = arith.constant 128 : i32
        %dma_wait3A_84 = arith.constant 0 : i32
        %dma_wait3A_85 = tpu.memref_slice %arg10[%dma_wait3A_83, %dma_wait3A_84] : memref<512x32xf32, #tpu.memory_space<vmem>> -> memref<128x32xf32, #tpu.memory_space<vmem>>
        %dma_wait3A_86 = arith.constant 0 : i32
        %dma_wait3A_87 = tpu.memref_slice %arg8[%dma_wait3A_82, %dma_wait3A_86] : memref<4x128xi32, #tpu.memory_space<vmem>> -> memref<1x128xi32, #tpu.memory_space<vmem>>
        %dma_wait3A_88 = tpu.memref_squeeze %dma_wait3A_87 : memref<1x128xi32, #tpu.memory_space<vmem>> -> memref<128xi32, #tpu.memory_space<vmem>>
        %dma_wait3A_89 = arith.constant 0 : i32
        %dma_wait3A_90 = arith.constant 0 : i32
        %dma_wait3A_91 = tpu.memref_slice %arg2[%dma_wait3A_89, %dma_wait3A_90] : memref<50000x32xf32, #tpu.memory_space<hbm>> -> memref<50000x32xf32, #tpu.memory_space<hbm>>
        tpu.wait_indirect_dma semaphore(%arg13 : memref<!tpu.dma_semaphore, #tpu.memory_space<semaphore_mem>>) src(%dma_wait3A_91 : memref<50000x32xf32, #tpu.memory_space<hbm>>) dst(%dma_wait3A_85 : memref<128x32xf32, #tpu.memory_space<vmem>>)
        %dma_wait3A_92 = arith.constant 2 : i32
        %dma_wait3A_93 = arith.constant 256 : i32
        %dma_wait3A_94 = arith.constant 0 : i32
        %dma_wait3A_95 = tpu.memref_slice %arg10[%dma_wait3A_93, %dma_wait3A_94] : memref<512x32xf32, #tpu.memory_space<vmem>> -> memref<128x32xf32, #tpu.memory_space<vmem>>
        %dma_wait3A_96 = arith.constant 0 : i32
        %dma_wait3A_97 = tpu.memref_slice %arg8[%dma_wait3A_92, %dma_wait3A_96] : memref<4x128xi32, #tpu.memory_space<vmem>> -> memref<1x128xi32, #tpu.memory_space<vmem>>
        %dma_wait3A_98 = tpu.memref_squeeze %dma_wait3A_97 : memref<1x128xi32, #tpu.memory_space<vmem>> -> memref<128xi32, #tpu.memory_space<vmem>>
        %dma_wait3A_99 = arith.constant 0 : i32
        %dma_wait3A_100 = arith.constant 0 : i32
        %dma_wait3A_101 = tpu.memref_slice %arg2[%dma_wait3A_99, %dma_wait3A_100] : memref<50000x32xf32, #tpu.memory_space<hbm>> -> memref<50000x32xf32, #tpu.memory_space<hbm>>
        tpu.wait_indirect_dma semaphore(%arg13 : memref<!tpu.dma_semaphore, #tpu.memory_space<semaphore_mem>>) src(%dma_wait3A_101 : memref<50000x32xf32, #tpu.memory_space<hbm>>) dst(%dma_wait3A_95 : memref<128x32xf32, #tpu.memory_space<vmem>>)
        %dma_wait3A_102 = arith.constant 3 : i32
        %dma_wait3A_103 = arith.constant 384 : i32
        %dma_wait3A_104 = arith.constant 0 : i32
        %dma_wait3A_105 = tpu.memref_slice %arg10[%dma_wait3A_103, %dma_wait3A_104] : memref<512x32xf32, #tpu.memory_space<vmem>> -> memref<128x32xf32, #tpu.memory_space<vmem>>
        %dma_wait3A_106 = arith.constant 0 : i32
        %dma_wait3A_107 = tpu.memref_slice %arg8[%dma_wait3A_102, %dma_wait3A_106] : memref<4x128xi32, #tpu.memory_space<vmem>> -> memref<1x128xi32, #tpu.memory_space<vmem>>
        %dma_wait3A_108 = tpu.memref_squeeze %dma_wait3A_107 : memref<1x128xi32, #tpu.memory_space<vmem>> -> memref<128xi32, #tpu.memory_space<vmem>>
        %dma_wait3A_109 = arith.constant 0 : i32
        %dma_wait3A_110 = arith.constant 0 : i32
        %dma_wait3A_111 = tpu.memref_slice %arg2[%dma_wait3A_109, %dma_wait3A_110] : memref<50000x32xf32, #tpu.memory_space<hbm>> -> memref<50000x32xf32, #tpu.memory_space<hbm>>
        tpu.wait_indirect_dma semaphore(%arg13 : memref<!tpu.dma_semaphore, #tpu.memory_space<semaphore_mem>>) src(%dma_wait3A_111 : memref<50000x32xf32, #tpu.memory_space<hbm>>) dst(%dma_wait3A_105 : memref<128x32xf32, #tpu.memory_space<vmem>>)
        %dma_start3A_112 = arith.constant 0 : i32
        %dma_start3A_113 = arith.constant 0 : i32
        %dma_start3A_114 = arith.constant 0 : i32
        %dma_start3A_115 = tpu.memref_slice %arg10[%dma_start3A_113, %dma_start3A_114] : memref<512x32xf32, #tpu.memory_space<vmem>> -> memref<128x32xf32, #tpu.memory_space<vmem>>
        %dma_start3A_116 = arith.constant 0 : i32
        %dma_start3A_117 = tpu.memref_slice %arg9[%dma_start3A_112, %dma_start3A_116] : memref<4x128xi32, #tpu.memory_space<vmem>> -> memref<1x128xi32, #tpu.memory_space<vmem>>
        %dma_start3A_118 = tpu.memref_squeeze %dma_start3A_117 : memref<1x128xi32, #tpu.memory_space<vmem>> -> memref<128xi32, #tpu.memory_space<vmem>>
        %dma_start3A_119 = arith.constant 0 : i32
        %dma_start3A_120 = arith.constant 0 : i32
        %dma_start3A_121 = tpu.memref_slice %arg11[%dma_start3A_119, %dma_start3A_120] : memref<51200x32xf32, #tpu.memory_space<vmem_shared>> -> memref<51200x32xf32, #tpu.memory_space<vmem_shared>>
        tpu.enqueue_indirect_dma source(%dma_start3A_115 : memref<128x32xf32, #tpu.memory_space<vmem>>) target(%dma_start3A_121 : memref<51200x32xf32, #tpu.memory_space<vmem_shared>>) offsets(%dma_start3A_118 : memref<128xi32, #tpu.memory_space<vmem>>) semaphore(%arg14 : memref<!tpu.dma_semaphore, #tpu.memory_space<semaphore_mem>>) {add = true}
        %dma_start3A_122 = arith.constant 1 : i32
        %dma_start3A_123 = arith.constant 128 : i32
        %dma_start3A_124 = arith.constant 0 : i32
        %dma_start3A_125 = tpu.memref_slice %arg10[%dma_start3A_123, %dma_start3A_124] : memref<512x32xf32, #tpu.memory_space<vmem>> -> memref<128x32xf32, #tpu.memory_space<vmem>>
        %dma_start3A_126 = arith.constant 0 : i32
        %dma_start3A_127 = tpu.memref_slice %arg9[%dma_start3A_122, %dma_start3A_126] : memref<4x128xi32, #tpu.memory_space<vmem>> -> memref<1x128xi32, #tpu.memory_space<vmem>>
        %dma_start3A_128 = tpu.memref_squeeze %dma_start3A_127 : memref<1x128xi32, #tpu.memory_space<vmem>> -> memref<128xi32, #tpu.memory_space<vmem>>
        %dma_start3A_129 = arith.constant 0 : i32
        %dma_start3A_130 = arith.constant 0 : i32
        %dma_start3A_131 = tpu.memref_slice %arg11[%dma_start3A_129, %dma_start3A_130] : memref<51200x32xf32, #tpu.memory_space<vmem_shared>> -> memref<51200x32xf32, #tpu.memory_space<vmem_shared>>
        tpu.enqueue_indirect_dma source(%dma_start3A_125 : memref<128x32xf32, #tpu.memory_space<vmem>>) target(%dma_start3A_131 : memref<51200x32xf32, #tpu.memory_space<vmem_shared>>) offsets(%dma_start3A_128 : memref<128xi32, #tpu.memory_space<vmem>>) semaphore(%arg14 : memref<!tpu.dma_semaphore, #tpu.memory_space<semaphore_mem>>) {add = true}
        %dma_start3A_132 = arith.constant 2 : i32
        %dma_start3A_133 = arith.constant 256 : i32
        %dma_start3A_134 = arith.constant 0 : i32
        %dma_start3A_135 = tpu.memref_slice %arg10[%dma_start3A_133, %dma_start3A_134] : memref<512x32xf32, #tpu.memory_space<vmem>> -> memref<128x32xf32, #tpu.memory_space<vmem>>
        %dma_start3A_136 = arith.constant 0 : i32
        %dma_start3A_137 = tpu.memref_slice %arg9[%dma_start3A_132, %dma_start3A_136] : memref<4x128xi32, #tpu.memory_space<vmem>> -> memref<1x128xi32, #tpu.memory_space<vmem>>
        %dma_start3A_138 = tpu.memref_squeeze %dma_start3A_137 : memref<1x128xi32, #tpu.memory_space<vmem>> -> memref<128xi32, #tpu.memory_space<vmem>>
        %dma_start3A_139 = arith.constant 0 : i32
        %dma_start3A_140 = arith.constant 0 : i32
        %dma_start3A_141 = tpu.memref_slice %arg11[%dma_start3A_139, %dma_start3A_140] : memref<51200x32xf32, #tpu.memory_space<vmem_shared>> -> memref<51200x32xf32, #tpu.memory_space<vmem_shared>>
        tpu.enqueue_indirect_dma source(%dma_start3A_135 : memref<128x32xf32, #tpu.memory_space<vmem>>) target(%dma_start3A_141 : memref<51200x32xf32, #tpu.memory_space<vmem_shared>>) offsets(%dma_start3A_138 : memref<128xi32, #tpu.memory_space<vmem>>) semaphore(%arg14 : memref<!tpu.dma_semaphore, #tpu.memory_space<semaphore_mem>>) {add = true}
        %dma_start3A_142 = arith.constant 3 : i32
        %dma_start3A_143 = arith.constant 384 : i32
        %dma_start3A_144 = arith.constant 0 : i32
        %dma_start3A_145 = tpu.memref_slice %arg10[%dma_start3A_143, %dma_start3A_144] : memref<512x32xf32, #tpu.memory_space<vmem>> -> memref<128x32xf32, #tpu.memory_space<vmem>>
        %dma_start3A_146 = arith.constant 0 : i32
        %dma_start3A_147 = tpu.memref_slice %arg9[%dma_start3A_142, %dma_start3A_146] : memref<4x128xi32, #tpu.memory_space<vmem>> -> memref<1x128xi32, #tpu.memory_space<vmem>>
        %dma_start3A_148 = tpu.memref_squeeze %dma_start3A_147 : memref<1x128xi32, #tpu.memory_space<vmem>> -> memref<128xi32, #tpu.memory_space<vmem>>
        %dma_start3A_149 = arith.constant 0 : i32
        %dma_start3A_150 = arith.constant 0 : i32
        %dma_start3A_151 = tpu.memref_slice %arg11[%dma_start3A_149, %dma_start3A_150] : memref<51200x32xf32, #tpu.memory_space<vmem_shared>> -> memref<51200x32xf32, #tpu.memory_space<vmem_shared>>
        tpu.enqueue_indirect_dma source(%dma_start3A_145 : memref<128x32xf32, #tpu.memory_space<vmem>>) target(%dma_start3A_151 : memref<51200x32xf32, #tpu.memory_space<vmem_shared>>) offsets(%dma_start3A_148 : memref<128xi32, #tpu.memory_space<vmem>>) semaphore(%arg14 : memref<!tpu.dma_semaphore, #tpu.memory_space<semaphore_mem>>) {add = true}
        %dma_wait3A_152 = arith.constant 0 : i32
        %dma_wait3A_153 = arith.constant 0 : i32
        %dma_wait3A_154 = arith.constant 0 : i32
        %dma_wait3A_155 = tpu.memref_slice %arg10[%dma_wait3A_153, %dma_wait3A_154] : memref<512x32xf32, #tpu.memory_space<vmem>> -> memref<128x32xf32, #tpu.memory_space<vmem>>
        %dma_wait3A_156 = arith.constant 0 : i32
        %dma_wait3A_157 = tpu.memref_slice %arg9[%dma_wait3A_152, %dma_wait3A_156] : memref<4x128xi32, #tpu.memory_space<vmem>> -> memref<1x128xi32, #tpu.memory_space<vmem>>
        %dma_wait3A_158 = tpu.memref_squeeze %dma_wait3A_157 : memref<1x128xi32, #tpu.memory_space<vmem>> -> memref<128xi32, #tpu.memory_space<vmem>>
        %dma_wait3A_159 = arith.constant 0 : i32
        %dma_wait3A_160 = arith.constant 0 : i32
        %dma_wait3A_161 = tpu.memref_slice %arg11[%dma_wait3A_159, %dma_wait3A_160] : memref<51200x32xf32, #tpu.memory_space<vmem_shared>> -> memref<51200x32xf32, #tpu.memory_space<vmem_shared>>
        tpu.wait_indirect_dma semaphore(%arg14 : memref<!tpu.dma_semaphore, #tpu.memory_space<semaphore_mem>>) src(%dma_wait3A_155 : memref<128x32xf32, #tpu.memory_space<vmem>>) dst(%dma_wait3A_161 : memref<51200x32xf32, #tpu.memory_space<vmem_shared>>)
        %dma_wait3A_162 = arith.constant 1 : i32
        %dma_wait3A_163 = arith.constant 128 : i32
        %dma_wait3A_164 = arith.constant 0 : i32
        %dma_wait3A_165 = tpu.memref_slice %arg10[%dma_wait3A_163, %dma_wait3A_164] : memref<512x32xf32, #tpu.memory_space<vmem>> -> memref<128x32xf32, #tpu.memory_space<vmem>>
        %dma_wait3A_166 = arith.constant 0 : i32
        %dma_wait3A_167 = tpu.memref_slice %arg9[%dma_wait3A_162, %dma_wait3A_166] : memref<4x128xi32, #tpu.memory_space<vmem>> -> memref<1x128xi32, #tpu.memory_space<vmem>>
        %dma_wait3A_168 = tpu.memref_squeeze %dma_wait3A_167 : memref<1x128xi32, #tpu.memory_space<vmem>> -> memref<128xi32, #tpu.memory_space<vmem>>
        %dma_wait3A_169 = arith.constant 0 : i32
        %dma_wait3A_170 = arith.constant 0 : i32
        %dma_wait3A_171 = tpu.memref_slice %arg11[%dma_wait3A_169, %dma_wait3A_170] : memref<51200x32xf32, #tpu.memory_space<vmem_shared>> -> memref<51200x32xf32, #tpu.memory_space<vmem_shared>>
        tpu.wait_indirect_dma semaphore(%arg14 : memref<!tpu.dma_semaphore, #tpu.memory_space<semaphore_mem>>) src(%dma_wait3A_165 : memref<128x32xf32, #tpu.memory_space<vmem>>) dst(%dma_wait3A_171 : memref<51200x32xf32, #tpu.memory_space<vmem_shared>>)
        %dma_wait3A_172 = arith.constant 2 : i32
        %dma_wait3A_173 = arith.constant 256 : i32
        %dma_wait3A_174 = arith.constant 0 : i32
        %dma_wait3A_175 = tpu.memref_slice %arg10[%dma_wait3A_173, %dma_wait3A_174] : memref<512x32xf32, #tpu.memory_space<vmem>> -> memref<128x32xf32, #tpu.memory_space<vmem>>
        %dma_wait3A_176 = arith.constant 0 : i32
        %dma_wait3A_177 = tpu.memref_slice %arg9[%dma_wait3A_172, %dma_wait3A_176] : memref<4x128xi32, #tpu.memory_space<vmem>> -> memref<1x128xi32, #tpu.memory_space<vmem>>
        %dma_wait3A_178 = tpu.memref_squeeze %dma_wait3A_177 : memref<1x128xi32, #tpu.memory_space<vmem>> -> memref<128xi32, #tpu.memory_space<vmem>>
        %dma_wait3A_179 = arith.constant 0 : i32
        %dma_wait3A_180 = arith.constant 0 : i32
        %dma_wait3A_181 = tpu.memref_slice %arg11[%dma_wait3A_179, %dma_wait3A_180] : memref<51200x32xf32, #tpu.memory_space<vmem_shared>> -> memref<51200x32xf32, #tpu.memory_space<vmem_shared>>
        tpu.wait_indirect_dma semaphore(%arg14 : memref<!tpu.dma_semaphore, #tpu.memory_space<semaphore_mem>>) src(%dma_wait3A_175 : memref<128x32xf32, #tpu.memory_space<vmem>>) dst(%dma_wait3A_181 : memref<51200x32xf32, #tpu.memory_space<vmem_shared>>)
        %dma_wait3A_182 = arith.constant 3 : i32
        %dma_wait3A_183 = arith.constant 384 : i32
        %dma_wait3A_184 = arith.constant 0 : i32
        %dma_wait3A_185 = tpu.memref_slice %arg10[%dma_wait3A_183, %dma_wait3A_184] : memref<512x32xf32, #tpu.memory_space<vmem>> -> memref<128x32xf32, #tpu.memory_space<vmem>>
        %dma_wait3A_186 = arith.constant 0 : i32
        %dma_wait3A_187 = tpu.memref_slice %arg9[%dma_wait3A_182, %dma_wait3A_186] : memref<4x128xi32, #tpu.memory_space<vmem>> -> memref<1x128xi32, #tpu.memory_space<vmem>>
        %dma_wait3A_188 = tpu.memref_squeeze %dma_wait3A_187 : memref<1x128xi32, #tpu.memory_space<vmem>> -> memref<128xi32, #tpu.memory_space<vmem>>
        %dma_wait3A_189 = arith.constant 0 : i32
        %dma_wait3A_190 = arith.constant 0 : i32
        %dma_wait3A_191 = tpu.memref_slice %arg11[%dma_wait3A_189, %dma_wait3A_190] : memref<51200x32xf32, #tpu.memory_space<vmem_shared>> -> memref<51200x32xf32, #tpu.memory_space<vmem_shared>>
        tpu.wait_indirect_dma semaphore(%arg14 : memref<!tpu.dma_semaphore, #tpu.memory_space<semaphore_mem>>) src(%dma_wait3A_185 : memref<128x32xf32, #tpu.memory_space<vmem>>) dst(%dma_wait3A_191 : memref<51200x32xf32, #tpu.memory_space<vmem_shared>>)
      }
      %scan3A_11 = arith.constant 98 : i32
      %barrier3A_12 = arith.constant 0 : index
      tpu.barrier barrier_id(%barrier3A_12)
      %run_scoped3A = arith.constant 0 : i32
      "tpu.region"() ({
        %run_scoped3A_13 = tpu.sem_alloc : memref<!tpu.dma_semaphore, #tpu.memory_space<semaphore_mem>>
        %dma_start3A = arith.constant 0 : i32
        %dma_start3A_14 = arith.constant 0 : i32
        %dma_start3A_15 = tpu.memref_slice %arg7[%run_scoped3A, %dma_start3A, %dma_start3A_14] : memref<2x51200x32xf32, #tpu.memory_space<hbm>> -> memref<1x51200x32xf32, #tpu.memory_space<hbm>>
        %dma_start3A_16 = tpu.memref_squeeze %dma_start3A_15 : memref<1x51200x32xf32, #tpu.memory_space<hbm>> -> memref<51200x32xf32, #tpu.memory_space<hbm>>
        %dma_start3A_17 = arith.constant 0 : i32
        %dma_start3A_18 = tpu.memref_slice %dma_start3A_16[%mul3A_7, %dma_start3A_17] : memref<51200x32xf32, #tpu.memory_space<hbm>> -> memref<3200x32xf32, #tpu.memory_space<hbm>>
        %dma_start3A_19 = arith.constant 0 : i32
        %dma_start3A_20 = tpu.memref_slice %arg11[%mul3A_7, %dma_start3A_19] : memref<51200x32xf32, #tpu.memory_space<vmem_shared>> -> memref<3200x32xf32, #tpu.memory_space<vmem_shared>>
        tpu.enqueue_dma source(%dma_start3A_20 : memref<3200x32xf32, #tpu.memory_space<vmem_shared>>) target(%dma_start3A_18 : memref<3200x32xf32, #tpu.memory_space<hbm>>) target_semaphore(%run_scoped3A_13 : memref<!tpu.dma_semaphore, #tpu.memory_space<semaphore_mem>>)
        %dma_wait3A = arith.constant 0 : i32
        %dma_wait3A_21 = arith.constant 0 : i32
        %dma_wait3A_22 = tpu.memref_slice %arg7[%run_scoped3A, %dma_wait3A, %dma_wait3A_21] : memref<2x51200x32xf32, #tpu.memory_space<hbm>> -> memref<1x51200x32xf32, #tpu.memory_space<hbm>>
        %dma_wait3A_23 = tpu.memref_squeeze %dma_wait3A_22 : memref<1x51200x32xf32, #tpu.memory_space<hbm>> -> memref<51200x32xf32, #tpu.memory_space<hbm>>
        %dma_wait3A_24 = arith.constant 0 : i32
        %dma_wait3A_25 = tpu.memref_slice %dma_wait3A_23[%mul3A_7, %dma_wait3A_24] : memref<51200x32xf32, #tpu.memory_space<hbm>> -> memref<3200x32xf32, #tpu.memory_space<hbm>>
        %dma_wait3A_26 = arith.constant 0 : i32
        %dma_wait3A_27 = tpu.memref_slice %arg11[%mul3A_7, %dma_wait3A_26] : memref<51200x32xf32, #tpu.memory_space<vmem_shared>> -> memref<3200x32xf32, #tpu.memory_space<vmem_shared>>
        tpu.wait_dma2 semaphore(%run_scoped3A_13 : memref<!tpu.dma_semaphore, #tpu.memory_space<semaphore_mem>>) src(%dma_wait3A_27 : memref<3200x32xf32, #tpu.memory_space<vmem_shared>>) dst(%dma_wait3A_25 : memref<3200x32xf32, #tpu.memory_space<hbm>>)
        tpu.yield
      }) : () -> ()
    } else {
    }
    %eq3A_2 = arith.constant 1 : i32
    %eq3A_3 = arith.cmpi eq, %arg0, %eq3A_2 : i32
    %convert_element_type3A_4 = arith.extui %eq3A_3 : i1 to i32
    %cond3A_5 = arith.constant 0 : i32
    %cond3A_6 = arith.cmpi ne, %convert_element_type3A_4, %cond3A_5 : i32
    scf.if %cond3A_6 {
      %mul3A = arith.constant 3200 : i32
      %mul3A_7 = arith.muli %arg1, %mul3A : i32
      "tpu.region"() ({
        %run_scoped3A_13 = tpu.sem_alloc : memref<!tpu.dma_semaphore, #tpu.memory_space<semaphore_mem>>
        %dma_start3A = arith.constant 0 : i32
        %dma_start3A_14 = tpu.memref_slice %arg11[%mul3A_7, %dma_start3A] : memref<51200x32xf32, #tpu.memory_space<vmem_shared>> -> memref<3200x32xf32, #tpu.memory_space<vmem_shared>>
        %dma_start3A_15 = arith.constant 0 : i32
        %dma_start3A_16 = tpu.memref_slice %arg6[%mul3A_7, %dma_start3A_15] : memref<51200x32xf32, #tpu.memory_space<hbm>> -> memref<3200x32xf32, #tpu.memory_space<hbm>>
        tpu.enqueue_dma source(%dma_start3A_16 : memref<3200x32xf32, #tpu.memory_space<hbm>>) target(%dma_start3A_14 : memref<3200x32xf32, #tpu.memory_space<vmem_shared>>) target_semaphore(%run_scoped3A_13 : memref<!tpu.dma_semaphore, #tpu.memory_space<semaphore_mem>>)
        %dma_wait3A = arith.constant 0 : i32
        %dma_wait3A_17 = tpu.memref_slice %arg11[%mul3A_7, %dma_wait3A] : memref<51200x32xf32, #tpu.memory_space<vmem_shared>> -> memref<3200x32xf32, #tpu.memory_space<vmem_shared>>
        %dma_wait3A_18 = arith.constant 0 : i32
        %dma_wait3A_19 = tpu.memref_slice %arg6[%mul3A_7, %dma_wait3A_18] : memref<51200x32xf32, #tpu.memory_space<hbm>> -> memref<3200x32xf32, #tpu.memory_space<hbm>>
        tpu.wait_dma2 semaphore(%run_scoped3A_13 : memref<!tpu.dma_semaphore, #tpu.memory_space<semaphore_mem>>) src(%dma_wait3A_19 : memref<3200x32xf32, #tpu.memory_space<hbm>>) dst(%dma_wait3A_17 : memref<3200x32xf32, #tpu.memory_space<vmem_shared>>)
        tpu.yield
      }) : () -> ()
      %barrier3A = arith.constant 0 : index
      tpu.barrier barrier_id(%barrier3A)
      %scan3A = arith.constant 0 : i32
      %scan3A_8 = arith.constant 98 : i32
      %scan3A_9 = arith.addi %scan3A, %scan3A_8 : i32
      %scan3A_10 = arith.constant 1 : i32
      scf.for %scan3A_13 = %scan3A to %scan3A_9 step %scan3A_10  : i32 {
        %mul3A_14 = arith.constant 392 : i32
        %mul3A_15 = arith.muli %arg1, %mul3A_14 : i32
        %mul3A_16 = arith.constant 4 : i32
        %mul3A_17 = arith.muli %scan3A_13, %mul3A_16 : i32
        %add3A = arith.addi %mul3A_15, %mul3A_17 : i32
        %dma_start3A = arith.constant 0 : i32
        %dma_start3A_18 = tpu.memref_slice %arg4[%add3A, %dma_start3A] : memref<6272x128xi32, #tpu.memory_space<hbm>> -> memref<4x128xi32, #tpu.memory_space<hbm>>
        %dma_start3A_19 = arith.constant 0 : i32
        %dma_start3A_20 = tpu.memref_slice %arg4[%add3A, %dma_start3A_19] : memref<6272x128xi32, #tpu.memory_space<hbm>> -> memref<4x128xi32, #tpu.memory_space<hbm>>
        tpu.enqueue_dma source(%dma_start3A_20 : memref<4x128xi32, #tpu.memory_space<hbm>>) target(%arg8 : memref<4x128xi32, #tpu.memory_space<vmem>>) target_semaphore(%arg12 : memref<!tpu.dma_semaphore, #tpu.memory_space<semaphore_mem>>)
        %dma_start3A_21 = arith.constant 0 : i32
        %dma_start3A_22 = tpu.memref_slice %arg5[%add3A, %dma_start3A_21] : memref<6272x128xi32, #tpu.memory_space<hbm>> -> memref<4x128xi32, #tpu.memory_space<hbm>>
        %dma_start3A_23 = arith.constant 0 : i32
        %dma_start3A_24 = tpu.memref_slice %arg5[%add3A, %dma_start3A_23] : memref<6272x128xi32, #tpu.memory_space<hbm>> -> memref<4x128xi32, #tpu.memory_space<hbm>>
        tpu.enqueue_dma source(%dma_start3A_24 : memref<4x128xi32, #tpu.memory_space<hbm>>) target(%arg9 : memref<4x128xi32, #tpu.memory_space<vmem>>) target_semaphore(%arg12 : memref<!tpu.dma_semaphore, #tpu.memory_space<semaphore_mem>>)
        %dma_wait3A = arith.constant 0 : i32
        %dma_wait3A_25 = tpu.memref_slice %arg4[%add3A, %dma_wait3A] : memref<6272x128xi32, #tpu.memory_space<hbm>> -> memref<4x128xi32, #tpu.memory_space<hbm>>
        %dma_wait3A_26 = arith.constant 0 : i32
        %dma_wait3A_27 = tpu.memref_slice %arg4[%add3A, %dma_wait3A_26] : memref<6272x128xi32, #tpu.memory_space<hbm>> -> memref<4x128xi32, #tpu.memory_space<hbm>>
        tpu.wait_dma2 semaphore(%arg12 : memref<!tpu.dma_semaphore, #tpu.memory_space<semaphore_mem>>) src(%dma_wait3A_27 : memref<4x128xi32, #tpu.memory_space<hbm>>) dst(%arg8 : memref<4x128xi32, #tpu.memory_space<vmem>>)
        %dma_wait3A_28 = arith.constant 0 : i32
        %dma_wait3A_29 = tpu.memref_slice %arg5[%add3A, %dma_wait3A_28] : memref<6272x128xi32, #tpu.memory_space<hbm>> -> memref<4x128xi32, #tpu.memory_space<hbm>>
        %dma_wait3A_30 = arith.constant 0 : i32
        %dma_wait3A_31 = tpu.memref_slice %arg5[%add3A, %dma_wait3A_30] : memref<6272x128xi32, #tpu.memory_space<hbm>> -> memref<4x128xi32, #tpu.memory_space<hbm>>
        tpu.wait_dma2 semaphore(%arg12 : memref<!tpu.dma_semaphore, #tpu.memory_space<semaphore_mem>>) src(%dma_wait3A_31 : memref<4x128xi32, #tpu.memory_space<hbm>>) dst(%arg9 : memref<4x128xi32, #tpu.memory_space<vmem>>)
        %dma_start3A_32 = arith.constant 0 : i32
        %dma_start3A_33 = arith.constant 0 : i32
        %dma_start3A_34 = arith.constant 0 : i32
        %dma_start3A_35 = tpu.memref_slice %arg10[%dma_start3A_33, %dma_start3A_34] : memref<512x32xf32, #tpu.memory_space<vmem>> -> memref<128x32xf32, #tpu.memory_space<vmem>>
        %dma_start3A_36 = arith.constant 0 : i32
        %dma_start3A_37 = tpu.memref_slice %arg8[%dma_start3A_32, %dma_start3A_36] : memref<4x128xi32, #tpu.memory_space<vmem>> -> memref<1x128xi32, #tpu.memory_space<vmem>>
        %dma_start3A_38 = tpu.memref_squeeze %dma_start3A_37 : memref<1x128xi32, #tpu.memory_space<vmem>> -> memref<128xi32, #tpu.memory_space<vmem>>
        %dma_start3A_39 = arith.constant 0 : i32
        %dma_start3A_40 = arith.constant 0 : i32
        %dma_start3A_41 = tpu.memref_slice %arg3[%dma_start3A_39, %dma_start3A_40] : memref<50000x32xf32, #tpu.memory_space<hbm>> -> memref<50000x32xf32, #tpu.memory_space<hbm>>
        tpu.enqueue_indirect_dma source(%dma_start3A_41 : memref<50000x32xf32, #tpu.memory_space<hbm>>) target(%dma_start3A_35 : memref<128x32xf32, #tpu.memory_space<vmem>>) offsets(%dma_start3A_38 : memref<128xi32, #tpu.memory_space<vmem>>) semaphore(%arg13 : memref<!tpu.dma_semaphore, #tpu.memory_space<semaphore_mem>>)
        %dma_start3A_42 = arith.constant 1 : i32
        %dma_start3A_43 = arith.constant 128 : i32
        %dma_start3A_44 = arith.constant 0 : i32
        %dma_start3A_45 = tpu.memref_slice %arg10[%dma_start3A_43, %dma_start3A_44] : memref<512x32xf32, #tpu.memory_space<vmem>> -> memref<128x32xf32, #tpu.memory_space<vmem>>
        %dma_start3A_46 = arith.constant 0 : i32
        %dma_start3A_47 = tpu.memref_slice %arg8[%dma_start3A_42, %dma_start3A_46] : memref<4x128xi32, #tpu.memory_space<vmem>> -> memref<1x128xi32, #tpu.memory_space<vmem>>
        %dma_start3A_48 = tpu.memref_squeeze %dma_start3A_47 : memref<1x128xi32, #tpu.memory_space<vmem>> -> memref<128xi32, #tpu.memory_space<vmem>>
        %dma_start3A_49 = arith.constant 0 : i32
        %dma_start3A_50 = arith.constant 0 : i32
        %dma_start3A_51 = tpu.memref_slice %arg3[%dma_start3A_49, %dma_start3A_50] : memref<50000x32xf32, #tpu.memory_space<hbm>> -> memref<50000x32xf32, #tpu.memory_space<hbm>>
        tpu.enqueue_indirect_dma source(%dma_start3A_51 : memref<50000x32xf32, #tpu.memory_space<hbm>>) target(%dma_start3A_45 : memref<128x32xf32, #tpu.memory_space<vmem>>) offsets(%dma_start3A_48 : memref<128xi32, #tpu.memory_space<vmem>>) semaphore(%arg13 : memref<!tpu.dma_semaphore, #tpu.memory_space<semaphore_mem>>)
        %dma_start3A_52 = arith.constant 2 : i32
        %dma_start3A_53 = arith.constant 256 : i32
        %dma_start3A_54 = arith.constant 0 : i32
        %dma_start3A_55 = tpu.memref_slice %arg10[%dma_start3A_53, %dma_start3A_54] : memref<512x32xf32, #tpu.memory_space<vmem>> -> memref<128x32xf32, #tpu.memory_space<vmem>>
        %dma_start3A_56 = arith.constant 0 : i32
        %dma_start3A_57 = tpu.memref_slice %arg8[%dma_start3A_52, %dma_start3A_56] : memref<4x128xi32, #tpu.memory_space<vmem>> -> memref<1x128xi32, #tpu.memory_space<vmem>>
        %dma_start3A_58 = tpu.memref_squeeze %dma_start3A_57 : memref<1x128xi32, #tpu.memory_space<vmem>> -> memref<128xi32, #tpu.memory_space<vmem>>
        %dma_start3A_59 = arith.constant 0 : i32
        %dma_start3A_60 = arith.constant 0 : i32
        %dma_start3A_61 = tpu.memref_slice %arg3[%dma_start3A_59, %dma_start3A_60] : memref<50000x32xf32, #tpu.memory_space<hbm>> -> memref<50000x32xf32, #tpu.memory_space<hbm>>
        tpu.enqueue_indirect_dma source(%dma_start3A_61 : memref<50000x32xf32, #tpu.memory_space<hbm>>) target(%dma_start3A_55 : memref<128x32xf32, #tpu.memory_space<vmem>>) offsets(%dma_start3A_58 : memref<128xi32, #tpu.memory_space<vmem>>) semaphore(%arg13 : memref<!tpu.dma_semaphore, #tpu.memory_space<semaphore_mem>>)
        %dma_start3A_62 = arith.constant 3 : i32
        %dma_start3A_63 = arith.constant 384 : i32
        %dma_start3A_64 = arith.constant 0 : i32
        %dma_start3A_65 = tpu.memref_slice %arg10[%dma_start3A_63, %dma_start3A_64] : memref<512x32xf32, #tpu.memory_space<vmem>> -> memref<128x32xf32, #tpu.memory_space<vmem>>
        %dma_start3A_66 = arith.constant 0 : i32
        %dma_start3A_67 = tpu.memref_slice %arg8[%dma_start3A_62, %dma_start3A_66] : memref<4x128xi32, #tpu.memory_space<vmem>> -> memref<1x128xi32, #tpu.memory_space<vmem>>
        %dma_start3A_68 = tpu.memref_squeeze %dma_start3A_67 : memref<1x128xi32, #tpu.memory_space<vmem>> -> memref<128xi32, #tpu.memory_space<vmem>>
        %dma_start3A_69 = arith.constant 0 : i32
        %dma_start3A_70 = arith.constant 0 : i32
        %dma_start3A_71 = tpu.memref_slice %arg3[%dma_start3A_69, %dma_start3A_70] : memref<50000x32xf32, #tpu.memory_space<hbm>> -> memref<50000x32xf32, #tpu.memory_space<hbm>>
        tpu.enqueue_indirect_dma source(%dma_start3A_71 : memref<50000x32xf32, #tpu.memory_space<hbm>>) target(%dma_start3A_65 : memref<128x32xf32, #tpu.memory_space<vmem>>) offsets(%dma_start3A_68 : memref<128xi32, #tpu.memory_space<vmem>>) semaphore(%arg13 : memref<!tpu.dma_semaphore, #tpu.memory_space<semaphore_mem>>)
        %dma_wait3A_72 = arith.constant 0 : i32
        %dma_wait3A_73 = arith.constant 0 : i32
        %dma_wait3A_74 = arith.constant 0 : i32
        %dma_wait3A_75 = tpu.memref_slice %arg10[%dma_wait3A_73, %dma_wait3A_74] : memref<512x32xf32, #tpu.memory_space<vmem>> -> memref<128x32xf32, #tpu.memory_space<vmem>>
        %dma_wait3A_76 = arith.constant 0 : i32
        %dma_wait3A_77 = tpu.memref_slice %arg8[%dma_wait3A_72, %dma_wait3A_76] : memref<4x128xi32, #tpu.memory_space<vmem>> -> memref<1x128xi32, #tpu.memory_space<vmem>>
        %dma_wait3A_78 = tpu.memref_squeeze %dma_wait3A_77 : memref<1x128xi32, #tpu.memory_space<vmem>> -> memref<128xi32, #tpu.memory_space<vmem>>
        %dma_wait3A_79 = arith.constant 0 : i32
        %dma_wait3A_80 = arith.constant 0 : i32
        %dma_wait3A_81 = tpu.memref_slice %arg3[%dma_wait3A_79, %dma_wait3A_80] : memref<50000x32xf32, #tpu.memory_space<hbm>> -> memref<50000x32xf32, #tpu.memory_space<hbm>>
        tpu.wait_indirect_dma semaphore(%arg13 : memref<!tpu.dma_semaphore, #tpu.memory_space<semaphore_mem>>) src(%dma_wait3A_81 : memref<50000x32xf32, #tpu.memory_space<hbm>>) dst(%dma_wait3A_75 : memref<128x32xf32, #tpu.memory_space<vmem>>)
        %dma_wait3A_82 = arith.constant 1 : i32
        %dma_wait3A_83 = arith.constant 128 : i32
        %dma_wait3A_84 = arith.constant 0 : i32
        %dma_wait3A_85 = tpu.memref_slice %arg10[%dma_wait3A_83, %dma_wait3A_84] : memref<512x32xf32, #tpu.memory_space<vmem>> -> memref<128x32xf32, #tpu.memory_space<vmem>>
        %dma_wait3A_86 = arith.constant 0 : i32
        %dma_wait3A_87 = tpu.memref_slice %arg8[%dma_wait3A_82, %dma_wait3A_86] : memref<4x128xi32, #tpu.memory_space<vmem>> -> memref<1x128xi32, #tpu.memory_space<vmem>>
        %dma_wait3A_88 = tpu.memref_squeeze %dma_wait3A_87 : memref<1x128xi32, #tpu.memory_space<vmem>> -> memref<128xi32, #tpu.memory_space<vmem>>
        %dma_wait3A_89 = arith.constant 0 : i32
        %dma_wait3A_90 = arith.constant 0 : i32
        %dma_wait3A_91 = tpu.memref_slice %arg3[%dma_wait3A_89, %dma_wait3A_90] : memref<50000x32xf32, #tpu.memory_space<hbm>> -> memref<50000x32xf32, #tpu.memory_space<hbm>>
        tpu.wait_indirect_dma semaphore(%arg13 : memref<!tpu.dma_semaphore, #tpu.memory_space<semaphore_mem>>) src(%dma_wait3A_91 : memref<50000x32xf32, #tpu.memory_space<hbm>>) dst(%dma_wait3A_85 : memref<128x32xf32, #tpu.memory_space<vmem>>)
        %dma_wait3A_92 = arith.constant 2 : i32
        %dma_wait3A_93 = arith.constant 256 : i32
        %dma_wait3A_94 = arith.constant 0 : i32
        %dma_wait3A_95 = tpu.memref_slice %arg10[%dma_wait3A_93, %dma_wait3A_94] : memref<512x32xf32, #tpu.memory_space<vmem>> -> memref<128x32xf32, #tpu.memory_space<vmem>>
        %dma_wait3A_96 = arith.constant 0 : i32
        %dma_wait3A_97 = tpu.memref_slice %arg8[%dma_wait3A_92, %dma_wait3A_96] : memref<4x128xi32, #tpu.memory_space<vmem>> -> memref<1x128xi32, #tpu.memory_space<vmem>>
        %dma_wait3A_98 = tpu.memref_squeeze %dma_wait3A_97 : memref<1x128xi32, #tpu.memory_space<vmem>> -> memref<128xi32, #tpu.memory_space<vmem>>
        %dma_wait3A_99 = arith.constant 0 : i32
        %dma_wait3A_100 = arith.constant 0 : i32
        %dma_wait3A_101 = tpu.memref_slice %arg3[%dma_wait3A_99, %dma_wait3A_100] : memref<50000x32xf32, #tpu.memory_space<hbm>> -> memref<50000x32xf32, #tpu.memory_space<hbm>>
        tpu.wait_indirect_dma semaphore(%arg13 : memref<!tpu.dma_semaphore, #tpu.memory_space<semaphore_mem>>) src(%dma_wait3A_101 : memref<50000x32xf32, #tpu.memory_space<hbm>>) dst(%dma_wait3A_95 : memref<128x32xf32, #tpu.memory_space<vmem>>)
        %dma_wait3A_102 = arith.constant 3 : i32
        %dma_wait3A_103 = arith.constant 384 : i32
        %dma_wait3A_104 = arith.constant 0 : i32
        %dma_wait3A_105 = tpu.memref_slice %arg10[%dma_wait3A_103, %dma_wait3A_104] : memref<512x32xf32, #tpu.memory_space<vmem>> -> memref<128x32xf32, #tpu.memory_space<vmem>>
        %dma_wait3A_106 = arith.constant 0 : i32
        %dma_wait3A_107 = tpu.memref_slice %arg8[%dma_wait3A_102, %dma_wait3A_106] : memref<4x128xi32, #tpu.memory_space<vmem>> -> memref<1x128xi32, #tpu.memory_space<vmem>>
        %dma_wait3A_108 = tpu.memref_squeeze %dma_wait3A_107 : memref<1x128xi32, #tpu.memory_space<vmem>> -> memref<128xi32, #tpu.memory_space<vmem>>
        %dma_wait3A_109 = arith.constant 0 : i32
        %dma_wait3A_110 = arith.constant 0 : i32
        %dma_wait3A_111 = tpu.memref_slice %arg3[%dma_wait3A_109, %dma_wait3A_110] : memref<50000x32xf32, #tpu.memory_space<hbm>> -> memref<50000x32xf32, #tpu.memory_space<hbm>>
        tpu.wait_indirect_dma semaphore(%arg13 : memref<!tpu.dma_semaphore, #tpu.memory_space<semaphore_mem>>) src(%dma_wait3A_111 : memref<50000x32xf32, #tpu.memory_space<hbm>>) dst(%dma_wait3A_105 : memref<128x32xf32, #tpu.memory_space<vmem>>)
        %dma_start3A_112 = arith.constant 0 : i32
        %dma_start3A_113 = arith.constant 0 : i32
        %dma_start3A_114 = arith.constant 0 : i32
        %dma_start3A_115 = tpu.memref_slice %arg10[%dma_start3A_113, %dma_start3A_114] : memref<512x32xf32, #tpu.memory_space<vmem>> -> memref<128x32xf32, #tpu.memory_space<vmem>>
        %dma_start3A_116 = arith.constant 0 : i32
        %dma_start3A_117 = tpu.memref_slice %arg9[%dma_start3A_112, %dma_start3A_116] : memref<4x128xi32, #tpu.memory_space<vmem>> -> memref<1x128xi32, #tpu.memory_space<vmem>>
        %dma_start3A_118 = tpu.memref_squeeze %dma_start3A_117 : memref<1x128xi32, #tpu.memory_space<vmem>> -> memref<128xi32, #tpu.memory_space<vmem>>
        %dma_start3A_119 = arith.constant 0 : i32
        %dma_start3A_120 = arith.constant 0 : i32
        %dma_start3A_121 = tpu.memref_slice %arg11[%dma_start3A_119, %dma_start3A_120] : memref<51200x32xf32, #tpu.memory_space<vmem_shared>> -> memref<51200x32xf32, #tpu.memory_space<vmem_shared>>
        tpu.enqueue_indirect_dma source(%dma_start3A_115 : memref<128x32xf32, #tpu.memory_space<vmem>>) target(%dma_start3A_121 : memref<51200x32xf32, #tpu.memory_space<vmem_shared>>) offsets(%dma_start3A_118 : memref<128xi32, #tpu.memory_space<vmem>>) semaphore(%arg14 : memref<!tpu.dma_semaphore, #tpu.memory_space<semaphore_mem>>) {add = true}
        %dma_start3A_122 = arith.constant 1 : i32
        %dma_start3A_123 = arith.constant 128 : i32
        %dma_start3A_124 = arith.constant 0 : i32
        %dma_start3A_125 = tpu.memref_slice %arg10[%dma_start3A_123, %dma_start3A_124] : memref<512x32xf32, #tpu.memory_space<vmem>> -> memref<128x32xf32, #tpu.memory_space<vmem>>
        %dma_start3A_126 = arith.constant 0 : i32
        %dma_start3A_127 = tpu.memref_slice %arg9[%dma_start3A_122, %dma_start3A_126] : memref<4x128xi32, #tpu.memory_space<vmem>> -> memref<1x128xi32, #tpu.memory_space<vmem>>
        %dma_start3A_128 = tpu.memref_squeeze %dma_start3A_127 : memref<1x128xi32, #tpu.memory_space<vmem>> -> memref<128xi32, #tpu.memory_space<vmem>>
        %dma_start3A_129 = arith.constant 0 : i32
        %dma_start3A_130 = arith.constant 0 : i32
        %dma_start3A_131 = tpu.memref_slice %arg11[%dma_start3A_129, %dma_start3A_130] : memref<51200x32xf32, #tpu.memory_space<vmem_shared>> -> memref<51200x32xf32, #tpu.memory_space<vmem_shared>>
        tpu.enqueue_indirect_dma source(%dma_start3A_125 : memref<128x32xf32, #tpu.memory_space<vmem>>) target(%dma_start3A_131 : memref<51200x32xf32, #tpu.memory_space<vmem_shared>>) offsets(%dma_start3A_128 : memref<128xi32, #tpu.memory_space<vmem>>) semaphore(%arg14 : memref<!tpu.dma_semaphore, #tpu.memory_space<semaphore_mem>>) {add = true}
        %dma_start3A_132 = arith.constant 2 : i32
        %dma_start3A_133 = arith.constant 256 : i32
        %dma_start3A_134 = arith.constant 0 : i32
        %dma_start3A_135 = tpu.memref_slice %arg10[%dma_start3A_133, %dma_start3A_134] : memref<512x32xf32, #tpu.memory_space<vmem>> -> memref<128x32xf32, #tpu.memory_space<vmem>>
        %dma_start3A_136 = arith.constant 0 : i32
        %dma_start3A_137 = tpu.memref_slice %arg9[%dma_start3A_132, %dma_start3A_136] : memref<4x128xi32, #tpu.memory_space<vmem>> -> memref<1x128xi32, #tpu.memory_space<vmem>>
        %dma_start3A_138 = tpu.memref_squeeze %dma_start3A_137 : memref<1x128xi32, #tpu.memory_space<vmem>> -> memref<128xi32, #tpu.memory_space<vmem>>
        %dma_start3A_139 = arith.constant 0 : i32
        %dma_start3A_140 = arith.constant 0 : i32
        %dma_start3A_141 = tpu.memref_slice %arg11[%dma_start3A_139, %dma_start3A_140] : memref<51200x32xf32, #tpu.memory_space<vmem_shared>> -> memref<51200x32xf32, #tpu.memory_space<vmem_shared>>
        tpu.enqueue_indirect_dma source(%dma_start3A_135 : memref<128x32xf32, #tpu.memory_space<vmem>>) target(%dma_start3A_141 : memref<51200x32xf32, #tpu.memory_space<vmem_shared>>) offsets(%dma_start3A_138 : memref<128xi32, #tpu.memory_space<vmem>>) semaphore(%arg14 : memref<!tpu.dma_semaphore, #tpu.memory_space<semaphore_mem>>) {add = true}
        %dma_start3A_142 = arith.constant 3 : i32
        %dma_start3A_143 = arith.constant 384 : i32
        %dma_start3A_144 = arith.constant 0 : i32
        %dma_start3A_145 = tpu.memref_slice %arg10[%dma_start3A_143, %dma_start3A_144] : memref<512x32xf32, #tpu.memory_space<vmem>> -> memref<128x32xf32, #tpu.memory_space<vmem>>
        %dma_start3A_146 = arith.constant 0 : i32
        %dma_start3A_147 = tpu.memref_slice %arg9[%dma_start3A_142, %dma_start3A_146] : memref<4x128xi32, #tpu.memory_space<vmem>> -> memref<1x128xi32, #tpu.memory_space<vmem>>
        %dma_start3A_148 = tpu.memref_squeeze %dma_start3A_147 : memref<1x128xi32, #tpu.memory_space<vmem>> -> memref<128xi32, #tpu.memory_space<vmem>>
        %dma_start3A_149 = arith.constant 0 : i32
        %dma_start3A_150 = arith.constant 0 : i32
        %dma_start3A_151 = tpu.memref_slice %arg11[%dma_start3A_149, %dma_start3A_150] : memref<51200x32xf32, #tpu.memory_space<vmem_shared>> -> memref<51200x32xf32, #tpu.memory_space<vmem_shared>>
        tpu.enqueue_indirect_dma source(%dma_start3A_145 : memref<128x32xf32, #tpu.memory_space<vmem>>) target(%dma_start3A_151 : memref<51200x32xf32, #tpu.memory_space<vmem_shared>>) offsets(%dma_start3A_148 : memref<128xi32, #tpu.memory_space<vmem>>) semaphore(%arg14 : memref<!tpu.dma_semaphore, #tpu.memory_space<semaphore_mem>>) {add = true}
        %dma_wait3A_152 = arith.constant 0 : i32
        %dma_wait3A_153 = arith.constant 0 : i32
        %dma_wait3A_154 = arith.constant 0 : i32
        %dma_wait3A_155 = tpu.memref_slice %arg10[%dma_wait3A_153, %dma_wait3A_154] : memref<512x32xf32, #tpu.memory_space<vmem>> -> memref<128x32xf32, #tpu.memory_space<vmem>>
        %dma_wait3A_156 = arith.constant 0 : i32
        %dma_wait3A_157 = tpu.memref_slice %arg9[%dma_wait3A_152, %dma_wait3A_156] : memref<4x128xi32, #tpu.memory_space<vmem>> -> memref<1x128xi32, #tpu.memory_space<vmem>>
        %dma_wait3A_158 = tpu.memref_squeeze %dma_wait3A_157 : memref<1x128xi32, #tpu.memory_space<vmem>> -> memref<128xi32, #tpu.memory_space<vmem>>
        %dma_wait3A_159 = arith.constant 0 : i32
        %dma_wait3A_160 = arith.constant 0 : i32
        %dma_wait3A_161 = tpu.memref_slice %arg11[%dma_wait3A_159, %dma_wait3A_160] : memref<51200x32xf32, #tpu.memory_space<vmem_shared>> -> memref<51200x32xf32, #tpu.memory_space<vmem_shared>>
        tpu.wait_indirect_dma semaphore(%arg14 : memref<!tpu.dma_semaphore, #tpu.memory_space<semaphore_mem>>) src(%dma_wait3A_155 : memref<128x32xf32, #tpu.memory_space<vmem>>) dst(%dma_wait3A_161 : memref<51200x32xf32, #tpu.memory_space<vmem_shared>>)
        %dma_wait3A_162 = arith.constant 1 : i32
        %dma_wait3A_163 = arith.constant 128 : i32
        %dma_wait3A_164 = arith.constant 0 : i32
        %dma_wait3A_165 = tpu.memref_slice %arg10[%dma_wait3A_163, %dma_wait3A_164] : memref<512x32xf32, #tpu.memory_space<vmem>> -> memref<128x32xf32, #tpu.memory_space<vmem>>
        %dma_wait3A_166 = arith.constant 0 : i32
        %dma_wait3A_167 = tpu.memref_slice %arg9[%dma_wait3A_162, %dma_wait3A_166] : memref<4x128xi32, #tpu.memory_space<vmem>> -> memref<1x128xi32, #tpu.memory_space<vmem>>
        %dma_wait3A_168 = tpu.memref_squeeze %dma_wait3A_167 : memref<1x128xi32, #tpu.memory_space<vmem>> -> memref<128xi32, #tpu.memory_space<vmem>>
        %dma_wait3A_169 = arith.constant 0 : i32
        %dma_wait3A_170 = arith.constant 0 : i32
        %dma_wait3A_171 = tpu.memref_slice %arg11[%dma_wait3A_169, %dma_wait3A_170] : memref<51200x32xf32, #tpu.memory_space<vmem_shared>> -> memref<51200x32xf32, #tpu.memory_space<vmem_shared>>
        tpu.wait_indirect_dma semaphore(%arg14 : memref<!tpu.dma_semaphore, #tpu.memory_space<semaphore_mem>>) src(%dma_wait3A_165 : memref<128x32xf32, #tpu.memory_space<vmem>>) dst(%dma_wait3A_171 : memref<51200x32xf32, #tpu.memory_space<vmem_shared>>)
        %dma_wait3A_172 = arith.constant 2 : i32
        %dma_wait3A_173 = arith.constant 256 : i32
        %dma_wait3A_174 = arith.constant 0 : i32
        %dma_wait3A_175 = tpu.memref_slice %arg10[%dma_wait3A_173, %dma_wait3A_174] : memref<512x32xf32, #tpu.memory_space<vmem>> -> memref<128x32xf32, #tpu.memory_space<vmem>>
        %dma_wait3A_176 = arith.constant 0 : i32
        %dma_wait3A_177 = tpu.memref_slice %arg9[%dma_wait3A_172, %dma_wait3A_176] : memref<4x128xi32, #tpu.memory_space<vmem>> -> memref<1x128xi32, #tpu.memory_space<vmem>>
        %dma_wait3A_178 = tpu.memref_squeeze %dma_wait3A_177 : memref<1x128xi32, #tpu.memory_space<vmem>> -> memref<128xi32, #tpu.memory_space<vmem>>
        %dma_wait3A_179 = arith.constant 0 : i32
        %dma_wait3A_180 = arith.constant 0 : i32
        %dma_wait3A_181 = tpu.memref_slice %arg11[%dma_wait3A_179, %dma_wait3A_180] : memref<51200x32xf32, #tpu.memory_space<vmem_shared>> -> memref<51200x32xf32, #tpu.memory_space<vmem_shared>>
        tpu.wait_indirect_dma semaphore(%arg14 : memref<!tpu.dma_semaphore, #tpu.memory_space<semaphore_mem>>) src(%dma_wait3A_175 : memref<128x32xf32, #tpu.memory_space<vmem>>) dst(%dma_wait3A_181 : memref<51200x32xf32, #tpu.memory_space<vmem_shared>>)
        %dma_wait3A_182 = arith.constant 3 : i32
        %dma_wait3A_183 = arith.constant 384 : i32
        %dma_wait3A_184 = arith.constant 0 : i32
        %dma_wait3A_185 = tpu.memref_slice %arg10[%dma_wait3A_183, %dma_wait3A_184] : memref<512x32xf32, #tpu.memory_space<vmem>> -> memref<128x32xf32, #tpu.memory_space<vmem>>
        %dma_wait3A_186 = arith.constant 0 : i32
        %dma_wait3A_187 = tpu.memref_slice %arg9[%dma_wait3A_182, %dma_wait3A_186] : memref<4x128xi32, #tpu.memory_space<vmem>> -> memref<1x128xi32, #tpu.memory_space<vmem>>
        %dma_wait3A_188 = tpu.memref_squeeze %dma_wait3A_187 : memref<1x128xi32, #tpu.memory_space<vmem>> -> memref<128xi32, #tpu.memory_space<vmem>>
        %dma_wait3A_189 = arith.constant 0 : i32
        %dma_wait3A_190 = arith.constant 0 : i32
        %dma_wait3A_191 = tpu.memref_slice %arg11[%dma_wait3A_189, %dma_wait3A_190] : memref<51200x32xf32, #tpu.memory_space<vmem_shared>> -> memref<51200x32xf32, #tpu.memory_space<vmem_shared>>
        tpu.wait_indirect_dma semaphore(%arg14 : memref<!tpu.dma_semaphore, #tpu.memory_space<semaphore_mem>>) src(%dma_wait3A_185 : memref<128x32xf32, #tpu.memory_space<vmem>>) dst(%dma_wait3A_191 : memref<51200x32xf32, #tpu.memory_space<vmem_shared>>)
      }
      %scan3A_11 = arith.constant 98 : i32
      %barrier3A_12 = arith.constant 0 : index
      tpu.barrier barrier_id(%barrier3A_12)
      %run_scoped3A = arith.constant 1 : i32
      "tpu.region"() ({
        %run_scoped3A_13 = tpu.sem_alloc : memref<!tpu.dma_semaphore, #tpu.memory_space<semaphore_mem>>
        %dma_start3A = arith.constant 0 : i32
        %dma_start3A_14 = arith.constant 0 : i32
        %dma_start3A_15 = tpu.memref_slice %arg7[%run_scoped3A, %dma_start3A, %dma_start3A_14] : memref<2x51200x32xf32, #tpu.memory_space<hbm>> -> memref<1x51200x32xf32, #tpu.memory_space<hbm>>
        %dma_start3A_16 = tpu.memref_squeeze %dma_start3A_15 : memref<1x51200x32xf32, #tpu.memory_space<hbm>> -> memref<51200x32xf32, #tpu.memory_space<hbm>>
        %dma_start3A_17 = arith.constant 0 : i32
        %dma_start3A_18 = tpu.memref_slice %dma_start3A_16[%mul3A_7, %dma_start3A_17] : memref<51200x32xf32, #tpu.memory_space<hbm>> -> memref<3200x32xf32, #tpu.memory_space<hbm>>
        %dma_start3A_19 = arith.constant 0 : i32
        %dma_start3A_20 = tpu.memref_slice %arg11[%mul3A_7, %dma_start3A_19] : memref<51200x32xf32, #tpu.memory_space<vmem_shared>> -> memref<3200x32xf32, #tpu.memory_space<vmem_shared>>
        tpu.enqueue_dma source(%dma_start3A_20 : memref<3200x32xf32, #tpu.memory_space<vmem_shared>>) target(%dma_start3A_18 : memref<3200x32xf32, #tpu.memory_space<hbm>>) target_semaphore(%run_scoped3A_13 : memref<!tpu.dma_semaphore, #tpu.memory_space<semaphore_mem>>)
        %dma_wait3A = arith.constant 0 : i32
        %dma_wait3A_21 = arith.constant 0 : i32
        %dma_wait3A_22 = tpu.memref_slice %arg7[%run_scoped3A, %dma_wait3A, %dma_wait3A_21] : memref<2x51200x32xf32, #tpu.memory_space<hbm>> -> memref<1x51200x32xf32, #tpu.memory_space<hbm>>
        %dma_wait3A_23 = tpu.memref_squeeze %dma_wait3A_22 : memref<1x51200x32xf32, #tpu.memory_space<hbm>> -> memref<51200x32xf32, #tpu.memory_space<hbm>>
        %dma_wait3A_24 = arith.constant 0 : i32
        %dma_wait3A_25 = tpu.memref_slice %dma_wait3A_23[%mul3A_7, %dma_wait3A_24] : memref<51200x32xf32, #tpu.memory_space<hbm>> -> memref<3200x32xf32, #tpu.memory_space<hbm>>
        %dma_wait3A_26 = arith.constant 0 : i32
        %dma_wait3A_27 = tpu.memref_slice %arg11[%mul3A_7, %dma_wait3A_26] : memref<51200x32xf32, #tpu.memory_space<vmem_shared>> -> memref<3200x32xf32, #tpu.memory_space<vmem_shared>>
        tpu.wait_dma2 semaphore(%run_scoped3A_13 : memref<!tpu.dma_semaphore, #tpu.memory_space<semaphore_mem>>) src(%dma_wait3A_27 : memref<3200x32xf32, #tpu.memory_space<vmem_shared>>) dst(%dma_wait3A_25 : memref<3200x32xf32, #tpu.memory_space<hbm>>)
        tpu.yield
      }) : () -> ()
    } else {
    }
    return
  }
}

#map = affine_map<(d0, d1) -> (0, 0, 0)>
#map1 = affine_map<(d0, d1) -> (0)>
#map2 = affine_map<(d0, d1) -> (0, 0)>
module attributes {stable_mosaic.version = 14 : i64} {
  func.func @_sc_counts(%arg0: i32, %arg1: i32, %arg2: memref<2x6272x128xi32, #tpu.memory_space<hbm>>, %arg3: memref<51200xf32, #tpu.memory_space<hbm>>, %arg4: memref<2x51200xf32, #tpu.memory_space<hbm>>, %arg5: memref<4x128xi32, #tpu.memory_space<vmem>>, %arg6: memref<128xf32, #tpu.memory_space<vmem>>, %arg7: memref<51200xf32, #tpu.memory_space<vmem_shared>>, %arg8: memref<!tpu.dma_semaphore, #tpu.memory_space<semaphore_mem>>, %arg9: memref<!tpu.dma_semaphore, #tpu.memory_space<semaphore_mem>>) attributes {dimension_semantics = [#tpu.dimension_semantics<core_parallel>, #tpu.dimension_semantics<subcore_parallel>], iteration_bounds = array<i64: 2, 16>, scalar_prefetch = 0 : i64, scratch_operands = 5 : i64, tpu.core_type = #tpu.core_type<sc_vector_subcore>, window_params = [{transform_indices = #map}, {transform_indices = #map1}, {transform_indices = #map2}]} {
    %eq3A = arith.constant 0 : i32
    %eq3A_0 = arith.cmpi eq, %arg0, %eq3A : i32
    %convert_element_type3A = arith.extui %eq3A_0 : i1 to i32
    %cond3A = arith.constant 0 : i32
    %cond3A_1 = arith.cmpi ne, %convert_element_type3A, %cond3A : i32
    scf.if %cond3A_1 {
      %mul3A = arith.constant 3200 : i32
      %mul3A_7 = arith.muli %arg1, %mul3A : i32
      "tpu.region"() ({
        %run_scoped3A_60 = tpu.sem_alloc : memref<!tpu.dma_semaphore, #tpu.memory_space<semaphore_mem>>
        %dma_start3A = tpu.memref_slice %arg7[%mul3A_7] : memref<51200xf32, #tpu.memory_space<vmem_shared>> -> memref<3200xf32, #tpu.memory_space<vmem_shared>>
        %dma_start3A_61 = tpu.memref_slice %arg3[%mul3A_7] : memref<51200xf32, #tpu.memory_space<hbm>> -> memref<3200xf32, #tpu.memory_space<hbm>>
        tpu.enqueue_dma source(%dma_start3A_61 : memref<3200xf32, #tpu.memory_space<hbm>>) target(%dma_start3A : memref<3200xf32, #tpu.memory_space<vmem_shared>>) target_semaphore(%run_scoped3A_60 : memref<!tpu.dma_semaphore, #tpu.memory_space<semaphore_mem>>)
        %dma_wait3A = tpu.memref_slice %arg7[%mul3A_7] : memref<51200xf32, #tpu.memory_space<vmem_shared>> -> memref<3200xf32, #tpu.memory_space<vmem_shared>>
        %dma_wait3A_62 = tpu.memref_slice %arg3[%mul3A_7] : memref<51200xf32, #tpu.memory_space<hbm>> -> memref<3200xf32, #tpu.memory_space<hbm>>
        tpu.wait_dma2 semaphore(%run_scoped3A_60 : memref<!tpu.dma_semaphore, #tpu.memory_space<semaphore_mem>>) src(%dma_wait3A_62 : memref<3200xf32, #tpu.memory_space<hbm>>) dst(%dma_wait3A : memref<3200xf32, #tpu.memory_space<vmem_shared>>)
        tpu.yield
      }) : () -> ()
      %broadcast_in_dim3A = arith.constant 1.000000e+00 : f32
      %broadcast_in_dim3A_8 = vector.broadcast %broadcast_in_dim3A : f32 to vector<16xf32>
      %swap3A = arith.constant 0 : index
      %swap3A_9 = tpu.vector_load %arg6[%swap3A] {strides = array<i32>} : memref<128xf32, #tpu.memory_space<vmem>>, vector<16xf32>,
      %swap3A_10 = vector.shape_cast %swap3A_9 : vector<16xf32> to vector<16xf32>
      %swap3A_11 = vector.shape_cast %broadcast_in_dim3A_8 : vector<16xf32> to vector<16xf32>
      tpu.vector_store %arg6[%swap3A], %swap3A_11 {strides = array<i32>} : memref<128xf32, #tpu.memory_space<vmem>>, vector<16xf32>,
      %broadcast_in_dim3A_12 = arith.constant 1.000000e+00 : f32
      %broadcast_in_dim3A_13 = vector.broadcast %broadcast_in_dim3A_12 : f32 to vector<16xf32>
      %swap3A_14 = arith.constant 16 : index
      %swap3A_15 = tpu.vector_load %arg6[%swap3A_14] {strides = array<i32>} : memref<128xf32, #tpu.memory_space<vmem>>, vector<16xf32>,
      %swap3A_16 = vector.shape_cast %swap3A_15 : vector<16xf32> to vector<16xf32>
      %swap3A_17 = vector.shape_cast %broadcast_in_dim3A_13 : vector<16xf32> to vector<16xf32>
      tpu.vector_store %arg6[%swap3A_14], %swap3A_17 {strides = array<i32>} : memref<128xf32, #tpu.memory_space<vmem>>, vector<16xf32>,
      %broadcast_in_dim3A_18 = arith.constant 1.000000e+00 : f32
      %broadcast_in_dim3A_19 = vector.broadcast %broadcast_in_dim3A_18 : f32 to vector<16xf32>
      %swap3A_20 = arith.constant 32 : index
      %swap3A_21 = tpu.vector_load %arg6[%swap3A_20] {strides = array<i32>} : memref<128xf32, #tpu.memory_space<vmem>>, vector<16xf32>,
      %swap3A_22 = vector.shape_cast %swap3A_21 : vector<16xf32> to vector<16xf32>
      %swap3A_23 = vector.shape_cast %broadcast_in_dim3A_19 : vector<16xf32> to vector<16xf32>
      tpu.vector_store %arg6[%swap3A_20], %swap3A_23 {strides = array<i32>} : memref<128xf32, #tpu.memory_space<vmem>>, vector<16xf32>,
      %broadcast_in_dim3A_24 = arith.constant 1.000000e+00 : f32
      %broadcast_in_dim3A_25 = vector.broadcast %broadcast_in_dim3A_24 : f32 to vector<16xf32>
      %swap3A_26 = arith.constant 48 : index
      %swap3A_27 = tpu.vector_load %arg6[%swap3A_26] {strides = array<i32>} : memref<128xf32, #tpu.memory_space<vmem>>, vector<16xf32>,
      %swap3A_28 = vector.shape_cast %swap3A_27 : vector<16xf32> to vector<16xf32>
      %swap3A_29 = vector.shape_cast %broadcast_in_dim3A_25 : vector<16xf32> to vector<16xf32>
      tpu.vector_store %arg6[%swap3A_26], %swap3A_29 {strides = array<i32>} : memref<128xf32, #tpu.memory_space<vmem>>, vector<16xf32>,
      %broadcast_in_dim3A_30 = arith.constant 1.000000e+00 : f32
      %broadcast_in_dim3A_31 = vector.broadcast %broadcast_in_dim3A_30 : f32 to vector<16xf32>
      %swap3A_32 = arith.constant 64 : index
      %swap3A_33 = tpu.vector_load %arg6[%swap3A_32] {strides = array<i32>} : memref<128xf32, #tpu.memory_space<vmem>>, vector<16xf32>,
      %swap3A_34 = vector.shape_cast %swap3A_33 : vector<16xf32> to vector<16xf32>
      %swap3A_35 = vector.shape_cast %broadcast_in_dim3A_31 : vector<16xf32> to vector<16xf32>
      tpu.vector_store %arg6[%swap3A_32], %swap3A_35 {strides = array<i32>} : memref<128xf32, #tpu.memory_space<vmem>>, vector<16xf32>,
      %broadcast_in_dim3A_36 = arith.constant 1.000000e+00 : f32
      %broadcast_in_dim3A_37 = vector.broadcast %broadcast_in_dim3A_36 : f32 to vector<16xf32>
      %swap3A_38 = arith.constant 80 : index
      %swap3A_39 = tpu.vector_load %arg6[%swap3A_38] {strides = array<i32>} : memref<128xf32, #tpu.memory_space<vmem>>, vector<16xf32>,
      %swap3A_40 = vector.shape_cast %swap3A_39 : vector<16xf32> to vector<16xf32>
      %swap3A_41 = vector.shape_cast %broadcast_in_dim3A_37 : vector<16xf32> to vector<16xf32>
      tpu.vector_store %arg6[%swap3A_38], %swap3A_41 {strides = array<i32>} : memref<128xf32, #tpu.memory_space<vmem>>, vector<16xf32>,
      %broadcast_in_dim3A_42 = arith.constant 1.000000e+00 : f32
      %broadcast_in_dim3A_43 = vector.broadcast %broadcast_in_dim3A_42 : f32 to vector<16xf32>
      %swap3A_44 = arith.constant 96 : index
      %swap3A_45 = tpu.vector_load %arg6[%swap3A_44] {strides = array<i32>} : memref<128xf32, #tpu.memory_space<vmem>>, vector<16xf32>,
      %swap3A_46 = vector.shape_cast %swap3A_45 : vector<16xf32> to vector<16xf32>
      %swap3A_47 = vector.shape_cast %broadcast_in_dim3A_43 : vector<16xf32> to vector<16xf32>
      tpu.vector_store %arg6[%swap3A_44], %swap3A_47 {strides = array<i32>} : memref<128xf32, #tpu.memory_space<vmem>>, vector<16xf32>,
      %broadcast_in_dim3A_48 = arith.constant 1.000000e+00 : f32
      %broadcast_in_dim3A_49 = vector.broadcast %broadcast_in_dim3A_48 : f32 to vector<16xf32>
      %swap3A_50 = arith.constant 112 : index
      %swap3A_51 = tpu.vector_load %arg6[%swap3A_50] {strides = array<i32>} : memref<128xf32, #tpu.memory_space<vmem>>, vector<16xf32>,
      %swap3A_52 = vector.shape_cast %swap3A_51 : vector<16xf32> to vector<16xf32>
      %swap3A_53 = vector.shape_cast %broadcast_in_dim3A_49 : vector<16xf32> to vector<16xf32>
      tpu.vector_store %arg6[%swap3A_50], %swap3A_53 {strides = array<i32>} : memref<128xf32, #tpu.memory_space<vmem>>, vector<16xf32>,
      %barrier3A = arith.constant 0 : index
      tpu.barrier barrier_id(%barrier3A)
      %scan3A = arith.constant 0 : i32
      %scan3A_54 = arith.constant 0 : i32
      %scan3A_55 = arith.constant 98 : i32
      %scan3A_56 = arith.addi %scan3A_54, %scan3A_55 : i32
      %scan3A_57 = arith.constant 1 : i32
      scf.for %scan3A_60 = %scan3A_54 to %scan3A_56 step %scan3A_57  : i32 {
        %mul3A_61 = arith.constant 392 : i32
        %mul3A_62 = arith.muli %arg1, %mul3A_61 : i32
        %mul3A_63 = arith.constant 4 : i32
        %mul3A_64 = arith.muli %scan3A_60, %mul3A_63 : i32
        %add3A = arith.addi %mul3A_62, %mul3A_64 : i32
        %dma_start3A = arith.constant 0 : i32
        %dma_start3A_65 = arith.constant 0 : i32
        %dma_start3A_66 = tpu.memref_slice %arg2[%scan3A, %dma_start3A, %dma_start3A_65] : memref<2x6272x128xi32, #tpu.memory_space<hbm>> -> memref<1x6272x128xi32, #tpu.memory_space<hbm>>
        %dma_start3A_67 = tpu.memref_squeeze %dma_start3A_66 : memref<1x6272x128xi32, #tpu.memory_space<hbm>> -> memref<6272x128xi32, #tpu.memory_space<hbm>>
        %dma_start3A_68 = arith.constant 0 : i32
        %dma_start3A_69 = tpu.memref_slice %dma_start3A_67[%add3A, %dma_start3A_68] : memref<6272x128xi32, #tpu.memory_space<hbm>> -> memref<4x128xi32, #tpu.memory_space<hbm>>
        %dma_start3A_70 = arith.constant 0 : i32
        %dma_start3A_71 = arith.constant 0 : i32
        %dma_start3A_72 = tpu.memref_slice %arg2[%scan3A, %dma_start3A_70, %dma_start3A_71] : memref<2x6272x128xi32, #tpu.memory_space<hbm>> -> memref<1x6272x128xi32, #tpu.memory_space<hbm>>
        %dma_start3A_73 = tpu.memref_squeeze %dma_start3A_72 : memref<1x6272x128xi32, #tpu.memory_space<hbm>> -> memref<6272x128xi32, #tpu.memory_space<hbm>>
        %dma_start3A_74 = arith.constant 0 : i32
        %dma_start3A_75 = tpu.memref_slice %dma_start3A_73[%add3A, %dma_start3A_74] : memref<6272x128xi32, #tpu.memory_space<hbm>> -> memref<4x128xi32, #tpu.memory_space<hbm>>
        tpu.enqueue_dma source(%dma_start3A_75 : memref<4x128xi32, #tpu.memory_space<hbm>>) target(%arg5 : memref<4x128xi32, #tpu.memory_space<vmem>>) target_semaphore(%arg8 : memref<!tpu.dma_semaphore, #tpu.memory_space<semaphore_mem>>)
        %dma_wait3A = arith.constant 0 : i32
        %dma_wait3A_76 = arith.constant 0 : i32
        %dma_wait3A_77 = tpu.memref_slice %arg2[%scan3A, %dma_wait3A, %dma_wait3A_76] : memref<2x6272x128xi32, #tpu.memory_space<hbm>> -> memref<1x6272x128xi32, #tpu.memory_space<hbm>>
        %dma_wait3A_78 = tpu.memref_squeeze %dma_wait3A_77 : memref<1x6272x128xi32, #tpu.memory_space<hbm>> -> memref<6272x128xi32, #tpu.memory_space<hbm>>
        %dma_wait3A_79 = arith.constant 0 : i32
        %dma_wait3A_80 = tpu.memref_slice %dma_wait3A_78[%add3A, %dma_wait3A_79] : memref<6272x128xi32, #tpu.memory_space<hbm>> -> memref<4x128xi32, #tpu.memory_space<hbm>>
        %dma_wait3A_81 = arith.constant 0 : i32
        %dma_wait3A_82 = arith.constant 0 : i32
        %dma_wait3A_83 = tpu.memref_slice %arg2[%scan3A, %dma_wait3A_81, %dma_wait3A_82] : memref<2x6272x128xi32, #tpu.memory_space<hbm>> -> memref<1x6272x128xi32, #tpu.memory_space<hbm>>
        %dma_wait3A_84 = tpu.memref_squeeze %dma_wait3A_83 : memref<1x6272x128xi32, #tpu.memory_space<hbm>> -> memref<6272x128xi32, #tpu.memory_space<hbm>>
        %dma_wait3A_85 = arith.constant 0 : i32
        %dma_wait3A_86 = tpu.memref_slice %dma_wait3A_84[%add3A, %dma_wait3A_85] : memref<6272x128xi32, #tpu.memory_space<hbm>> -> memref<4x128xi32, #tpu.memory_space<hbm>>
        tpu.wait_dma2 semaphore(%arg8 : memref<!tpu.dma_semaphore, #tpu.memory_space<semaphore_mem>>) src(%dma_wait3A_86 : memref<4x128xi32, #tpu.memory_space<hbm>>) dst(%arg5 : memref<4x128xi32, #tpu.memory_space<vmem>>)
        %dma_start3A_87 = arith.constant 0 : i32
        %dma_start3A_88 = arith.constant 0 : i32
        %dma_start3A_89 = tpu.memref_slice %arg5[%dma_start3A_87, %dma_start3A_88] : memref<4x128xi32, #tpu.memory_space<vmem>> -> memref<1x128xi32, #tpu.memory_space<vmem>>
        %dma_start3A_90 = tpu.memref_squeeze %dma_start3A_89 : memref<1x128xi32, #tpu.memory_space<vmem>> -> memref<128xi32, #tpu.memory_space<vmem>>
        %dma_start3A_91 = arith.constant 0 : i32
        %dma_start3A_92 = tpu.memref_slice %arg7[%dma_start3A_91] : memref<51200xf32, #tpu.memory_space<vmem_shared>> -> memref<51200xf32, #tpu.memory_space<vmem_shared>>
        tpu.enqueue_indirect_dma source(%arg6 : memref<128xf32, #tpu.memory_space<vmem>>) target(%dma_start3A_92 : memref<51200xf32, #tpu.memory_space<vmem_shared>>) offsets(%dma_start3A_90 : memref<128xi32, #tpu.memory_space<vmem>>) semaphore(%arg9 : memref<!tpu.dma_semaphore, #tpu.memory_space<semaphore_mem>>) {add = true}
        %dma_start3A_93 = arith.constant 1 : i32
        %dma_start3A_94 = arith.constant 0 : i32
        %dma_start3A_95 = tpu.memref_slice %arg5[%dma_start3A_93, %dma_start3A_94] : memref<4x128xi32, #tpu.memory_space<vmem>> -> memref<1x128xi32, #tpu.memory_space<vmem>>
        %dma_start3A_96 = tpu.memref_squeeze %dma_start3A_95 : memref<1x128xi32, #tpu.memory_space<vmem>> -> memref<128xi32, #tpu.memory_space<vmem>>
        %dma_start3A_97 = arith.constant 0 : i32
        %dma_start3A_98 = tpu.memref_slice %arg7[%dma_start3A_97] : memref<51200xf32, #tpu.memory_space<vmem_shared>> -> memref<51200xf32, #tpu.memory_space<vmem_shared>>
        tpu.enqueue_indirect_dma source(%arg6 : memref<128xf32, #tpu.memory_space<vmem>>) target(%dma_start3A_98 : memref<51200xf32, #tpu.memory_space<vmem_shared>>) offsets(%dma_start3A_96 : memref<128xi32, #tpu.memory_space<vmem>>) semaphore(%arg9 : memref<!tpu.dma_semaphore, #tpu.memory_space<semaphore_mem>>) {add = true}
        %dma_start3A_99 = arith.constant 2 : i32
        %dma_start3A_100 = arith.constant 0 : i32
        %dma_start3A_101 = tpu.memref_slice %arg5[%dma_start3A_99, %dma_start3A_100] : memref<4x128xi32, #tpu.memory_space<vmem>> -> memref<1x128xi32, #tpu.memory_space<vmem>>
        %dma_start3A_102 = tpu.memref_squeeze %dma_start3A_101 : memref<1x128xi32, #tpu.memory_space<vmem>> -> memref<128xi32, #tpu.memory_space<vmem>>
        %dma_start3A_103 = arith.constant 0 : i32
        %dma_start3A_104 = tpu.memref_slice %arg7[%dma_start3A_103] : memref<51200xf32, #tpu.memory_space<vmem_shared>> -> memref<51200xf32, #tpu.memory_space<vmem_shared>>
        tpu.enqueue_indirect_dma source(%arg6 : memref<128xf32, #tpu.memory_space<vmem>>) target(%dma_start3A_104 : memref<51200xf32, #tpu.memory_space<vmem_shared>>) offsets(%dma_start3A_102 : memref<128xi32, #tpu.memory_space<vmem>>) semaphore(%arg9 : memref<!tpu.dma_semaphore, #tpu.memory_space<semaphore_mem>>) {add = true}
        %dma_start3A_105 = arith.constant 3 : i32
        %dma_start3A_106 = arith.constant 0 : i32
        %dma_start3A_107 = tpu.memref_slice %arg5[%dma_start3A_105, %dma_start3A_106] : memref<4x128xi32, #tpu.memory_space<vmem>> -> memref<1x128xi32, #tpu.memory_space<vmem>>
        %dma_start3A_108 = tpu.memref_squeeze %dma_start3A_107 : memref<1x128xi32, #tpu.memory_space<vmem>> -> memref<128xi32, #tpu.memory_space<vmem>>
        %dma_start3A_109 = arith.constant 0 : i32
        %dma_start3A_110 = tpu.memref_slice %arg7[%dma_start3A_109] : memref<51200xf32, #tpu.memory_space<vmem_shared>> -> memref<51200xf32, #tpu.memory_space<vmem_shared>>
        tpu.enqueue_indirect_dma source(%arg6 : memref<128xf32, #tpu.memory_space<vmem>>) target(%dma_start3A_110 : memref<51200xf32, #tpu.memory_space<vmem_shared>>) offsets(%dma_start3A_108 : memref<128xi32, #tpu.memory_space<vmem>>) semaphore(%arg9 : memref<!tpu.dma_semaphore, #tpu.memory_space<semaphore_mem>>) {add = true}
        %dma_wait3A_111 = arith.constant 0 : i32
        %dma_wait3A_112 = arith.constant 0 : i32
        %dma_wait3A_113 = tpu.memref_slice %arg5[%dma_wait3A_111, %dma_wait3A_112] : memref<4x128xi32, #tpu.memory_space<vmem>> -> memref<1x128xi32, #tpu.memory_space<vmem>>
        %dma_wait3A_114 = tpu.memref_squeeze %dma_wait3A_113 : memref<1x128xi32, #tpu.memory_space<vmem>> -> memref<128xi32, #tpu.memory_space<vmem>>
        %dma_wait3A_115 = arith.constant 0 : i32
        %dma_wait3A_116 = tpu.memref_slice %arg7[%dma_wait3A_115] : memref<51200xf32, #tpu.memory_space<vmem_shared>> -> memref<51200xf32, #tpu.memory_space<vmem_shared>>
        tpu.wait_indirect_dma semaphore(%arg9 : memref<!tpu.dma_semaphore, #tpu.memory_space<semaphore_mem>>) src(%arg6 : memref<128xf32, #tpu.memory_space<vmem>>) dst(%dma_wait3A_116 : memref<51200xf32, #tpu.memory_space<vmem_shared>>)
        %dma_wait3A_117 = arith.constant 1 : i32
        %dma_wait3A_118 = arith.constant 0 : i32
        %dma_wait3A_119 = tpu.memref_slice %arg5[%dma_wait3A_117, %dma_wait3A_118] : memref<4x128xi32, #tpu.memory_space<vmem>> -> memref<1x128xi32, #tpu.memory_space<vmem>>
        %dma_wait3A_120 = tpu.memref_squeeze %dma_wait3A_119 : memref<1x128xi32, #tpu.memory_space<vmem>> -> memref<128xi32, #tpu.memory_space<vmem>>
        %dma_wait3A_121 = arith.constant 0 : i32
        %dma_wait3A_122 = tpu.memref_slice %arg7[%dma_wait3A_121] : memref<51200xf32, #tpu.memory_space<vmem_shared>> -> memref<51200xf32, #tpu.memory_space<vmem_shared>>
        tpu.wait_indirect_dma semaphore(%arg9 : memref<!tpu.dma_semaphore, #tpu.memory_space<semaphore_mem>>) src(%arg6 : memref<128xf32, #tpu.memory_space<vmem>>) dst(%dma_wait3A_122 : memref<51200xf32, #tpu.memory_space<vmem_shared>>)
        %dma_wait3A_123 = arith.constant 2 : i32
        %dma_wait3A_124 = arith.constant 0 : i32
        %dma_wait3A_125 = tpu.memref_slice %arg5[%dma_wait3A_123, %dma_wait3A_124] : memref<4x128xi32, #tpu.memory_space<vmem>> -> memref<1x128xi32, #tpu.memory_space<vmem>>
        %dma_wait3A_126 = tpu.memref_squeeze %dma_wait3A_125 : memref<1x128xi32, #tpu.memory_space<vmem>> -> memref<128xi32, #tpu.memory_space<vmem>>
        %dma_wait3A_127 = arith.constant 0 : i32
        %dma_wait3A_128 = tpu.memref_slice %arg7[%dma_wait3A_127] : memref<51200xf32, #tpu.memory_space<vmem_shared>> -> memref<51200xf32, #tpu.memory_space<vmem_shared>>
        tpu.wait_indirect_dma semaphore(%arg9 : memref<!tpu.dma_semaphore, #tpu.memory_space<semaphore_mem>>) src(%arg6 : memref<128xf32, #tpu.memory_space<vmem>>) dst(%dma_wait3A_128 : memref<51200xf32, #tpu.memory_space<vmem_shared>>)
        %dma_wait3A_129 = arith.constant 3 : i32
        %dma_wait3A_130 = arith.constant 0 : i32
        %dma_wait3A_131 = tpu.memref_slice %arg5[%dma_wait3A_129, %dma_wait3A_130] : memref<4x128xi32, #tpu.memory_space<vmem>> -> memref<1x128xi32, #tpu.memory_space<vmem>>
        %dma_wait3A_132 = tpu.memref_squeeze %dma_wait3A_131 : memref<1x128xi32, #tpu.memory_space<vmem>> -> memref<128xi32, #tpu.memory_space<vmem>>
        %dma_wait3A_133 = arith.constant 0 : i32
        %dma_wait3A_134 = tpu.memref_slice %arg7[%dma_wait3A_133] : memref<51200xf32, #tpu.memory_space<vmem_shared>> -> memref<51200xf32, #tpu.memory_space<vmem_shared>>
        tpu.wait_indirect_dma semaphore(%arg9 : memref<!tpu.dma_semaphore, #tpu.memory_space<semaphore_mem>>) src(%arg6 : memref<128xf32, #tpu.memory_space<vmem>>) dst(%dma_wait3A_134 : memref<51200xf32, #tpu.memory_space<vmem_shared>>)
      }
      %scan3A_58 = arith.constant 98 : i32
      %barrier3A_59 = arith.constant 0 : index
      tpu.barrier barrier_id(%barrier3A_59)
      %run_scoped3A = arith.constant 0 : i32
      "tpu.region"() ({
        %run_scoped3A_60 = tpu.sem_alloc : memref<!tpu.dma_semaphore, #tpu.memory_space<semaphore_mem>>
        %dma_start3A = arith.constant 0 : i32
        %dma_start3A_61 = tpu.memref_slice %arg4[%run_scoped3A, %dma_start3A] : memref<2x51200xf32, #tpu.memory_space<hbm>> -> memref<1x51200xf32, #tpu.memory_space<hbm>>
        %dma_start3A_62 = tpu.memref_squeeze %dma_start3A_61 : memref<1x51200xf32, #tpu.memory_space<hbm>> -> memref<51200xf32, #tpu.memory_space<hbm>>
        %dma_start3A_63 = tpu.memref_slice %dma_start3A_62[%mul3A_7] : memref<51200xf32, #tpu.memory_space<hbm>> -> memref<3200xf32, #tpu.memory_space<hbm>>
        %dma_start3A_64 = tpu.memref_slice %arg7[%mul3A_7] : memref<51200xf32, #tpu.memory_space<vmem_shared>> -> memref<3200xf32, #tpu.memory_space<vmem_shared>>
        tpu.enqueue_dma source(%dma_start3A_64 : memref<3200xf32, #tpu.memory_space<vmem_shared>>) target(%dma_start3A_63 : memref<3200xf32, #tpu.memory_space<hbm>>) target_semaphore(%run_scoped3A_60 : memref<!tpu.dma_semaphore, #tpu.memory_space<semaphore_mem>>)
        %dma_wait3A = arith.constant 0 : i32
        %dma_wait3A_65 = tpu.memref_slice %arg4[%run_scoped3A, %dma_wait3A] : memref<2x51200xf32, #tpu.memory_space<hbm>> -> memref<1x51200xf32, #tpu.memory_space<hbm>>
        %dma_wait3A_66 = tpu.memref_squeeze %dma_wait3A_65 : memref<1x51200xf32, #tpu.memory_space<hbm>> -> memref<51200xf32, #tpu.memory_space<hbm>>
        %dma_wait3A_67 = tpu.memref_slice %dma_wait3A_66[%mul3A_7] : memref<51200xf32, #tpu.memory_space<hbm>> -> memref<3200xf32, #tpu.memory_space<hbm>>
        %dma_wait3A_68 = tpu.memref_slice %arg7[%mul3A_7] : memref<51200xf32, #tpu.memory_space<vmem_shared>> -> memref<3200xf32, #tpu.memory_space<vmem_shared>>
        tpu.wait_dma2 semaphore(%run_scoped3A_60 : memref<!tpu.dma_semaphore, #tpu.memory_space<semaphore_mem>>) src(%dma_wait3A_68 : memref<3200xf32, #tpu.memory_space<vmem_shared>>) dst(%dma_wait3A_67 : memref<3200xf32, #tpu.memory_space<hbm>>)
        tpu.yield
      }) : () -> ()
    } else {
    }
    %eq3A_2 = arith.constant 1 : i32
    %eq3A_3 = arith.cmpi eq, %arg0, %eq3A_2 : i32
    %convert_element_type3A_4 = arith.extui %eq3A_3 : i1 to i32
    %cond3A_5 = arith.constant 0 : i32
    %cond3A_6 = arith.cmpi ne, %convert_element_type3A_4, %cond3A_5 : i32
    scf.if %cond3A_6 {
      %mul3A = arith.constant 3200 : i32
      %mul3A_7 = arith.muli %arg1, %mul3A : i32
      "tpu.region"() ({
        %run_scoped3A_60 = tpu.sem_alloc : memref<!tpu.dma_semaphore, #tpu.memory_space<semaphore_mem>>
        %dma_start3A = tpu.memref_slice %arg7[%mul3A_7] : memref<51200xf32, #tpu.memory_space<vmem_shared>> -> memref<3200xf32, #tpu.memory_space<vmem_shared>>
        %dma_start3A_61 = tpu.memref_slice %arg3[%mul3A_7] : memref<51200xf32, #tpu.memory_space<hbm>> -> memref<3200xf32, #tpu.memory_space<hbm>>
        tpu.enqueue_dma source(%dma_start3A_61 : memref<3200xf32, #tpu.memory_space<hbm>>) target(%dma_start3A : memref<3200xf32, #tpu.memory_space<vmem_shared>>) target_semaphore(%run_scoped3A_60 : memref<!tpu.dma_semaphore, #tpu.memory_space<semaphore_mem>>)
        %dma_wait3A = tpu.memref_slice %arg7[%mul3A_7] : memref<51200xf32, #tpu.memory_space<vmem_shared>> -> memref<3200xf32, #tpu.memory_space<vmem_shared>>
        %dma_wait3A_62 = tpu.memref_slice %arg3[%mul3A_7] : memref<51200xf32, #tpu.memory_space<hbm>> -> memref<3200xf32, #tpu.memory_space<hbm>>
        tpu.wait_dma2 semaphore(%run_scoped3A_60 : memref<!tpu.dma_semaphore, #tpu.memory_space<semaphore_mem>>) src(%dma_wait3A_62 : memref<3200xf32, #tpu.memory_space<hbm>>) dst(%dma_wait3A : memref<3200xf32, #tpu.memory_space<vmem_shared>>)
        tpu.yield
      }) : () -> ()
      %broadcast_in_dim3A = arith.constant 1.000000e+00 : f32
      %broadcast_in_dim3A_8 = vector.broadcast %broadcast_in_dim3A : f32 to vector<16xf32>
      %swap3A = arith.constant 0 : index
      %swap3A_9 = tpu.vector_load %arg6[%swap3A] {strides = array<i32>} : memref<128xf32, #tpu.memory_space<vmem>>, vector<16xf32>,
      %swap3A_10 = vector.shape_cast %swap3A_9 : vector<16xf32> to vector<16xf32>
      %swap3A_11 = vector.shape_cast %broadcast_in_dim3A_8 : vector<16xf32> to vector<16xf32>
      tpu.vector_store %arg6[%swap3A], %swap3A_11 {strides = array<i32>} : memref<128xf32, #tpu.memory_space<vmem>>, vector<16xf32>,
      %broadcast_in_dim3A_12 = arith.constant 1.000000e+00 : f32
      %broadcast_in_dim3A_13 = vector.broadcast %broadcast_in_dim3A_12 : f32 to vector<16xf32>
      %swap3A_14 = arith.constant 16 : index
      %swap3A_15 = tpu.vector_load %arg6[%swap3A_14] {strides = array<i32>} : memref<128xf32, #tpu.memory_space<vmem>>, vector<16xf32>,
      %swap3A_16 = vector.shape_cast %swap3A_15 : vector<16xf32> to vector<16xf32>
      %swap3A_17 = vector.shape_cast %broadcast_in_dim3A_13 : vector<16xf32> to vector<16xf32>
      tpu.vector_store %arg6[%swap3A_14], %swap3A_17 {strides = array<i32>} : memref<128xf32, #tpu.memory_space<vmem>>, vector<16xf32>,
      %broadcast_in_dim3A_18 = arith.constant 1.000000e+00 : f32
      %broadcast_in_dim3A_19 = vector.broadcast %broadcast_in_dim3A_18 : f32 to vector<16xf32>
      %swap3A_20 = arith.constant 32 : index
      %swap3A_21 = tpu.vector_load %arg6[%swap3A_20] {strides = array<i32>} : memref<128xf32, #tpu.memory_space<vmem>>, vector<16xf32>,
      %swap3A_22 = vector.shape_cast %swap3A_21 : vector<16xf32> to vector<16xf32>
      %swap3A_23 = vector.shape_cast %broadcast_in_dim3A_19 : vector<16xf32> to vector<16xf32>
      tpu.vector_store %arg6[%swap3A_20], %swap3A_23 {strides = array<i32>} : memref<128xf32, #tpu.memory_space<vmem>>, vector<16xf32>,
      %broadcast_in_dim3A_24 = arith.constant 1.000000e+00 : f32
      %broadcast_in_dim3A_25 = vector.broadcast %broadcast_in_dim3A_24 : f32 to vector<16xf32>
      %swap3A_26 = arith.constant 48 : index
      %swap3A_27 = tpu.vector_load %arg6[%swap3A_26] {strides = array<i32>} : memref<128xf32, #tpu.memory_space<vmem>>, vector<16xf32>,
      %swap3A_28 = vector.shape_cast %swap3A_27 : vector<16xf32> to vector<16xf32>
      %swap3A_29 = vector.shape_cast %broadcast_in_dim3A_25 : vector<16xf32> to vector<16xf32>
      tpu.vector_store %arg6[%swap3A_26], %swap3A_29 {strides = array<i32>} : memref<128xf32, #tpu.memory_space<vmem>>, vector<16xf32>,
      %broadcast_in_dim3A_30 = arith.constant 1.000000e+00 : f32
      %broadcast_in_dim3A_31 = vector.broadcast %broadcast_in_dim3A_30 : f32 to vector<16xf32>
      %swap3A_32 = arith.constant 64 : index
      %swap3A_33 = tpu.vector_load %arg6[%swap3A_32] {strides = array<i32>} : memref<128xf32, #tpu.memory_space<vmem>>, vector<16xf32>,
      %swap3A_34 = vector.shape_cast %swap3A_33 : vector<16xf32> to vector<16xf32>
      %swap3A_35 = vector.shape_cast %broadcast_in_dim3A_31 : vector<16xf32> to vector<16xf32>
      tpu.vector_store %arg6[%swap3A_32], %swap3A_35 {strides = array<i32>} : memref<128xf32, #tpu.memory_space<vmem>>, vector<16xf32>,
      %broadcast_in_dim3A_36 = arith.constant 1.000000e+00 : f32
      %broadcast_in_dim3A_37 = vector.broadcast %broadcast_in_dim3A_36 : f32 to vector<16xf32>
      %swap3A_38 = arith.constant 80 : index
      %swap3A_39 = tpu.vector_load %arg6[%swap3A_38] {strides = array<i32>} : memref<128xf32, #tpu.memory_space<vmem>>, vector<16xf32>,
      %swap3A_40 = vector.shape_cast %swap3A_39 : vector<16xf32> to vector<16xf32>
      %swap3A_41 = vector.shape_cast %broadcast_in_dim3A_37 : vector<16xf32> to vector<16xf32>
      tpu.vector_store %arg6[%swap3A_38], %swap3A_41 {strides = array<i32>} : memref<128xf32, #tpu.memory_space<vmem>>, vector<16xf32>,
      %broadcast_in_dim3A_42 = arith.constant 1.000000e+00 : f32
      %broadcast_in_dim3A_43 = vector.broadcast %broadcast_in_dim3A_42 : f32 to vector<16xf32>
      %swap3A_44 = arith.constant 96 : index
      %swap3A_45 = tpu.vector_load %arg6[%swap3A_44] {strides = array<i32>} : memref<128xf32, #tpu.memory_space<vmem>>, vector<16xf32>,
      %swap3A_46 = vector.shape_cast %swap3A_45 : vector<16xf32> to vector<16xf32>
      %swap3A_47 = vector.shape_cast %broadcast_in_dim3A_43 : vector<16xf32> to vector<16xf32>
      tpu.vector_store %arg6[%swap3A_44], %swap3A_47 {strides = array<i32>} : memref<128xf32, #tpu.memory_space<vmem>>, vector<16xf32>,
      %broadcast_in_dim3A_48 = arith.constant 1.000000e+00 : f32
      %broadcast_in_dim3A_49 = vector.broadcast %broadcast_in_dim3A_48 : f32 to vector<16xf32>
      %swap3A_50 = arith.constant 112 : index
      %swap3A_51 = tpu.vector_load %arg6[%swap3A_50] {strides = array<i32>} : memref<128xf32, #tpu.memory_space<vmem>>, vector<16xf32>,
      %swap3A_52 = vector.shape_cast %swap3A_51 : vector<16xf32> to vector<16xf32>
      %swap3A_53 = vector.shape_cast %broadcast_in_dim3A_49 : vector<16xf32> to vector<16xf32>
      tpu.vector_store %arg6[%swap3A_50], %swap3A_53 {strides = array<i32>} : memref<128xf32, #tpu.memory_space<vmem>>, vector<16xf32>,
      %barrier3A = arith.constant 0 : index
      tpu.barrier barrier_id(%barrier3A)
      %scan3A = arith.constant 1 : i32
      %scan3A_54 = arith.constant 0 : i32
      %scan3A_55 = arith.constant 98 : i32
      %scan3A_56 = arith.addi %scan3A_54, %scan3A_55 : i32
      %scan3A_57 = arith.constant 1 : i32
      scf.for %scan3A_60 = %scan3A_54 to %scan3A_56 step %scan3A_57  : i32 {
        %mul3A_61 = arith.constant 392 : i32
        %mul3A_62 = arith.muli %arg1, %mul3A_61 : i32
        %mul3A_63 = arith.constant 4 : i32
        %mul3A_64 = arith.muli %scan3A_60, %mul3A_63 : i32
        %add3A = arith.addi %mul3A_62, %mul3A_64 : i32
        %dma_start3A = arith.constant 0 : i32
        %dma_start3A_65 = arith.constant 0 : i32
        %dma_start3A_66 = tpu.memref_slice %arg2[%scan3A, %dma_start3A, %dma_start3A_65] : memref<2x6272x128xi32, #tpu.memory_space<hbm>> -> memref<1x6272x128xi32, #tpu.memory_space<hbm>>
        %dma_start3A_67 = tpu.memref_squeeze %dma_start3A_66 : memref<1x6272x128xi32, #tpu.memory_space<hbm>> -> memref<6272x128xi32, #tpu.memory_space<hbm>>
        %dma_start3A_68 = arith.constant 0 : i32
        %dma_start3A_69 = tpu.memref_slice %dma_start3A_67[%add3A, %dma_start3A_68] : memref<6272x128xi32, #tpu.memory_space<hbm>> -> memref<4x128xi32, #tpu.memory_space<hbm>>
        %dma_start3A_70 = arith.constant 0 : i32
        %dma_start3A_71 = arith.constant 0 : i32
        %dma_start3A_72 = tpu.memref_slice %arg2[%scan3A, %dma_start3A_70, %dma_start3A_71] : memref<2x6272x128xi32, #tpu.memory_space<hbm>> -> memref<1x6272x128xi32, #tpu.memory_space<hbm>>
        %dma_start3A_73 = tpu.memref_squeeze %dma_start3A_72 : memref<1x6272x128xi32, #tpu.memory_space<hbm>> -> memref<6272x128xi32, #tpu.memory_space<hbm>>
        %dma_start3A_74 = arith.constant 0 : i32
        %dma_start3A_75 = tpu.memref_slice %dma_start3A_73[%add3A, %dma_start3A_74] : memref<6272x128xi32, #tpu.memory_space<hbm>> -> memref<4x128xi32, #tpu.memory_space<hbm>>
        tpu.enqueue_dma source(%dma_start3A_75 : memref<4x128xi32, #tpu.memory_space<hbm>>) target(%arg5 : memref<4x128xi32, #tpu.memory_space<vmem>>) target_semaphore(%arg8 : memref<!tpu.dma_semaphore, #tpu.memory_space<semaphore_mem>>)
        %dma_wait3A = arith.constant 0 : i32
        %dma_wait3A_76 = arith.constant 0 : i32
        %dma_wait3A_77 = tpu.memref_slice %arg2[%scan3A, %dma_wait3A, %dma_wait3A_76] : memref<2x6272x128xi32, #tpu.memory_space<hbm>> -> memref<1x6272x128xi32, #tpu.memory_space<hbm>>
        %dma_wait3A_78 = tpu.memref_squeeze %dma_wait3A_77 : memref<1x6272x128xi32, #tpu.memory_space<hbm>> -> memref<6272x128xi32, #tpu.memory_space<hbm>>
        %dma_wait3A_79 = arith.constant 0 : i32
        %dma_wait3A_80 = tpu.memref_slice %dma_wait3A_78[%add3A, %dma_wait3A_79] : memref<6272x128xi32, #tpu.memory_space<hbm>> -> memref<4x128xi32, #tpu.memory_space<hbm>>
        %dma_wait3A_81 = arith.constant 0 : i32
        %dma_wait3A_82 = arith.constant 0 : i32
        %dma_wait3A_83 = tpu.memref_slice %arg2[%scan3A, %dma_wait3A_81, %dma_wait3A_82] : memref<2x6272x128xi32, #tpu.memory_space<hbm>> -> memref<1x6272x128xi32, #tpu.memory_space<hbm>>
        %dma_wait3A_84 = tpu.memref_squeeze %dma_wait3A_83 : memref<1x6272x128xi32, #tpu.memory_space<hbm>> -> memref<6272x128xi32, #tpu.memory_space<hbm>>
        %dma_wait3A_85 = arith.constant 0 : i32
        %dma_wait3A_86 = tpu.memref_slice %dma_wait3A_84[%add3A, %dma_wait3A_85] : memref<6272x128xi32, #tpu.memory_space<hbm>> -> memref<4x128xi32, #tpu.memory_space<hbm>>
        tpu.wait_dma2 semaphore(%arg8 : memref<!tpu.dma_semaphore, #tpu.memory_space<semaphore_mem>>) src(%dma_wait3A_86 : memref<4x128xi32, #tpu.memory_space<hbm>>) dst(%arg5 : memref<4x128xi32, #tpu.memory_space<vmem>>)
        %dma_start3A_87 = arith.constant 0 : i32
        %dma_start3A_88 = arith.constant 0 : i32
        %dma_start3A_89 = tpu.memref_slice %arg5[%dma_start3A_87, %dma_start3A_88] : memref<4x128xi32, #tpu.memory_space<vmem>> -> memref<1x128xi32, #tpu.memory_space<vmem>>
        %dma_start3A_90 = tpu.memref_squeeze %dma_start3A_89 : memref<1x128xi32, #tpu.memory_space<vmem>> -> memref<128xi32, #tpu.memory_space<vmem>>
        %dma_start3A_91 = arith.constant 0 : i32
        %dma_start3A_92 = tpu.memref_slice %arg7[%dma_start3A_91] : memref<51200xf32, #tpu.memory_space<vmem_shared>> -> memref<51200xf32, #tpu.memory_space<vmem_shared>>
        tpu.enqueue_indirect_dma source(%arg6 : memref<128xf32, #tpu.memory_space<vmem>>) target(%dma_start3A_92 : memref<51200xf32, #tpu.memory_space<vmem_shared>>) offsets(%dma_start3A_90 : memref<128xi32, #tpu.memory_space<vmem>>) semaphore(%arg9 : memref<!tpu.dma_semaphore, #tpu.memory_space<semaphore_mem>>) {add = true}
        %dma_start3A_93 = arith.constant 1 : i32
        %dma_start3A_94 = arith.constant 0 : i32
        %dma_start3A_95 = tpu.memref_slice %arg5[%dma_start3A_93, %dma_start3A_94] : memref<4x128xi32, #tpu.memory_space<vmem>> -> memref<1x128xi32, #tpu.memory_space<vmem>>
        %dma_start3A_96 = tpu.memref_squeeze %dma_start3A_95 : memref<1x128xi32, #tpu.memory_space<vmem>> -> memref<128xi32, #tpu.memory_space<vmem>>
        %dma_start3A_97 = arith.constant 0 : i32
        %dma_start3A_98 = tpu.memref_slice %arg7[%dma_start3A_97] : memref<51200xf32, #tpu.memory_space<vmem_shared>> -> memref<51200xf32, #tpu.memory_space<vmem_shared>>
        tpu.enqueue_indirect_dma source(%arg6 : memref<128xf32, #tpu.memory_space<vmem>>) target(%dma_start3A_98 : memref<51200xf32, #tpu.memory_space<vmem_shared>>) offsets(%dma_start3A_96 : memref<128xi32, #tpu.memory_space<vmem>>) semaphore(%arg9 : memref<!tpu.dma_semaphore, #tpu.memory_space<semaphore_mem>>) {add = true}
        %dma_start3A_99 = arith.constant 2 : i32
        %dma_start3A_100 = arith.constant 0 : i32
        %dma_start3A_101 = tpu.memref_slice %arg5[%dma_start3A_99, %dma_start3A_100] : memref<4x128xi32, #tpu.memory_space<vmem>> -> memref<1x128xi32, #tpu.memory_space<vmem>>
        %dma_start3A_102 = tpu.memref_squeeze %dma_start3A_101 : memref<1x128xi32, #tpu.memory_space<vmem>> -> memref<128xi32, #tpu.memory_space<vmem>>
        %dma_start3A_103 = arith.constant 0 : i32
        %dma_start3A_104 = tpu.memref_slice %arg7[%dma_start3A_103] : memref<51200xf32, #tpu.memory_space<vmem_shared>> -> memref<51200xf32, #tpu.memory_space<vmem_shared>>
        tpu.enqueue_indirect_dma source(%arg6 : memref<128xf32, #tpu.memory_space<vmem>>) target(%dma_start3A_104 : memref<51200xf32, #tpu.memory_space<vmem_shared>>) offsets(%dma_start3A_102 : memref<128xi32, #tpu.memory_space<vmem>>) semaphore(%arg9 : memref<!tpu.dma_semaphore, #tpu.memory_space<semaphore_mem>>) {add = true}
        %dma_start3A_105 = arith.constant 3 : i32
        %dma_start3A_106 = arith.constant 0 : i32
        %dma_start3A_107 = tpu.memref_slice %arg5[%dma_start3A_105, %dma_start3A_106] : memref<4x128xi32, #tpu.memory_space<vmem>> -> memref<1x128xi32, #tpu.memory_space<vmem>>
        %dma_start3A_108 = tpu.memref_squeeze %dma_start3A_107 : memref<1x128xi32, #tpu.memory_space<vmem>> -> memref<128xi32, #tpu.memory_space<vmem>>
        %dma_start3A_109 = arith.constant 0 : i32
        %dma_start3A_110 = tpu.memref_slice %arg7[%dma_start3A_109] : memref<51200xf32, #tpu.memory_space<vmem_shared>> -> memref<51200xf32, #tpu.memory_space<vmem_shared>>
        tpu.enqueue_indirect_dma source(%arg6 : memref<128xf32, #tpu.memory_space<vmem>>) target(%dma_start3A_110 : memref<51200xf32, #tpu.memory_space<vmem_shared>>) offsets(%dma_start3A_108 : memref<128xi32, #tpu.memory_space<vmem>>) semaphore(%arg9 : memref<!tpu.dma_semaphore, #tpu.memory_space<semaphore_mem>>) {add = true}
        %dma_wait3A_111 = arith.constant 0 : i32
        %dma_wait3A_112 = arith.constant 0 : i32
        %dma_wait3A_113 = tpu.memref_slice %arg5[%dma_wait3A_111, %dma_wait3A_112] : memref<4x128xi32, #tpu.memory_space<vmem>> -> memref<1x128xi32, #tpu.memory_space<vmem>>
        %dma_wait3A_114 = tpu.memref_squeeze %dma_wait3A_113 : memref<1x128xi32, #tpu.memory_space<vmem>> -> memref<128xi32, #tpu.memory_space<vmem>>
        %dma_wait3A_115 = arith.constant 0 : i32
        %dma_wait3A_116 = tpu.memref_slice %arg7[%dma_wait3A_115] : memref<51200xf32, #tpu.memory_space<vmem_shared>> -> memref<51200xf32, #tpu.memory_space<vmem_shared>>
        tpu.wait_indirect_dma semaphore(%arg9 : memref<!tpu.dma_semaphore, #tpu.memory_space<semaphore_mem>>) src(%arg6 : memref<128xf32, #tpu.memory_space<vmem>>) dst(%dma_wait3A_116 : memref<51200xf32, #tpu.memory_space<vmem_shared>>)
        %dma_wait3A_117 = arith.constant 1 : i32
        %dma_wait3A_118 = arith.constant 0 : i32
        %dma_wait3A_119 = tpu.memref_slice %arg5[%dma_wait3A_117, %dma_wait3A_118] : memref<4x128xi32, #tpu.memory_space<vmem>> -> memref<1x128xi32, #tpu.memory_space<vmem>>
        %dma_wait3A_120 = tpu.memref_squeeze %dma_wait3A_119 : memref<1x128xi32, #tpu.memory_space<vmem>> -> memref<128xi32, #tpu.memory_space<vmem>>
        %dma_wait3A_121 = arith.constant 0 : i32
        %dma_wait3A_122 = tpu.memref_slice %arg7[%dma_wait3A_121] : memref<51200xf32, #tpu.memory_space<vmem_shared>> -> memref<51200xf32, #tpu.memory_space<vmem_shared>>
        tpu.wait_indirect_dma semaphore(%arg9 : memref<!tpu.dma_semaphore, #tpu.memory_space<semaphore_mem>>) src(%arg6 : memref<128xf32, #tpu.memory_space<vmem>>) dst(%dma_wait3A_122 : memref<51200xf32, #tpu.memory_space<vmem_shared>>)
        %dma_wait3A_123 = arith.constant 2 : i32
        %dma_wait3A_124 = arith.constant 0 : i32
        %dma_wait3A_125 = tpu.memref_slice %arg5[%dma_wait3A_123, %dma_wait3A_124] : memref<4x128xi32, #tpu.memory_space<vmem>> -> memref<1x128xi32, #tpu.memory_space<vmem>>
        %dma_wait3A_126 = tpu.memref_squeeze %dma_wait3A_125 : memref<1x128xi32, #tpu.memory_space<vmem>> -> memref<128xi32, #tpu.memory_space<vmem>>
        %dma_wait3A_127 = arith.constant 0 : i32
        %dma_wait3A_128 = tpu.memref_slice %arg7[%dma_wait3A_127] : memref<51200xf32, #tpu.memory_space<vmem_shared>> -> memref<51200xf32, #tpu.memory_space<vmem_shared>>
        tpu.wait_indirect_dma semaphore(%arg9 : memref<!tpu.dma_semaphore, #tpu.memory_space<semaphore_mem>>) src(%arg6 : memref<128xf32, #tpu.memory_space<vmem>>) dst(%dma_wait3A_128 : memref<51200xf32, #tpu.memory_space<vmem_shared>>)
        %dma_wait3A_129 = arith.constant 3 : i32
        %dma_wait3A_130 = arith.constant 0 : i32
        %dma_wait3A_131 = tpu.memref_slice %arg5[%dma_wait3A_129, %dma_wait3A_130] : memref<4x128xi32, #tpu.memory_space<vmem>> -> memref<1x128xi32, #tpu.memory_space<vmem>>
        %dma_wait3A_132 = tpu.memref_squeeze %dma_wait3A_131 : memref<1x128xi32, #tpu.memory_space<vmem>> -> memref<128xi32, #tpu.memory_space<vmem>>
        %dma_wait3A_133 = arith.constant 0 : i32
        %dma_wait3A_134 = tpu.memref_slice %arg7[%dma_wait3A_133] : memref<51200xf32, #tpu.memory_space<vmem_shared>> -> memref<51200xf32, #tpu.memory_space<vmem_shared>>
        tpu.wait_indirect_dma semaphore(%arg9 : memref<!tpu.dma_semaphore, #tpu.memory_space<semaphore_mem>>) src(%arg6 : memref<128xf32, #tpu.memory_space<vmem>>) dst(%dma_wait3A_134 : memref<51200xf32, #tpu.memory_space<vmem_shared>>)
      }
      %scan3A_58 = arith.constant 98 : i32
      %barrier3A_59 = arith.constant 0 : index
      tpu.barrier barrier_id(%barrier3A_59)
      %run_scoped3A = arith.constant 1 : i32
      "tpu.region"() ({
        %run_scoped3A_60 = tpu.sem_alloc : memref<!tpu.dma_semaphore, #tpu.memory_space<semaphore_mem>>
        %dma_start3A = arith.constant 0 : i32
        %dma_start3A_61 = tpu.memref_slice %arg4[%run_scoped3A, %dma_start3A] : memref<2x51200xf32, #tpu.memory_space<hbm>> -> memref<1x51200xf32, #tpu.memory_space<hbm>>
        %dma_start3A_62 = tpu.memref_squeeze %dma_start3A_61 : memref<1x51200xf32, #tpu.memory_space<hbm>> -> memref<51200xf32, #tpu.memory_space<hbm>>
        %dma_start3A_63 = tpu.memref_slice %dma_start3A_62[%mul3A_7] : memref<51200xf32, #tpu.memory_space<hbm>> -> memref<3200xf32, #tpu.memory_space<hbm>>
        %dma_start3A_64 = tpu.memref_slice %arg7[%mul3A_7] : memref<51200xf32, #tpu.memory_space<vmem_shared>> -> memref<3200xf32, #tpu.memory_space<vmem_shared>>
        tpu.enqueue_dma source(%dma_start3A_64 : memref<3200xf32, #tpu.memory_space<vmem_shared>>) target(%dma_start3A_63 : memref<3200xf32, #tpu.memory_space<hbm>>) target_semaphore(%run_scoped3A_60 : memref<!tpu.dma_semaphore, #tpu.memory_space<semaphore_mem>>)
        %dma_wait3A = arith.constant 0 : i32
        %dma_wait3A_65 = tpu.memref_slice %arg4[%run_scoped3A, %dma_wait3A] : memref<2x51200xf32, #tpu.memory_space<hbm>> -> memref<1x51200xf32, #tpu.memory_space<hbm>>
        %dma_wait3A_66 = tpu.memref_squeeze %dma_wait3A_65 : memref<1x51200xf32, #tpu.memory_space<hbm>> -> memref<51200xf32, #tpu.memory_space<hbm>>
        %dma_wait3A_67 = tpu.memref_slice %dma_wait3A_66[%mul3A_7] : memref<51200xf32, #tpu.memory_space<hbm>> -> memref<3200xf32, #tpu.memory_space<hbm>>
        %dma_wait3A_68 = tpu.memref_slice %arg7[%mul3A_7] : memref<51200xf32, #tpu.memory_space<vmem_shared>> -> memref<3200xf32, #tpu.memory_space<vmem_shared>>
        tpu.wait_dma2 semaphore(%run_scoped3A_60 : memref<!tpu.dma_semaphore, #tpu.memory_space<semaphore_mem>>) src(%dma_wait3A_68 : memref<3200xf32, #tpu.memory_space<vmem_shared>>) dst(%dma_wait3A_67 : memref<3200xf32, #tpu.memory_space<hbm>>)
        tpu.yield
      }) : () -> ()
    } else {
    }
    return
  }
}

#map = affine_map<(d0, d1) -> (0, 0)>
#map1 = affine_map<(d0, d1) -> (0, 0, 0)>
module attributes {stable_mosaic.version = 14 : i64} {
  func.func @_sc_segsum(%arg0: i32, %arg1: i32, %arg2: memref<50000x32xf32, #tpu.memory_space<hbm>>, %arg3: memref<50000x32xf32, #tpu.memory_space<hbm>>, %arg4: memref<6272x128xi32, #tpu.memory_space<hbm>>, %arg5: memref<6272x128xi32, #tpu.memory_space<hbm>>, %arg6: memref<51200x32xf32, #tpu.memory_space<hbm>>, %arg7: memref<2x51200x32xf32, #tpu.memory_space<hbm>>, %arg8: memref<4x128xi32, #tpu.memory_space<vmem>>, %arg9: memref<4x128xi32, #tpu.memory_space<vmem>>, %arg10: memref<512x32xf32, #tpu.memory_space<vmem>>, %arg11: memref<51200x32xf32, #tpu.memory_space<vmem_shared>>, %arg12: memref<!tpu.dma_semaphore, #tpu.memory_space<semaphore_mem>>, %arg13: memref<!tpu.dma_semaphore, #tpu.memory_space<semaphore_mem>>, %arg14: memref<!tpu.dma_semaphore, #tpu.memory_space<semaphore_mem>>) attributes {dimension_semantics = [#tpu.dimension_semantics<core_parallel>, #tpu.dimension_semantics<subcore_parallel>], iteration_bounds = array<i64: 2, 16>, scalar_prefetch = 0 : i64, scratch_operands = 7 : i64, tpu.core_type = #tpu.core_type<sc_vector_subcore>, window_params = [{transform_indices = #map}, {transform_indices = #map}, {transform_indices = #map}, {transform_indices = #map}, {transform_indices = #map}, {transform_indices = #map1}]} {
    %eq3A = arith.constant 0 : i32
    %eq3A_0 = arith.cmpi eq, %arg0, %eq3A : i32
    %convert_element_type3A = arith.extui %eq3A_0 : i1 to i32
    %cond3A = arith.constant 0 : i32
    %cond3A_1 = arith.cmpi ne, %convert_element_type3A, %cond3A : i32
    scf.if %cond3A_1 {
      %mul3A = arith.constant 3200 : i32
      %mul3A_7 = arith.muli %arg1, %mul3A : i32
      "tpu.region"() ({
        %run_scoped3A_13 = tpu.sem_alloc : memref<!tpu.dma_semaphore, #tpu.memory_space<semaphore_mem>>
        %dma_start3A = arith.constant 0 : i32
        %dma_start3A_14 = tpu.memref_slice %arg11[%mul3A_7, %dma_start3A] : memref<51200x32xf32, #tpu.memory_space<vmem_shared>> -> memref<3200x32xf32, #tpu.memory_space<vmem_shared>>
        %dma_start3A_15 = arith.constant 0 : i32
        %dma_start3A_16 = tpu.memref_slice %arg6[%mul3A_7, %dma_start3A_15] : memref<51200x32xf32, #tpu.memory_space<hbm>> -> memref<3200x32xf32, #tpu.memory_space<hbm>>
        tpu.enqueue_dma source(%dma_start3A_16 : memref<3200x32xf32, #tpu.memory_space<hbm>>) target(%dma_start3A_14 : memref<3200x32xf32, #tpu.memory_space<vmem_shared>>) target_semaphore(%run_scoped3A_13 : memref<!tpu.dma_semaphore, #tpu.memory_space<semaphore_mem>>)
        %dma_wait3A = arith.constant 0 : i32
        %dma_wait3A_17 = tpu.memref_slice %arg11[%mul3A_7, %dma_wait3A] : memref<51200x32xf32, #tpu.memory_space<vmem_shared>> -> memref<3200x32xf32, #tpu.memory_space<vmem_shared>>
        %dma_wait3A_18 = arith.constant 0 : i32
        %dma_wait3A_19 = tpu.memref_slice %arg6[%mul3A_7, %dma_wait3A_18] : memref<51200x32xf32, #tpu.memory_space<hbm>> -> memref<3200x32xf32, #tpu.memory_space<hbm>>
        tpu.wait_dma2 semaphore(%run_scoped3A_13 : memref<!tpu.dma_semaphore, #tpu.memory_space<semaphore_mem>>) src(%dma_wait3A_19 : memref<3200x32xf32, #tpu.memory_space<hbm>>) dst(%dma_wait3A_17 : memref<3200x32xf32, #tpu.memory_space<vmem_shared>>)
        tpu.yield
      }) : () -> ()
      %barrier3A = arith.constant 0 : index
      tpu.barrier barrier_id(%barrier3A)
      %scan3A = arith.constant 0 : i32
      %scan3A_8 = arith.constant 98 : i32
      %scan3A_9 = arith.addi %scan3A, %scan3A_8 : i32
      %scan3A_10 = arith.constant 1 : i32
      scf.for %scan3A_13 = %scan3A to %scan3A_9 step %scan3A_10  : i32 {
        %mul3A_14 = arith.constant 392 : i32
        %mul3A_15 = arith.muli %arg1, %mul3A_14 : i32
        %mul3A_16 = arith.constant 4 : i32
        %mul3A_17 = arith.muli %scan3A_13, %mul3A_16 : i32
        %add3A = arith.addi %mul3A_15, %mul3A_17 : i32
        %dma_start3A = arith.constant 0 : i32
        %dma_start3A_18 = tpu.memref_slice %arg4[%add3A, %dma_start3A] : memref<6272x128xi32, #tpu.memory_space<hbm>> -> memref<4x128xi32, #tpu.memory_space<hbm>>
        %dma_start3A_19 = arith.constant 0 : i32
        %dma_start3A_20 = tpu.memref_slice %arg4[%add3A, %dma_start3A_19] : memref<6272x128xi32, #tpu.memory_space<hbm>> -> memref<4x128xi32, #tpu.memory_space<hbm>>
        tpu.enqueue_dma source(%dma_start3A_20 : memref<4x128xi32, #tpu.memory_space<hbm>>) target(%arg8 : memref<4x128xi32, #tpu.memory_space<vmem>>) target_semaphore(%arg12 : memref<!tpu.dma_semaphore, #tpu.memory_space<semaphore_mem>>)
        %dma_start3A_21 = arith.constant 0 : i32
        %dma_start3A_22 = tpu.memref_slice %arg5[%add3A, %dma_start3A_21] : memref<6272x128xi32, #tpu.memory_space<hbm>> -> memref<4x128xi32, #tpu.memory_space<hbm>>
        %dma_start3A_23 = arith.constant 0 : i32
        %dma_start3A_24 = tpu.memref_slice %arg5[%add3A, %dma_start3A_23] : memref<6272x128xi32, #tpu.memory_space<hbm>> -> memref<4x128xi32, #tpu.memory_space<hbm>>
        tpu.enqueue_dma source(%dma_start3A_24 : memref<4x128xi32, #tpu.memory_space<hbm>>) target(%arg9 : memref<4x128xi32, #tpu.memory_space<vmem>>) target_semaphore(%arg12 : memref<!tpu.dma_semaphore, #tpu.memory_space<semaphore_mem>>)
        %dma_wait3A = arith.constant 0 : i32
        %dma_wait3A_25 = tpu.memref_slice %arg4[%add3A, %dma_wait3A] : memref<6272x128xi32, #tpu.memory_space<hbm>> -> memref<4x128xi32, #tpu.memory_space<hbm>>
        %dma_wait3A_26 = arith.constant 0 : i32
        %dma_wait3A_27 = tpu.memref_slice %arg4[%add3A, %dma_wait3A_26] : memref<6272x128xi32, #tpu.memory_space<hbm>> -> memref<4x128xi32, #tpu.memory_space<hbm>>
        tpu.wait_dma2 semaphore(%arg12 : memref<!tpu.dma_semaphore, #tpu.memory_space<semaphore_mem>>) src(%dma_wait3A_27 : memref<4x128xi32, #tpu.memory_space<hbm>>) dst(%arg8 : memref<4x128xi32, #tpu.memory_space<vmem>>)
        %dma_wait3A_28 = arith.constant 0 : i32
        %dma_wait3A_29 = tpu.memref_slice %arg5[%add3A, %dma_wait3A_28] : memref<6272x128xi32, #tpu.memory_space<hbm>> -> memref<4x128xi32, #tpu.memory_space<hbm>>
        %dma_wait3A_30 = arith.constant 0 : i32
        %dma_wait3A_31 = tpu.memref_slice %arg5[%add3A, %dma_wait3A_30] : memref<6272x128xi32, #tpu.memory_space<hbm>> -> memref<4x128xi32, #tpu.memory_space<hbm>>
        tpu.wait_dma2 semaphore(%arg12 : memref<!tpu.dma_semaphore, #tpu.memory_space<semaphore_mem>>) src(%dma_wait3A_31 : memref<4x128xi32, #tpu.memory_space<hbm>>) dst(%arg9 : memref<4x128xi32, #tpu.memory_space<vmem>>)
        %dma_start3A_32 = arith.constant 0 : i32
        %dma_start3A_33 = arith.constant 0 : i32
        %dma_start3A_34 = arith.constant 0 : i32
        %dma_start3A_35 = tpu.memref_slice %arg10[%dma_start3A_33, %dma_start3A_34] : memref<512x32xf32, #tpu.memory_space<vmem>> -> memref<128x32xf32, #tpu.memory_space<vmem>>
        %dma_start3A_36 = arith.constant 0 : i32
        %dma_start3A_37 = tpu.memref_slice %arg8[%dma_start3A_32, %dma_start3A_36] : memref<4x128xi32, #tpu.memory_space<vmem>> -> memref<1x128xi32, #tpu.memory_space<vmem>>
        %dma_start3A_38 = tpu.memref_squeeze %dma_start3A_37 : memref<1x128xi32, #tpu.memory_space<vmem>> -> memref<128xi32, #tpu.memory_space<vmem>>
        %dma_start3A_39 = arith.constant 0 : i32
        %dma_start3A_40 = arith.constant 0 : i32
        %dma_start3A_41 = tpu.memref_slice %arg2[%dma_start3A_39, %dma_start3A_40] : memref<50000x32xf32, #tpu.memory_space<hbm>> -> memref<50000x32xf32, #tpu.memory_space<hbm>>
        tpu.enqueue_indirect_dma source(%dma_start3A_41 : memref<50000x32xf32, #tpu.memory_space<hbm>>) target(%dma_start3A_35 : memref<128x32xf32, #tpu.memory_space<vmem>>) offsets(%dma_start3A_38 : memref<128xi32, #tpu.memory_space<vmem>>) semaphore(%arg13 : memref<!tpu.dma_semaphore, #tpu.memory_space<semaphore_mem>>)
        %dma_start3A_42 = arith.constant 1 : i32
        %dma_start3A_43 = arith.constant 128 : i32
        %dma_start3A_44 = arith.constant 0 : i32
        %dma_start3A_45 = tpu.memref_slice %arg10[%dma_start3A_43, %dma_start3A_44] : memref<512x32xf32, #tpu.memory_space<vmem>> -> memref<128x32xf32, #tpu.memory_space<vmem>>
        %dma_start3A_46 = arith.constant 0 : i32
        %dma_start3A_47 = tpu.memref_slice %arg8[%dma_start3A_42, %dma_start3A_46] : memref<4x128xi32, #tpu.memory_space<vmem>> -> memref<1x128xi32, #tpu.memory_space<vmem>>
        %dma_start3A_48 = tpu.memref_squeeze %dma_start3A_47 : memref<1x128xi32, #tpu.memory_space<vmem>> -> memref<128xi32, #tpu.memory_space<vmem>>
        %dma_start3A_49 = arith.constant 0 : i32
        %dma_start3A_50 = arith.constant 0 : i32
        %dma_start3A_51 = tpu.memref_slice %arg2[%dma_start3A_49, %dma_start3A_50] : memref<50000x32xf32, #tpu.memory_space<hbm>> -> memref<50000x32xf32, #tpu.memory_space<hbm>>
        tpu.enqueue_indirect_dma source(%dma_start3A_51 : memref<50000x32xf32, #tpu.memory_space<hbm>>) target(%dma_start3A_45 : memref<128x32xf32, #tpu.memory_space<vmem>>) offsets(%dma_start3A_48 : memref<128xi32, #tpu.memory_space<vmem>>) semaphore(%arg13 : memref<!tpu.dma_semaphore, #tpu.memory_space<semaphore_mem>>)
        %dma_start3A_52 = arith.constant 2 : i32
        %dma_start3A_53 = arith.constant 256 : i32
        %dma_start3A_54 = arith.constant 0 : i32
        %dma_start3A_55 = tpu.memref_slice %arg10[%dma_start3A_53, %dma_start3A_54] : memref<512x32xf32, #tpu.memory_space<vmem>> -> memref<128x32xf32, #tpu.memory_space<vmem>>
        %dma_start3A_56 = arith.constant 0 : i32
        %dma_start3A_57 = tpu.memref_slice %arg8[%dma_start3A_52, %dma_start3A_56] : memref<4x128xi32, #tpu.memory_space<vmem>> -> memref<1x128xi32, #tpu.memory_space<vmem>>
        %dma_start3A_58 = tpu.memref_squeeze %dma_start3A_57 : memref<1x128xi32, #tpu.memory_space<vmem>> -> memref<128xi32, #tpu.memory_space<vmem>>
        %dma_start3A_59 = arith.constant 0 : i32
        %dma_start3A_60 = arith.constant 0 : i32
        %dma_start3A_61 = tpu.memref_slice %arg2[%dma_start3A_59, %dma_start3A_60] : memref<50000x32xf32, #tpu.memory_space<hbm>> -> memref<50000x32xf32, #tpu.memory_space<hbm>>
        tpu.enqueue_indirect_dma source(%dma_start3A_61 : memref<50000x32xf32, #tpu.memory_space<hbm>>) target(%dma_start3A_55 : memref<128x32xf32, #tpu.memory_space<vmem>>) offsets(%dma_start3A_58 : memref<128xi32, #tpu.memory_space<vmem>>) semaphore(%arg13 : memref<!tpu.dma_semaphore, #tpu.memory_space<semaphore_mem>>)
        %dma_start3A_62 = arith.constant 3 : i32
        %dma_start3A_63 = arith.constant 384 : i32
        %dma_start3A_64 = arith.constant 0 : i32
        %dma_start3A_65 = tpu.memref_slice %arg10[%dma_start3A_63, %dma_start3A_64] : memref<512x32xf32, #tpu.memory_space<vmem>> -> memref<128x32xf32, #tpu.memory_space<vmem>>
        %dma_start3A_66 = arith.constant 0 : i32
        %dma_start3A_67 = tpu.memref_slice %arg8[%dma_start3A_62, %dma_start3A_66] : memref<4x128xi32, #tpu.memory_space<vmem>> -> memref<1x128xi32, #tpu.memory_space<vmem>>
        %dma_start3A_68 = tpu.memref_squeeze %dma_start3A_67 : memref<1x128xi32, #tpu.memory_space<vmem>> -> memref<128xi32, #tpu.memory_space<vmem>>
        %dma_start3A_69 = arith.constant 0 : i32
        %dma_start3A_70 = arith.constant 0 : i32
        %dma_start3A_71 = tpu.memref_slice %arg2[%dma_start3A_69, %dma_start3A_70] : memref<50000x32xf32, #tpu.memory_space<hbm>> -> memref<50000x32xf32, #tpu.memory_space<hbm>>
        tpu.enqueue_indirect_dma source(%dma_start3A_71 : memref<50000x32xf32, #tpu.memory_space<hbm>>) target(%dma_start3A_65 : memref<128x32xf32, #tpu.memory_space<vmem>>) offsets(%dma_start3A_68 : memref<128xi32, #tpu.memory_space<vmem>>) semaphore(%arg13 : memref<!tpu.dma_semaphore, #tpu.memory_space<semaphore_mem>>)
        %dma_wait3A_72 = arith.constant 0 : i32
        %dma_wait3A_73 = arith.constant 0 : i32
        %dma_wait3A_74 = arith.constant 0 : i32
        %dma_wait3A_75 = tpu.memref_slice %arg10[%dma_wait3A_73, %dma_wait3A_74] : memref<512x32xf32, #tpu.memory_space<vmem>> -> memref<128x32xf32, #tpu.memory_space<vmem>>
        %dma_wait3A_76 = arith.constant 0 : i32
        %dma_wait3A_77 = tpu.memref_slice %arg8[%dma_wait3A_72, %dma_wait3A_76] : memref<4x128xi32, #tpu.memory_space<vmem>> -> memref<1x128xi32, #tpu.memory_space<vmem>>
        %dma_wait3A_78 = tpu.memref_squeeze %dma_wait3A_77 : memref<1x128xi32, #tpu.memory_space<vmem>> -> memref<128xi32, #tpu.memory_space<vmem>>
        %dma_wait3A_79 = arith.constant 0 : i32
        %dma_wait3A_80 = arith.constant 0 : i32
        %dma_wait3A_81 = tpu.memref_slice %arg2[%dma_wait3A_79, %dma_wait3A_80] : memref<50000x32xf32, #tpu.memory_space<hbm>> -> memref<50000x32xf32, #tpu.memory_space<hbm>>
        tpu.wait_indirect_dma semaphore(%arg13 : memref<!tpu.dma_semaphore, #tpu.memory_space<semaphore_mem>>) src(%dma_wait3A_81 : memref<50000x32xf32, #tpu.memory_space<hbm>>) dst(%dma_wait3A_75 : memref<128x32xf32, #tpu.memory_space<vmem>>)
        %dma_wait3A_82 = arith.constant 1 : i32
        %dma_wait3A_83 = arith.constant 128 : i32
        %dma_wait3A_84 = arith.constant 0 : i32
        %dma_wait3A_85 = tpu.memref_slice %arg10[%dma_wait3A_83, %dma_wait3A_84] : memref<512x32xf32, #tpu.memory_space<vmem>> -> memref<128x32xf32, #tpu.memory_space<vmem>>
        %dma_wait3A_86 = arith.constant 0 : i32
        %dma_wait3A_87 = tpu.memref_slice %arg8[%dma_wait3A_82, %dma_wait3A_86] : memref<4x128xi32, #tpu.memory_space<vmem>> -> memref<1x128xi32, #tpu.memory_space<vmem>>
        %dma_wait3A_88 = tpu.memref_squeeze %dma_wait3A_87 : memref<1x128xi32, #tpu.memory_space<vmem>> -> memref<128xi32, #tpu.memory_space<vmem>>
        %dma_wait3A_89 = arith.constant 0 : i32
        %dma_wait3A_90 = arith.constant 0 : i32
        %dma_wait3A_91 = tpu.memref_slice %arg2[%dma_wait3A_89, %dma_wait3A_90] : memref<50000x32xf32, #tpu.memory_space<hbm>> -> memref<50000x32xf32, #tpu.memory_space<hbm>>
        tpu.wait_indirect_dma semaphore(%arg13 : memref<!tpu.dma_semaphore, #tpu.memory_space<semaphore_mem>>) src(%dma_wait3A_91 : memref<50000x32xf32, #tpu.memory_space<hbm>>) dst(%dma_wait3A_85 : memref<128x32xf32, #tpu.memory_space<vmem>>)
        %dma_wait3A_92 = arith.constant 2 : i32
        %dma_wait3A_93 = arith.constant 256 : i32
        %dma_wait3A_94 = arith.constant 0 : i32
        %dma_wait3A_95 = tpu.memref_slice %arg10[%dma_wait3A_93, %dma_wait3A_94] : memref<512x32xf32, #tpu.memory_space<vmem>> -> memref<128x32xf32, #tpu.memory_space<vmem>>
        %dma_wait3A_96 = arith.constant 0 : i32
        %dma_wait3A_97 = tpu.memref_slice %arg8[%dma_wait3A_92, %dma_wait3A_96] : memref<4x128xi32, #tpu.memory_space<vmem>> -> memref<1x128xi32, #tpu.memory_space<vmem>>
        %dma_wait3A_98 = tpu.memref_squeeze %dma_wait3A_97 : memref<1x128xi32, #tpu.memory_space<vmem>> -> memref<128xi32, #tpu.memory_space<vmem>>
        %dma_wait3A_99 = arith.constant 0 : i32
        %dma_wait3A_100 = arith.constant 0 : i32
        %dma_wait3A_101 = tpu.memref_slice %arg2[%dma_wait3A_99, %dma_wait3A_100] : memref<50000x32xf32, #tpu.memory_space<hbm>> -> memref<50000x32xf32, #tpu.memory_space<hbm>>
        tpu.wait_indirect_dma semaphore(%arg13 : memref<!tpu.dma_semaphore, #tpu.memory_space<semaphore_mem>>) src(%dma_wait3A_101 : memref<50000x32xf32, #tpu.memory_space<hbm>>) dst(%dma_wait3A_95 : memref<128x32xf32, #tpu.memory_space<vmem>>)
        %dma_wait3A_102 = arith.constant 3 : i32
        %dma_wait3A_103 = arith.constant 384 : i32
        %dma_wait3A_104 = arith.constant 0 : i32
        %dma_wait3A_105 = tpu.memref_slice %arg10[%dma_wait3A_103, %dma_wait3A_104] : memref<512x32xf32, #tpu.memory_space<vmem>> -> memref<128x32xf32, #tpu.memory_space<vmem>>
        %dma_wait3A_106 = arith.constant 0 : i32
        %dma_wait3A_107 = tpu.memref_slice %arg8[%dma_wait3A_102, %dma_wait3A_106] : memref<4x128xi32, #tpu.memory_space<vmem>> -> memref<1x128xi32, #tpu.memory_space<vmem>>
        %dma_wait3A_108 = tpu.memref_squeeze %dma_wait3A_107 : memref<1x128xi32, #tpu.memory_space<vmem>> -> memref<128xi32, #tpu.memory_space<vmem>>
        %dma_wait3A_109 = arith.constant 0 : i32
        %dma_wait3A_110 = arith.constant 0 : i32
        %dma_wait3A_111 = tpu.memref_slice %arg2[%dma_wait3A_109, %dma_wait3A_110] : memref<50000x32xf32, #tpu.memory_space<hbm>> -> memref<50000x32xf32, #tpu.memory_space<hbm>>
        tpu.wait_indirect_dma semaphore(%arg13 : memref<!tpu.dma_semaphore, #tpu.memory_space<semaphore_mem>>) src(%dma_wait3A_111 : memref<50000x32xf32, #tpu.memory_space<hbm>>) dst(%dma_wait3A_105 : memref<128x32xf32, #tpu.memory_space<vmem>>)
        %dma_start3A_112 = arith.constant 0 : i32
        %dma_start3A_113 = arith.constant 0 : i32
        %dma_start3A_114 = arith.constant 0 : i32
        %dma_start3A_115 = tpu.memref_slice %arg10[%dma_start3A_113, %dma_start3A_114] : memref<512x32xf32, #tpu.memory_space<vmem>> -> memref<128x32xf32, #tpu.memory_space<vmem>>
        %dma_start3A_116 = arith.constant 0 : i32
        %dma_start3A_117 = tpu.memref_slice %arg9[%dma_start3A_112, %dma_start3A_116] : memref<4x128xi32, #tpu.memory_space<vmem>> -> memref<1x128xi32, #tpu.memory_space<vmem>>
        %dma_start3A_118 = tpu.memref_squeeze %dma_start3A_117 : memref<1x128xi32, #tpu.memory_space<vmem>> -> memref<128xi32, #tpu.memory_space<vmem>>
        %dma_start3A_119 = arith.constant 0 : i32
        %dma_start3A_120 = arith.constant 0 : i32
        %dma_start3A_121 = tpu.memref_slice %arg11[%dma_start3A_119, %dma_start3A_120] : memref<51200x32xf32, #tpu.memory_space<vmem_shared>> -> memref<51200x32xf32, #tpu.memory_space<vmem_shared>>
        tpu.enqueue_indirect_dma source(%dma_start3A_115 : memref<128x32xf32, #tpu.memory_space<vmem>>) target(%dma_start3A_121 : memref<51200x32xf32, #tpu.memory_space<vmem_shared>>) offsets(%dma_start3A_118 : memref<128xi32, #tpu.memory_space<vmem>>) semaphore(%arg14 : memref<!tpu.dma_semaphore, #tpu.memory_space<semaphore_mem>>) {add = true}
        %dma_start3A_122 = arith.constant 1 : i32
        %dma_start3A_123 = arith.constant 128 : i32
        %dma_start3A_124 = arith.constant 0 : i32
        %dma_start3A_125 = tpu.memref_slice %arg10[%dma_start3A_123, %dma_start3A_124] : memref<512x32xf32, #tpu.memory_space<vmem>> -> memref<128x32xf32, #tpu.memory_space<vmem>>
        %dma_start3A_126 = arith.constant 0 : i32
        %dma_start3A_127 = tpu.memref_slice %arg9[%dma_start3A_122, %dma_start3A_126] : memref<4x128xi32, #tpu.memory_space<vmem>> -> memref<1x128xi32, #tpu.memory_space<vmem>>
        %dma_start3A_128 = tpu.memref_squeeze %dma_start3A_127 : memref<1x128xi32, #tpu.memory_space<vmem>> -> memref<128xi32, #tpu.memory_space<vmem>>
        %dma_start3A_129 = arith.constant 0 : i32
        %dma_start3A_130 = arith.constant 0 : i32
        %dma_start3A_131 = tpu.memref_slice %arg11[%dma_start3A_129, %dma_start3A_130] : memref<51200x32xf32, #tpu.memory_space<vmem_shared>> -> memref<51200x32xf32, #tpu.memory_space<vmem_shared>>
        tpu.enqueue_indirect_dma source(%dma_start3A_125 : memref<128x32xf32, #tpu.memory_space<vmem>>) target(%dma_start3A_131 : memref<51200x32xf32, #tpu.memory_space<vmem_shared>>) offsets(%dma_start3A_128 : memref<128xi32, #tpu.memory_space<vmem>>) semaphore(%arg14 : memref<!tpu.dma_semaphore, #tpu.memory_space<semaphore_mem>>) {add = true}
        %dma_start3A_132 = arith.constant 2 : i32
        %dma_start3A_133 = arith.constant 256 : i32
        %dma_start3A_134 = arith.constant 0 : i32
        %dma_start3A_135 = tpu.memref_slice %arg10[%dma_start3A_133, %dma_start3A_134] : memref<512x32xf32, #tpu.memory_space<vmem>> -> memref<128x32xf32, #tpu.memory_space<vmem>>
        %dma_start3A_136 = arith.constant 0 : i32
        %dma_start3A_137 = tpu.memref_slice %arg9[%dma_start3A_132, %dma_start3A_136] : memref<4x128xi32, #tpu.memory_space<vmem>> -> memref<1x128xi32, #tpu.memory_space<vmem>>
        %dma_start3A_138 = tpu.memref_squeeze %dma_start3A_137 : memref<1x128xi32, #tpu.memory_space<vmem>> -> memref<128xi32, #tpu.memory_space<vmem>>
        %dma_start3A_139 = arith.constant 0 : i32
        %dma_start3A_140 = arith.constant 0 : i32
        %dma_start3A_141 = tpu.memref_slice %arg11[%dma_start3A_139, %dma_start3A_140] : memref<51200x32xf32, #tpu.memory_space<vmem_shared>> -> memref<51200x32xf32, #tpu.memory_space<vmem_shared>>
        tpu.enqueue_indirect_dma source(%dma_start3A_135 : memref<128x32xf32, #tpu.memory_space<vmem>>) target(%dma_start3A_141 : memref<51200x32xf32, #tpu.memory_space<vmem_shared>>) offsets(%dma_start3A_138 : memref<128xi32, #tpu.memory_space<vmem>>) semaphore(%arg14 : memref<!tpu.dma_semaphore, #tpu.memory_space<semaphore_mem>>) {add = true}
        %dma_start3A_142 = arith.constant 3 : i32
        %dma_start3A_143 = arith.constant 384 : i32
        %dma_start3A_144 = arith.constant 0 : i32
        %dma_start3A_145 = tpu.memref_slice %arg10[%dma_start3A_143, %dma_start3A_144] : memref<512x32xf32, #tpu.memory_space<vmem>> -> memref<128x32xf32, #tpu.memory_space<vmem>>
        %dma_start3A_146 = arith.constant 0 : i32
        %dma_start3A_147 = tpu.memref_slice %arg9[%dma_start3A_142, %dma_start3A_146] : memref<4x128xi32, #tpu.memory_space<vmem>> -> memref<1x128xi32, #tpu.memory_space<vmem>>
        %dma_start3A_148 = tpu.memref_squeeze %dma_start3A_147 : memref<1x128xi32, #tpu.memory_space<vmem>> -> memref<128xi32, #tpu.memory_space<vmem>>
        %dma_start3A_149 = arith.constant 0 : i32
        %dma_start3A_150 = arith.constant 0 : i32
        %dma_start3A_151 = tpu.memref_slice %arg11[%dma_start3A_149, %dma_start3A_150] : memref<51200x32xf32, #tpu.memory_space<vmem_shared>> -> memref<51200x32xf32, #tpu.memory_space<vmem_shared>>
        tpu.enqueue_indirect_dma source(%dma_start3A_145 : memref<128x32xf32, #tpu.memory_space<vmem>>) target(%dma_start3A_151 : memref<51200x32xf32, #tpu.memory_space<vmem_shared>>) offsets(%dma_start3A_148 : memref<128xi32, #tpu.memory_space<vmem>>) semaphore(%arg14 : memref<!tpu.dma_semaphore, #tpu.memory_space<semaphore_mem>>) {add = true}
        %dma_wait3A_152 = arith.constant 0 : i32
        %dma_wait3A_153 = arith.constant 0 : i32
        %dma_wait3A_154 = arith.constant 0 : i32
        %dma_wait3A_155 = tpu.memref_slice %arg10[%dma_wait3A_153, %dma_wait3A_154] : memref<512x32xf32, #tpu.memory_space<vmem>> -> memref<128x32xf32, #tpu.memory_space<vmem>>
        %dma_wait3A_156 = arith.constant 0 : i32
        %dma_wait3A_157 = tpu.memref_slice %arg9[%dma_wait3A_152, %dma_wait3A_156] : memref<4x128xi32, #tpu.memory_space<vmem>> -> memref<1x128xi32, #tpu.memory_space<vmem>>
        %dma_wait3A_158 = tpu.memref_squeeze %dma_wait3A_157 : memref<1x128xi32, #tpu.memory_space<vmem>> -> memref<128xi32, #tpu.memory_space<vmem>>
        %dma_wait3A_159 = arith.constant 0 : i32
        %dma_wait3A_160 = arith.constant 0 : i32
        %dma_wait3A_161 = tpu.memref_slice %arg11[%dma_wait3A_159, %dma_wait3A_160] : memref<51200x32xf32, #tpu.memory_space<vmem_shared>> -> memref<51200x32xf32, #tpu.memory_space<vmem_shared>>
        tpu.wait_indirect_dma semaphore(%arg14 : memref<!tpu.dma_semaphore, #tpu.memory_space<semaphore_mem>>) src(%dma_wait3A_155 : memref<128x32xf32, #tpu.memory_space<vmem>>) dst(%dma_wait3A_161 : memref<51200x32xf32, #tpu.memory_space<vmem_shared>>)
        %dma_wait3A_162 = arith.constant 1 : i32
        %dma_wait3A_163 = arith.constant 128 : i32
        %dma_wait3A_164 = arith.constant 0 : i32
        %dma_wait3A_165 = tpu.memref_slice %arg10[%dma_wait3A_163, %dma_wait3A_164] : memref<512x32xf32, #tpu.memory_space<vmem>> -> memref<128x32xf32, #tpu.memory_space<vmem>>
        %dma_wait3A_166 = arith.constant 0 : i32
        %dma_wait3A_167 = tpu.memref_slice %arg9[%dma_wait3A_162, %dma_wait3A_166] : memref<4x128xi32, #tpu.memory_space<vmem>> -> memref<1x128xi32, #tpu.memory_space<vmem>>
        %dma_wait3A_168 = tpu.memref_squeeze %dma_wait3A_167 : memref<1x128xi32, #tpu.memory_space<vmem>> -> memref<128xi32, #tpu.memory_space<vmem>>
        %dma_wait3A_169 = arith.constant 0 : i32
        %dma_wait3A_170 = arith.constant 0 : i32
        %dma_wait3A_171 = tpu.memref_slice %arg11[%dma_wait3A_169, %dma_wait3A_170] : memref<51200x32xf32, #tpu.memory_space<vmem_shared>> -> memref<51200x32xf32, #tpu.memory_space<vmem_shared>>
        tpu.wait_indirect_dma semaphore(%arg14 : memref<!tpu.dma_semaphore, #tpu.memory_space<semaphore_mem>>) src(%dma_wait3A_165 : memref<128x32xf32, #tpu.memory_space<vmem>>) dst(%dma_wait3A_171 : memref<51200x32xf32, #tpu.memory_space<vmem_shared>>)
        %dma_wait3A_172 = arith.constant 2 : i32
        %dma_wait3A_173 = arith.constant 256 : i32
        %dma_wait3A_174 = arith.constant 0 : i32
        %dma_wait3A_175 = tpu.memref_slice %arg10[%dma_wait3A_173, %dma_wait3A_174] : memref<512x32xf32, #tpu.memory_space<vmem>> -> memref<128x32xf32, #tpu.memory_space<vmem>>
        %dma_wait3A_176 = arith.constant 0 : i32
        %dma_wait3A_177 = tpu.memref_slice %arg9[%dma_wait3A_172, %dma_wait3A_176] : memref<4x128xi32, #tpu.memory_space<vmem>> -> memref<1x128xi32, #tpu.memory_space<vmem>>
        %dma_wait3A_178 = tpu.memref_squeeze %dma_wait3A_177 : memref<1x128xi32, #tpu.memory_space<vmem>> -> memref<128xi32, #tpu.memory_space<vmem>>
        %dma_wait3A_179 = arith.constant 0 : i32
        %dma_wait3A_180 = arith.constant 0 : i32
        %dma_wait3A_181 = tpu.memref_slice %arg11[%dma_wait3A_179, %dma_wait3A_180] : memref<51200x32xf32, #tpu.memory_space<vmem_shared>> -> memref<51200x32xf32, #tpu.memory_space<vmem_shared>>
        tpu.wait_indirect_dma semaphore(%arg14 : memref<!tpu.dma_semaphore, #tpu.memory_space<semaphore_mem>>) src(%dma_wait3A_175 : memref<128x32xf32, #tpu.memory_space<vmem>>) dst(%dma_wait3A_181 : memref<51200x32xf32, #tpu.memory_space<vmem_shared>>)
        %dma_wait3A_182 = arith.constant 3 : i32
        %dma_wait3A_183 = arith.constant 384 : i32
        %dma_wait3A_184 = arith.constant 0 : i32
        %dma_wait3A_185 = tpu.memref_slice %arg10[%dma_wait3A_183, %dma_wait3A_184] : memref<512x32xf32, #tpu.memory_space<vmem>> -> memref<128x32xf32, #tpu.memory_space<vmem>>
        %dma_wait3A_186 = arith.constant 0 : i32
        %dma_wait3A_187 = tpu.memref_slice %arg9[%dma_wait3A_182, %dma_wait3A_186] : memref<4x128xi32, #tpu.memory_space<vmem>> -> memref<1x128xi32, #tpu.memory_space<vmem>>
        %dma_wait3A_188 = tpu.memref_squeeze %dma_wait3A_187 : memref<1x128xi32, #tpu.memory_space<vmem>> -> memref<128xi32, #tpu.memory_space<vmem>>
        %dma_wait3A_189 = arith.constant 0 : i32
        %dma_wait3A_190 = arith.constant 0 : i32
        %dma_wait3A_191 = tpu.memref_slice %arg11[%dma_wait3A_189, %dma_wait3A_190] : memref<51200x32xf32, #tpu.memory_space<vmem_shared>> -> memref<51200x32xf32, #tpu.memory_space<vmem_shared>>
        tpu.wait_indirect_dma semaphore(%arg14 : memref<!tpu.dma_semaphore, #tpu.memory_space<semaphore_mem>>) src(%dma_wait3A_185 : memref<128x32xf32, #tpu.memory_space<vmem>>) dst(%dma_wait3A_191 : memref<51200x32xf32, #tpu.memory_space<vmem_shared>>)
      }
      %scan3A_11 = arith.constant 98 : i32
      %barrier3A_12 = arith.constant 0 : index
      tpu.barrier barrier_id(%barrier3A_12)
      %run_scoped3A = arith.constant 0 : i32
      "tpu.region"() ({
        %run_scoped3A_13 = tpu.sem_alloc : memref<!tpu.dma_semaphore, #tpu.memory_space<semaphore_mem>>
        %dma_start3A = arith.constant 0 : i32
        %dma_start3A_14 = arith.constant 0 : i32
        %dma_start3A_15 = tpu.memref_slice %arg7[%run_scoped3A, %dma_start3A, %dma_start3A_14] : memref<2x51200x32xf32, #tpu.memory_space<hbm>> -> memref<1x51200x32xf32, #tpu.memory_space<hbm>>
        %dma_start3A_16 = tpu.memref_squeeze %dma_start3A_15 : memref<1x51200x32xf32, #tpu.memory_space<hbm>> -> memref<51200x32xf32, #tpu.memory_space<hbm>>
        %dma_start3A_17 = arith.constant 0 : i32
        %dma_start3A_18 = tpu.memref_slice %dma_start3A_16[%mul3A_7, %dma_start3A_17] : memref<51200x32xf32, #tpu.memory_space<hbm>> -> memref<3200x32xf32, #tpu.memory_space<hbm>>
        %dma_start3A_19 = arith.constant 0 : i32
        %dma_start3A_20 = tpu.memref_slice %arg11[%mul3A_7, %dma_start3A_19] : memref<51200x32xf32, #tpu.memory_space<vmem_shared>> -> memref<3200x32xf32, #tpu.memory_space<vmem_shared>>
        tpu.enqueue_dma source(%dma_start3A_20 : memref<3200x32xf32, #tpu.memory_space<vmem_shared>>) target(%dma_start3A_18 : memref<3200x32xf32, #tpu.memory_space<hbm>>) target_semaphore(%run_scoped3A_13 : memref<!tpu.dma_semaphore, #tpu.memory_space<semaphore_mem>>)
        %dma_wait3A = arith.constant 0 : i32
        %dma_wait3A_21 = arith.constant 0 : i32
        %dma_wait3A_22 = tpu.memref_slice %arg7[%run_scoped3A, %dma_wait3A, %dma_wait3A_21] : memref<2x51200x32xf32, #tpu.memory_space<hbm>> -> memref<1x51200x32xf32, #tpu.memory_space<hbm>>
        %dma_wait3A_23 = tpu.memref_squeeze %dma_wait3A_22 : memref<1x51200x32xf32, #tpu.memory_space<hbm>> -> memref<51200x32xf32, #tpu.memory_space<hbm>>
        %dma_wait3A_24 = arith.constant 0 : i32
        %dma_wait3A_25 = tpu.memref_slice %dma_wait3A_23[%mul3A_7, %dma_wait3A_24] : memref<51200x32xf32, #tpu.memory_space<hbm>> -> memref<3200x32xf32, #tpu.memory_space<hbm>>
        %dma_wait3A_26 = arith.constant 0 : i32
        %dma_wait3A_27 = tpu.memref_slice %arg11[%mul3A_7, %dma_wait3A_26] : memref<51200x32xf32, #tpu.memory_space<vmem_shared>> -> memref<3200x32xf32, #tpu.memory_space<vmem_shared>>
        tpu.wait_dma2 semaphore(%run_scoped3A_13 : memref<!tpu.dma_semaphore, #tpu.memory_space<semaphore_mem>>) src(%dma_wait3A_27 : memref<3200x32xf32, #tpu.memory_space<vmem_shared>>) dst(%dma_wait3A_25 : memref<3200x32xf32, #tpu.memory_space<hbm>>)
        tpu.yield
      }) : () -> ()
    } else {
    }
    %eq3A_2 = arith.constant 1 : i32
    %eq3A_3 = arith.cmpi eq, %arg0, %eq3A_2 : i32
    %convert_element_type3A_4 = arith.extui %eq3A_3 : i1 to i32
    %cond3A_5 = arith.constant 0 : i32
    %cond3A_6 = arith.cmpi ne, %convert_element_type3A_4, %cond3A_5 : i32
    scf.if %cond3A_6 {
      %mul3A = arith.constant 3200 : i32
      %mul3A_7 = arith.muli %arg1, %mul3A : i32
      "tpu.region"() ({
        %run_scoped3A_13 = tpu.sem_alloc : memref<!tpu.dma_semaphore, #tpu.memory_space<semaphore_mem>>
        %dma_start3A = arith.constant 0 : i32
        %dma_start3A_14 = tpu.memref_slice %arg11[%mul3A_7, %dma_start3A] : memref<51200x32xf32, #tpu.memory_space<vmem_shared>> -> memref<3200x32xf32, #tpu.memory_space<vmem_shared>>
        %dma_start3A_15 = arith.constant 0 : i32
        %dma_start3A_16 = tpu.memref_slice %arg6[%mul3A_7, %dma_start3A_15] : memref<51200x32xf32, #tpu.memory_space<hbm>> -> memref<3200x32xf32, #tpu.memory_space<hbm>>
        tpu.enqueue_dma source(%dma_start3A_16 : memref<3200x32xf32, #tpu.memory_space<hbm>>) target(%dma_start3A_14 : memref<3200x32xf32, #tpu.memory_space<vmem_shared>>) target_semaphore(%run_scoped3A_13 : memref<!tpu.dma_semaphore, #tpu.memory_space<semaphore_mem>>)
        %dma_wait3A = arith.constant 0 : i32
        %dma_wait3A_17 = tpu.memref_slice %arg11[%mul3A_7, %dma_wait3A] : memref<51200x32xf32, #tpu.memory_space<vmem_shared>> -> memref<3200x32xf32, #tpu.memory_space<vmem_shared>>
        %dma_wait3A_18 = arith.constant 0 : i32
        %dma_wait3A_19 = tpu.memref_slice %arg6[%mul3A_7, %dma_wait3A_18] : memref<51200x32xf32, #tpu.memory_space<hbm>> -> memref<3200x32xf32, #tpu.memory_space<hbm>>
        tpu.wait_dma2 semaphore(%run_scoped3A_13 : memref<!tpu.dma_semaphore, #tpu.memory_space<semaphore_mem>>) src(%dma_wait3A_19 : memref<3200x32xf32, #tpu.memory_space<hbm>>) dst(%dma_wait3A_17 : memref<3200x32xf32, #tpu.memory_space<vmem_shared>>)
        tpu.yield
      }) : () -> ()
      %barrier3A = arith.constant 0 : index
      tpu.barrier barrier_id(%barrier3A)
      %scan3A = arith.constant 0 : i32
      %scan3A_8 = arith.constant 98 : i32
      %scan3A_9 = arith.addi %scan3A, %scan3A_8 : i32
      %scan3A_10 = arith.constant 1 : i32
      scf.for %scan3A_13 = %scan3A to %scan3A_9 step %scan3A_10  : i32 {
        %mul3A_14 = arith.constant 392 : i32
        %mul3A_15 = arith.muli %arg1, %mul3A_14 : i32
        %mul3A_16 = arith.constant 4 : i32
        %mul3A_17 = arith.muli %scan3A_13, %mul3A_16 : i32
        %add3A = arith.addi %mul3A_15, %mul3A_17 : i32
        %dma_start3A = arith.constant 0 : i32
        %dma_start3A_18 = tpu.memref_slice %arg4[%add3A, %dma_start3A] : memref<6272x128xi32, #tpu.memory_space<hbm>> -> memref<4x128xi32, #tpu.memory_space<hbm>>
        %dma_start3A_19 = arith.constant 0 : i32
        %dma_start3A_20 = tpu.memref_slice %arg4[%add3A, %dma_start3A_19] : memref<6272x128xi32, #tpu.memory_space<hbm>> -> memref<4x128xi32, #tpu.memory_space<hbm>>
        tpu.enqueue_dma source(%dma_start3A_20 : memref<4x128xi32, #tpu.memory_space<hbm>>) target(%arg8 : memref<4x128xi32, #tpu.memory_space<vmem>>) target_semaphore(%arg12 : memref<!tpu.dma_semaphore, #tpu.memory_space<semaphore_mem>>)
        %dma_start3A_21 = arith.constant 0 : i32
        %dma_start3A_22 = tpu.memref_slice %arg5[%add3A, %dma_start3A_21] : memref<6272x128xi32, #tpu.memory_space<hbm>> -> memref<4x128xi32, #tpu.memory_space<hbm>>
        %dma_start3A_23 = arith.constant 0 : i32
        %dma_start3A_24 = tpu.memref_slice %arg5[%add3A, %dma_start3A_23] : memref<6272x128xi32, #tpu.memory_space<hbm>> -> memref<4x128xi32, #tpu.memory_space<hbm>>
        tpu.enqueue_dma source(%dma_start3A_24 : memref<4x128xi32, #tpu.memory_space<hbm>>) target(%arg9 : memref<4x128xi32, #tpu.memory_space<vmem>>) target_semaphore(%arg12 : memref<!tpu.dma_semaphore, #tpu.memory_space<semaphore_mem>>)
        %dma_wait3A = arith.constant 0 : i32
        %dma_wait3A_25 = tpu.memref_slice %arg4[%add3A, %dma_wait3A] : memref<6272x128xi32, #tpu.memory_space<hbm>> -> memref<4x128xi32, #tpu.memory_space<hbm>>
        %dma_wait3A_26 = arith.constant 0 : i32
        %dma_wait3A_27 = tpu.memref_slice %arg4[%add3A, %dma_wait3A_26] : memref<6272x128xi32, #tpu.memory_space<hbm>> -> memref<4x128xi32, #tpu.memory_space<hbm>>
        tpu.wait_dma2 semaphore(%arg12 : memref<!tpu.dma_semaphore, #tpu.memory_space<semaphore_mem>>) src(%dma_wait3A_27 : memref<4x128xi32, #tpu.memory_space<hbm>>) dst(%arg8 : memref<4x128xi32, #tpu.memory_space<vmem>>)
        %dma_wait3A_28 = arith.constant 0 : i32
        %dma_wait3A_29 = tpu.memref_slice %arg5[%add3A, %dma_wait3A_28] : memref<6272x128xi32, #tpu.memory_space<hbm>> -> memref<4x128xi32, #tpu.memory_space<hbm>>
        %dma_wait3A_30 = arith.constant 0 : i32
        %dma_wait3A_31 = tpu.memref_slice %arg5[%add3A, %dma_wait3A_30] : memref<6272x128xi32, #tpu.memory_space<hbm>> -> memref<4x128xi32, #tpu.memory_space<hbm>>
        tpu.wait_dma2 semaphore(%arg12 : memref<!tpu.dma_semaphore, #tpu.memory_space<semaphore_mem>>) src(%dma_wait3A_31 : memref<4x128xi32, #tpu.memory_space<hbm>>) dst(%arg9 : memref<4x128xi32, #tpu.memory_space<vmem>>)
        %dma_start3A_32 = arith.constant 0 : i32
        %dma_start3A_33 = arith.constant 0 : i32
        %dma_start3A_34 = arith.constant 0 : i32
        %dma_start3A_35 = tpu.memref_slice %arg10[%dma_start3A_33, %dma_start3A_34] : memref<512x32xf32, #tpu.memory_space<vmem>> -> memref<128x32xf32, #tpu.memory_space<vmem>>
        %dma_start3A_36 = arith.constant 0 : i32
        %dma_start3A_37 = tpu.memref_slice %arg8[%dma_start3A_32, %dma_start3A_36] : memref<4x128xi32, #tpu.memory_space<vmem>> -> memref<1x128xi32, #tpu.memory_space<vmem>>
        %dma_start3A_38 = tpu.memref_squeeze %dma_start3A_37 : memref<1x128xi32, #tpu.memory_space<vmem>> -> memref<128xi32, #tpu.memory_space<vmem>>
        %dma_start3A_39 = arith.constant 0 : i32
        %dma_start3A_40 = arith.constant 0 : i32
        %dma_start3A_41 = tpu.memref_slice %arg3[%dma_start3A_39, %dma_start3A_40] : memref<50000x32xf32, #tpu.memory_space<hbm>> -> memref<50000x32xf32, #tpu.memory_space<hbm>>
        tpu.enqueue_indirect_dma source(%dma_start3A_41 : memref<50000x32xf32, #tpu.memory_space<hbm>>) target(%dma_start3A_35 : memref<128x32xf32, #tpu.memory_space<vmem>>) offsets(%dma_start3A_38 : memref<128xi32, #tpu.memory_space<vmem>>) semaphore(%arg13 : memref<!tpu.dma_semaphore, #tpu.memory_space<semaphore_mem>>)
        %dma_start3A_42 = arith.constant 1 : i32
        %dma_start3A_43 = arith.constant 128 : i32
        %dma_start3A_44 = arith.constant 0 : i32
        %dma_start3A_45 = tpu.memref_slice %arg10[%dma_start3A_43, %dma_start3A_44] : memref<512x32xf32, #tpu.memory_space<vmem>> -> memref<128x32xf32, #tpu.memory_space<vmem>>
        %dma_start3A_46 = arith.constant 0 : i32
        %dma_start3A_47 = tpu.memref_slice %arg8[%dma_start3A_42, %dma_start3A_46] : memref<4x128xi32, #tpu.memory_space<vmem>> -> memref<1x128xi32, #tpu.memory_space<vmem>>
        %dma_start3A_48 = tpu.memref_squeeze %dma_start3A_47 : memref<1x128xi32, #tpu.memory_space<vmem>> -> memref<128xi32, #tpu.memory_space<vmem>>
        %dma_start3A_49 = arith.constant 0 : i32
        %dma_start3A_50 = arith.constant 0 : i32
        %dma_start3A_51 = tpu.memref_slice %arg3[%dma_start3A_49, %dma_start3A_50] : memref<50000x32xf32, #tpu.memory_space<hbm>> -> memref<50000x32xf32, #tpu.memory_space<hbm>>
        tpu.enqueue_indirect_dma source(%dma_start3A_51 : memref<50000x32xf32, #tpu.memory_space<hbm>>) target(%dma_start3A_45 : memref<128x32xf32, #tpu.memory_space<vmem>>) offsets(%dma_start3A_48 : memref<128xi32, #tpu.memory_space<vmem>>) semaphore(%arg13 : memref<!tpu.dma_semaphore, #tpu.memory_space<semaphore_mem>>)
        %dma_start3A_52 = arith.constant 2 : i32
        %dma_start3A_53 = arith.constant 256 : i32
        %dma_start3A_54 = arith.constant 0 : i32
        %dma_start3A_55 = tpu.memref_slice %arg10[%dma_start3A_53, %dma_start3A_54] : memref<512x32xf32, #tpu.memory_space<vmem>> -> memref<128x32xf32, #tpu.memory_space<vmem>>
        %dma_start3A_56 = arith.constant 0 : i32
        %dma_start3A_57 = tpu.memref_slice %arg8[%dma_start3A_52, %dma_start3A_56] : memref<4x128xi32, #tpu.memory_space<vmem>> -> memref<1x128xi32, #tpu.memory_space<vmem>>
        %dma_start3A_58 = tpu.memref_squeeze %dma_start3A_57 : memref<1x128xi32, #tpu.memory_space<vmem>> -> memref<128xi32, #tpu.memory_space<vmem>>
        %dma_start3A_59 = arith.constant 0 : i32
        %dma_start3A_60 = arith.constant 0 : i32
        %dma_start3A_61 = tpu.memref_slice %arg3[%dma_start3A_59, %dma_start3A_60] : memref<50000x32xf32, #tpu.memory_space<hbm>> -> memref<50000x32xf32, #tpu.memory_space<hbm>>
        tpu.enqueue_indirect_dma source(%dma_start3A_61 : memref<50000x32xf32, #tpu.memory_space<hbm>>) target(%dma_start3A_55 : memref<128x32xf32, #tpu.memory_space<vmem>>) offsets(%dma_start3A_58 : memref<128xi32, #tpu.memory_space<vmem>>) semaphore(%arg13 : memref<!tpu.dma_semaphore, #tpu.memory_space<semaphore_mem>>)
        %dma_start3A_62 = arith.constant 3 : i32
        %dma_start3A_63 = arith.constant 384 : i32
        %dma_start3A_64 = arith.constant 0 : i32
        %dma_start3A_65 = tpu.memref_slice %arg10[%dma_start3A_63, %dma_start3A_64] : memref<512x32xf32, #tpu.memory_space<vmem>> -> memref<128x32xf32, #tpu.memory_space<vmem>>
        %dma_start3A_66 = arith.constant 0 : i32
        %dma_start3A_67 = tpu.memref_slice %arg8[%dma_start3A_62, %dma_start3A_66] : memref<4x128xi32, #tpu.memory_space<vmem>> -> memref<1x128xi32, #tpu.memory_space<vmem>>
        %dma_start3A_68 = tpu.memref_squeeze %dma_start3A_67 : memref<1x128xi32, #tpu.memory_space<vmem>> -> memref<128xi32, #tpu.memory_space<vmem>>
        %dma_start3A_69 = arith.constant 0 : i32
        %dma_start3A_70 = arith.constant 0 : i32
        %dma_start3A_71 = tpu.memref_slice %arg3[%dma_start3A_69, %dma_start3A_70] : memref<50000x32xf32, #tpu.memory_space<hbm>> -> memref<50000x32xf32, #tpu.memory_space<hbm>>
        tpu.enqueue_indirect_dma source(%dma_start3A_71 : memref<50000x32xf32, #tpu.memory_space<hbm>>) target(%dma_start3A_65 : memref<128x32xf32, #tpu.memory_space<vmem>>) offsets(%dma_start3A_68 : memref<128xi32, #tpu.memory_space<vmem>>) semaphore(%arg13 : memref<!tpu.dma_semaphore, #tpu.memory_space<semaphore_mem>>)
        %dma_wait3A_72 = arith.constant 0 : i32
        %dma_wait3A_73 = arith.constant 0 : i32
        %dma_wait3A_74 = arith.constant 0 : i32
        %dma_wait3A_75 = tpu.memref_slice %arg10[%dma_wait3A_73, %dma_wait3A_74] : memref<512x32xf32, #tpu.memory_space<vmem>> -> memref<128x32xf32, #tpu.memory_space<vmem>>
        %dma_wait3A_76 = arith.constant 0 : i32
        %dma_wait3A_77 = tpu.memref_slice %arg8[%dma_wait3A_72, %dma_wait3A_76] : memref<4x128xi32, #tpu.memory_space<vmem>> -> memref<1x128xi32, #tpu.memory_space<vmem>>
        %dma_wait3A_78 = tpu.memref_squeeze %dma_wait3A_77 : memref<1x128xi32, #tpu.memory_space<vmem>> -> memref<128xi32, #tpu.memory_space<vmem>>
        %dma_wait3A_79 = arith.constant 0 : i32
        %dma_wait3A_80 = arith.constant 0 : i32
        %dma_wait3A_81 = tpu.memref_slice %arg3[%dma_wait3A_79, %dma_wait3A_80] : memref<50000x32xf32, #tpu.memory_space<hbm>> -> memref<50000x32xf32, #tpu.memory_space<hbm>>
        tpu.wait_indirect_dma semaphore(%arg13 : memref<!tpu.dma_semaphore, #tpu.memory_space<semaphore_mem>>) src(%dma_wait3A_81 : memref<50000x32xf32, #tpu.memory_space<hbm>>) dst(%dma_wait3A_75 : memref<128x32xf32, #tpu.memory_space<vmem>>)
        %dma_wait3A_82 = arith.constant 1 : i32
        %dma_wait3A_83 = arith.constant 128 : i32
        %dma_wait3A_84 = arith.constant 0 : i32
        %dma_wait3A_85 = tpu.memref_slice %arg10[%dma_wait3A_83, %dma_wait3A_84] : memref<512x32xf32, #tpu.memory_space<vmem>> -> memref<128x32xf32, #tpu.memory_space<vmem>>
        %dma_wait3A_86 = arith.constant 0 : i32
        %dma_wait3A_87 = tpu.memref_slice %arg8[%dma_wait3A_82, %dma_wait3A_86] : memref<4x128xi32, #tpu.memory_space<vmem>> -> memref<1x128xi32, #tpu.memory_space<vmem>>
        %dma_wait3A_88 = tpu.memref_squeeze %dma_wait3A_87 : memref<1x128xi32, #tpu.memory_space<vmem>> -> memref<128xi32, #tpu.memory_space<vmem>>
        %dma_wait3A_89 = arith.constant 0 : i32
        %dma_wait3A_90 = arith.constant 0 : i32
        %dma_wait3A_91 = tpu.memref_slice %arg3[%dma_wait3A_89, %dma_wait3A_90] : memref<50000x32xf32, #tpu.memory_space<hbm>> -> memref<50000x32xf32, #tpu.memory_space<hbm>>
        tpu.wait_indirect_dma semaphore(%arg13 : memref<!tpu.dma_semaphore, #tpu.memory_space<semaphore_mem>>) src(%dma_wait3A_91 : memref<50000x32xf32, #tpu.memory_space<hbm>>) dst(%dma_wait3A_85 : memref<128x32xf32, #tpu.memory_space<vmem>>)
        %dma_wait3A_92 = arith.constant 2 : i32
        %dma_wait3A_93 = arith.constant 256 : i32
        %dma_wait3A_94 = arith.constant 0 : i32
        %dma_wait3A_95 = tpu.memref_slice %arg10[%dma_wait3A_93, %dma_wait3A_94] : memref<512x32xf32, #tpu.memory_space<vmem>> -> memref<128x32xf32, #tpu.memory_space<vmem>>
        %dma_wait3A_96 = arith.constant 0 : i32
        %dma_wait3A_97 = tpu.memref_slice %arg8[%dma_wait3A_92, %dma_wait3A_96] : memref<4x128xi32, #tpu.memory_space<vmem>> -> memref<1x128xi32, #tpu.memory_space<vmem>>
        %dma_wait3A_98 = tpu.memref_squeeze %dma_wait3A_97 : memref<1x128xi32, #tpu.memory_space<vmem>> -> memref<128xi32, #tpu.memory_space<vmem>>
        %dma_wait3A_99 = arith.constant 0 : i32
        %dma_wait3A_100 = arith.constant 0 : i32
        %dma_wait3A_101 = tpu.memref_slice %arg3[%dma_wait3A_99, %dma_wait3A_100] : memref<50000x32xf32, #tpu.memory_space<hbm>> -> memref<50000x32xf32, #tpu.memory_space<hbm>>
        tpu.wait_indirect_dma semaphore(%arg13 : memref<!tpu.dma_semaphore, #tpu.memory_space<semaphore_mem>>) src(%dma_wait3A_101 : memref<50000x32xf32, #tpu.memory_space<hbm>>) dst(%dma_wait3A_95 : memref<128x32xf32, #tpu.memory_space<vmem>>)
        %dma_wait3A_102 = arith.constant 3 : i32
        %dma_wait3A_103 = arith.constant 384 : i32
        %dma_wait3A_104 = arith.constant 0 : i32
        %dma_wait3A_105 = tpu.memref_slice %arg10[%dma_wait3A_103, %dma_wait3A_104] : memref<512x32xf32, #tpu.memory_space<vmem>> -> memref<128x32xf32, #tpu.memory_space<vmem>>
        %dma_wait3A_106 = arith.constant 0 : i32
        %dma_wait3A_107 = tpu.memref_slice %arg8[%dma_wait3A_102, %dma_wait3A_106] : memref<4x128xi32, #tpu.memory_space<vmem>> -> memref<1x128xi32, #tpu.memory_space<vmem>>
        %dma_wait3A_108 = tpu.memref_squeeze %dma_wait3A_107 : memref<1x128xi32, #tpu.memory_space<vmem>> -> memref<128xi32, #tpu.memory_space<vmem>>
        %dma_wait3A_109 = arith.constant 0 : i32
        %dma_wait3A_110 = arith.constant 0 : i32
        %dma_wait3A_111 = tpu.memref_slice %arg3[%dma_wait3A_109, %dma_wait3A_110] : memref<50000x32xf32, #tpu.memory_space<hbm>> -> memref<50000x32xf32, #tpu.memory_space<hbm>>
        tpu.wait_indirect_dma semaphore(%arg13 : memref<!tpu.dma_semaphore, #tpu.memory_space<semaphore_mem>>) src(%dma_wait3A_111 : memref<50000x32xf32, #tpu.memory_space<hbm>>) dst(%dma_wait3A_105 : memref<128x32xf32, #tpu.memory_space<vmem>>)
        %dma_start3A_112 = arith.constant 0 : i32
        %dma_start3A_113 = arith.constant 0 : i32
        %dma_start3A_114 = arith.constant 0 : i32
        %dma_start3A_115 = tpu.memref_slice %arg10[%dma_start3A_113, %dma_start3A_114] : memref<512x32xf32, #tpu.memory_space<vmem>> -> memref<128x32xf32, #tpu.memory_space<vmem>>
        %dma_start3A_116 = arith.constant 0 : i32
        %dma_start3A_117 = tpu.memref_slice %arg9[%dma_start3A_112, %dma_start3A_116] : memref<4x128xi32, #tpu.memory_space<vmem>> -> memref<1x128xi32, #tpu.memory_space<vmem>>
        %dma_start3A_118 = tpu.memref_squeeze %dma_start3A_117 : memref<1x128xi32, #tpu.memory_space<vmem>> -> memref<128xi32, #tpu.memory_space<vmem>>
        %dma_start3A_119 = arith.constant 0 : i32
        %dma_start3A_120 = arith.constant 0 : i32
        %dma_start3A_121 = tpu.memref_slice %arg11[%dma_start3A_119, %dma_start3A_120] : memref<51200x32xf32, #tpu.memory_space<vmem_shared>> -> memref<51200x32xf32, #tpu.memory_space<vmem_shared>>
        tpu.enqueue_indirect_dma source(%dma_start3A_115 : memref<128x32xf32, #tpu.memory_space<vmem>>) target(%dma_start3A_121 : memref<51200x32xf32, #tpu.memory_space<vmem_shared>>) offsets(%dma_start3A_118 : memref<128xi32, #tpu.memory_space<vmem>>) semaphore(%arg14 : memref<!tpu.dma_semaphore, #tpu.memory_space<semaphore_mem>>) {add = true}
        %dma_start3A_122 = arith.constant 1 : i32
        %dma_start3A_123 = arith.constant 128 : i32
        %dma_start3A_124 = arith.constant 0 : i32
        %dma_start3A_125 = tpu.memref_slice %arg10[%dma_start3A_123, %dma_start3A_124] : memref<512x32xf32, #tpu.memory_space<vmem>> -> memref<128x32xf32, #tpu.memory_space<vmem>>
        %dma_start3A_126 = arith.constant 0 : i32
        %dma_start3A_127 = tpu.memref_slice %arg9[%dma_start3A_122, %dma_start3A_126] : memref<4x128xi32, #tpu.memory_space<vmem>> -> memref<1x128xi32, #tpu.memory_space<vmem>>
        %dma_start3A_128 = tpu.memref_squeeze %dma_start3A_127 : memref<1x128xi32, #tpu.memory_space<vmem>> -> memref<128xi32, #tpu.memory_space<vmem>>
        %dma_start3A_129 = arith.constant 0 : i32
        %dma_start3A_130 = arith.constant 0 : i32
        %dma_start3A_131 = tpu.memref_slice %arg11[%dma_start3A_129, %dma_start3A_130] : memref<51200x32xf32, #tpu.memory_space<vmem_shared>> -> memref<51200x32xf32, #tpu.memory_space<vmem_shared>>
        tpu.enqueue_indirect_dma source(%dma_start3A_125 : memref<128x32xf32, #tpu.memory_space<vmem>>) target(%dma_start3A_131 : memref<51200x32xf32, #tpu.memory_space<vmem_shared>>) offsets(%dma_start3A_128 : memref<128xi32, #tpu.memory_space<vmem>>) semaphore(%arg14 : memref<!tpu.dma_semaphore, #tpu.memory_space<semaphore_mem>>) {add = true}
        %dma_start3A_132 = arith.constant 2 : i32
        %dma_start3A_133 = arith.constant 256 : i32
        %dma_start3A_134 = arith.constant 0 : i32
        %dma_start3A_135 = tpu.memref_slice %arg10[%dma_start3A_133, %dma_start3A_134] : memref<512x32xf32, #tpu.memory_space<vmem>> -> memref<128x32xf32, #tpu.memory_space<vmem>>
        %dma_start3A_136 = arith.constant 0 : i32
        %dma_start3A_137 = tpu.memref_slice %arg9[%dma_start3A_132, %dma_start3A_136] : memref<4x128xi32, #tpu.memory_space<vmem>> -> memref<1x128xi32, #tpu.memory_space<vmem>>
        %dma_start3A_138 = tpu.memref_squeeze %dma_start3A_137 : memref<1x128xi32, #tpu.memory_space<vmem>> -> memref<128xi32, #tpu.memory_space<vmem>>
        %dma_start3A_139 = arith.constant 0 : i32
        %dma_start3A_140 = arith.constant 0 : i32
        %dma_start3A_141 = tpu.memref_slice %arg11[%dma_start3A_139, %dma_start3A_140] : memref<51200x32xf32, #tpu.memory_space<vmem_shared>> -> memref<51200x32xf32, #tpu.memory_space<vmem_shared>>
        tpu.enqueue_indirect_dma source(%dma_start3A_135 : memref<128x32xf32, #tpu.memory_space<vmem>>) target(%dma_start3A_141 : memref<51200x32xf32, #tpu.memory_space<vmem_shared>>) offsets(%dma_start3A_138 : memref<128xi32, #tpu.memory_space<vmem>>) semaphore(%arg14 : memref<!tpu.dma_semaphore, #tpu.memory_space<semaphore_mem>>) {add = true}
        %dma_start3A_142 = arith.constant 3 : i32
        %dma_start3A_143 = arith.constant 384 : i32
        %dma_start3A_144 = arith.constant 0 : i32
        %dma_start3A_145 = tpu.memref_slice %arg10[%dma_start3A_143, %dma_start3A_144] : memref<512x32xf32, #tpu.memory_space<vmem>> -> memref<128x32xf32, #tpu.memory_space<vmem>>
        %dma_start3A_146 = arith.constant 0 : i32
        %dma_start3A_147 = tpu.memref_slice %arg9[%dma_start3A_142, %dma_start3A_146] : memref<4x128xi32, #tpu.memory_space<vmem>> -> memref<1x128xi32, #tpu.memory_space<vmem>>
        %dma_start3A_148 = tpu.memref_squeeze %dma_start3A_147 : memref<1x128xi32, #tpu.memory_space<vmem>> -> memref<128xi32, #tpu.memory_space<vmem>>
        %dma_start3A_149 = arith.constant 0 : i32
        %dma_start3A_150 = arith.constant 0 : i32
        %dma_start3A_151 = tpu.memref_slice %arg11[%dma_start3A_149, %dma_start3A_150] : memref<51200x32xf32, #tpu.memory_space<vmem_shared>> -> memref<51200x32xf32, #tpu.memory_space<vmem_shared>>
        tpu.enqueue_indirect_dma source(%dma_start3A_145 : memref<128x32xf32, #tpu.memory_space<vmem>>) target(%dma_start3A_151 : memref<51200x32xf32, #tpu.memory_space<vmem_shared>>) offsets(%dma_start3A_148 : memref<128xi32, #tpu.memory_space<vmem>>) semaphore(%arg14 : memref<!tpu.dma_semaphore, #tpu.memory_space<semaphore_mem>>) {add = true}
        %dma_wait3A_152 = arith.constant 0 : i32
        %dma_wait3A_153 = arith.constant 0 : i32
        %dma_wait3A_154 = arith.constant 0 : i32
        %dma_wait3A_155 = tpu.memref_slice %arg10[%dma_wait3A_153, %dma_wait3A_154] : memref<512x32xf32, #tpu.memory_space<vmem>> -> memref<128x32xf32, #tpu.memory_space<vmem>>
        %dma_wait3A_156 = arith.constant 0 : i32
        %dma_wait3A_157 = tpu.memref_slice %arg9[%dma_wait3A_152, %dma_wait3A_156] : memref<4x128xi32, #tpu.memory_space<vmem>> -> memref<1x128xi32, #tpu.memory_space<vmem>>
        %dma_wait3A_158 = tpu.memref_squeeze %dma_wait3A_157 : memref<1x128xi32, #tpu.memory_space<vmem>> -> memref<128xi32, #tpu.memory_space<vmem>>
        %dma_wait3A_159 = arith.constant 0 : i32
        %dma_wait3A_160 = arith.constant 0 : i32
        %dma_wait3A_161 = tpu.memref_slice %arg11[%dma_wait3A_159, %dma_wait3A_160] : memref<51200x32xf32, #tpu.memory_space<vmem_shared>> -> memref<51200x32xf32, #tpu.memory_space<vmem_shared>>
        tpu.wait_indirect_dma semaphore(%arg14 : memref<!tpu.dma_semaphore, #tpu.memory_space<semaphore_mem>>) src(%dma_wait3A_155 : memref<128x32xf32, #tpu.memory_space<vmem>>) dst(%dma_wait3A_161 : memref<51200x32xf32, #tpu.memory_space<vmem_shared>>)
        %dma_wait3A_162 = arith.constant 1 : i32
        %dma_wait3A_163 = arith.constant 128 : i32
        %dma_wait3A_164 = arith.constant 0 : i32
        %dma_wait3A_165 = tpu.memref_slice %arg10[%dma_wait3A_163, %dma_wait3A_164] : memref<512x32xf32, #tpu.memory_space<vmem>> -> memref<128x32xf32, #tpu.memory_space<vmem>>
        %dma_wait3A_166 = arith.constant 0 : i32
        %dma_wait3A_167 = tpu.memref_slice %arg9[%dma_wait3A_162, %dma_wait3A_166] : memref<4x128xi32, #tpu.memory_space<vmem>> -> memref<1x128xi32, #tpu.memory_space<vmem>>
        %dma_wait3A_168 = tpu.memref_squeeze %dma_wait3A_167 : memref<1x128xi32, #tpu.memory_space<vmem>> -> memref<128xi32, #tpu.memory_space<vmem>>
        %dma_wait3A_169 = arith.constant 0 : i32
        %dma_wait3A_170 = arith.constant 0 : i32
        %dma_wait3A_171 = tpu.memref_slice %arg11[%dma_wait3A_169, %dma_wait3A_170] : memref<51200x32xf32, #tpu.memory_space<vmem_shared>> -> memref<51200x32xf32, #tpu.memory_space<vmem_shared>>
        tpu.wait_indirect_dma semaphore(%arg14 : memref<!tpu.dma_semaphore, #tpu.memory_space<semaphore_mem>>) src(%dma_wait3A_165 : memref<128x32xf32, #tpu.memory_space<vmem>>) dst(%dma_wait3A_171 : memref<51200x32xf32, #tpu.memory_space<vmem_shared>>)
        %dma_wait3A_172 = arith.constant 2 : i32
        %dma_wait3A_173 = arith.constant 256 : i32
        %dma_wait3A_174 = arith.constant 0 : i32
        %dma_wait3A_175 = tpu.memref_slice %arg10[%dma_wait3A_173, %dma_wait3A_174] : memref<512x32xf32, #tpu.memory_space<vmem>> -> memref<128x32xf32, #tpu.memory_space<vmem>>
        %dma_wait3A_176 = arith.constant 0 : i32
        %dma_wait3A_177 = tpu.memref_slice %arg9[%dma_wait3A_172, %dma_wait3A_176] : memref<4x128xi32, #tpu.memory_space<vmem>> -> memref<1x128xi32, #tpu.memory_space<vmem>>
        %dma_wait3A_178 = tpu.memref_squeeze %dma_wait3A_177 : memref<1x128xi32, #tpu.memory_space<vmem>> -> memref<128xi32, #tpu.memory_space<vmem>>
        %dma_wait3A_179 = arith.constant 0 : i32
        %dma_wait3A_180 = arith.constant 0 : i32
        %dma_wait3A_181 = tpu.memref_slice %arg11[%dma_wait3A_179, %dma_wait3A_180] : memref<51200x32xf32, #tpu.memory_space<vmem_shared>> -> memref<51200x32xf32, #tpu.memory_space<vmem_shared>>
        tpu.wait_indirect_dma semaphore(%arg14 : memref<!tpu.dma_semaphore, #tpu.memory_space<semaphore_mem>>) src(%dma_wait3A_175 : memref<128x32xf32, #tpu.memory_space<vmem>>) dst(%dma_wait3A_181 : memref<51200x32xf32, #tpu.memory_space<vmem_shared>>)
        %dma_wait3A_182 = arith.constant 3 : i32
        %dma_wait3A_183 = arith.constant 384 : i32
        %dma_wait3A_184 = arith.constant 0 : i32
        %dma_wait3A_185 = tpu.memref_slice %arg10[%dma_wait3A_183, %dma_wait3A_184] : memref<512x32xf32, #tpu.memory_space<vmem>> -> memref<128x32xf32, #tpu.memory_space<vmem>>
        %dma_wait3A_186 = arith.constant 0 : i32
        %dma_wait3A_187 = tpu.memref_slice %arg9[%dma_wait3A_182, %dma_wait3A_186] : memref<4x128xi32, #tpu.memory_space<vmem>> -> memref<1x128xi32, #tpu.memory_space<vmem>>
        %dma_wait3A_188 = tpu.memref_squeeze %dma_wait3A_187 : memref<1x128xi32, #tpu.memory_space<vmem>> -> memref<128xi32, #tpu.memory_space<vmem>>
        %dma_wait3A_189 = arith.constant 0 : i32
        %dma_wait3A_190 = arith.constant 0 : i32
        %dma_wait3A_191 = tpu.memref_slice %arg11[%dma_wait3A_189, %dma_wait3A_190] : memref<51200x32xf32, #tpu.memory_space<vmem_shared>> -> memref<51200x32xf32, #tpu.memory_space<vmem_shared>>
        tpu.wait_indirect_dma semaphore(%arg14 : memref<!tpu.dma_semaphore, #tpu.memory_space<semaphore_mem>>) src(%dma_wait3A_185 : memref<128x32xf32, #tpu.memory_space<vmem>>) dst(%dma_wait3A_191 : memref<51200x32xf32, #tpu.memory_space<vmem_shared>>)
      }
      %scan3A_11 = arith.constant 98 : i32
      %barrier3A_12 = arith.constant 0 : index
      tpu.barrier barrier_id(%barrier3A_12)
      %run_scoped3A = arith.constant 1 : i32
      "tpu.region"() ({
        %run_scoped3A_13 = tpu.sem_alloc : memref<!tpu.dma_semaphore, #tpu.memory_space<semaphore_mem>>
        %dma_start3A = arith.constant 0 : i32
        %dma_start3A_14 = arith.constant 0 : i32
        %dma_start3A_15 = tpu.memref_slice %arg7[%run_scoped3A, %dma_start3A, %dma_start3A_14] : memref<2x51200x32xf32, #tpu.memory_space<hbm>> -> memref<1x51200x32xf32, #tpu.memory_space<hbm>>
        %dma_start3A_16 = tpu.memref_squeeze %dma_start3A_15 : memref<1x51200x32xf32, #tpu.memory_space<hbm>> -> memref<51200x32xf32, #tpu.memory_space<hbm>>
        %dma_start3A_17 = arith.constant 0 : i32
        %dma_start3A_18 = tpu.memref_slice %dma_start3A_16[%mul3A_7, %dma_start3A_17] : memref<51200x32xf32, #tpu.memory_space<hbm>> -> memref<3200x32xf32, #tpu.memory_space<hbm>>
        %dma_start3A_19 = arith.constant 0 : i32
        %dma_start3A_20 = tpu.memref_slice %arg11[%mul3A_7, %dma_start3A_19] : memref<51200x32xf32, #tpu.memory_space<vmem_shared>> -> memref<3200x32xf32, #tpu.memory_space<vmem_shared>>
        tpu.enqueue_dma source(%dma_start3A_20 : memref<3200x32xf32, #tpu.memory_space<vmem_shared>>) target(%dma_start3A_18 : memref<3200x32xf32, #tpu.memory_space<hbm>>) target_semaphore(%run_scoped3A_13 : memref<!tpu.dma_semaphore, #tpu.memory_space<semaphore_mem>>)
        %dma_wait3A = arith.constant 0 : i32
        %dma_wait3A_21 = arith.constant 0 : i32
        %dma_wait3A_22 = tpu.memref_slice %arg7[%run_scoped3A, %dma_wait3A, %dma_wait3A_21] : memref<2x51200x32xf32, #tpu.memory_space<hbm>> -> memref<1x51200x32xf32, #tpu.memory_space<hbm>>
        %dma_wait3A_23 = tpu.memref_squeeze %dma_wait3A_22 : memref<1x51200x32xf32, #tpu.memory_space<hbm>> -> memref<51200x32xf32, #tpu.memory_space<hbm>>
        %dma_wait3A_24 = arith.constant 0 : i32
        %dma_wait3A_25 = tpu.memref_slice %dma_wait3A_23[%mul3A_7, %dma_wait3A_24] : memref<51200x32xf32, #tpu.memory_space<hbm>> -> memref<3200x32xf32, #tpu.memory_space<hbm>>
        %dma_wait3A_26 = arith.constant 0 : i32
        %dma_wait3A_27 = tpu.memref_slice %arg11[%mul3A_7, %dma_wait3A_26] : memref<51200x32xf32, #tpu.memory_space<vmem_shared>> -> memref<3200x32xf32, #tpu.memory_space<vmem_shared>>
        tpu.wait_dma2 semaphore(%run_scoped3A_13 : memref<!tpu.dma_semaphore, #tpu.memory_space<semaphore_mem>>) src(%dma_wait3A_27 : memref<3200x32xf32, #tpu.memory_space<vmem_shared>>) dst(%dma_wait3A_25 : memref<3200x32xf32, #tpu.memory_space<hbm>>)
        tpu.yield
      }) : () -> ()
    } else {
    }
    return
  }
}

#map = affine_map<(d0, d1) -> (0, 0)>
#map1 = affine_map<(d0, d1) -> (0, 0, 0)>
module attributes {stable_mosaic.version = 14 : i64} {
  func.func @_sc_segsum(%arg0: i32, %arg1: i32, %arg2: memref<50000x32xf32, #tpu.memory_space<hbm>>, %arg3: memref<50000x32xf32, #tpu.memory_space<hbm>>, %arg4: memref<6272x128xi32, #tpu.memory_space<hbm>>, %arg5: memref<6272x128xi32, #tpu.memory_space<hbm>>, %arg6: memref<51200x32xf32, #tpu.memory_space<hbm>>, %arg7: memref<2x51200x32xf32, #tpu.memory_space<hbm>>, %arg8: memref<4x128xi32, #tpu.memory_space<vmem>>, %arg9: memref<4x128xi32, #tpu.memory_space<vmem>>, %arg10: memref<512x32xf32, #tpu.memory_space<vmem>>, %arg11: memref<51200x32xf32, #tpu.memory_space<vmem_shared>>, %arg12: memref<!tpu.dma_semaphore, #tpu.memory_space<semaphore_mem>>, %arg13: memref<!tpu.dma_semaphore, #tpu.memory_space<semaphore_mem>>, %arg14: memref<!tpu.dma_semaphore, #tpu.memory_space<semaphore_mem>>) attributes {dimension_semantics = [#tpu.dimension_semantics<core_parallel>, #tpu.dimension_semantics<subcore_parallel>], iteration_bounds = array<i64: 2, 16>, scalar_prefetch = 0 : i64, scratch_operands = 7 : i64, tpu.core_type = #tpu.core_type<sc_vector_subcore>, window_params = [{transform_indices = #map}, {transform_indices = #map}, {transform_indices = #map}, {transform_indices = #map}, {transform_indices = #map}, {transform_indices = #map1}]} {
    %eq3A = arith.constant 0 : i32
    %eq3A_0 = arith.cmpi eq, %arg0, %eq3A : i32
    %convert_element_type3A = arith.extui %eq3A_0 : i1 to i32
    %cond3A = arith.constant 0 : i32
    %cond3A_1 = arith.cmpi ne, %convert_element_type3A, %cond3A : i32
    scf.if %cond3A_1 {
      %mul3A = arith.constant 3200 : i32
      %mul3A_7 = arith.muli %arg1, %mul3A : i32
      "tpu.region"() ({
        %run_scoped3A_13 = tpu.sem_alloc : memref<!tpu.dma_semaphore, #tpu.memory_space<semaphore_mem>>
        %dma_start3A = arith.constant 0 : i32
        %dma_start3A_14 = tpu.memref_slice %arg11[%mul3A_7, %dma_start3A] : memref<51200x32xf32, #tpu.memory_space<vmem_shared>> -> memref<3200x32xf32, #tpu.memory_space<vmem_shared>>
        %dma_start3A_15 = arith.constant 0 : i32
        %dma_start3A_16 = tpu.memref_slice %arg6[%mul3A_7, %dma_start3A_15] : memref<51200x32xf32, #tpu.memory_space<hbm>> -> memref<3200x32xf32, #tpu.memory_space<hbm>>
        tpu.enqueue_dma source(%dma_start3A_16 : memref<3200x32xf32, #tpu.memory_space<hbm>>) target(%dma_start3A_14 : memref<3200x32xf32, #tpu.memory_space<vmem_shared>>) target_semaphore(%run_scoped3A_13 : memref<!tpu.dma_semaphore, #tpu.memory_space<semaphore_mem>>)
        %dma_wait3A = arith.constant 0 : i32
        %dma_wait3A_17 = tpu.memref_slice %arg11[%mul3A_7, %dma_wait3A] : memref<51200x32xf32, #tpu.memory_space<vmem_shared>> -> memref<3200x32xf32, #tpu.memory_space<vmem_shared>>
        %dma_wait3A_18 = arith.constant 0 : i32
        %dma_wait3A_19 = tpu.memref_slice %arg6[%mul3A_7, %dma_wait3A_18] : memref<51200x32xf32, #tpu.memory_space<hbm>> -> memref<3200x32xf32, #tpu.memory_space<hbm>>
        tpu.wait_dma2 semaphore(%run_scoped3A_13 : memref<!tpu.dma_semaphore, #tpu.memory_space<semaphore_mem>>) src(%dma_wait3A_19 : memref<3200x32xf32, #tpu.memory_space<hbm>>) dst(%dma_wait3A_17 : memref<3200x32xf32, #tpu.memory_space<vmem_shared>>)
        tpu.yield
      }) : () -> ()
      %barrier3A = arith.constant 0 : index
      tpu.barrier barrier_id(%barrier3A)
      %scan3A = arith.constant 0 : i32
      %scan3A_8 = arith.constant 98 : i32
      %scan3A_9 = arith.addi %scan3A, %scan3A_8 : i32
      %scan3A_10 = arith.constant 1 : i32
      scf.for %scan3A_13 = %scan3A to %scan3A_9 step %scan3A_10  : i32 {
        %mul3A_14 = arith.constant 392 : i32
        %mul3A_15 = arith.muli %arg1, %mul3A_14 : i32
        %mul3A_16 = arith.constant 4 : i32
        %mul3A_17 = arith.muli %scan3A_13, %mul3A_16 : i32
        %add3A = arith.addi %mul3A_15, %mul3A_17 : i32
        %dma_start3A = arith.constant 0 : i32
        %dma_start3A_18 = tpu.memref_slice %arg4[%add3A, %dma_start3A] : memref<6272x128xi32, #tpu.memory_space<hbm>> -> memref<4x128xi32, #tpu.memory_space<hbm>>
        %dma_start3A_19 = arith.constant 0 : i32
        %dma_start3A_20 = tpu.memref_slice %arg4[%add3A, %dma_start3A_19] : memref<6272x128xi32, #tpu.memory_space<hbm>> -> memref<4x128xi32, #tpu.memory_space<hbm>>
        tpu.enqueue_dma source(%dma_start3A_20 : memref<4x128xi32, #tpu.memory_space<hbm>>) target(%arg8 : memref<4x128xi32, #tpu.memory_space<vmem>>) target_semaphore(%arg12 : memref<!tpu.dma_semaphore, #tpu.memory_space<semaphore_mem>>)
        %dma_start3A_21 = arith.constant 0 : i32
        %dma_start3A_22 = tpu.memref_slice %arg5[%add3A, %dma_start3A_21] : memref<6272x128xi32, #tpu.memory_space<hbm>> -> memref<4x128xi32, #tpu.memory_space<hbm>>
        %dma_start3A_23 = arith.constant 0 : i32
        %dma_start3A_24 = tpu.memref_slice %arg5[%add3A, %dma_start3A_23] : memref<6272x128xi32, #tpu.memory_space<hbm>> -> memref<4x128xi32, #tpu.memory_space<hbm>>
        tpu.enqueue_dma source(%dma_start3A_24 : memref<4x128xi32, #tpu.memory_space<hbm>>) target(%arg9 : memref<4x128xi32, #tpu.memory_space<vmem>>) target_semaphore(%arg12 : memref<!tpu.dma_semaphore, #tpu.memory_space<semaphore_mem>>)
        %dma_wait3A = arith.constant 0 : i32
        %dma_wait3A_25 = tpu.memref_slice %arg4[%add3A, %dma_wait3A] : memref<6272x128xi32, #tpu.memory_space<hbm>> -> memref<4x128xi32, #tpu.memory_space<hbm>>
        %dma_wait3A_26 = arith.constant 0 : i32
        %dma_wait3A_27 = tpu.memref_slice %arg4[%add3A, %dma_wait3A_26] : memref<6272x128xi32, #tpu.memory_space<hbm>> -> memref<4x128xi32, #tpu.memory_space<hbm>>
        tpu.wait_dma2 semaphore(%arg12 : memref<!tpu.dma_semaphore, #tpu.memory_space<semaphore_mem>>) src(%dma_wait3A_27 : memref<4x128xi32, #tpu.memory_space<hbm>>) dst(%arg8 : memref<4x128xi32, #tpu.memory_space<vmem>>)
        %dma_wait3A_28 = arith.constant 0 : i32
        %dma_wait3A_29 = tpu.memref_slice %arg5[%add3A, %dma_wait3A_28] : memref<6272x128xi32, #tpu.memory_space<hbm>> -> memref<4x128xi32, #tpu.memory_space<hbm>>
        %dma_wait3A_30 = arith.constant 0 : i32
        %dma_wait3A_31 = tpu.memref_slice %arg5[%add3A, %dma_wait3A_30] : memref<6272x128xi32, #tpu.memory_space<hbm>> -> memref<4x128xi32, #tpu.memory_space<hbm>>
        tpu.wait_dma2 semaphore(%arg12 : memref<!tpu.dma_semaphore, #tpu.memory_space<semaphore_mem>>) src(%dma_wait3A_31 : memref<4x128xi32, #tpu.memory_space<hbm>>) dst(%arg9 : memref<4x128xi32, #tpu.memory_space<vmem>>)
        %dma_start3A_32 = arith.constant 0 : i32
        %dma_start3A_33 = arith.constant 0 : i32
        %dma_start3A_34 = arith.constant 0 : i32
        %dma_start3A_35 = tpu.memref_slice %arg10[%dma_start3A_33, %dma_start3A_34] : memref<512x32xf32, #tpu.memory_space<vmem>> -> memref<128x32xf32, #tpu.memory_space<vmem>>
        %dma_start3A_36 = arith.constant 0 : i32
        %dma_start3A_37 = tpu.memref_slice %arg8[%dma_start3A_32, %dma_start3A_36] : memref<4x128xi32, #tpu.memory_space<vmem>> -> memref<1x128xi32, #tpu.memory_space<vmem>>
        %dma_start3A_38 = tpu.memref_squeeze %dma_start3A_37 : memref<1x128xi32, #tpu.memory_space<vmem>> -> memref<128xi32, #tpu.memory_space<vmem>>
        %dma_start3A_39 = arith.constant 0 : i32
        %dma_start3A_40 = arith.constant 0 : i32
        %dma_start3A_41 = tpu.memref_slice %arg2[%dma_start3A_39, %dma_start3A_40] : memref<50000x32xf32, #tpu.memory_space<hbm>> -> memref<50000x32xf32, #tpu.memory_space<hbm>>
        tpu.enqueue_indirect_dma source(%dma_start3A_41 : memref<50000x32xf32, #tpu.memory_space<hbm>>) target(%dma_start3A_35 : memref<128x32xf32, #tpu.memory_space<vmem>>) offsets(%dma_start3A_38 : memref<128xi32, #tpu.memory_space<vmem>>) semaphore(%arg13 : memref<!tpu.dma_semaphore, #tpu.memory_space<semaphore_mem>>)
        %dma_start3A_42 = arith.constant 1 : i32
        %dma_start3A_43 = arith.constant 128 : i32
        %dma_start3A_44 = arith.constant 0 : i32
        %dma_start3A_45 = tpu.memref_slice %arg10[%dma_start3A_43, %dma_start3A_44] : memref<512x32xf32, #tpu.memory_space<vmem>> -> memref<128x32xf32, #tpu.memory_space<vmem>>
        %dma_start3A_46 = arith.constant 0 : i32
        %dma_start3A_47 = tpu.memref_slice %arg8[%dma_start3A_42, %dma_start3A_46] : memref<4x128xi32, #tpu.memory_space<vmem>> -> memref<1x128xi32, #tpu.memory_space<vmem>>
        %dma_start3A_48 = tpu.memref_squeeze %dma_start3A_47 : memref<1x128xi32, #tpu.memory_space<vmem>> -> memref<128xi32, #tpu.memory_space<vmem>>
        %dma_start3A_49 = arith.constant 0 : i32
        %dma_start3A_50 = arith.constant 0 : i32
        %dma_start3A_51 = tpu.memref_slice %arg2[%dma_start3A_49, %dma_start3A_50] : memref<50000x32xf32, #tpu.memory_space<hbm>> -> memref<50000x32xf32, #tpu.memory_space<hbm>>
        tpu.enqueue_indirect_dma source(%dma_start3A_51 : memref<50000x32xf32, #tpu.memory_space<hbm>>) target(%dma_start3A_45 : memref<128x32xf32, #tpu.memory_space<vmem>>) offsets(%dma_start3A_48 : memref<128xi32, #tpu.memory_space<vmem>>) semaphore(%arg13 : memref<!tpu.dma_semaphore, #tpu.memory_space<semaphore_mem>>)
        %dma_start3A_52 = arith.constant 2 : i32
        %dma_start3A_53 = arith.constant 256 : i32
        %dma_start3A_54 = arith.constant 0 : i32
        %dma_start3A_55 = tpu.memref_slice %arg10[%dma_start3A_53, %dma_start3A_54] : memref<512x32xf32, #tpu.memory_space<vmem>> -> memref<128x32xf32, #tpu.memory_space<vmem>>
        %dma_start3A_56 = arith.constant 0 : i32
        %dma_start3A_57 = tpu.memref_slice %arg8[%dma_start3A_52, %dma_start3A_56] : memref<4x128xi32, #tpu.memory_space<vmem>> -> memref<1x128xi32, #tpu.memory_space<vmem>>
        %dma_start3A_58 = tpu.memref_squeeze %dma_start3A_57 : memref<1x128xi32, #tpu.memory_space<vmem>> -> memref<128xi32, #tpu.memory_space<vmem>>
        %dma_start3A_59 = arith.constant 0 : i32
        %dma_start3A_60 = arith.constant 0 : i32
        %dma_start3A_61 = tpu.memref_slice %arg2[%dma_start3A_59, %dma_start3A_60] : memref<50000x32xf32, #tpu.memory_space<hbm>> -> memref<50000x32xf32, #tpu.memory_space<hbm>>
        tpu.enqueue_indirect_dma source(%dma_start3A_61 : memref<50000x32xf32, #tpu.memory_space<hbm>>) target(%dma_start3A_55 : memref<128x32xf32, #tpu.memory_space<vmem>>) offsets(%dma_start3A_58 : memref<128xi32, #tpu.memory_space<vmem>>) semaphore(%arg13 : memref<!tpu.dma_semaphore, #tpu.memory_space<semaphore_mem>>)
        %dma_start3A_62 = arith.constant 3 : i32
        %dma_start3A_63 = arith.constant 384 : i32
        %dma_start3A_64 = arith.constant 0 : i32
        %dma_start3A_65 = tpu.memref_slice %arg10[%dma_start3A_63, %dma_start3A_64] : memref<512x32xf32, #tpu.memory_space<vmem>> -> memref<128x32xf32, #tpu.memory_space<vmem>>
        %dma_start3A_66 = arith.constant 0 : i32
        %dma_start3A_67 = tpu.memref_slice %arg8[%dma_start3A_62, %dma_start3A_66] : memref<4x128xi32, #tpu.memory_space<vmem>> -> memref<1x128xi32, #tpu.memory_space<vmem>>
        %dma_start3A_68 = tpu.memref_squeeze %dma_start3A_67 : memref<1x128xi32, #tpu.memory_space<vmem>> -> memref<128xi32, #tpu.memory_space<vmem>>
        %dma_start3A_69 = arith.constant 0 : i32
        %dma_start3A_70 = arith.constant 0 : i32
        %dma_start3A_71 = tpu.memref_slice %arg2[%dma_start3A_69, %dma_start3A_70] : memref<50000x32xf32, #tpu.memory_space<hbm>> -> memref<50000x32xf32, #tpu.memory_space<hbm>>
        tpu.enqueue_indirect_dma source(%dma_start3A_71 : memref<50000x32xf32, #tpu.memory_space<hbm>>) target(%dma_start3A_65 : memref<128x32xf32, #tpu.memory_space<vmem>>) offsets(%dma_start3A_68 : memref<128xi32, #tpu.memory_space<vmem>>) semaphore(%arg13 : memref<!tpu.dma_semaphore, #tpu.memory_space<semaphore_mem>>)
        %dma_wait3A_72 = arith.constant 0 : i32
        %dma_wait3A_73 = arith.constant 0 : i32
        %dma_wait3A_74 = arith.constant 0 : i32
        %dma_wait3A_75 = tpu.memref_slice %arg10[%dma_wait3A_73, %dma_wait3A_74] : memref<512x32xf32, #tpu.memory_space<vmem>> -> memref<128x32xf32, #tpu.memory_space<vmem>>
        %dma_wait3A_76 = arith.constant 0 : i32
        %dma_wait3A_77 = tpu.memref_slice %arg8[%dma_wait3A_72, %dma_wait3A_76] : memref<4x128xi32, #tpu.memory_space<vmem>> -> memref<1x128xi32, #tpu.memory_space<vmem>>
        %dma_wait3A_78 = tpu.memref_squeeze %dma_wait3A_77 : memref<1x128xi32, #tpu.memory_space<vmem>> -> memref<128xi32, #tpu.memory_space<vmem>>
        %dma_wait3A_79 = arith.constant 0 : i32
        %dma_wait3A_80 = arith.constant 0 : i32
        %dma_wait3A_81 = tpu.memref_slice %arg2[%dma_wait3A_79, %dma_wait3A_80] : memref<50000x32xf32, #tpu.memory_space<hbm>> -> memref<50000x32xf32, #tpu.memory_space<hbm>>
        tpu.wait_indirect_dma semaphore(%arg13 : memref<!tpu.dma_semaphore, #tpu.memory_space<semaphore_mem>>) src(%dma_wait3A_81 : memref<50000x32xf32, #tpu.memory_space<hbm>>) dst(%dma_wait3A_75 : memref<128x32xf32, #tpu.memory_space<vmem>>)
        %dma_wait3A_82 = arith.constant 1 : i32
        %dma_wait3A_83 = arith.constant 128 : i32
        %dma_wait3A_84 = arith.constant 0 : i32
        %dma_wait3A_85 = tpu.memref_slice %arg10[%dma_wait3A_83, %dma_wait3A_84] : memref<512x32xf32, #tpu.memory_space<vmem>> -> memref<128x32xf32, #tpu.memory_space<vmem>>
        %dma_wait3A_86 = arith.constant 0 : i32
        %dma_wait3A_87 = tpu.memref_slice %arg8[%dma_wait3A_82, %dma_wait3A_86] : memref<4x128xi32, #tpu.memory_space<vmem>> -> memref<1x128xi32, #tpu.memory_space<vmem>>
        %dma_wait3A_88 = tpu.memref_squeeze %dma_wait3A_87 : memref<1x128xi32, #tpu.memory_space<vmem>> -> memref<128xi32, #tpu.memory_space<vmem>>
        %dma_wait3A_89 = arith.constant 0 : i32
        %dma_wait3A_90 = arith.constant 0 : i32
        %dma_wait3A_91 = tpu.memref_slice %arg2[%dma_wait3A_89, %dma_wait3A_90] : memref<50000x32xf32, #tpu.memory_space<hbm>> -> memref<50000x32xf32, #tpu.memory_space<hbm>>
        tpu.wait_indirect_dma semaphore(%arg13 : memref<!tpu.dma_semaphore, #tpu.memory_space<semaphore_mem>>) src(%dma_wait3A_91 : memref<50000x32xf32, #tpu.memory_space<hbm>>) dst(%dma_wait3A_85 : memref<128x32xf32, #tpu.memory_space<vmem>>)
        %dma_wait3A_92 = arith.constant 2 : i32
        %dma_wait3A_93 = arith.constant 256 : i32
        %dma_wait3A_94 = arith.constant 0 : i32
        %dma_wait3A_95 = tpu.memref_slice %arg10[%dma_wait3A_93, %dma_wait3A_94] : memref<512x32xf32, #tpu.memory_space<vmem>> -> memref<128x32xf32, #tpu.memory_space<vmem>>
        %dma_wait3A_96 = arith.constant 0 : i32
        %dma_wait3A_97 = tpu.memref_slice %arg8[%dma_wait3A_92, %dma_wait3A_96] : memref<4x128xi32, #tpu.memory_space<vmem>> -> memref<1x128xi32, #tpu.memory_space<vmem>>
        %dma_wait3A_98 = tpu.memref_squeeze %dma_wait3A_97 : memref<1x128xi32, #tpu.memory_space<vmem>> -> memref<128xi32, #tpu.memory_space<vmem>>
        %dma_wait3A_99 = arith.constant 0 : i32
        %dma_wait3A_100 = arith.constant 0 : i32
        %dma_wait3A_101 = tpu.memref_slice %arg2[%dma_wait3A_99, %dma_wait3A_100] : memref<50000x32xf32, #tpu.memory_space<hbm>> -> memref<50000x32xf32, #tpu.memory_space<hbm>>
        tpu.wait_indirect_dma semaphore(%arg13 : memref<!tpu.dma_semaphore, #tpu.memory_space<semaphore_mem>>) src(%dma_wait3A_101 : memref<50000x32xf32, #tpu.memory_space<hbm>>) dst(%dma_wait3A_95 : memref<128x32xf32, #tpu.memory_space<vmem>>)
        %dma_wait3A_102 = arith.constant 3 : i32
        %dma_wait3A_103 = arith.constant 384 : i32
        %dma_wait3A_104 = arith.constant 0 : i32
        %dma_wait3A_105 = tpu.memref_slice %arg10[%dma_wait3A_103, %dma_wait3A_104] : memref<512x32xf32, #tpu.memory_space<vmem>> -> memref<128x32xf32, #tpu.memory_space<vmem>>
        %dma_wait3A_106 = arith.constant 0 : i32
        %dma_wait3A_107 = tpu.memref_slice %arg8[%dma_wait3A_102, %dma_wait3A_106] : memref<4x128xi32, #tpu.memory_space<vmem>> -> memref<1x128xi32, #tpu.memory_space<vmem>>
        %dma_wait3A_108 = tpu.memref_squeeze %dma_wait3A_107 : memref<1x128xi32, #tpu.memory_space<vmem>> -> memref<128xi32, #tpu.memory_space<vmem>>
        %dma_wait3A_109 = arith.constant 0 : i32
        %dma_wait3A_110 = arith.constant 0 : i32
        %dma_wait3A_111 = tpu.memref_slice %arg2[%dma_wait3A_109, %dma_wait3A_110] : memref<50000x32xf32, #tpu.memory_space<hbm>> -> memref<50000x32xf32, #tpu.memory_space<hbm>>
        tpu.wait_indirect_dma semaphore(%arg13 : memref<!tpu.dma_semaphore, #tpu.memory_space<semaphore_mem>>) src(%dma_wait3A_111 : memref<50000x32xf32, #tpu.memory_space<hbm>>) dst(%dma_wait3A_105 : memref<128x32xf32, #tpu.memory_space<vmem>>)
        %dma_start3A_112 = arith.constant 0 : i32
        %dma_start3A_113 = arith.constant 0 : i32
        %dma_start3A_114 = arith.constant 0 : i32
        %dma_start3A_115 = tpu.memref_slice %arg10[%dma_start3A_113, %dma_start3A_114] : memref<512x32xf32, #tpu.memory_space<vmem>> -> memref<128x32xf32, #tpu.memory_space<vmem>>
        %dma_start3A_116 = arith.constant 0 : i32
        %dma_start3A_117 = tpu.memref_slice %arg9[%dma_start3A_112, %dma_start3A_116] : memref<4x128xi32, #tpu.memory_space<vmem>> -> memref<1x128xi32, #tpu.memory_space<vmem>>
        %dma_start3A_118 = tpu.memref_squeeze %dma_start3A_117 : memref<1x128xi32, #tpu.memory_space<vmem>> -> memref<128xi32, #tpu.memory_space<vmem>>
        %dma_start3A_119 = arith.constant 0 : i32
        %dma_start3A_120 = arith.constant 0 : i32
        %dma_start3A_121 = tpu.memref_slice %arg11[%dma_start3A_119, %dma_start3A_120] : memref<51200x32xf32, #tpu.memory_space<vmem_shared>> -> memref<51200x32xf32, #tpu.memory_space<vmem_shared>>
        tpu.enqueue_indirect_dma source(%dma_start3A_115 : memref<128x32xf32, #tpu.memory_space<vmem>>) target(%dma_start3A_121 : memref<51200x32xf32, #tpu.memory_space<vmem_shared>>) offsets(%dma_start3A_118 : memref<128xi32, #tpu.memory_space<vmem>>) semaphore(%arg14 : memref<!tpu.dma_semaphore, #tpu.memory_space<semaphore_mem>>) {add = true}
        %dma_start3A_122 = arith.constant 1 : i32
        %dma_start3A_123 = arith.constant 128 : i32
        %dma_start3A_124 = arith.constant 0 : i32
        %dma_start3A_125 = tpu.memref_slice %arg10[%dma_start3A_123, %dma_start3A_124] : memref<512x32xf32, #tpu.memory_space<vmem>> -> memref<128x32xf32, #tpu.memory_space<vmem>>
        %dma_start3A_126 = arith.constant 0 : i32
        %dma_start3A_127 = tpu.memref_slice %arg9[%dma_start3A_122, %dma_start3A_126] : memref<4x128xi32, #tpu.memory_space<vmem>> -> memref<1x128xi32, #tpu.memory_space<vmem>>
        %dma_start3A_128 = tpu.memref_squeeze %dma_start3A_127 : memref<1x128xi32, #tpu.memory_space<vmem>> -> memref<128xi32, #tpu.memory_space<vmem>>
        %dma_start3A_129 = arith.constant 0 : i32
        %dma_start3A_130 = arith.constant 0 : i32
        %dma_start3A_131 = tpu.memref_slice %arg11[%dma_start3A_129, %dma_start3A_130] : memref<51200x32xf32, #tpu.memory_space<vmem_shared>> -> memref<51200x32xf32, #tpu.memory_space<vmem_shared>>
        tpu.enqueue_indirect_dma source(%dma_start3A_125 : memref<128x32xf32, #tpu.memory_space<vmem>>) target(%dma_start3A_131 : memref<51200x32xf32, #tpu.memory_space<vmem_shared>>) offsets(%dma_start3A_128 : memref<128xi32, #tpu.memory_space<vmem>>) semaphore(%arg14 : memref<!tpu.dma_semaphore, #tpu.memory_space<semaphore_mem>>) {add = true}
        %dma_start3A_132 = arith.constant 2 : i32
        %dma_start3A_133 = arith.constant 256 : i32
        %dma_start3A_134 = arith.constant 0 : i32
        %dma_start3A_135 = tpu.memref_slice %arg10[%dma_start3A_133, %dma_start3A_134] : memref<512x32xf32, #tpu.memory_space<vmem>> -> memref<128x32xf32, #tpu.memory_space<vmem>>
        %dma_start3A_136 = arith.constant 0 : i32
        %dma_start3A_137 = tpu.memref_slice %arg9[%dma_start3A_132, %dma_start3A_136] : memref<4x128xi32, #tpu.memory_space<vmem>> -> memref<1x128xi32, #tpu.memory_space<vmem>>
        %dma_start3A_138 = tpu.memref_squeeze %dma_start3A_137 : memref<1x128xi32, #tpu.memory_space<vmem>> -> memref<128xi32, #tpu.memory_space<vmem>>
        %dma_start3A_139 = arith.constant 0 : i32
        %dma_start3A_140 = arith.constant 0 : i32
        %dma_start3A_141 = tpu.memref_slice %arg11[%dma_start3A_139, %dma_start3A_140] : memref<51200x32xf32, #tpu.memory_space<vmem_shared>> -> memref<51200x32xf32, #tpu.memory_space<vmem_shared>>
        tpu.enqueue_indirect_dma source(%dma_start3A_135 : memref<128x32xf32, #tpu.memory_space<vmem>>) target(%dma_start3A_141 : memref<51200x32xf32, #tpu.memory_space<vmem_shared>>) offsets(%dma_start3A_138 : memref<128xi32, #tpu.memory_space<vmem>>) semaphore(%arg14 : memref<!tpu.dma_semaphore, #tpu.memory_space<semaphore_mem>>) {add = true}
        %dma_start3A_142 = arith.constant 3 : i32
        %dma_start3A_143 = arith.constant 384 : i32
        %dma_start3A_144 = arith.constant 0 : i32
        %dma_start3A_145 = tpu.memref_slice %arg10[%dma_start3A_143, %dma_start3A_144] : memref<512x32xf32, #tpu.memory_space<vmem>> -> memref<128x32xf32, #tpu.memory_space<vmem>>
        %dma_start3A_146 = arith.constant 0 : i32
        %dma_start3A_147 = tpu.memref_slice %arg9[%dma_start3A_142, %dma_start3A_146] : memref<4x128xi32, #tpu.memory_space<vmem>> -> memref<1x128xi32, #tpu.memory_space<vmem>>
        %dma_start3A_148 = tpu.memref_squeeze %dma_start3A_147 : memref<1x128xi32, #tpu.memory_space<vmem>> -> memref<128xi32, #tpu.memory_space<vmem>>
        %dma_start3A_149 = arith.constant 0 : i32
        %dma_start3A_150 = arith.constant 0 : i32
        %dma_start3A_151 = tpu.memref_slice %arg11[%dma_start3A_149, %dma_start3A_150] : memref<51200x32xf32, #tpu.memory_space<vmem_shared>> -> memref<51200x32xf32, #tpu.memory_space<vmem_shared>>
        tpu.enqueue_indirect_dma source(%dma_start3A_145 : memref<128x32xf32, #tpu.memory_space<vmem>>) target(%dma_start3A_151 : memref<51200x32xf32, #tpu.memory_space<vmem_shared>>) offsets(%dma_start3A_148 : memref<128xi32, #tpu.memory_space<vmem>>) semaphore(%arg14 : memref<!tpu.dma_semaphore, #tpu.memory_space<semaphore_mem>>) {add = true}
        %dma_wait3A_152 = arith.constant 0 : i32
        %dma_wait3A_153 = arith.constant 0 : i32
        %dma_wait3A_154 = arith.constant 0 : i32
        %dma_wait3A_155 = tpu.memref_slice %arg10[%dma_wait3A_153, %dma_wait3A_154] : memref<512x32xf32, #tpu.memory_space<vmem>> -> memref<128x32xf32, #tpu.memory_space<vmem>>
        %dma_wait3A_156 = arith.constant 0 : i32
        %dma_wait3A_157 = tpu.memref_slice %arg9[%dma_wait3A_152, %dma_wait3A_156] : memref<4x128xi32, #tpu.memory_space<vmem>> -> memref<1x128xi32, #tpu.memory_space<vmem>>
        %dma_wait3A_158 = tpu.memref_squeeze %dma_wait3A_157 : memref<1x128xi32, #tpu.memory_space<vmem>> -> memref<128xi32, #tpu.memory_space<vmem>>
        %dma_wait3A_159 = arith.constant 0 : i32
        %dma_wait3A_160 = arith.constant 0 : i32
        %dma_wait3A_161 = tpu.memref_slice %arg11[%dma_wait3A_159, %dma_wait3A_160] : memref<51200x32xf32, #tpu.memory_space<vmem_shared>> -> memref<51200x32xf32, #tpu.memory_space<vmem_shared>>
        tpu.wait_indirect_dma semaphore(%arg14 : memref<!tpu.dma_semaphore, #tpu.memory_space<semaphore_mem>>) src(%dma_wait3A_155 : memref<128x32xf32, #tpu.memory_space<vmem>>) dst(%dma_wait3A_161 : memref<51200x32xf32, #tpu.memory_space<vmem_shared>>)
        %dma_wait3A_162 = arith.constant 1 : i32
        %dma_wait3A_163 = arith.constant 128 : i32
        %dma_wait3A_164 = arith.constant 0 : i32
        %dma_wait3A_165 = tpu.memref_slice %arg10[%dma_wait3A_163, %dma_wait3A_164] : memref<512x32xf32, #tpu.memory_space<vmem>> -> memref<128x32xf32, #tpu.memory_space<vmem>>
        %dma_wait3A_166 = arith.constant 0 : i32
        %dma_wait3A_167 = tpu.memref_slice %arg9[%dma_wait3A_162, %dma_wait3A_166] : memref<4x128xi32, #tpu.memory_space<vmem>> -> memref<1x128xi32, #tpu.memory_space<vmem>>
        %dma_wait3A_168 = tpu.memref_squeeze %dma_wait3A_167 : memref<1x128xi32, #tpu.memory_space<vmem>> -> memref<128xi32, #tpu.memory_space<vmem>>
        %dma_wait3A_169 = arith.constant 0 : i32
        %dma_wait3A_170 = arith.constant 0 : i32
        %dma_wait3A_171 = tpu.memref_slice %arg11[%dma_wait3A_169, %dma_wait3A_170] : memref<51200x32xf32, #tpu.memory_space<vmem_shared>> -> memref<51200x32xf32, #tpu.memory_space<vmem_shared>>
        tpu.wait_indirect_dma semaphore(%arg14 : memref<!tpu.dma_semaphore, #tpu.memory_space<semaphore_mem>>) src(%dma_wait3A_165 : memref<128x32xf32, #tpu.memory_space<vmem>>) dst(%dma_wait3A_171 : memref<51200x32xf32, #tpu.memory_space<vmem_shared>>)
        %dma_wait3A_172 = arith.constant 2 : i32
        %dma_wait3A_173 = arith.constant 256 : i32
        %dma_wait3A_174 = arith.constant 0 : i32
        %dma_wait3A_175 = tpu.memref_slice %arg10[%dma_wait3A_173, %dma_wait3A_174] : memref<512x32xf32, #tpu.memory_space<vmem>> -> memref<128x32xf32, #tpu.memory_space<vmem>>
        %dma_wait3A_176 = arith.constant 0 : i32
        %dma_wait3A_177 = tpu.memref_slice %arg9[%dma_wait3A_172, %dma_wait3A_176] : memref<4x128xi32, #tpu.memory_space<vmem>> -> memref<1x128xi32, #tpu.memory_space<vmem>>
        %dma_wait3A_178 = tpu.memref_squeeze %dma_wait3A_177 : memref<1x128xi32, #tpu.memory_space<vmem>> -> memref<128xi32, #tpu.memory_space<vmem>>
        %dma_wait3A_179 = arith.constant 0 : i32
        %dma_wait3A_180 = arith.constant 0 : i32
        %dma_wait3A_181 = tpu.memref_slice %arg11[%dma_wait3A_179, %dma_wait3A_180] : memref<51200x32xf32, #tpu.memory_space<vmem_shared>> -> memref<51200x32xf32, #tpu.memory_space<vmem_shared>>
        tpu.wait_indirect_dma semaphore(%arg14 : memref<!tpu.dma_semaphore, #tpu.memory_space<semaphore_mem>>) src(%dma_wait3A_175 : memref<128x32xf32, #tpu.memory_space<vmem>>) dst(%dma_wait3A_181 : memref<51200x32xf32, #tpu.memory_space<vmem_shared>>)
        %dma_wait3A_182 = arith.constant 3 : i32
        %dma_wait3A_183 = arith.constant 384 : i32
        %dma_wait3A_184 = arith.constant 0 : i32
        %dma_wait3A_185 = tpu.memref_slice %arg10[%dma_wait3A_183, %dma_wait3A_184] : memref<512x32xf32, #tpu.memory_space<vmem>> -> memref<128x32xf32, #tpu.memory_space<vmem>>
        %dma_wait3A_186 = arith.constant 0 : i32
        %dma_wait3A_187 = tpu.memref_slice %arg9[%dma_wait3A_182, %dma_wait3A_186] : memref<4x128xi32, #tpu.memory_space<vmem>> -> memref<1x128xi32, #tpu.memory_space<vmem>>
        %dma_wait3A_188 = tpu.memref_squeeze %dma_wait3A_187 : memref<1x128xi32, #tpu.memory_space<vmem>> -> memref<128xi32, #tpu.memory_space<vmem>>
        %dma_wait3A_189 = arith.constant 0 : i32
        %dma_wait3A_190 = arith.constant 0 : i32
        %dma_wait3A_191 = tpu.memref_slice %arg11[%dma_wait3A_189, %dma_wait3A_190] : memref<51200x32xf32, #tpu.memory_space<vmem_shared>> -> memref<51200x32xf32, #tpu.memory_space<vmem_shared>>
        tpu.wait_indirect_dma semaphore(%arg14 : memref<!tpu.dma_semaphore, #tpu.memory_space<semaphore_mem>>) src(%dma_wait3A_185 : memref<128x32xf32, #tpu.memory_space<vmem>>) dst(%dma_wait3A_191 : memref<51200x32xf32, #tpu.memory_space<vmem_shared>>)
      }
      %scan3A_11 = arith.constant 98 : i32
      %barrier3A_12 = arith.constant 0 : index
      tpu.barrier barrier_id(%barrier3A_12)
      %run_scoped3A = arith.constant 0 : i32
      "tpu.region"() ({
        %run_scoped3A_13 = tpu.sem_alloc : memref<!tpu.dma_semaphore, #tpu.memory_space<semaphore_mem>>
        %dma_start3A = arith.constant 0 : i32
        %dma_start3A_14 = arith.constant 0 : i32
        %dma_start3A_15 = tpu.memref_slice %arg7[%run_scoped3A, %dma_start3A, %dma_start3A_14] : memref<2x51200x32xf32, #tpu.memory_space<hbm>> -> memref<1x51200x32xf32, #tpu.memory_space<hbm>>
        %dma_start3A_16 = tpu.memref_squeeze %dma_start3A_15 : memref<1x51200x32xf32, #tpu.memory_space<hbm>> -> memref<51200x32xf32, #tpu.memory_space<hbm>>
        %dma_start3A_17 = arith.constant 0 : i32
        %dma_start3A_18 = tpu.memref_slice %dma_start3A_16[%mul3A_7, %dma_start3A_17] : memref<51200x32xf32, #tpu.memory_space<hbm>> -> memref<3200x32xf32, #tpu.memory_space<hbm>>
        %dma_start3A_19 = arith.constant 0 : i32
        %dma_start3A_20 = tpu.memref_slice %arg11[%mul3A_7, %dma_start3A_19] : memref<51200x32xf32, #tpu.memory_space<vmem_shared>> -> memref<3200x32xf32, #tpu.memory_space<vmem_shared>>
        tpu.enqueue_dma source(%dma_start3A_20 : memref<3200x32xf32, #tpu.memory_space<vmem_shared>>) target(%dma_start3A_18 : memref<3200x32xf32, #tpu.memory_space<hbm>>) target_semaphore(%run_scoped3A_13 : memref<!tpu.dma_semaphore, #tpu.memory_space<semaphore_mem>>)
        %dma_wait3A = arith.constant 0 : i32
        %dma_wait3A_21 = arith.constant 0 : i32
        %dma_wait3A_22 = tpu.memref_slice %arg7[%run_scoped3A, %dma_wait3A, %dma_wait3A_21] : memref<2x51200x32xf32, #tpu.memory_space<hbm>> -> memref<1x51200x32xf32, #tpu.memory_space<hbm>>
        %dma_wait3A_23 = tpu.memref_squeeze %dma_wait3A_22 : memref<1x51200x32xf32, #tpu.memory_space<hbm>> -> memref<51200x32xf32, #tpu.memory_space<hbm>>
        %dma_wait3A_24 = arith.constant 0 : i32
        %dma_wait3A_25 = tpu.memref_slice %dma_wait3A_23[%mul3A_7, %dma_wait3A_24] : memref<51200x32xf32, #tpu.memory_space<hbm>> -> memref<3200x32xf32, #tpu.memory_space<hbm>>
        %dma_wait3A_26 = arith.constant 0 : i32
        %dma_wait3A_27 = tpu.memref_slice %arg11[%mul3A_7, %dma_wait3A_26] : memref<51200x32xf32, #tpu.memory_space<vmem_shared>> -> memref<3200x32xf32, #tpu.memory_space<vmem_shared>>
        tpu.wait_dma2 semaphore(%run_scoped3A_13 : memref<!tpu.dma_semaphore, #tpu.memory_space<semaphore_mem>>) src(%dma_wait3A_27 : memref<3200x32xf32, #tpu.memory_space<vmem_shared>>) dst(%dma_wait3A_25 : memref<3200x32xf32, #tpu.memory_space<hbm>>)
        tpu.yield
      }) : () -> ()
    } else {
    }
    %eq3A_2 = arith.constant 1 : i32
    %eq3A_3 = arith.cmpi eq, %arg0, %eq3A_2 : i32
    %convert_element_type3A_4 = arith.extui %eq3A_3 : i1 to i32
    %cond3A_5 = arith.constant 0 : i32
    %cond3A_6 = arith.cmpi ne, %convert_element_type3A_4, %cond3A_5 : i32
    scf.if %cond3A_6 {
      %mul3A = arith.constant 3200 : i32
      %mul3A_7 = arith.muli %arg1, %mul3A : i32
      "tpu.region"() ({
        %run_scoped3A_13 = tpu.sem_alloc : memref<!tpu.dma_semaphore, #tpu.memory_space<semaphore_mem>>
        %dma_start3A = arith.constant 0 : i32
        %dma_start3A_14 = tpu.memref_slice %arg11[%mul3A_7, %dma_start3A] : memref<51200x32xf32, #tpu.memory_space<vmem_shared>> -> memref<3200x32xf32, #tpu.memory_space<vmem_shared>>
        %dma_start3A_15 = arith.constant 0 : i32
        %dma_start3A_16 = tpu.memref_slice %arg6[%mul3A_7, %dma_start3A_15] : memref<51200x32xf32, #tpu.memory_space<hbm>> -> memref<3200x32xf32, #tpu.memory_space<hbm>>
        tpu.enqueue_dma source(%dma_start3A_16 : memref<3200x32xf32, #tpu.memory_space<hbm>>) target(%dma_start3A_14 : memref<3200x32xf32, #tpu.memory_space<vmem_shared>>) target_semaphore(%run_scoped3A_13 : memref<!tpu.dma_semaphore, #tpu.memory_space<semaphore_mem>>)
        %dma_wait3A = arith.constant 0 : i32
        %dma_wait3A_17 = tpu.memref_slice %arg11[%mul3A_7, %dma_wait3A] : memref<51200x32xf32, #tpu.memory_space<vmem_shared>> -> memref<3200x32xf32, #tpu.memory_space<vmem_shared>>
        %dma_wait3A_18 = arith.constant 0 : i32
        %dma_wait3A_19 = tpu.memref_slice %arg6[%mul3A_7, %dma_wait3A_18] : memref<51200x32xf32, #tpu.memory_space<hbm>> -> memref<3200x32xf32, #tpu.memory_space<hbm>>
        tpu.wait_dma2 semaphore(%run_scoped3A_13 : memref<!tpu.dma_semaphore, #tpu.memory_space<semaphore_mem>>) src(%dma_wait3A_19 : memref<3200x32xf32, #tpu.memory_space<hbm>>) dst(%dma_wait3A_17 : memref<3200x32xf32, #tpu.memory_space<vmem_shared>>)
        tpu.yield
      }) : () -> ()
      %barrier3A = arith.constant 0 : index
      tpu.barrier barrier_id(%barrier3A)
      %scan3A = arith.constant 0 : i32
      %scan3A_8 = arith.constant 98 : i32
      %scan3A_9 = arith.addi %scan3A, %scan3A_8 : i32
      %scan3A_10 = arith.constant 1 : i32
      scf.for %scan3A_13 = %scan3A to %scan3A_9 step %scan3A_10  : i32 {
        %mul3A_14 = arith.constant 392 : i32
        %mul3A_15 = arith.muli %arg1, %mul3A_14 : i32
        %mul3A_16 = arith.constant 4 : i32
        %mul3A_17 = arith.muli %scan3A_13, %mul3A_16 : i32
        %add3A = arith.addi %mul3A_15, %mul3A_17 : i32
        %dma_start3A = arith.constant 0 : i32
        %dma_start3A_18 = tpu.memref_slice %arg4[%add3A, %dma_start3A] : memref<6272x128xi32, #tpu.memory_space<hbm>> -> memref<4x128xi32, #tpu.memory_space<hbm>>
        %dma_start3A_19 = arith.constant 0 : i32
        %dma_start3A_20 = tpu.memref_slice %arg4[%add3A, %dma_start3A_19] : memref<6272x128xi32, #tpu.memory_space<hbm>> -> memref<4x128xi32, #tpu.memory_space<hbm>>
        tpu.enqueue_dma source(%dma_start3A_20 : memref<4x128xi32, #tpu.memory_space<hbm>>) target(%arg8 : memref<4x128xi32, #tpu.memory_space<vmem>>) target_semaphore(%arg12 : memref<!tpu.dma_semaphore, #tpu.memory_space<semaphore_mem>>)
        %dma_start3A_21 = arith.constant 0 : i32
        %dma_start3A_22 = tpu.memref_slice %arg5[%add3A, %dma_start3A_21] : memref<6272x128xi32, #tpu.memory_space<hbm>> -> memref<4x128xi32, #tpu.memory_space<hbm>>
        %dma_start3A_23 = arith.constant 0 : i32
        %dma_start3A_24 = tpu.memref_slice %arg5[%add3A, %dma_start3A_23] : memref<6272x128xi32, #tpu.memory_space<hbm>> -> memref<4x128xi32, #tpu.memory_space<hbm>>
        tpu.enqueue_dma source(%dma_start3A_24 : memref<4x128xi32, #tpu.memory_space<hbm>>) target(%arg9 : memref<4x128xi32, #tpu.memory_space<vmem>>) target_semaphore(%arg12 : memref<!tpu.dma_semaphore, #tpu.memory_space<semaphore_mem>>)
        %dma_wait3A = arith.constant 0 : i32
        %dma_wait3A_25 = tpu.memref_slice %arg4[%add3A, %dma_wait3A] : memref<6272x128xi32, #tpu.memory_space<hbm>> -> memref<4x128xi32, #tpu.memory_space<hbm>>
        %dma_wait3A_26 = arith.constant 0 : i32
        %dma_wait3A_27 = tpu.memref_slice %arg4[%add3A, %dma_wait3A_26] : memref<6272x128xi32, #tpu.memory_space<hbm>> -> memref<4x128xi32, #tpu.memory_space<hbm>>
        tpu.wait_dma2 semaphore(%arg12 : memref<!tpu.dma_semaphore, #tpu.memory_space<semaphore_mem>>) src(%dma_wait3A_27 : memref<4x128xi32, #tpu.memory_space<hbm>>) dst(%arg8 : memref<4x128xi32, #tpu.memory_space<vmem>>)
        %dma_wait3A_28 = arith.constant 0 : i32
        %dma_wait3A_29 = tpu.memref_slice %arg5[%add3A, %dma_wait3A_28] : memref<6272x128xi32, #tpu.memory_space<hbm>> -> memref<4x128xi32, #tpu.memory_space<hbm>>
        %dma_wait3A_30 = arith.constant 0 : i32
        %dma_wait3A_31 = tpu.memref_slice %arg5[%add3A, %dma_wait3A_30] : memref<6272x128xi32, #tpu.memory_space<hbm>> -> memref<4x128xi32, #tpu.memory_space<hbm>>
        tpu.wait_dma2 semaphore(%arg12 : memref<!tpu.dma_semaphore, #tpu.memory_space<semaphore_mem>>) src(%dma_wait3A_31 : memref<4x128xi32, #tpu.memory_space<hbm>>) dst(%arg9 : memref<4x128xi32, #tpu.memory_space<vmem>>)
        %dma_start3A_32 = arith.constant 0 : i32
        %dma_start3A_33 = arith.constant 0 : i32
        %dma_start3A_34 = arith.constant 0 : i32
        %dma_start3A_35 = tpu.memref_slice %arg10[%dma_start3A_33, %dma_start3A_34] : memref<512x32xf32, #tpu.memory_space<vmem>> -> memref<128x32xf32, #tpu.memory_space<vmem>>
        %dma_start3A_36 = arith.constant 0 : i32
        %dma_start3A_37 = tpu.memref_slice %arg8[%dma_start3A_32, %dma_start3A_36] : memref<4x128xi32, #tpu.memory_space<vmem>> -> memref<1x128xi32, #tpu.memory_space<vmem>>
        %dma_start3A_38 = tpu.memref_squeeze %dma_start3A_37 : memref<1x128xi32, #tpu.memory_space<vmem>> -> memref<128xi32, #tpu.memory_space<vmem>>
        %dma_start3A_39 = arith.constant 0 : i32
        %dma_start3A_40 = arith.constant 0 : i32
        %dma_start3A_41 = tpu.memref_slice %arg3[%dma_start3A_39, %dma_start3A_40] : memref<50000x32xf32, #tpu.memory_space<hbm>> -> memref<50000x32xf32, #tpu.memory_space<hbm>>
        tpu.enqueue_indirect_dma source(%dma_start3A_41 : memref<50000x32xf32, #tpu.memory_space<hbm>>) target(%dma_start3A_35 : memref<128x32xf32, #tpu.memory_space<vmem>>) offsets(%dma_start3A_38 : memref<128xi32, #tpu.memory_space<vmem>>) semaphore(%arg13 : memref<!tpu.dma_semaphore, #tpu.memory_space<semaphore_mem>>)
        %dma_start3A_42 = arith.constant 1 : i32
        %dma_start3A_43 = arith.constant 128 : i32
        %dma_start3A_44 = arith.constant 0 : i32
        %dma_start3A_45 = tpu.memref_slice %arg10[%dma_start3A_43, %dma_start3A_44] : memref<512x32xf32, #tpu.memory_space<vmem>> -> memref<128x32xf32, #tpu.memory_space<vmem>>
        %dma_start3A_46 = arith.constant 0 : i32
        %dma_start3A_47 = tpu.memref_slice %arg8[%dma_start3A_42, %dma_start3A_46] : memref<4x128xi32, #tpu.memory_space<vmem>> -> memref<1x128xi32, #tpu.memory_space<vmem>>
        %dma_start3A_48 = tpu.memref_squeeze %dma_start3A_47 : memref<1x128xi32, #tpu.memory_space<vmem>> -> memref<128xi32, #tpu.memory_space<vmem>>
        %dma_start3A_49 = arith.constant 0 : i32
        %dma_start3A_50 = arith.constant 0 : i32
        %dma_start3A_51 = tpu.memref_slice %arg3[%dma_start3A_49, %dma_start3A_50] : memref<50000x32xf32, #tpu.memory_space<hbm>> -> memref<50000x32xf32, #tpu.memory_space<hbm>>
        tpu.enqueue_indirect_dma source(%dma_start3A_51 : memref<50000x32xf32, #tpu.memory_space<hbm>>) target(%dma_start3A_45 : memref<128x32xf32, #tpu.memory_space<vmem>>) offsets(%dma_start3A_48 : memref<128xi32, #tpu.memory_space<vmem>>) semaphore(%arg13 : memref<!tpu.dma_semaphore, #tpu.memory_space<semaphore_mem>>)
        %dma_start3A_52 = arith.constant 2 : i32
        %dma_start3A_53 = arith.constant 256 : i32
        %dma_start3A_54 = arith.constant 0 : i32
        %dma_start3A_55 = tpu.memref_slice %arg10[%dma_start3A_53, %dma_start3A_54] : memref<512x32xf32, #tpu.memory_space<vmem>> -> memref<128x32xf32, #tpu.memory_space<vmem>>
        %dma_start3A_56 = arith.constant 0 : i32
        %dma_start3A_57 = tpu.memref_slice %arg8[%dma_start3A_52, %dma_start3A_56] : memref<4x128xi32, #tpu.memory_space<vmem>> -> memref<1x128xi32, #tpu.memory_space<vmem>>
        %dma_start3A_58 = tpu.memref_squeeze %dma_start3A_57 : memref<1x128xi32, #tpu.memory_space<vmem>> -> memref<128xi32, #tpu.memory_space<vmem>>
        %dma_start3A_59 = arith.constant 0 : i32
        %dma_start3A_60 = arith.constant 0 : i32
        %dma_start3A_61 = tpu.memref_slice %arg3[%dma_start3A_59, %dma_start3A_60] : memref<50000x32xf32, #tpu.memory_space<hbm>> -> memref<50000x32xf32, #tpu.memory_space<hbm>>
        tpu.enqueue_indirect_dma source(%dma_start3A_61 : memref<50000x32xf32, #tpu.memory_space<hbm>>) target(%dma_start3A_55 : memref<128x32xf32, #tpu.memory_space<vmem>>) offsets(%dma_start3A_58 : memref<128xi32, #tpu.memory_space<vmem>>) semaphore(%arg13 : memref<!tpu.dma_semaphore, #tpu.memory_space<semaphore_mem>>)
        %dma_start3A_62 = arith.constant 3 : i32
        %dma_start3A_63 = arith.constant 384 : i32
        %dma_start3A_64 = arith.constant 0 : i32
        %dma_start3A_65 = tpu.memref_slice %arg10[%dma_start3A_63, %dma_start3A_64] : memref<512x32xf32, #tpu.memory_space<vmem>> -> memref<128x32xf32, #tpu.memory_space<vmem>>
        %dma_start3A_66 = arith.constant 0 : i32
        %dma_start3A_67 = tpu.memref_slice %arg8[%dma_start3A_62, %dma_start3A_66] : memref<4x128xi32, #tpu.memory_space<vmem>> -> memref<1x128xi32, #tpu.memory_space<vmem>>
        %dma_start3A_68 = tpu.memref_squeeze %dma_start3A_67 : memref<1x128xi32, #tpu.memory_space<vmem>> -> memref<128xi32, #tpu.memory_space<vmem>>
        %dma_start3A_69 = arith.constant 0 : i32
        %dma_start3A_70 = arith.constant 0 : i32
        %dma_start3A_71 = tpu.memref_slice %arg3[%dma_start3A_69, %dma_start3A_70] : memref<50000x32xf32, #tpu.memory_space<hbm>> -> memref<50000x32xf32, #tpu.memory_space<hbm>>
        tpu.enqueue_indirect_dma source(%dma_start3A_71 : memref<50000x32xf32, #tpu.memory_space<hbm>>) target(%dma_start3A_65 : memref<128x32xf32, #tpu.memory_space<vmem>>) offsets(%dma_start3A_68 : memref<128xi32, #tpu.memory_space<vmem>>) semaphore(%arg13 : memref<!tpu.dma_semaphore, #tpu.memory_space<semaphore_mem>>)
        %dma_wait3A_72 = arith.constant 0 : i32
        %dma_wait3A_73 = arith.constant 0 : i32
        %dma_wait3A_74 = arith.constant 0 : i32
        %dma_wait3A_75 = tpu.memref_slice %arg10[%dma_wait3A_73, %dma_wait3A_74] : memref<512x32xf32, #tpu.memory_space<vmem>> -> memref<128x32xf32, #tpu.memory_space<vmem>>
        %dma_wait3A_76 = arith.constant 0 : i32
        %dma_wait3A_77 = tpu.memref_slice %arg8[%dma_wait3A_72, %dma_wait3A_76] : memref<4x128xi32, #tpu.memory_space<vmem>> -> memref<1x128xi32, #tpu.memory_space<vmem>>
        %dma_wait3A_78 = tpu.memref_squeeze %dma_wait3A_77 : memref<1x128xi32, #tpu.memory_space<vmem>> -> memref<128xi32, #tpu.memory_space<vmem>>
        %dma_wait3A_79 = arith.constant 0 : i32
        %dma_wait3A_80 = arith.constant 0 : i32
        %dma_wait3A_81 = tpu.memref_slice %arg3[%dma_wait3A_79, %dma_wait3A_80] : memref<50000x32xf32, #tpu.memory_space<hbm>> -> memref<50000x32xf32, #tpu.memory_space<hbm>>
        tpu.wait_indirect_dma semaphore(%arg13 : memref<!tpu.dma_semaphore, #tpu.memory_space<semaphore_mem>>) src(%dma_wait3A_81 : memref<50000x32xf32, #tpu.memory_space<hbm>>) dst(%dma_wait3A_75 : memref<128x32xf32, #tpu.memory_space<vmem>>)
        %dma_wait3A_82 = arith.constant 1 : i32
        %dma_wait3A_83 = arith.constant 128 : i32
        %dma_wait3A_84 = arith.constant 0 : i32
        %dma_wait3A_85 = tpu.memref_slice %arg10[%dma_wait3A_83, %dma_wait3A_84] : memref<512x32xf32, #tpu.memory_space<vmem>> -> memref<128x32xf32, #tpu.memory_space<vmem>>
        %dma_wait3A_86 = arith.constant 0 : i32
        %dma_wait3A_87 = tpu.memref_slice %arg8[%dma_wait3A_82, %dma_wait3A_86] : memref<4x128xi32, #tpu.memory_space<vmem>> -> memref<1x128xi32, #tpu.memory_space<vmem>>
        %dma_wait3A_88 = tpu.memref_squeeze %dma_wait3A_87 : memref<1x128xi32, #tpu.memory_space<vmem>> -> memref<128xi32, #tpu.memory_space<vmem>>
        %dma_wait3A_89 = arith.constant 0 : i32
        %dma_wait3A_90 = arith.constant 0 : i32
        %dma_wait3A_91 = tpu.memref_slice %arg3[%dma_wait3A_89, %dma_wait3A_90] : memref<50000x32xf32, #tpu.memory_space<hbm>> -> memref<50000x32xf32, #tpu.memory_space<hbm>>
        tpu.wait_indirect_dma semaphore(%arg13 : memref<!tpu.dma_semaphore, #tpu.memory_space<semaphore_mem>>) src(%dma_wait3A_91 : memref<50000x32xf32, #tpu.memory_space<hbm>>) dst(%dma_wait3A_85 : memref<128x32xf32, #tpu.memory_space<vmem>>)
        %dma_wait3A_92 = arith.constant 2 : i32
        %dma_wait3A_93 = arith.constant 256 : i32
        %dma_wait3A_94 = arith.constant 0 : i32
        %dma_wait3A_95 = tpu.memref_slice %arg10[%dma_wait3A_93, %dma_wait3A_94] : memref<512x32xf32, #tpu.memory_space<vmem>> -> memref<128x32xf32, #tpu.memory_space<vmem>>
        %dma_wait3A_96 = arith.constant 0 : i32
        %dma_wait3A_97 = tpu.memref_slice %arg8[%dma_wait3A_92, %dma_wait3A_96] : memref<4x128xi32, #tpu.memory_space<vmem>> -> memref<1x128xi32, #tpu.memory_space<vmem>>
        %dma_wait3A_98 = tpu.memref_squeeze %dma_wait3A_97 : memref<1x128xi32, #tpu.memory_space<vmem>> -> memref<128xi32, #tpu.memory_space<vmem>>
        %dma_wait3A_99 = arith.constant 0 : i32
        %dma_wait3A_100 = arith.constant 0 : i32
        %dma_wait3A_101 = tpu.memref_slice %arg3[%dma_wait3A_99, %dma_wait3A_100] : memref<50000x32xf32, #tpu.memory_space<hbm>> -> memref<50000x32xf32, #tpu.memory_space<hbm>>
        tpu.wait_indirect_dma semaphore(%arg13 : memref<!tpu.dma_semaphore, #tpu.memory_space<semaphore_mem>>) src(%dma_wait3A_101 : memref<50000x32xf32, #tpu.memory_space<hbm>>) dst(%dma_wait3A_95 : memref<128x32xf32, #tpu.memory_space<vmem>>)
        %dma_wait3A_102 = arith.constant 3 : i32
        %dma_wait3A_103 = arith.constant 384 : i32
        %dma_wait3A_104 = arith.constant 0 : i32
        %dma_wait3A_105 = tpu.memref_slice %arg10[%dma_wait3A_103, %dma_wait3A_104] : memref<512x32xf32, #tpu.memory_space<vmem>> -> memref<128x32xf32, #tpu.memory_space<vmem>>
        %dma_wait3A_106 = arith.constant 0 : i32
        %dma_wait3A_107 = tpu.memref_slice %arg8[%dma_wait3A_102, %dma_wait3A_106] : memref<4x128xi32, #tpu.memory_space<vmem>> -> memref<1x128xi32, #tpu.memory_space<vmem>>
        %dma_wait3A_108 = tpu.memref_squeeze %dma_wait3A_107 : memref<1x128xi32, #tpu.memory_space<vmem>> -> memref<128xi32, #tpu.memory_space<vmem>>
        %dma_wait3A_109 = arith.constant 0 : i32
        %dma_wait3A_110 = arith.constant 0 : i32
        %dma_wait3A_111 = tpu.memref_slice %arg3[%dma_wait3A_109, %dma_wait3A_110] : memref<50000x32xf32, #tpu.memory_space<hbm>> -> memref<50000x32xf32, #tpu.memory_space<hbm>>
        tpu.wait_indirect_dma semaphore(%arg13 : memref<!tpu.dma_semaphore, #tpu.memory_space<semaphore_mem>>) src(%dma_wait3A_111 : memref<50000x32xf32, #tpu.memory_space<hbm>>) dst(%dma_wait3A_105 : memref<128x32xf32, #tpu.memory_space<vmem>>)
        %dma_start3A_112 = arith.constant 0 : i32
        %dma_start3A_113 = arith.constant 0 : i32
        %dma_start3A_114 = arith.constant 0 : i32
        %dma_start3A_115 = tpu.memref_slice %arg10[%dma_start3A_113, %dma_start3A_114] : memref<512x32xf32, #tpu.memory_space<vmem>> -> memref<128x32xf32, #tpu.memory_space<vmem>>
        %dma_start3A_116 = arith.constant 0 : i32
        %dma_start3A_117 = tpu.memref_slice %arg9[%dma_start3A_112, %dma_start3A_116] : memref<4x128xi32, #tpu.memory_space<vmem>> -> memref<1x128xi32, #tpu.memory_space<vmem>>
        %dma_start3A_118 = tpu.memref_squeeze %dma_start3A_117 : memref<1x128xi32, #tpu.memory_space<vmem>> -> memref<128xi32, #tpu.memory_space<vmem>>
        %dma_start3A_119 = arith.constant 0 : i32
        %dma_start3A_120 = arith.constant 0 : i32
        %dma_start3A_121 = tpu.memref_slice %arg11[%dma_start3A_119, %dma_start3A_120] : memref<51200x32xf32, #tpu.memory_space<vmem_shared>> -> memref<51200x32xf32, #tpu.memory_space<vmem_shared>>
        tpu.enqueue_indirect_dma source(%dma_start3A_115 : memref<128x32xf32, #tpu.memory_space<vmem>>) target(%dma_start3A_121 : memref<51200x32xf32, #tpu.memory_space<vmem_shared>>) offsets(%dma_start3A_118 : memref<128xi32, #tpu.memory_space<vmem>>) semaphore(%arg14 : memref<!tpu.dma_semaphore, #tpu.memory_space<semaphore_mem>>) {add = true}
        %dma_start3A_122 = arith.constant 1 : i32
        %dma_start3A_123 = arith.constant 128 : i32
        %dma_start3A_124 = arith.constant 0 : i32
        %dma_start3A_125 = tpu.memref_slice %arg10[%dma_start3A_123, %dma_start3A_124] : memref<512x32xf32, #tpu.memory_space<vmem>> -> memref<128x32xf32, #tpu.memory_space<vmem>>
        %dma_start3A_126 = arith.constant 0 : i32
        %dma_start3A_127 = tpu.memref_slice %arg9[%dma_start3A_122, %dma_start3A_126] : memref<4x128xi32, #tpu.memory_space<vmem>> -> memref<1x128xi32, #tpu.memory_space<vmem>>
        %dma_start3A_128 = tpu.memref_squeeze %dma_start3A_127 : memref<1x128xi32, #tpu.memory_space<vmem>> -> memref<128xi32, #tpu.memory_space<vmem>>
        %dma_start3A_129 = arith.constant 0 : i32
        %dma_start3A_130 = arith.constant 0 : i32
        %dma_start3A_131 = tpu.memref_slice %arg11[%dma_start3A_129, %dma_start3A_130] : memref<51200x32xf32, #tpu.memory_space<vmem_shared>> -> memref<51200x32xf32, #tpu.memory_space<vmem_shared>>
        tpu.enqueue_indirect_dma source(%dma_start3A_125 : memref<128x32xf32, #tpu.memory_space<vmem>>) target(%dma_start3A_131 : memref<51200x32xf32, #tpu.memory_space<vmem_shared>>) offsets(%dma_start3A_128 : memref<128xi32, #tpu.memory_space<vmem>>) semaphore(%arg14 : memref<!tpu.dma_semaphore, #tpu.memory_space<semaphore_mem>>) {add = true}
        %dma_start3A_132 = arith.constant 2 : i32
        %dma_start3A_133 = arith.constant 256 : i32
        %dma_start3A_134 = arith.constant 0 : i32
        %dma_start3A_135 = tpu.memref_slice %arg10[%dma_start3A_133, %dma_start3A_134] : memref<512x32xf32, #tpu.memory_space<vmem>> -> memref<128x32xf32, #tpu.memory_space<vmem>>
        %dma_start3A_136 = arith.constant 0 : i32
        %dma_start3A_137 = tpu.memref_slice %arg9[%dma_start3A_132, %dma_start3A_136] : memref<4x128xi32, #tpu.memory_space<vmem>> -> memref<1x128xi32, #tpu.memory_space<vmem>>
        %dma_start3A_138 = tpu.memref_squeeze %dma_start3A_137 : memref<1x128xi32, #tpu.memory_space<vmem>> -> memref<128xi32, #tpu.memory_space<vmem>>
        %dma_start3A_139 = arith.constant 0 : i32
        %dma_start3A_140 = arith.constant 0 : i32
        %dma_start3A_141 = tpu.memref_slice %arg11[%dma_start3A_139, %dma_start3A_140] : memref<51200x32xf32, #tpu.memory_space<vmem_shared>> -> memref<51200x32xf32, #tpu.memory_space<vmem_shared>>
        tpu.enqueue_indirect_dma source(%dma_start3A_135 : memref<128x32xf32, #tpu.memory_space<vmem>>) target(%dma_start3A_141 : memref<51200x32xf32, #tpu.memory_space<vmem_shared>>) offsets(%dma_start3A_138 : memref<128xi32, #tpu.memory_space<vmem>>) semaphore(%arg14 : memref<!tpu.dma_semaphore, #tpu.memory_space<semaphore_mem>>) {add = true}
        %dma_start3A_142 = arith.constant 3 : i32
        %dma_start3A_143 = arith.constant 384 : i32
        %dma_start3A_144 = arith.constant 0 : i32
        %dma_start3A_145 = tpu.memref_slice %arg10[%dma_start3A_143, %dma_start3A_144] : memref<512x32xf32, #tpu.memory_space<vmem>> -> memref<128x32xf32, #tpu.memory_space<vmem>>
        %dma_start3A_146 = arith.constant 0 : i32
        %dma_start3A_147 = tpu.memref_slice %arg9[%dma_start3A_142, %dma_start3A_146] : memref<4x128xi32, #tpu.memory_space<vmem>> -> memref<1x128xi32, #tpu.memory_space<vmem>>
        %dma_start3A_148 = tpu.memref_squeeze %dma_start3A_147 : memref<1x128xi32, #tpu.memory_space<vmem>> -> memref<128xi32, #tpu.memory_space<vmem>>
        %dma_start3A_149 = arith.constant 0 : i32
        %dma_start3A_150 = arith.constant 0 : i32
        %dma_start3A_151 = tpu.memref_slice %arg11[%dma_start3A_149, %dma_start3A_150] : memref<51200x32xf32, #tpu.memory_space<vmem_shared>> -> memref<51200x32xf32, #tpu.memory_space<vmem_shared>>
        tpu.enqueue_indirect_dma source(%dma_start3A_145 : memref<128x32xf32, #tpu.memory_space<vmem>>) target(%dma_start3A_151 : memref<51200x32xf32, #tpu.memory_space<vmem_shared>>) offsets(%dma_start3A_148 : memref<128xi32, #tpu.memory_space<vmem>>) semaphore(%arg14 : memref<!tpu.dma_semaphore, #tpu.memory_space<semaphore_mem>>) {add = true}
        %dma_wait3A_152 = arith.constant 0 : i32
        %dma_wait3A_153 = arith.constant 0 : i32
        %dma_wait3A_154 = arith.constant 0 : i32
        %dma_wait3A_155 = tpu.memref_slice %arg10[%dma_wait3A_153, %dma_wait3A_154] : memref<512x32xf32, #tpu.memory_space<vmem>> -> memref<128x32xf32, #tpu.memory_space<vmem>>
        %dma_wait3A_156 = arith.constant 0 : i32
        %dma_wait3A_157 = tpu.memref_slice %arg9[%dma_wait3A_152, %dma_wait3A_156] : memref<4x128xi32, #tpu.memory_space<vmem>> -> memref<1x128xi32, #tpu.memory_space<vmem>>
        %dma_wait3A_158 = tpu.memref_squeeze %dma_wait3A_157 : memref<1x128xi32, #tpu.memory_space<vmem>> -> memref<128xi32, #tpu.memory_space<vmem>>
        %dma_wait3A_159 = arith.constant 0 : i32
        %dma_wait3A_160 = arith.constant 0 : i32
        %dma_wait3A_161 = tpu.memref_slice %arg11[%dma_wait3A_159, %dma_wait3A_160] : memref<51200x32xf32, #tpu.memory_space<vmem_shared>> -> memref<51200x32xf32, #tpu.memory_space<vmem_shared>>
        tpu.wait_indirect_dma semaphore(%arg14 : memref<!tpu.dma_semaphore, #tpu.memory_space<semaphore_mem>>) src(%dma_wait3A_155 : memref<128x32xf32, #tpu.memory_space<vmem>>) dst(%dma_wait3A_161 : memref<51200x32xf32, #tpu.memory_space<vmem_shared>>)
        %dma_wait3A_162 = arith.constant 1 : i32
        %dma_wait3A_163 = arith.constant 128 : i32
        %dma_wait3A_164 = arith.constant 0 : i32
        %dma_wait3A_165 = tpu.memref_slice %arg10[%dma_wait3A_163, %dma_wait3A_164] : memref<512x32xf32, #tpu.memory_space<vmem>> -> memref<128x32xf32, #tpu.memory_space<vmem>>
        %dma_wait3A_166 = arith.constant 0 : i32
        %dma_wait3A_167 = tpu.memref_slice %arg9[%dma_wait3A_162, %dma_wait3A_166] : memref<4x128xi32, #tpu.memory_space<vmem>> -> memref<1x128xi32, #tpu.memory_space<vmem>>
        %dma_wait3A_168 = tpu.memref_squeeze %dma_wait3A_167 : memref<1x128xi32, #tpu.memory_space<vmem>> -> memref<128xi32, #tpu.memory_space<vmem>>
        %dma_wait3A_169 = arith.constant 0 : i32
        %dma_wait3A_170 = arith.constant 0 : i32
        %dma_wait3A_171 = tpu.memref_slice %arg11[%dma_wait3A_169, %dma_wait3A_170] : memref<51200x32xf32, #tpu.memory_space<vmem_shared>> -> memref<51200x32xf32, #tpu.memory_space<vmem_shared>>
        tpu.wait_indirect_dma semaphore(%arg14 : memref<!tpu.dma_semaphore, #tpu.memory_space<semaphore_mem>>) src(%dma_wait3A_165 : memref<128x32xf32, #tpu.memory_space<vmem>>) dst(%dma_wait3A_171 : memref<51200x32xf32, #tpu.memory_space<vmem_shared>>)
        %dma_wait3A_172 = arith.constant 2 : i32
        %dma_wait3A_173 = arith.constant 256 : i32
        %dma_wait3A_174 = arith.constant 0 : i32
        %dma_wait3A_175 = tpu.memref_slice %arg10[%dma_wait3A_173, %dma_wait3A_174] : memref<512x32xf32, #tpu.memory_space<vmem>> -> memref<128x32xf32, #tpu.memory_space<vmem>>
        %dma_wait3A_176 = arith.constant 0 : i32
        %dma_wait3A_177 = tpu.memref_slice %arg9[%dma_wait3A_172, %dma_wait3A_176] : memref<4x128xi32, #tpu.memory_space<vmem>> -> memref<1x128xi32, #tpu.memory_space<vmem>>
        %dma_wait3A_178 = tpu.memref_squeeze %dma_wait3A_177 : memref<1x128xi32, #tpu.memory_space<vmem>> -> memref<128xi32, #tpu.memory_space<vmem>>
        %dma_wait3A_179 = arith.constant 0 : i32
        %dma_wait3A_180 = arith.constant 0 : i32
        %dma_wait3A_181 = tpu.memref_slice %arg11[%dma_wait3A_179, %dma_wait3A_180] : memref<51200x32xf32, #tpu.memory_space<vmem_shared>> -> memref<51200x32xf32, #tpu.memory_space<vmem_shared>>
        tpu.wait_indirect_dma semaphore(%arg14 : memref<!tpu.dma_semaphore, #tpu.memory_space<semaphore_mem>>) src(%dma_wait3A_175 : memref<128x32xf32, #tpu.memory_space<vmem>>) dst(%dma_wait3A_181 : memref<51200x32xf32, #tpu.memory_space<vmem_shared>>)
        %dma_wait3A_182 = arith.constant 3 : i32
        %dma_wait3A_183 = arith.constant 384 : i32
        %dma_wait3A_184 = arith.constant 0 : i32
        %dma_wait3A_185 = tpu.memref_slice %arg10[%dma_wait3A_183, %dma_wait3A_184] : memref<512x32xf32, #tpu.memory_space<vmem>> -> memref<128x32xf32, #tpu.memory_space<vmem>>
        %dma_wait3A_186 = arith.constant 0 : i32
        %dma_wait3A_187 = tpu.memref_slice %arg9[%dma_wait3A_182, %dma_wait3A_186] : memref<4x128xi32, #tpu.memory_space<vmem>> -> memref<1x128xi32, #tpu.memory_space<vmem>>
        %dma_wait3A_188 = tpu.memref_squeeze %dma_wait3A_187 : memref<1x128xi32, #tpu.memory_space<vmem>> -> memref<128xi32, #tpu.memory_space<vmem>>
        %dma_wait3A_189 = arith.constant 0 : i32
        %dma_wait3A_190 = arith.constant 0 : i32
        %dma_wait3A_191 = tpu.memref_slice %arg11[%dma_wait3A_189, %dma_wait3A_190] : memref<51200x32xf32, #tpu.memory_space<vmem_shared>> -> memref<51200x32xf32, #tpu.memory_space<vmem_shared>>
        tpu.wait_indirect_dma semaphore(%arg14 : memref<!tpu.dma_semaphore, #tpu.memory_space<semaphore_mem>>) src(%dma_wait3A_185 : memref<128x32xf32, #tpu.memory_space<vmem>>) dst(%dma_wait3A_191 : memref<51200x32xf32, #tpu.memory_space<vmem_shared>>)
      }
      %scan3A_11 = arith.constant 98 : i32
      %barrier3A_12 = arith.constant 0 : index
      tpu.barrier barrier_id(%barrier3A_12)
      %run_scoped3A = arith.constant 1 : i32
      "tpu.region"() ({
        %run_scoped3A_13 = tpu.sem_alloc : memref<!tpu.dma_semaphore, #tpu.memory_space<semaphore_mem>>
        %dma_start3A = arith.constant 0 : i32
        %dma_start3A_14 = arith.constant 0 : i32
        %dma_start3A_15 = tpu.memref_slice %arg7[%run_scoped3A, %dma_start3A, %dma_start3A_14] : memref<2x51200x32xf32, #tpu.memory_space<hbm>> -> memref<1x51200x32xf32, #tpu.memory_space<hbm>>
        %dma_start3A_16 = tpu.memref_squeeze %dma_start3A_15 : memref<1x51200x32xf32, #tpu.memory_space<hbm>> -> memref<51200x32xf32, #tpu.memory_space<hbm>>
        %dma_start3A_17 = arith.constant 0 : i32
        %dma_start3A_18 = tpu.memref_slice %dma_start3A_16[%mul3A_7, %dma_start3A_17] : memref<51200x32xf32, #tpu.memory_space<hbm>> -> memref<3200x32xf32, #tpu.memory_space<hbm>>
        %dma_start3A_19 = arith.constant 0 : i32
        %dma_start3A_20 = tpu.memref_slice %arg11[%mul3A_7, %dma_start3A_19] : memref<51200x32xf32, #tpu.memory_space<vmem_shared>> -> memref<3200x32xf32, #tpu.memory_space<vmem_shared>>
        tpu.enqueue_dma source(%dma_start3A_20 : memref<3200x32xf32, #tpu.memory_space<vmem_shared>>) target(%dma_start3A_18 : memref<3200x32xf32, #tpu.memory_space<hbm>>) target_semaphore(%run_scoped3A_13 : memref<!tpu.dma_semaphore, #tpu.memory_space<semaphore_mem>>)
        %dma_wait3A = arith.constant 0 : i32
        %dma_wait3A_21 = arith.constant 0 : i32
        %dma_wait3A_22 = tpu.memref_slice %arg7[%run_scoped3A, %dma_wait3A, %dma_wait3A_21] : memref<2x51200x32xf32, #tpu.memory_space<hbm>> -> memref<1x51200x32xf32, #tpu.memory_space<hbm>>
        %dma_wait3A_23 = tpu.memref_squeeze %dma_wait3A_22 : memref<1x51200x32xf32, #tpu.memory_space<hbm>> -> memref<51200x32xf32, #tpu.memory_space<hbm>>
        %dma_wait3A_24 = arith.constant 0 : i32
        %dma_wait3A_25 = tpu.memref_slice %dma_wait3A_23[%mul3A_7, %dma_wait3A_24] : memref<51200x32xf32, #tpu.memory_space<hbm>> -> memref<3200x32xf32, #tpu.memory_space<hbm>>
        %dma_wait3A_26 = arith.constant 0 : i32
        %dma_wait3A_27 = tpu.memref_slice %arg11[%mul3A_7, %dma_wait3A_26] : memref<51200x32xf32, #tpu.memory_space<vmem_shared>> -> memref<3200x32xf32, #tpu.memory_space<vmem_shared>>
        tpu.wait_dma2 semaphore(%run_scoped3A_13 : memref<!tpu.dma_semaphore, #tpu.memory_space<semaphore_mem>>) src(%dma_wait3A_27 : memref<3200x32xf32, #tpu.memory_space<vmem_shared>>) dst(%dma_wait3A_25 : memref<3200x32xf32, #tpu.memory_space<hbm>>)
        tpu.yield
      }) : () -> ()
    } else {
    }
    return
  }
}

module attributes {stable_mosaic.version = 14 : i64} {
  func.func @_tc1_body(%arg0: i32, %arg1: memref<2x400x32xf32, #tpu.memory_space<vmem>>, %arg2: memref<400x1xf32, #tpu.memory_space<vmem>>, %arg3: memref<400x64xf32, #tpu.memory_space<vmem>>, %arg4: memref<32x64xf32, #tpu.memory_space<vmem>>, %arg5: memref<32x64xf32, #tpu.memory_space<vmem>>, %arg6: memref<64x64xf32, #tpu.memory_space<vmem>>, %arg7: memref<2x400x32xf32, #tpu.memory_space<vmem>>) attributes {dimension_semantics = [#tpu.dimension_semantics<arbitrary>], iteration_bounds = array<i64: 125>, scalar_prefetch = 0 : i64, scratch_operands = 0 : i64, tpu.core_type = #tpu.core_type<tc>, window_params = [{transform_indices = @transform_0, window_bounds = array<i64: 2, 400, 32>}, {transform_indices = @transform_1, window_bounds = array<i64: 400, 1>}, {transform_indices = @transform_2, window_bounds = array<i64: 400, 64>}, {pipeline_mode = #tpu.pipeline_mode<synchronous>, transform_indices = @transform_3, window_bounds = array<i64: 32, 64>}, {pipeline_mode = #tpu.pipeline_mode<synchronous>, transform_indices = @transform_4, window_bounds = array<i64: 32, 64>}, {pipeline_mode = #tpu.pipeline_mode<synchronous>, transform_indices = @transform_5, window_bounds = array<i64: 64, 64>}, {transform_indices = @transform_6, window_bounds = array<i64: 2, 400, 32>}]} {
    %get3A = arith.constant 0 : index
    %get3A_0 = arith.constant 0 : index
    %get3A_1 = vector.load %arg2[%get3A, %get3A_0] : memref<400x1xf32, #tpu.memory_space<vmem>>, vector<400x1xf32>
    %max3A = arith.constant 1.000000e+00 : f32
    %max3A_2 = vector.broadcast %max3A : f32 to vector<400x1xf32>
    %max3A_3 = arith.maximumf %get3A_1, %max3A_2 : vector<400x1xf32>
    %div3A = arith.constant 1.000000e+00 : f32
    %div3A_4 = vector.broadcast %div3A : f32 to vector<400x1xf32>
    %div3A_5 = arith.divf %div3A_4, %max3A_3 : vector<400x1xf32>
    %get3A_6 = arith.constant 0 : index
    %get3A_7 = arith.constant 0 : index
    %get3A_8 = arith.constant 0 : index
    %get3A_9 = vector.load %arg1[%get3A_6, %get3A_7, %get3A_8] : memref<2x400x32xf32, #tpu.memory_space<vmem>>, vector<1x400x32xf32>
    %get3A_10 = vector.shape_cast %get3A_9 : vector<1x400x32xf32> to vector<400x32xf32>
    %mul3A = vector.broadcast %div3A_5 : vector<400x1xf32> to vector<400x32xf32>
    %mul3A_11 = arith.mulf %get3A_10, %mul3A : vector<400x32xf32>
    %get3A_12 = arith.constant 1 : index
    %get3A_13 = arith.constant 0 : index
    %get3A_14 = arith.constant 0 : index
    %get3A_15 = vector.load %arg1[%get3A_12, %get3A_13, %get3A_14] : memref<2x400x32xf32, #tpu.memory_space<vmem>>, vector<1x400x32xf32>
    %get3A_16 = vector.shape_cast %get3A_15 : vector<1x400x32xf32> to vector<400x32xf32>
    %mul3A_17 = vector.broadcast %div3A_5 : vector<400x1xf32> to vector<400x32xf32>
    %mul3A_18 = arith.mulf %get3A_16, %mul3A_17 : vector<400x32xf32>
    %get3A_19 = arith.constant 0 : index
    %get3A_20 = arith.constant 0 : index
    %get3A_21 = vector.load %arg4[%get3A_19, %get3A_20] : memref<32x64xf32, #tpu.memory_space<vmem>>, vector<32x64xf32>
    %dot_general3A = arith.constant dense<0.000000e+00> : vector<400x64xf32>
    %dot_general3A_22 = tpu.matmul %mul3A_11, %get3A_21, %dot_general3A {dimension_numbers = #tpu.dot_dimension_numbers<[1], [0], [0], [1], [0, 0, 1, 1], [], []>, transpose_lhs_hint = false} : vector<400x32xf32>, vector<32x64xf32>, vector<400x64xf32> -> vector<400x64xf32>
    %get3A_23 = arith.constant 0 : index
    %get3A_24 = arith.constant 0 : index
    %get3A_25 = vector.load %arg5[%get3A_23, %get3A_24] : memref<32x64xf32, #tpu.memory_space<vmem>>, vector<32x64xf32>
    %dot_general3A_26 = arith.constant dense<0.000000e+00> : vector<400x64xf32>
    %dot_general3A_27 = tpu.matmul %mul3A_18, %get3A_25, %dot_general3A_26 {dimension_numbers = #tpu.dot_dimension_numbers<[1], [0], [0], [1], [0, 0, 1, 1], [], []>, transpose_lhs_hint = false} : vector<400x32xf32>, vector<32x64xf32>, vector<400x64xf32> -> vector<400x64xf32>
    %add3A = arith.addf %dot_general3A_22, %dot_general3A_27 : vector<400x64xf32>
    %get3A_28 = arith.constant 0 : index
    %get3A_29 = arith.constant 0 : index
    %get3A_30 = vector.load %arg3[%get3A_28, %get3A_29] : memref<400x64xf32, #tpu.memory_space<vmem>>, vector<400x64xf32>
    %get3A_31 = arith.constant 0 : index
    %get3A_32 = arith.constant 0 : index
    %get3A_33 = vector.load %arg6[%get3A_31, %get3A_32] : memref<64x64xf32, #tpu.memory_space<vmem>>, vector<64x64xf32>
    %dot_general3A_34 = arith.constant dense<0.000000e+00> : vector<400x64xf32>
    %dot_general3A_35 = tpu.matmul %get3A_30, %get3A_33, %dot_general3A_34 {dimension_numbers = #tpu.dot_dimension_numbers<[1], [0], [0], [1], [0, 0, 1, 1], [], []>, transpose_lhs_hint = false} : vector<400x64xf32>, vector<64x64xf32>, vector<400x64xf32> -> vector<400x64xf32>
    %add3A_36 = arith.addf %add3A, %dot_general3A_35 : vector<400x64xf32>
    %max3A_37 = arith.constant 0.000000e+00 : f32
    %max3A_38 = vector.broadcast %max3A_37 : f32 to vector<400x64xf32>
    %max3A_39 = arith.maximumf %add3A_36, %max3A_38 : vector<400x64xf32>
    %slice3A = vector.extract_strided_slice %max3A_39 {offsets = [0, 0], sizes = [400, 32], strides = [1, 1]} : vector<400x64xf32> to vector<400x32xf32>
    %swap3A = arith.constant 0 : index
    %swap3A_40 = arith.constant 0 : index
    %swap3A_41 = arith.constant 0 : index
    %swap3A_42 = vector.load %arg7[%swap3A, %swap3A_40, %swap3A_41] : memref<2x400x32xf32, #tpu.memory_space<vmem>>, vector<1x400x32xf32>
    %swap3A_43 = vector.shape_cast %swap3A_42 : vector<1x400x32xf32> to vector<400x32xf32>
    %swap3A_44 = vector.shape_cast %slice3A : vector<400x32xf32> to vector<1x400x32xf32>
    tpu.vector_store %arg7[%swap3A, %swap3A_40, %swap3A_41], %swap3A_44 {strides = array<i32>} : memref<2x400x32xf32, #tpu.memory_space<vmem>>, vector<1x400x32xf32>,
    %slice3A_45 = vector.extract_strided_slice %max3A_39 {offsets = [0, 32], sizes = [400, 32], strides = [1, 1]} : vector<400x64xf32> to vector<400x32xf32>
    %swap3A_46 = arith.constant 1 : index
    %swap3A_47 = arith.constant 0 : index
    %swap3A_48 = arith.constant 0 : index
    %swap3A_49 = vector.load %arg7[%swap3A_46, %swap3A_47, %swap3A_48] : memref<2x400x32xf32, #tpu.memory_space<vmem>>, vector<1x400x32xf32>
    %swap3A_50 = vector.shape_cast %swap3A_49 : vector<1x400x32xf32> to vector<400x32xf32>
    %swap3A_51 = vector.shape_cast %slice3A_45 : vector<400x32xf32> to vector<1x400x32xf32>
    tpu.vector_store %arg7[%swap3A_46, %swap3A_47, %swap3A_48], %swap3A_51 {strides = array<i32>} : memref<2x400x32xf32, #tpu.memory_space<vmem>>, vector<1x400x32xf32>,
    return
  }
  func.func @transform_0(%arg0: i32) -> (i32, i32, i32) {
    %c0_i32 = arith.constant 0 : i32
    %c0_i32_0 = arith.constant 0 : i32
    %c0_i32_1 = arith.constant 0 : i32
    return %c0_i32, %arg0, %c0_i32_0 : i32, i32, i32
  }
  func.func @transform_1(%arg0: i32) -> (i32, i32) {
    %c0_i32 = arith.constant 0 : i32
    %c0_i32_0 = arith.constant 0 : i32
    return %arg0, %c0_i32 : i32, i32
  }
  func.func @transform_2(%arg0: i32) -> (i32, i32) {
    %c0_i32 = arith.constant 0 : i32
    %c0_i32_0 = arith.constant 0 : i32
    return %arg0, %c0_i32 : i32, i32
  }
  func.func @transform_3(%arg0: i32) -> (i32, i32) {
    %c0_i32 = arith.constant 0 : i32
    %c0_i32_0 = arith.constant 0 : i32
    %c0_i32_1 = arith.constant 0 : i32
    return %c0_i32, %c0_i32_0 : i32, i32
  }
  func.func @transform_4(%arg0: i32) -> (i32, i32) {
    %c0_i32 = arith.constant 0 : i32
    %c0_i32_0 = arith.constant 0 : i32
    %c0_i32_1 = arith.constant 0 : i32
    return %c0_i32, %c0_i32_0 : i32, i32
  }
  func.func @transform_5(%arg0: i32) -> (i32, i32) {
    %c0_i32 = arith.constant 0 : i32
    %c0_i32_0 = arith.constant 0 : i32
    %c0_i32_1 = arith.constant 0 : i32
    return %c0_i32, %c0_i32_0 : i32, i32
  }
  func.func @transform_6(%arg0: i32) -> (i32, i32, i32) {
    %c0_i32 = arith.constant 0 : i32
    %c0_i32_0 = arith.constant 0 : i32
    %c0_i32_1 = arith.constant 0 : i32
    return %c0_i32, %arg0, %c0_i32_0 : i32, i32, i32
  }
}

module attributes {stable_mosaic.version = 14 : i64} {
  func.func @_tc2_body(%arg0: i32, %arg1: memref<2x400x32xf32, #tpu.memory_space<vmem>>, %arg2: memref<400x1xf32, #tpu.memory_space<vmem>>, %arg3: memref<2x400x32xf32, #tpu.memory_space<vmem>>, %arg4: memref<400x32xf32, #tpu.memory_space<vmem>>, %arg5: memref<32x32xf32, #tpu.memory_space<vmem>>, %arg6: memref<32x32xf32, #tpu.memory_space<vmem>>, %arg7: memref<32x32xf32, #tpu.memory_space<vmem>>, %arg8: memref<32x32xf32, #tpu.memory_space<vmem>>, %arg9: memref<32x32xf32, #tpu.memory_space<vmem>>, %arg10: memref<32x32xf32, #tpu.memory_space<vmem>>, %arg11: memref<32x32xf32, #tpu.memory_space<vmem>>, %arg12: memref<32x32xf32, #tpu.memory_space<vmem>>, %arg13: memref<400x32xf32, #tpu.memory_space<vmem>>, %arg14: memref<400x32xf32, #tpu.memory_space<vmem>>, %arg15: memref<400x32xf32, #tpu.memory_space<vmem>>) attributes {dimension_semantics = [#tpu.dimension_semantics<arbitrary>], iteration_bounds = array<i64: 125>, scalar_prefetch = 0 : i64, scratch_operands = 0 : i64, tpu.core_type = #tpu.core_type<tc>, window_params = [{transform_indices = @transform_0, window_bounds = array<i64: 2, 400, 32>}, {transform_indices = @transform_1, window_bounds = array<i64: 400, 1>}, {transform_indices = @transform_2, window_bounds = array<i64: 2, 400, 32>}, {transform_indices = @transform_3, window_bounds = array<i64: 400, 32>}, {pipeline_mode = #tpu.pipeline_mode<synchronous>, transform_indices = @transform_4, window_bounds = array<i64: 32, 32>}, {pipeline_mode = #tpu.pipeline_mode<synchronous>, transform_indices = @transform_5, window_bounds = array<i64: 32, 32>}, {pipeline_mode = #tpu.pipeline_mode<synchronous>, transform_indices = @transform_6, window_bounds = array<i64: 32, 32>}, {pipeline_mode = #tpu.pipeline_mode<synchronous>, transform_indices = @transform_7, window_bounds = array<i64: 32, 32>}, {pipeline_mode = #tpu.pipeline_mode<synchronous>, transform_indices = @transform_8, window_bounds = array<i64: 32, 32>}, {pipeline_mode = #tpu.pipeline_mode<synchronous>, transform_indices = @transform_9, window_bounds = array<i64: 32, 32>}, {pipeline_mode = #tpu.pipeline_mode<synchronous>, transform_indices = @transform_10, window_bounds = array<i64: 32, 32>}, {pipeline_mode = #tpu.pipeline_mode<synchronous>, transform_indices = @transform_11, window_bounds = array<i64: 32, 32>}, {transform_indices = @transform_12, window_bounds = array<i64: 400, 32>}, {transform_indices = @transform_13, window_bounds = array<i64: 400, 32>}, {transform_indices = @transform_14, window_bounds = array<i64: 400, 32>}]} {
    %get3A = arith.constant 0 : index
    %get3A_0 = arith.constant 0 : index
    %get3A_1 = vector.load %arg2[%get3A, %get3A_0] : memref<400x1xf32, #tpu.memory_space<vmem>>, vector<400x1xf32>
    %max3A = arith.constant 1.000000e+00 : f32
    %max3A_2 = vector.broadcast %max3A : f32 to vector<400x1xf32>
    %max3A_3 = arith.maximumf %get3A_1, %max3A_2 : vector<400x1xf32>
    %div3A = arith.constant 1.000000e+00 : f32
    %div3A_4 = vector.broadcast %div3A : f32 to vector<400x1xf32>
    %div3A_5 = arith.divf %div3A_4, %max3A_3 : vector<400x1xf32>
    %get3A_6 = arith.constant 0 : index
    %get3A_7 = arith.constant 0 : index
    %get3A_8 = arith.constant 0 : index
    %get3A_9 = vector.load %arg1[%get3A_6, %get3A_7, %get3A_8] : memref<2x400x32xf32, #tpu.memory_space<vmem>>, vector<1x400x32xf32>
    %get3A_10 = vector.shape_cast %get3A_9 : vector<1x400x32xf32> to vector<400x32xf32>
    %mul3A = vector.broadcast %div3A_5 : vector<400x1xf32> to vector<400x32xf32>
    %mul3A_11 = arith.mulf %get3A_10, %mul3A : vector<400x32xf32>
    %get3A_12 = arith.constant 1 : index
    %get3A_13 = arith.constant 0 : index
    %get3A_14 = arith.constant 0 : index
    %get3A_15 = vector.load %arg1[%get3A_12, %get3A_13, %get3A_14] : memref<2x400x32xf32, #tpu.memory_space<vmem>>, vector<1x400x32xf32>
    %get3A_16 = vector.shape_cast %get3A_15 : vector<1x400x32xf32> to vector<400x32xf32>
    %mul3A_17 = vector.broadcast %div3A_5 : vector<400x1xf32> to vector<400x32xf32>
    %mul3A_18 = arith.mulf %get3A_16, %mul3A_17 : vector<400x32xf32>
    %get3A_19 = arith.constant 0 : index
    %get3A_20 = arith.constant 0 : index
    %get3A_21 = arith.constant 0 : index
    %get3A_22 = vector.load %arg3[%get3A_19, %get3A_20, %get3A_21] : memref<2x400x32xf32, #tpu.memory_space<vmem>>, vector<1x400x32xf32>
    %get3A_23 = vector.shape_cast %get3A_22 : vector<1x400x32xf32> to vector<400x32xf32>
    %get3A_24 = arith.constant 1 : index
    %get3A_25 = arith.constant 0 : index
    %get3A_26 = arith.constant 0 : index
    %get3A_27 = vector.load %arg3[%get3A_24, %get3A_25, %get3A_26] : memref<2x400x32xf32, #tpu.memory_space<vmem>>, vector<1x400x32xf32>
    %get3A_28 = vector.shape_cast %get3A_27 : vector<1x400x32xf32> to vector<400x32xf32>
    %get3A_29 = arith.constant 0 : index
    %get3A_30 = arith.constant 0 : index
    %get3A_31 = vector.load %arg5[%get3A_29, %get3A_30] : memref<32x32xf32, #tpu.memory_space<vmem>>, vector<32x32xf32>
    %dot_general3A = arith.constant dense<0.000000e+00> : vector<400x32xf32>
    %dot_general3A_32 = tpu.matmul %mul3A_11, %get3A_31, %dot_general3A {dimension_numbers = #tpu.dot_dimension_numbers<[1], [0], [0], [1], [0, 0, 1, 1], [], []>, transpose_lhs_hint = false} : vector<400x32xf32>, vector<32x32xf32>, vector<400x32xf32> -> vector<400x32xf32>
    %get3A_33 = arith.constant 0 : index
    %get3A_34 = arith.constant 0 : index
    %get3A_35 = vector.load %arg6[%get3A_33, %get3A_34] : memref<32x32xf32, #tpu.memory_space<vmem>>, vector<32x32xf32>
    %dot_general3A_36 = arith.constant dense<0.000000e+00> : vector<400x32xf32>
    %dot_general3A_37 = tpu.matmul %mul3A_18, %get3A_35, %dot_general3A_36 {dimension_numbers = #tpu.dot_dimension_numbers<[1], [0], [0], [1], [0, 0, 1, 1], [], []>, transpose_lhs_hint = false} : vector<400x32xf32>, vector<32x32xf32>, vector<400x32xf32> -> vector<400x32xf32>
    %add3A = arith.addf %dot_general3A_32, %dot_general3A_37 : vector<400x32xf32>
    %get3A_38 = arith.constant 0 : index
    %get3A_39 = arith.constant 0 : index
    %get3A_40 = vector.load %arg7[%get3A_38, %get3A_39] : memref<32x32xf32, #tpu.memory_space<vmem>>, vector<32x32xf32>
    %dot_general3A_41 = arith.constant dense<0.000000e+00> : vector<400x32xf32>
    %dot_general3A_42 = tpu.matmul %get3A_23, %get3A_40, %dot_general3A_41 {dimension_numbers = #tpu.dot_dimension_numbers<[1], [0], [0], [1], [0, 0, 1, 1], [], []>, transpose_lhs_hint = false} : vector<400x32xf32>, vector<32x32xf32>, vector<400x32xf32> -> vector<400x32xf32>
    %add3A_43 = arith.addf %add3A, %dot_general3A_42 : vector<400x32xf32>
    %get3A_44 = arith.constant 0 : index
    %get3A_45 = arith.constant 0 : index
    %get3A_46 = vector.load %arg8[%get3A_44, %get3A_45] : memref<32x32xf32, #tpu.memory_space<vmem>>, vector<32x32xf32>
    %dot_general3A_47 = arith.constant dense<0.000000e+00> : vector<400x32xf32>
    %dot_general3A_48 = tpu.matmul %get3A_28, %get3A_46, %dot_general3A_47 {dimension_numbers = #tpu.dot_dimension_numbers<[1], [0], [0], [1], [0, 0, 1, 1], [], []>, transpose_lhs_hint = false} : vector<400x32xf32>, vector<32x32xf32>, vector<400x32xf32> -> vector<400x32xf32>
    %add3A_49 = arith.addf %add3A_43, %dot_general3A_48 : vector<400x32xf32>
    %get3A_50 = arith.constant 0 : index
    %get3A_51 = arith.constant 0 : index
    %get3A_52 = vector.load %arg9[%get3A_50, %get3A_51] : memref<32x32xf32, #tpu.memory_space<vmem>>, vector<32x32xf32>
    %dot_general3A_53 = arith.constant dense<0.000000e+00> : vector<400x32xf32>
    %dot_general3A_54 = tpu.matmul %mul3A_11, %get3A_52, %dot_general3A_53 {dimension_numbers = #tpu.dot_dimension_numbers<[1], [0], [0], [1], [0, 0, 1, 1], [], []>, transpose_lhs_hint = false} : vector<400x32xf32>, vector<32x32xf32>, vector<400x32xf32> -> vector<400x32xf32>
    %get3A_55 = arith.constant 0 : index
    %get3A_56 = arith.constant 0 : index
    %get3A_57 = vector.load %arg10[%get3A_55, %get3A_56] : memref<32x32xf32, #tpu.memory_space<vmem>>, vector<32x32xf32>
    %dot_general3A_58 = arith.constant dense<0.000000e+00> : vector<400x32xf32>
    %dot_general3A_59 = tpu.matmul %mul3A_18, %get3A_57, %dot_general3A_58 {dimension_numbers = #tpu.dot_dimension_numbers<[1], [0], [0], [1], [0, 0, 1, 1], [], []>, transpose_lhs_hint = false} : vector<400x32xf32>, vector<32x32xf32>, vector<400x32xf32> -> vector<400x32xf32>
    %add3A_60 = arith.addf %dot_general3A_54, %dot_general3A_59 : vector<400x32xf32>
    %get3A_61 = arith.constant 0 : index
    %get3A_62 = arith.constant 0 : index
    %get3A_63 = vector.load %arg11[%get3A_61, %get3A_62] : memref<32x32xf32, #tpu.memory_space<vmem>>, vector<32x32xf32>
    %dot_general3A_64 = arith.constant dense<0.000000e+00> : vector<400x32xf32>
    %dot_general3A_65 = tpu.matmul %get3A_23, %get3A_63, %dot_general3A_64 {dimension_numbers = #tpu.dot_dimension_numbers<[1], [0], [0], [1], [0, 0, 1, 1], [], []>, transpose_lhs_hint = false} : vector<400x32xf32>, vector<32x32xf32>, vector<400x32xf32> -> vector<400x32xf32>
    %add3A_66 = arith.addf %add3A_60, %dot_general3A_65 : vector<400x32xf32>
    %get3A_67 = arith.constant 0 : index
    %get3A_68 = arith.constant 0 : index
    %get3A_69 = vector.load %arg12[%get3A_67, %get3A_68] : memref<32x32xf32, #tpu.memory_space<vmem>>, vector<32x32xf32>
    %dot_general3A_70 = arith.constant dense<0.000000e+00> : vector<400x32xf32>
    %dot_general3A_71 = tpu.matmul %get3A_28, %get3A_69, %dot_general3A_70 {dimension_numbers = #tpu.dot_dimension_numbers<[1], [0], [0], [1], [0, 0, 1, 1], [], []>, transpose_lhs_hint = false} : vector<400x32xf32>, vector<32x32xf32>, vector<400x32xf32> -> vector<400x32xf32>
    %add3A_72 = arith.addf %add3A_66, %dot_general3A_71 : vector<400x32xf32>
    %get3A_73 = arith.constant 0 : index
    %get3A_74 = arith.constant 0 : index
    %get3A_75 = vector.load %arg4[%get3A_73, %get3A_74] : memref<400x32xf32, #tpu.memory_space<vmem>>, vector<400x32xf32>
    %mul3A_76 = arith.constant 5.000000e-01 : f32
    %mul3A_77 = vector.broadcast %mul3A_76 : f32 to vector<400x32xf32>
    %mul3A_78 = arith.mulf %mul3A_77, %add3A_72 : vector<400x32xf32>
    %exp3A = math.exp %mul3A_78 : vector<400x32xf32>
    %mul3A_79 = arith.mulf %get3A_75, %exp3A : vector<400x32xf32>
    %add3A_80 = arith.addf %add3A_49, %mul3A_79 : vector<400x32xf32>
    %swap3A = arith.constant 0 : index
    %swap3A_81 = arith.constant 0 : index
    %swap3A_82 = vector.load %arg13[%swap3A, %swap3A_81] : memref<400x32xf32, #tpu.memory_space<vmem>>, vector<400x32xf32>
    tpu.vector_store %arg13[%swap3A, %swap3A_81], %add3A_80 {strides = array<i32>} : memref<400x32xf32, #tpu.memory_space<vmem>>, vector<400x32xf32>,
    %swap3A_83 = arith.constant 0 : index
    %swap3A_84 = arith.constant 0 : index
    %swap3A_85 = vector.load %arg14[%swap3A_83, %swap3A_84] : memref<400x32xf32, #tpu.memory_space<vmem>>, vector<400x32xf32>
    tpu.vector_store %arg14[%swap3A_83, %swap3A_84], %add3A_49 {strides = array<i32>} : memref<400x32xf32, #tpu.memory_space<vmem>>, vector<400x32xf32>,
    %swap3A_86 = arith.constant 0 : index
    %swap3A_87 = arith.constant 0 : index
    %swap3A_88 = vector.load %arg15[%swap3A_86, %swap3A_87] : memref<400x32xf32, #tpu.memory_space<vmem>>, vector<400x32xf32>
    tpu.vector_store %arg15[%swap3A_86, %swap3A_87], %add3A_72 {strides = array<i32>} : memref<400x32xf32, #tpu.memory_space<vmem>>, vector<400x32xf32>,
    return
  }
  func.func @transform_0(%arg0: i32) -> (i32, i32, i32) {
    %c0_i32 = arith.constant 0 : i32
    %c0_i32_0 = arith.constant 0 : i32
    %c0_i32_1 = arith.constant 0 : i32
    return %c0_i32, %arg0, %c0_i32_0 : i32, i32, i32
  }
  func.func @transform_1(%arg0: i32) -> (i32, i32) {
    %c0_i32 = arith.constant 0 : i32
    %c0_i32_0 = arith.constant 0 : i32
    return %arg0, %c0_i32 : i32, i32
  }
  func.func @transform_2(%arg0: i32) -> (i32, i32, i32) {
    %c0_i32 = arith.constant 0 : i32
    %c0_i32_0 = arith.constant 0 : i32
    %c0_i32_1 = arith.constant 0 : i32
    return %c0_i32, %arg0, %c0_i32_0 : i32, i32, i32
  }
  func.func @transform_3(%arg0: i32) -> (i32, i32) {
    %c0_i32 = arith.constant 0 : i32
    %c0_i32_0 = arith.constant 0 : i32
    return %arg0, %c0_i32 : i32, i32
  }
  func.func @transform_4(%arg0: i32) -> (i32, i32) {
    %c0_i32 = arith.constant 0 : i32
    %c0_i32_0 = arith.constant 0 : i32
    %c0_i32_1 = arith.constant 0 : i32
    return %c0_i32, %c0_i32_0 : i32, i32
  }
  func.func @transform_5(%arg0: i32) -> (i32, i32) {
    %c0_i32 = arith.constant 0 : i32
    %c0_i32_0 = arith.constant 0 : i32
    %c0_i32_1 = arith.constant 0 : i32
    return %c0_i32, %c0_i32_0 : i32, i32
  }
  func.func @transform_6(%arg0: i32) -> (i32, i32) {
    %c0_i32 = arith.constant 0 : i32
    %c0_i32_0 = arith.constant 0 : i32
    %c0_i32_1 = arith.constant 0 : i32
    return %c0_i32, %c0_i32_0 : i32, i32
  }
  func.func @transform_7(%arg0: i32) -> (i32, i32) {
    %c0_i32 = arith.constant 0 : i32
    %c0_i32_0 = arith.constant 0 : i32
    %c0_i32_1 = arith.constant 0 : i32
    return %c0_i32, %c0_i32_0 : i32, i32
  }
  func.func @transform_8(%arg0: i32) -> (i32, i32) {
    %c0_i32 = arith.constant 0 : i32
    %c0_i32_0 = arith.constant 0 : i32
    %c0_i32_1 = arith.constant 0 : i32
    return %c0_i32, %c0_i32_0 : i32, i32
  }
  func.func @transform_9(%arg0: i32) -> (i32, i32) {
    %c0_i32 = arith.constant 0 : i32
    %c0_i32_0 = arith.constant 0 : i32
    %c0_i32_1 = arith.constant 0 : i32
    return %c0_i32, %c0_i32_0 : i32, i32
  }
  func.func @transform_10(%arg0: i32) -> (i32, i32) {
    %c0_i32 = arith.constant 0 : i32
    %c0_i32_0 = arith.constant 0 : i32
    %c0_i32_1 = arith.constant 0 : i32
    return %c0_i32, %c0_i32_0 : i32, i32
  }
  func.func @transform_11(%arg0: i32) -> (i32, i32) {
    %c0_i32 = arith.constant 0 : i32
    %c0_i32_0 = arith.constant 0 : i32
    %c0_i32_1 = arith.constant 0 : i32
    return %c0_i32, %c0_i32_0 : i32, i32
  }
  func.func @transform_12(%arg0: i32) -> (i32, i32) {
    %c0_i32 = arith.constant 0 : i32
    %c0_i32_0 = arith.constant 0 : i32
    return %arg0, %c0_i32 : i32, i32
  }
  func.func @transform_13(%arg0: i32) -> (i32, i32) {
    %c0_i32 = arith.constant 0 : i32
    %c0_i32_0 = arith.constant 0 : i32
    return %arg0, %c0_i32 : i32, i32
  }
  func.func @transform_14(%arg0: i32) -> (i32, i32) {
    %c0_i32 = arith.constant 0 : i32
    %c0_i32_0 = arith.constant 0 : i32
    return %arg0, %c0_i32 : i32, i32
  }
}

</mosaic_0001>

<sc_bundles>
// kernel: kernel.11.cloned.1.call-start
scs
__scs_entry_jumppad:
0x0: {  	(pc) =	sbr.rel $0x88, $3  }
0x1: {  	(tag) =	ssettag $0x0;
	lr =	simm.s32 $0x1  }
0x2: {  	[smem:$0x3F92] =	sst lr;
	_ =	strace $0xD0000000  }
0x3: {  	_ = 	snop  }
0x4: {  	_ = 	snop  }
0x5: {  	_ = 	snop  }
0x6: {  	_ = 	snop  }
0x7: {  	_ = 	snop  }
__scs_overlays_trampoline_lowered:
0x8: {  	[smem:$0x3FA1] =	sst s0  }
0x9: {  	[smem:$0x3FA2] =	sst s1  }
0xa: {  	[smem:$0x3FA3] =	sst s2  }
0xb: {  	[smem:$0x3FA4] =	sst s3  }
0xc: {  	[smem:$0x3FA5] =	sst s4  }
0xd: {  	[smem:$0x3FA6] =	sst s5  }
0xe: {  	[smem:$0x3FA7] =	sst s6  }
0xf: {  	[smem:$0x3FA8] =	sst s7  }
0x10: {  	[smem:$0x3FA9] =	sst s8  }
0x11: {  	[smem:$0x3FAA] =	sst s9;
	s0 =	simm.s32 @!p0 $0x0  }
0x12: {  	s1 =	sld [smem:$0x3F90];
	s0 =	simm.s32 @p0 $0x1  }
0x13: {  	[smem:$0x3FAB] =	sst s0;
	s0 =	simm.s32 @!p1 $0x0  }
0x14: {  	s2 =	sld [smem:$0x3F8F];
	s0 =	simm.s32 @p1 $0x1  }
0x15: {  	[smem:$0x3FAC] =	sst s0;
	s0 =	simm.s32 @!p2 $0x0  }
0x16: {  	s3 =	sld [smem:$0x3FDB];
	s0 =	simm.s32 @p2 $0x1  }
0x17: {  	s4 =	simm.s32 $0x1BF5;
	[smem:$0x3FAE] =	sst s0  }
0x18: {  	s0 =	sld [smem:$0x3F91];
	_ =	swait.ge [sflag:s4], $0x0  }
0x19: {  	s7 =	sld [smem:$0x3F92]  }
0x1a: {  	s8 =	sadd.s32 $0xFFFFE003, lr  }
0x1b: {  	s9 =	sadd.s32 $0xFFFFFEF7, lr;
	s5 =	simm.s32 $0xFFFFFFFF;
	p2 =	slt.u32 s8, $0xFFFFF086  }
0x1c: {  	p1 =	slt.u32 s9, $0xF7A;
	s5 =	simm.s32 @!p2 $0x0  }
0x1d: {  	s5 =	simm.s32 @p1 $0x1;
	p0 =	seq.s32 s7, s2  }
0x1e: {  	s7 =	smul.u32 @!p0 $0xF7A, s2;
	p2 =	seq.s32 @!p0 s5, $0x0  }
0x1f: {  	s9 =	smul.u32 $0xF7A, s1;
	s8 =	simm.s32 @!p0 $0x1BF5;
	p2 =	por !p2, p0  }
0x20: {  	[sflag:s8] =	ssyncset.s32 @!p0 $0xFFFFF086;
	s6 =	sadd.s32 @!p0 s3, s7;
	s7 =	simm.s32 @!p0 $0x108  }
0x21: {  	s3 =	sadd.s32 s3, s9;
	s6 =	sadd.s32 @!p0 $0x88, s6;
	s7 =	simm.s32 @p2 $0x1082  }
0x22: {  	[simem:s7], [sflag:s8] =	dma.local @!p0 [hbm:s6], $0xF7A  }
0x23: {  	s9 =	sor.u32 $0xD0000000, s2;
	s6 =	simm.s32 $0x108;
	_ =	swait.ge @!p0 [sflag:s8], $0x0  }
0x24: {  	s3 =	sadd.s32 $0x88, s3;
	s6 =	simm.s32 @!p1 $0x1082;
	[sflag:s4] =	ssyncset.s32 $0xFFFFF086  }
0x25: {  	[simem:s6], [sflag:s4] =	dma.local [hbm:s3], $0xF7A  }
0x26: {  	[smem:$0x3F92] =	sst s1;
	(tag) =	ssettag s2;
	_ =	strace s9  }
0x27: {  	s1 =	sld [smem:$0x3FA2]  }
0x28: {  	s2 =	sld [smem:$0x3FA3]  }
0x29: {  	s4 =	sld [smem:$0x3FA5]  }
0x2a: {  	p0 =	seq.s32 s5, $0x0;
	s5 =	sld [smem:$0x3FA6]  }
0x2b: {  	s6 =	sld [smem:$0x3FA7]  }
0x2c: {  	s7 =	sld [smem:$0x3FA8]  }
0x2d: {  	s3 =	simm.s32 $0x108;
	s8 =	sld [smem:$0x3FA9]  }
0x2e: {  	s3 =	simm.s32 @!p0 $0x1082;
	s9 =	sld [smem:$0x3FAA]  }
0x2f: {  	lr =	sadd.s32 s0, s3;
	s0 =	sld [smem:$0x3FA1]  }
0x30: {  	s3 =	sld [smem:$0x3FA4]  }
0x31: {  	[smem:$0x3FAD] =	sst s10  }
0x32: {  	s10 =	sld [smem:$0x3FAB];
	_ =	sdelay $0x3  }
0x33: {  	p0 =	seq.s32 s10, $0x1;
	s10 =	sld [smem:$0x3FAD];
	_ =	sdelay $0x3  }
0x34: {  	[smem:$0x3FAD] =	sst s10  }
0x35: {  	s10 =	sld [smem:$0x3FAC];
	_ =	sdelay $0x3  }
0x36: {  	p1 =	seq.s32 s10, $0x1;
	s10 =	sld [smem:$0x3FAD];
	_ =	sdelay $0x3  }
0x37: {  	[smem:$0x3FAD] =	sst s10  }
0x38: {  	s10 =	sld [smem:$0x3FAE]  }
0x39: {  	_ = 	snop;
	(pc) =	sbr.ind lr, $3  }
0x3a: {  	_ = 	snop  }
0x3b: {  	_ = 	snop  }
0x3c: {  	p2 =	seq.s32 s10, $0x1;
	s10 =	sld [smem:$0x3FAD]  }
0x3d: {  	_ =	shalt  }
0x3e: {  	_ =	shalt  }
0x3f: {  	_ =	shalt  }
0x40: {  	_ =	shalt  }
0x41: {  	_ =	shalt  }
0x42: {  	_ =	shalt  }
0x43: {  	_ =	shalt  }
0x44: {  	_ =	shalt  }
0x45: {  	_ =	shalt  }
0x46: {  	_ =	shalt  }
0x47: {  	_ =	shalt  }
0x48: {  	_ =	shalt  }
0x49: {  	_ =	shalt  }
0x4a: {  	_ =	shalt  }
0x4b: {  	_ =	shalt  }
0x4c: {  	_ =	shalt  }
0x4d: {  	_ =	shalt  }
0x4e: {  	_ =	shalt  }
0x4f: {  	_ =	shalt  }
0x50: {  	_ =	shalt  }
0x51: {  	_ =	shalt  }
0x52: {  	_ =	shalt  }
0x53: {  	_ =	shalt  }
0x54: {  	_ =	shalt  }
0x55: {  	_ =	shalt  }
0x56: {  	_ =	shalt  }
0x57: {  	_ =	shalt  }
0x58: {  	_ =	shalt  }
0x59: {  	_ =	shalt  }
0x5a: {  	_ =	shalt  }
0x5b: {  	_ =	shalt  }
0x5c: {  	_ =	shalt  }
0x5d: {  	_ =	shalt  }
0x5e: {  	_ =	shalt  }
0x5f: {  	_ =	shalt  }
0x60: {  	_ =	shalt  }
0x61: {  	_ =	shalt  }
0x62: {  	_ =	shalt  }
0x63: {  	_ =	shalt  }
0x64: {  	_ =	shalt  }
0x65: {  	_ =	shalt  }
0x66: {  	_ =	shalt  }
0x67: {  	_ =	shalt  }
0x68: {  	_ =	shalt  }
0x69: {  	_ =	shalt  }
0x6a: {  	_ =	shalt  }
0x6b: {  	_ =	shalt  }
0x6c: {  	_ =	shalt  }
0x6d: {  	_ =	shalt  }
0x6e: {  	_ =	shalt  }
0x6f: {  	_ =	shalt  }
0x70: {  	_ =	shalt  }
0x71: {  	_ =	shalt  }
0x72: {  	_ =	shalt  }
0x73: {  	_ =	shalt  }
0x74: {  	_ =	shalt  }
0x75: {  	_ =	shalt  }
0x76: {  	_ =	shalt  }
0x77: {  	_ =	shalt  }
0x78: {  	_ =	shalt  }
0x79: {  	_ =	shalt  }
0x7a: {  	_ =	shalt  }
0x7b: {  	_ =	shalt  }
0x7c: {  	_ =	shalt  }
0x7d: {  	_ =	shalt  }
0x7e: {  	_ =	shalt  }
0x7f: {  	_ =	shalt  }
0x80: {  	_ =	shalt  }
0x81: {  	_ =	shalt  }
0x82: {  	_ =	shalt  }
0x83: {  	_ =	shalt  }
0x84: {  	_ =	shalt  }
0x85: {  	_ =	shalt  }
0x86: {  	_ =	shalt  }
0x87: {  	_ =	shalt  }
.Lfunc_end0:
.L_simem_size_0:
called_computation_lowered:
.L_overlay_start_0:
0x88: {  	s2 =	sld [smem:$0x3FD9]  }
0x89: {  	s3 =	sld [smem:$0x3FFE];
	_ =	sdelay $0x1  }
0x8a: {  	s1 =	srdreg.scid  }
0x8b: {  	s0 =	sand.u32 $0x1, s1  }
0x8c: {  	s15 =	sshll.u32 s0, $0xA;
	s2 =	sadd.s32 s3, s2  }
0x8d: {  	s2 =	sadd.s32 s2, s15  }
0x8e: {  	[smem:$0x3FB9] =	sst s2  }
0x8f: {  	_ = 	snop  }
0x90: {  	s2 =	sld [smem:$0x3FD0];
	_ =	sdelay $0x2  }
0x91: {  	s4 =	simm.s32 $0xC;
	s16 =	simm.s32 $0x10  }
0x92: {  	[smem:s16], [sflag:s4] =	dma.local [hbm:s2], $0x1  }
0x93: {  	_ =	swait.eq [sflag:s4], $0x1  }
0x94: {  	[sflag:s4] =	ssyncset.done $0x0  }
0x95: {  	s17 =	sld [smem:$0x14];
	[sflag:s4] =	ssyncadd.s32 $0xFFFFFFFF  }
0x96: {  	s18 =	sld [smem:$0x15];
	(tm) =	ssettm $0x1  }
0x97: {  	s19 =	sld [smem:$0x3FFB];
	_ =	sdelay $0x3  }
0x98: {  	_ =	strace s19  }
0x99: {  	s2 =	sld [smem:$0x3FFC];
	_ =	sdelay $0x3  }
0x9a: {  	_ =	strace s2  }
0x9b: {  	s2 =	sld [smem:$0x3FFD];
	_ =	sdelay $0x3  }
0x9c: {  	_ =	strace s2  }
0x9d: {  	_ =	strace $0x8FFFFFFF  }
0x9e: {  	s20 =	sld [smem:$0x3FDB];
	_ =	sdelay $0x1  }
0x9f: {  	s5 =	simm.s32 $_scs_section_size  }
0xa0: {  	s6 =	simm.s32 $_size__tile_overlayer_lowered;
	s7 =	simm.s32 $_tile_overlayer_lowered  }
0xa1: {  	s8 =	simm.s32 $0x1BFF;
	s21 =	sshll.u32 s7, $0x1;
	s5 =	sadd.s32 s5, s20  }
0xa2: {  	s22 =	simm.s32 $0x0;
	s6 =	sshll.u32 s6, $0x1;
	s7 =	sadd.s32 s21, s5  }
0xa3: {  	[timem:s22], [sflag:s8] =	dma.local [hbm:s7], s6  }
0xa4: {  	_ =	swait.ge [sflag:s8], s6  }
0xa5: {  	s6 =	ssub.s32 $0x0, s6;
	[sflag:s8] =	ssyncset.done $0x0  }
0xa6: {  	[sflag:s8] =	ssyncadd.s32 s6;
	_ =	sdelay $0x1  }
0xa7: {  	s23 =	simm.s32 $0x1B8B  }
0xa8: {  	_ =	swait.ge [sflag:s23], $0x1  }
0xa9: {  	[sflag:s23] =	ssyncset.done $0x0  }
0xaa: {  	[sflag:s23] =	ssyncadd.s32 $0xFFFFFFFF  }
0xab: {  	s6 =	sld [smem:$0x0]  }
0xac: {  	s7 =	sand.u32 $0xFFFFFFFE, s1  }
0xad: {  	p0 =	sne.s32 s1, s7  }
0xae: {  	s7 =	sshll.u32 @p0 s7, $0xE  }
0xaf: {  	s7 =	sadd.s32 @p0 $0x11B8D, s7;
	s8 =	sshll.u32 @p0 s6, $0x11  }
0xb0: {  	s7 =	sor.u32 @p0 s8, s7  }
0xb1: {  	[sflag:s7] =	ssyncadd.remote.s32 @p0 $0x1;
	_ =	sdelay $0x1  }
0xb2: {  	s7 =	simm.s32 @p0 $0x1B8D  }
0xb3: {  	_ =	swait.eq @p0 [sflag:s7], $0x1  }
0xb4: {  	[sflag:s7] =	ssyncadd.s32 @p0 $0xFFFFFFFF  }
0xb5: {  	s8 =	sshll.u32 @!p0 s1, $0xE  }
0xb6: {  	s8 =	sor.u32 @!p0 $0x4000, s8;
	s7 =	simm.s32 @!p0 $0x1B8D  }
0xb7: {  	s6 =	sshll.u32 @!p0 s6, $0x11;
	s8 =	sadd.s32 @!p0 $0x11B8D, s8;
	_ =	swait.eq @!p0 [sflag:s7], $0x1  }
0xb8: {  	s6 =	sor.u32 @!p0 s6, s8;
	[sflag:s7] =	ssyncadd.s32 @!p0 $0xFFFFFFFF  }
0xb9: {  	s25 =	simm.s32 $0x1B8E;
	s24 =	sld [smem:$0x3FFE];
	[sflag:s6] =	ssyncadd.remote.s32 @!p0 $0x1  }
0xba: {  	s26 =	simm.s32 $execute0_lowered;
	[smem:$0x3FD2] =	sst s25  }
0xbb: {  	s7 =	sshll.u32 s26, $0x1;
	_ =	strace $0x8000004C;
	[dreg:$0x1] =	wrdreg $0xFFFFFFFF  }
0xbc: {  	s28 =	simm.s32 $_size_execute0_lowered;
	s5 =	sadd.s32 s5, s7;
	[dreg:$0x0] =	wrdreg $0x0  }
0xbd: {  	s7 =	sshll.u32 s28, $0x1;
	[dreg:$0x2] =	wrdreg s5  }
0xbe: {  	[dreg:$0x3] =	wrdreg s7  }
0xbf: {  	[dreg:$0x4] =	wrdreg $0xC0  }
0xc0: {  	_ =	task [dreg:s22], $0x5FFFF  }
0xc1: {  	[dreg:$0x1] =	wrdreg $0xFFFFFFFF  }
0xc2: {  	[dreg:$0x0] =	wrdreg $0x60  }
0xc3: {  	[dreg:$0x2] =	wrdreg s18  }
0xc4: {  	[dreg:$0x3] =	wrdreg s17  }
0xc5: {  	[dreg:$0x4] =	wrdreg s24  }
0xc6: {  	[dreg:$0x5] =	wrdreg $0x44000  }
0xc7: {  	[dreg:$0x6] =	wrdreg $0x9  }
0xc8: {  	_ =	task.clear_ibuf [dreg:s22], $0x7FFFF;
	_ =	strace $0x9000004C  }
0xc9: {  	s29 =	simm.s32 $0x9;
	_ =	strace $0x8000004E  }
0xca: {  	_ =	swait.ge [sflag:s29], $0x1  }
0xcb: {  	[sflag:s29] =	ssyncadd.s32 $0xFFFFFFFF  }
0xcc: {  	_ =	strace $0x9000004E  }
0xcd: {  	_ =	sfence  }
0xce: {  	s30 =	sld [smem:$0x0];
	_ =	sdelay $0x2  }
0xcf: {  	s31 =	sshll.u32 s1, $0xD;
	s1 =	sshrl.u32 s1, $0x2  }
0xd0: {  	s4 =	sand.u32 $0x4000, s31;
	s1 =	sadd.s32 s1, s30  }
0xd1: {  	s0 =	sor.u32 s4, s0;
	s1 =	sshll.u32 s1, $0x11  }
0xd2: {  	s0 =	sor.u32 s1, s0  }
0xd3: {  	s0 =	sadd.s32 $0x8F2B, s0  }
0xd4: {  	[sflag:s0] =	ssyncadd.remote.s32 $0x1  }
0xd5: {  	_ =	sfence.sel $0xFFFF  }
0xd6: {  	[dreg:$0x0] =	wrdreg $0xFFFFFFFF;
	(pc) =	sbr.abs _section_cstart, $3  }
0xd7: {  	[dreg:$0x1] =	wrdreg $0xFFFFFFFF  }
0xd8: {  	_ =	task.clear_ibuf [dreg:s22], $0x2FFFF;
	_ =	strace $0x9FFFFFFF  }
0xd9: {  	(tm) =	ssettm $0x7FFFFFFF  }
tec
execute0_lowered:
.L_overlay_start_1:
0x0: {  	(tag) =	ssettag $0x1  }
0x1: {  	s1 =	rddreg [dreg:$0x0]  }
0x2: {  	s3 =	rddreg [dreg:$0x1]  }
0x3: {  	s0 =	rddreg [dreg:$0x2]  }
0x4: {  	s4 =	rddreg [dreg:$0x3]  }
0x5: {  	s11 =	stileid.u32;
	s5 =	simm.s32 $0x0;
	s6 =	srdreg.scid  }
0x6: {  	s13 =	simm.s32 $0x4;
	s14 =	simm.s32 $0x200;
	s15 =	simm.s32 $0x1  }
0x7: {  	s16 =	simm.s32 $0x80;
	s17 =	simm.s32 $0x400;
	s18 =	simm.s32 $0x1400  }
0x8: {  	s19 =	simm.s32 $0x100;
	s20 =	simm.s32 $0x2400;
	s21 =	simm.s32 $0x180  }
0x9: {  	s22 =	simm.s32 $0x3400;
	s23 =	simm.s32 $0x2;
	s25 =	simm.s32 $0x280  }
0xa: {  	s28 =	simm.s32 $0x380;
	s29 =	simm.s32 $0x3;
	s2 =	smul.u32 $0x1880, s11  }
0xb: {  	s30 =	simm.s32 $0x0;
	[smem:$0x7FF] =	sst s5;
	s7 =	smul.u32 $0x19000, s11  }
0xc: {  	s6 =	sand.u32 $0x1, s6;
	s31 =	sshll.u32 s11, $0x6;
	_ =	strace $0x8000004D  }
0xd: {  	s8 =	ssub.s32 $0x2, s6;
	p0 =	seq.s32 s6, $0x1;
	s2 =	sadd.s32 s2, s0  }
0xe: {  	s24 =	sshrl.u32 s7, $0x3;
	s9 =	sshrl.u32 s8, $0x1;
	s12 =	sadd.s32 s7, s4  }
.Ltmp0:
0xf: {  	s10 =	sadd.s32 s24, s0;
	s8 =	ssub.s32 s8, s9;
	(pc) =	sbr.rel .LBB2_1-.Ltmp0, $4  }
0x10: {  	s0 =	sadd.s32 $0x2EAE00, s0;
	s9 =	sor.u32 $0x1C04, s31;
	s11 =	sadd.s32 $0xCC800, s2  }
0x11: {  	s12 =	sshrl.u32 s12, $0x3;
	s6 =	sadd.s32 $0x12E800, s10;
	s26 =	sadd.s32 $0x2B8E00, s10  }
0x12: {  	s8 =	smax.u32 s8, $0x1;
	s0 =	sadd.s32 s24, s0;
	[dreg:$0x5] =	wrdreg s26  }
0x13: {  	s10 =	sadd.s32 $0xE5000, s2;
	[dreg:$0x6] =	wrdreg s0;
	s26 =	simm.s32 $0x300  }
.LBB2_7:
0x14: {  	s0 =	sadd.s32 s31, s11;
	[sflag:s29] =	ssyncadd.s32 $0xFFFFF000  }
0x15: {  	[tilespmem:s5], [sflag:$0x1] =	stream.linear.gather [hbm4b:s0+s5], $0x200, $0x38;
	[tilespmem:$0x1D400] =	vst v63  }
0x16: {  	s31 =	sadd.s32 s31, s10  }
0x17: {  	[tilespmem:s14], [sflag:$0x1] =	stream.linear.gather [hbm4b:s31+s5], $0x200, $0x38;
	[tilespmem:$0x1D400] =	vst v63  }
0x18: {  	_ =	swait.ge [sflag:s15], $0x200  }
0x19: {  	[sflag:s15] =	ssyncset.done $0x0  }
0x1a: {  	[sflag:s15] =	ssyncadd.s32 $0xFFFFFE00  }
0x1b: {  	_ =	swait.ge [sflag:s15], $0x200  }
0x1c: {  	[sflag:s15] =	ssyncset.done $0x0  }
0x1d: {  	[sflag:s15] =	ssyncadd.s32 $0xFFFFFE00  }
0x1e: {  	[tilespmem:s17], [sflag:$0x2] =	stream.indirect.gather [hbm4b:s3+s16], $0x20, s5, s16, $0xb8;
	[tilespmem:$0x1D400] =	vst v63  }
0x1f: {  	_ = 	snop  }
0x20: {  	[tilespmem:s18], [sflag:$0x2] =	stream.indirect.gather [hbm4b:s3+s16], $0x20, s16, s16, $0xb8;
	[tilespmem:$0x1D400] =	vst v63  }
0x21: {  	_ = 	snop  }
0x22: {  	[tilespmem:s20], [sflag:$0x2] =	stream.indirect.gather [hbm4b:s3+s16], $0x20, s19, s16, $0xb8;
	[tilespmem:$0x1D400] =	vst v63  }
0x23: {  	_ = 	snop  }
0x24: {  	[tilespmem:s22], [sflag:$0x2] =	stream.indirect.gather [hbm4b:s3+s16], $0x20, s21, s16, $0xb8;
	[tilespmem:$0x1D400] =	vst v63  }
0x25: {  	_ =	swait.ge [sflag:s23], $0x1000  }
0x26: {  	[sflag:s23] =	ssyncset.done $0x0  }
0x27: {  	[sflag:s23] =	ssyncadd.s32 $0xFFFFF000  }
0x28: {  	_ =	swait.ge [sflag:s23], $0x1000  }
0x29: {  	[sflag:s23] =	ssyncset.done $0x0  }
0x2a: {  	[sflag:s23] =	ssyncadd.s32 $0xFFFFF000  }
0x2b: {  	_ =	swait.ge [sflag:s23], $0x1000  }
0x2c: {  	[sflag:s23] =	ssyncset.done $0x0  }
0x2d: {  	[sflag:s23] =	ssyncadd.s32 $0xFFFFF000  }
0x2e: {  	_ =	swait.ge [sflag:s23], $0x1000  }
0x2f: {  	[sflag:s23] =	ssyncset.done $0x0  }
0x30: {  	[sflag:s23] =	ssyncadd.s32 $0xFFFFF000  }
0x31: {  	[spmem:s4] =	stream.indirect.scatter.add.f32 [tilespmem:s17], [sflag:$0x3], $0x20, s14, s16, $0xb8;
	[tilespmem:$0x1D400] =	vst v63  }
0x32: {  	_ = 	snop  }
0x33: {  	[spmem:s4] =	stream.indirect.scatter.add.f32 [tilespmem:s18], [sflag:$0x3], $0x20, s25, s16, $0xb8;
	[tilespmem:$0x1D400] =	vst v63  }
0x34: {  	_ = 	snop  }
0x35: {  	[spmem:s4] =	stream.indirect.scatter.add.f32 [tilespmem:s20], [sflag:$0x3], $0x20, s26, s16, $0xb8;
	[tilespmem:$0x1D400] =	vst v63  }
0x36: {  	_ = 	snop  }
0x37: {  	[spmem:s4] =	stream.indirect.scatter.add.f32 [tilespmem:s22], [sflag:$0x3], $0x20, s28, s16, $0xb8;
	[tilespmem:$0x1D400] =	vst v63  }
0x38: {  	_ =	swait.ge [sflag:s29], $0x1000  }
0x39: {  	[sflag:s29] =	ssyncset.done $0x0  }
0x3a: {  	[sflag:s29] =	ssyncadd.s32 $0xFFFFF000  }
0x3b: {  	_ =	swait.ge [sflag:s29], $0x1000  }
0x3c: {  	[sflag:s29] =	ssyncset.done $0x0  }
0x3d: {  	[sflag:s29] =	ssyncadd.s32 $0xFFFFF000  }
0x3e: {  	_ =	swait.ge [sflag:s29], $0x1000  }
0x3f: {  	[sflag:s29] =	ssyncset.done $0x0  }
0x40: {  	[sflag:s29] =	ssyncadd.s32 $0xFFFFF000  }
0x41: {  	_ =	swait.ge [sflag:s29], $0x1000  }
0x42: {  	[sflag:s29] =	ssyncset.done $0x0  }
0x43: {  	[sflag:s29] =	ssyncadd.s32 $0xFFFFF000  }
0x44: {  	[bflag:$0x0] =	sbarrier.arrive $0xFFFF  }
0x45: {  	s0 =	rddreg [dreg:$0x6]  }
.LBB2_8:
0x46: {  	s30 =	sadd.s32 $0x1, s30  }
0x47: {  	p1 =	sne.s32 s30, s8  }
.Ltmp1:
0x48: {  	_ = 	snop;
	(pc) =	sbr.rel @!p1 .LBB2_9-.Ltmp1, $4  }
0x49: {  	[hbm:s0], [sflag:s9] =	dma.local [spmem:s12], $0x3200  }
0x4a: {  	_ =	swait.ge [sflag:s13], $0x3200  }
0x4b: {  	[sflag:s13] =	ssyncset.done $0x0  }
0x4c: {  	[sflag:s13] =	ssyncadd.s32 $0xFFFFCE00  }
.LBB2_1:
0x4d: {  	[spmem:s12], [sflag:s9] =	dma.local [hbm:s6], $0x3200  }
.Ltmp2:
0x4e: {  	_ =	swait.ge [sflag:s13], $0x3200;
	(pc) =	sbr.rel @!p0 .LBB2_2-.Ltmp2, $4  }
0x4f: {  	[sflag:s13] =	ssyncset.done $0x0  }
0x50: {  	[sflag:s13] =	ssyncadd.s32 $0xFFFFCE00  }
0x51: {  	[bflag:$0x0] =	sbarrier.arrive $0xFFFF  }
0x52: {  	s0 =	sadd.s32 $0x0, s11  }
0x53: {  	[tilespmem:s5], [sflag:$0x1] =	stream.linear.gather [hbm4b:s0+s5], $0x200, $0x38;
	[tilespmem:$0x1D400] =	vst v63  }
0x54: {  	s24 =	sadd.s32 $0x0, s10  }
0x55: {  	[tilespmem:s14], [sflag:$0x1] =	stream.linear.gather [hbm4b:s24+s5], $0x200, $0x38;
	[tilespmem:$0x1D400] =	vst v63  }
0x56: {  	_ =	swait.ge [sflag:s15], $0x200  }
0x57: {  	[sflag:s15] =	ssyncset.done $0x0  }
0x58: {  	[sflag:s15] =	ssyncadd.s32 $0xFFFFFE00  }
0x59: {  	_ =	swait.ge [sflag:s15], $0x200  }
0x5a: {  	[sflag:s15] =	ssyncset.done $0x0  }
0x5b: {  	[sflag:s15] =	ssyncadd.s32 $0xFFFFFE00  }
0x5c: {  	[tilespmem:s17], [sflag:$0x2] =	stream.indirect.gather [hbm4b:s3+s16], $0x20, s5, s16, $0xb8;
	[tilespmem:$0x1D400] =	vst v63  }
0x5d: {  	_ = 	snop  }
0x5e: {  	[tilespmem:s18], [sflag:$0x2] =	stream.indirect.gather [hbm4b:s3+s16], $0x20, s16, s16, $0xb8;
	[tilespmem:$0x1D400] =	vst v63  }
0x5f: {  	_ = 	snop  }
0x60: {  	[tilespmem:s20], [sflag:$0x2] =	stream.indirect.gather [hbm4b:s3+s16], $0x20, s19, s16, $0xb8;
	[tilespmem:$0x1D400] =	vst v63  }
0x61: {  	_ = 	snop  }
0x62: {  	[tilespmem:s22], [sflag:$0x2] =	stream.indirect.gather [hbm4b:s3+s16], $0x20, s21, s16, $0xb8;
	[tilespmem:$0x1D400] =	vst v63  }
0x63: {  	_ =	swait.ge [sflag:s23], $0x1000  }
0x64: {  	[sflag:s23] =	ssyncset.done $0x0  }
0x65: {  	[sflag:s23] =	ssyncadd.s32 $0xFFFFF000  }
0x66: {  	_ =	swait.ge [sflag:s23], $0x1000  }
0x67: {  	[sflag:s23] =	ssyncset.done $0x0  }
0x68: {  	[sflag:s23] =	ssyncadd.s32 $0xFFFFF000  }
0x69: {  	_ =	swait.ge [sflag:s23], $0x1000  }
0x6a: {  	[sflag:s23] =	ssyncset.done $0x0  }
0x6b: {  	[sflag:s23] =	ssyncadd.s32 $0xFFFFF000  }
0x6c: {  	_ =	swait.ge [sflag:s23], $0x1000  }
0x6d: {  	[sflag:s23] =	ssyncset.done $0x0  }
0x6e: {  	[sflag:s23] =	ssyncadd.s32 $0xFFFFF000  }
0x6f: {  	[spmem:s4] =	stream.indirect.scatter.add.f32 [tilespmem:s17], [sflag:$0x3], $0x20, s14, s16, $0xb8;
	[tilespmem:$0x1D400] =	vst v63  }
0x70: {  	_ = 	snop  }
0x71: {  	[spmem:s4] =	stream.indirect.scatter.add.f32 [tilespmem:s18], [sflag:$0x3], $0x20, s25, s16, $0xb8;
	[tilespmem:$0x1D400] =	vst v63  }
0x72: {  	_ = 	snop  }
0x73: {  	[spmem:s4] =	stream.indirect.scatter.add.f32 [tilespmem:s20], [sflag:$0x3], $0x20, s26, s16, $0xb8;
	[tilespmem:$0x1D400] =	vst v63  }
0x74: {  	_ = 	snop  }
0x75: {  	[spmem:s4] =	stream.indirect.scatter.add.f32 [tilespmem:s22], [sflag:$0x3], $0x20, s28, s16, $0xb8;
	[tilespmem:$0x1D400] =	vst v63  }
0x76: {  	_ =	swait.ge [sflag:s29], $0x1000  }
0x77: {  	[sflag:s29] =	ssyncset.done $0x0  }
0x78: {  	[sflag:s29] =	ssyncadd.s32 $0xFFFFF000  }
0x79: {  	_ =	swait.ge [sflag:s29], $0x1000  }
0x7a: {  	[sflag:s29] =	ssyncset.done $0x0  }
0x7b: {  	[sflag:s29] =	ssyncadd.s32 $0xFFFFF000  }
0x7c: {  	_ =	swait.ge [sflag:s29], $0x1000  }
0x7d: {  	[sflag:s29] =	ssyncset.done $0x0  }
0x7e: {  	[sflag:s29] =	ssyncadd.s32 $0xFFFFF000  }
0x7f: {  	_ =	swait.ge [sflag:s29], $0x1000  }
0x80: {  	s31 =	simm.s32 $0x40;
	s2 =	simm.s32 $0x80;
	[sflag:s29] =	ssyncset.done $0x0  }
.LBB2_6:
0x81: {  	s7 =	sadd.s32 s31, s11  }
0x82: {  	[sflag:s29] =	ssyncadd.s32 $0xFFFFF000;
	s24 =	smov.u32 s2;
	s0 =	sadd.s32 $0x40, s2  }
0x83: {  	[tilespmem:s5], [sflag:$0x1] =	stream.linear.gather [hbm4b:s7+s5], $0x200, $0x38;
	[tilespmem:$0x1D400] =	vst v63  }
0x84: {  	p1 =	sne.s32 s2, $0x1840;
	s2 =	sadd.s32 s31, s10;
	s31 =	smov.u32 s24  }
0x85: {  	[tilespmem:s14], [sflag:$0x1] =	stream.linear.gather [hbm4b:s2+s5], $0x200, $0x38;
	[tilespmem:$0x1D400] =	vst v63  }
0x86: {  	_ =	swait.ge [sflag:s15], $0x200  }
0x87: {  	[sflag:s15] =	ssyncset.done $0x0  }
0x88: {  	[sflag:s15] =	ssyncadd.s32 $0xFFFFFE00  }
0x89: {  	_ =	swait.ge [sflag:s15], $0x200  }
0x8a: {  	[sflag:s15] =	ssyncset.done $0x0  }
0x8b: {  	[sflag:s15] =	ssyncadd.s32 $0xFFFFFE00  }
0x8c: {  	[tilespmem:s17], [sflag:$0x2] =	stream.indirect.gather [hbm4b:s3+s16], $0x20, s5, s16, $0xb8;
	[tilespmem:$0x1D400] =	vst v63  }
0x8d: {  	_ = 	snop  }
0x8e: {  	[tilespmem:s18], [sflag:$0x2] =	stream.indirect.gather [hbm4b:s3+s16], $0x20, s16, s16, $0xb8;
	[tilespmem:$0x1D400] =	vst v63  }
0x8f: {  	_ = 	snop  }
0x90: {  	[tilespmem:s20], [sflag:$0x2] =	stream.indirect.gather [hbm4b:s3+s16], $0x20, s19, s16, $0xb8;
	[tilespmem:$0x1D400] =	vst v63  }
0x91: {  	_ = 	snop  }
0x92: {  	[tilespmem:s22], [sflag:$0x2] =	stream.indirect.gather [hbm4b:s3+s16], $0x20, s21, s16, $0xb8;
	[tilespmem:$0x1D400] =	vst v63  }
0x93: {  	_ =	swait.ge [sflag:s23], $0x1000  }
0x94: {  	[sflag:s23] =	ssyncset.done $0x0  }
0x95: {  	[sflag:s23] =	ssyncadd.s32 $0xFFFFF000  }
0x96: {  	_ =	swait.ge [sflag:s23], $0x1000  }
0x97: {  	[sflag:s23] =	ssyncset.done $0x0  }
0x98: {  	[sflag:s23] =	ssyncadd.s32 $0xFFFFF000  }
0x99: {  	_ =	swait.ge [sflag:s23], $0x1000  }
0x9a: {  	[sflag:s23] =	ssyncset.done $0x0  }
0x9b: {  	[sflag:s23] =	ssyncadd.s32 $0xFFFFF000  }
0x9c: {  	_ =	swait.ge [sflag:s23], $0x1000  }
0x9d: {  	[sflag:s23] =	ssyncset.done $0x0  }
0x9e: {  	[sflag:s23] =	ssyncadd.s32 $0xFFFFF000  }
0x9f: {  	[spmem:s4] =	stream.indirect.scatter.add.f32 [tilespmem:s17], [sflag:$0x3], $0x20, s14, s16, $0xb8;
	[tilespmem:$0x1D400] =	vst v63  }
0xa0: {  	_ = 	snop  }
0xa1: {  	[spmem:s4] =	stream.indirect.scatter.add.f32 [tilespmem:s18], [sflag:$0x3], $0x20, s25, s16, $0xb8;
	[tilespmem:$0x1D400] =	vst v63  }
0xa2: {  	_ = 	snop  }
0xa3: {  	[spmem:s4] =	stream.indirect.scatter.add.f32 [tilespmem:s20], [sflag:$0x3], $0x20, s26, s16, $0xb8;
	[tilespmem:$0x1D400] =	vst v63  }
0xa4: {  	_ = 	snop  }
0xa5: {  	[spmem:s4] =	stream.indirect.scatter.add.f32 [tilespmem:s22], [sflag:$0x3], $0x20, s28, s16, $0xb8;
	[tilespmem:$0x1D400] =	vst v63  }
0xa6: {  	_ =	swait.ge [sflag:s29], $0x1000  }
0xa7: {  	[sflag:s29] =	ssyncset.done $0x0  }
0xa8: {  	[sflag:s29] =	ssyncadd.s32 $0xFFFFF000  }
0xa9: {  	_ =	swait.ge [sflag:s29], $0x1000  }
0xaa: {  	[sflag:s29] =	ssyncset.done $0x0  }
0xab: {  	[sflag:s29] =	ssyncadd.s32 $0xFFFFF000  }
.Ltmp3:
0xac: {  	_ =	swait.ge [sflag:s29], $0x1000;
	(pc) =	sbr.rel @p1 .LBB2_6-.Ltmp3, $4  }
0xad: {  	[sflag:s29] =	ssyncset.done $0x0  }
0xae: {  	[sflag:s29] =	ssyncadd.s32 $0xFFFFF000  }
0xaf: {  	_ =	swait.ge [sflag:s29], $0x1000  }
0xb0: {  	s2 =	smov.u32 s0;
	[sflag:s29] =	ssyncset.done $0x0  }
.Ltmp4:
0xb1: {  	_ = 	snop;
	(pc) =	sbr.rel .LBB2_7-.Ltmp4, $1  }
0xb2: {  	_ =	sdelay $0x3  }
.LBB2_2:
0xb3: {  	[tilespmem:s5], [sflag:$0x1] =	stream.linear.gather [hbm4b:s0+s5], $0x200, $0x38;
	[tilespmem:$0x1D400] =	vst v63  }
0xb4: {  	s24 =	sadd.s32 $0x0, s10  }
0xb5: {  	[tilespmem:s14], [sflag:$0x1] =	stream.linear.gather [hbm4b:s24+s5], $0x200, $0x38;
	[tilespmem:$0x1D400] =	vst v63  }
0xb6: {  	_ =	swait.ge [sflag:s15], $0x200  }
0xb7: {  	[sflag:s15] =	ssyncset.done $0x0  }
0xb8: {  	[sflag:s15] =	ssyncadd.s32 $0xFFFFFE00  }
0xb9: {  	_ =	swait.ge [sflag:s15], $0x200  }
0xba: {  	[sflag:s15] =	ssyncset.done $0x0  }
0xbb: {  	[sflag:s15] =	ssyncadd.s32 $0xFFFFFE00  }
0xbc: {  	[tilespmem:s17], [sflag:$0x2] =	stream.indirect.gather [hbm4b:s1+s16], $0x20, s5, s16, $0xb8;
	[tilespmem:$0x1D400] =	vst v63  }
0xbd: {  	_ = 	snop  }
0xbe: {  	[tilespmem:s18], [sflag:$0x2] =	stream.indirect.gather [hbm4b:s1+s16], $0x20, s16, s16, $0xb8;
	[tilespmem:$0x1D400] =	vst v63  }
0xbf: {  	_ = 	snop  }
0xc0: {  	[tilespmem:s20], [sflag:$0x2] =	stream.indirect.gather [hbm4b:s1+s16], $0x20, s19, s16, $0xb8;
	[tilespmem:$0x1D400] =	vst v63  }
0xc1: {  	_ = 	snop  }
0xc2: {  	[tilespmem:s22], [sflag:$0x2] =	stream.indirect.gather [hbm4b:s1+s16], $0x20, s21, s16, $0xb8;
	[tilespmem:$0x1D400] =	vst v63  }
0xc3: {  	_ =	swait.ge [sflag:s23], $0x1000  }
0xc4: {  	[sflag:s23] =	ssyncset.done $0x0  }
0xc5: {  	[sflag:s23] =	ssyncadd.s32 $0xFFFFF000  }
0xc6: {  	_ =	swait.ge [sflag:s23], $0x1000  }
0xc7: {  	[sflag:s23] =	ssyncset.done $0x0  }
0xc8: {  	[sflag:s23] =	ssyncadd.s32 $0xFFFFF000  }
0xc9: {  	_ =	swait.ge [sflag:s23], $0x1000  }
0xca: {  	[sflag:s23] =	ssyncset.done $0x0  }
0xcb: {  	[sflag:s23] =	ssyncadd.s32 $0xFFFFF000  }
0xcc: {  	_ =	swait.ge [sflag:s23], $0x1000  }
0xcd: {  	[sflag:s23] =	ssyncset.done $0x0  }
0xce: {  	[sflag:s23] =	ssyncadd.s32 $0xFFFFF000  }
0xcf: {  	[spmem:s4] =	stream.indirect.scatter.add.f32 [tilespmem:s17], [sflag:$0x3], $0x20, s14, s16, $0xb8;
	[tilespmem:$0x1D400] =	vst v63  }
0xd0: {  	_ = 	snop  }
0xd1: {  	[spmem:s4] =	stream.indirect.scatter.add.f32 [tilespmem:s18], [sflag:$0x3], $0x20, s25, s16, $0xb8;
	[tilespmem:$0x1D400] =	vst v63  }
0xd2: {  	_ = 	snop  }
0xd3: {  	[spmem:s4] =	stream.indirect.scatter.add.f32 [tilespmem:s20], [sflag:$0x3], $0x20, s26, s16, $0xb8;
	[tilespmem:$0x1D400] =	vst v63  }
0xd4: {  	_ = 	snop  }
0xd5: {  	[spmem:s4] =	stream.indirect.scatter.add.f32 [tilespmem:s22], [sflag:$0x3], $0x20, s28, s16, $0xb8;
	[tilespmem:$0x1D400] =	vst v63  }
0xd6: {  	_ =	swait.ge [sflag:s29], $0x1000  }
0xd7: {  	[sflag:s29] =	ssyncset.done $0x0  }
0xd8: {  	[sflag:s29] =	ssyncadd.s32 $0xFFFFF000  }
0xd9: {  	_ =	swait.ge [sflag:s29], $0x1000  }
0xda: {  	[sflag:s29] =	ssyncset.done $0x0  }
0xdb: {  	[sflag:s29] =	ssyncadd.s32 $0xFFFFF000  }
0xdc: {  	_ =	swait.ge [sflag:s29], $0x1000  }
0xdd: {  	[sflag:s29] =	ssyncset.done $0x0  }
0xde: {  	[sflag:s29] =	ssyncadd.s32 $0xFFFFF000  }
0xdf: {  	_ =	swait.ge [sflag:s29], $0x1000  }
0xe0: {  	s31 =	simm.s32 $0x40;
	s0 =	simm.s32 $0x80;
	[sflag:s29] =	ssyncset.done $0x0  }
.LBB2_3:
0xe1: {  	s7 =	sadd.s32 s31, s11  }
0xe2: {  	[sflag:s29] =	ssyncadd.s32 $0xFFFFF000;
	s24 =	smov.u32 s0;
	s2 =	sadd.s32 $0x40, s0  }
0xe3: {  	[tilespmem:s5], [sflag:$0x1] =	stream.linear.gather [hbm4b:s7+s5], $0x200, $0x38;
	[tilespmem:$0x1D400] =	vst v63  }
0xe4: {  	p1 =	sne.s32 s0, $0x1840;
	s0 =	sadd.s32 s31, s10;
	s31 =	smov.u32 s24  }
0xe5: {  	[tilespmem:s14], [sflag:$0x1] =	stream.linear.gather [hbm4b:s0+s5], $0x200, $0x38;
	[tilespmem:$0x1D400] =	vst v63  }
0xe6: {  	_ =	swait.ge [sflag:s15], $0x200  }
0xe7: {  	[sflag:s15] =	ssyncset.done $0x0  }
0xe8: {  	[sflag:s15] =	ssyncadd.s32 $0xFFFFFE00  }
0xe9: {  	_ =	swait.ge [sflag:s15], $0x200  }
0xea: {  	[sflag:s15] =	ssyncset.done $0x0  }
0xeb: {  	[sflag:s15] =	ssyncadd.s32 $0xFFFFFE00  }
0xec: {  	[tilespmem:s17], [sflag:$0x2] =	stream.indirect.gather [hbm4b:s1+s16], $0x20, s5, s16, $0xb8;
	[tilespmem:$0x1D400] =	vst v63  }
0xed: {  	_ = 	snop  }
0xee: {  	[tilespmem:s18], [sflag:$0x2] =	stream.indirect.gather [hbm4b:s1+s16], $0x20, s16, s16, $0xb8;
	[tilespmem:$0x1D400] =	vst v63  }
0xef: {  	_ = 	snop  }
0xf0: {  	[tilespmem:s20], [sflag:$0x2] =	stream.indirect.gather [hbm4b:s1+s16], $0x20, s19, s16, $0xb8;
	[tilespmem:$0x1D400] =	vst v63  }
0xf1: {  	_ = 	snop  }
0xf2: {  	[tilespmem:s22], [sflag:$0x2] =	stream.indirect.gather [hbm4b:s1+s16], $0x20, s21, s16, $0xb8;
	[tilespmem:$0x1D400] =	vst v63  }
0xf3: {  	_ =	swait.ge [sflag:s23], $0x1000  }
0xf4: {  	[sflag:s23] =	ssyncset.done $0x0  }
0xf5: {  	[sflag:s23] =	ssyncadd.s32 $0xFFFFF000  }
0xf6: {  	_ =	swait.ge [sflag:s23], $0x1000  }
0xf7: {  	[sflag:s23] =	ssyncset.done $0x0  }
0xf8: {  	[sflag:s23] =	ssyncadd.s32 $0xFFFFF000  }
0xf9: {  	_ =	swait.ge [sflag:s23], $0x1000  }
0xfa: {  	[sflag:s23] =	ssyncset.done $0x0  }
0xfb: {  	[sflag:s23] =	ssyncadd.s32 $0xFFFFF000  }
0xfc: {  	_ =	swait.ge [sflag:s23], $0x1000  }
0xfd: {  	[sflag:s23] =	ssyncset.done $0x0  }
0xfe: {  	[sflag:s23] =	ssyncadd.s32 $0xFFFFF000  }
0xff: {  	[spmem:s4] =	stream.indirect.scatter.add.f32 [tilespmem:s17], [sflag:$0x3], $0x20, s14, s16, $0xb8;
	[tilespmem:$0x1D400] =	vst v63  }
0x100: {  	_ = 	snop  }
0x101: {  	[spmem:s4] =	stream.indirect.scatter.add.f32 [tilespmem:s18], [sflag:$0x3], $0x20, s25, s16, $0xb8;
	[tilespmem:$0x1D400] =	vst v63  }
0x102: {  	_ = 	snop  }
0x103: {  	[spmem:s4] =	stream.indirect.scatter.add.f32 [tilespmem:s20], [sflag:$0x3], $0x20, s26, s16, $0xb8;
	[tilespmem:$0x1D400] =	vst v63  }
0x104: {  	_ = 	snop  }
0x105: {  	[spmem:s4] =	stream.indirect.scatter.add.f32 [tilespmem:s22], [sflag:$0x3], $0x20, s28, s16, $0xb8;
	[tilespmem:$0x1D400] =	vst v63  }
0x106: {  	_ =	swait.ge [sflag:s29], $0x1000  }
0x107: {  	[sflag:s29] =	ssyncset.done $0x0  }
0x108: {  	[sflag:s29] =	ssyncadd.s32 $0xFFFFF000  }
0x109: {  	_ =	swait.ge [sflag:s29], $0x1000  }
0x10a: {  	[sflag:s29] =	ssyncset.done $0x0  }
0x10b: {  	[sflag:s29] =	ssyncadd.s32 $0xFFFFF000  }
.Ltmp5:
0x10c: {  	_ =	swait.ge [sflag:s29], $0x1000;
	(pc) =	sbr.rel @p1 .LBB2_3-.Ltmp5, $4  }
0x10d: {  	[sflag:s29] =	ssyncset.done $0x0  }
0x10e: {  	[sflag:s29] =	ssyncadd.s32 $0xFFFFF000  }
0x10f: {  	_ =	swait.ge [sflag:s29], $0x1000  }
0x110: {  	s0 =	smov.u32 s2;
	[sflag:s29] =	ssyncset.done $0x0  }
0x111: {  	s0 =	sadd.s32 s31, s11;
	[sflag:s29] =	ssyncadd.s32 $0xFFFFF000  }
0x112: {  	[tilespmem:s5], [sflag:$0x1] =	stream.linear.gather [hbm4b:s0+s5], $0x200, $0x38;
	[tilespmem:$0x1D400] =	vst v63  }
0x113: {  	s31 =	sadd.s32 s31, s10  }
0x114: {  	[tilespmem:s14], [sflag:$0x1] =	stream.linear.gather [hbm4b:s31+s5], $0x200, $0x38;
	[tilespmem:$0x1D400] =	vst v63  }
0x115: {  	_ =	swait.ge [sflag:s15], $0x200  }
0x116: {  	[sflag:s15] =	ssyncset.done $0x0  }
0x117: {  	[sflag:s15] =	ssyncadd.s32 $0xFFFFFE00  }
0x118: {  	_ =	swait.ge [sflag:s15], $0x200  }
0x119: {  	[sflag:s15] =	ssyncset.done $0x0  }
0x11a: {  	[sflag:s15] =	ssyncadd.s32 $0xFFFFFE00  }
0x11b: {  	[tilespmem:s17], [sflag:$0x2] =	stream.indirect.gather [hbm4b:s1+s16], $0x20, s5, s16, $0xb8;
	[tilespmem:$0x1D400] =	vst v63  }
0x11c: {  	_ = 	snop  }
0x11d: {  	[tilespmem:s18], [sflag:$0x2] =	stream.indirect.gather [hbm4b:s1+s16], $0x20, s16, s16, $0xb8;
	[tilespmem:$0x1D400] =	vst v63  }
0x11e: {  	_ = 	snop  }
0x11f: {  	[tilespmem:s20], [sflag:$0x2] =	stream.indirect.gather [hbm4b:s1+s16], $0x20, s19, s16, $0xb8;
	[tilespmem:$0x1D400] =	vst v63  }
0x120: {  	_ = 	snop  }
0x121: {  	[tilespmem:s22], [sflag:$0x2] =	stream.indirect.gather [hbm4b:s1+s16], $0x20, s21, s16, $0xb8;
	[tilespmem:$0x1D400] =	vst v63  }
0x122: {  	_ =	swait.ge [sflag:s23], $0x1000  }
0x123: {  	[sflag:s23] =	ssyncset.done $0x0  }
0x124: {  	[sflag:s23] =	ssyncadd.s32 $0xFFFFF000  }
0x125: {  	_ =	swait.ge [sflag:s23], $0x1000  }
0x126: {  	[sflag:s23] =	ssyncset.done $0x0  }
0x127: {  	[sflag:s23] =	ssyncadd.s32 $0xFFFFF000  }
0x128: {  	_ =	swait.ge [sflag:s23], $0x1000  }
0x129: {  	[sflag:s23] =	ssyncset.done $0x0  }
0x12a: {  	[sflag:s23] =	ssyncadd.s32 $0xFFFFF000  }
0x12b: {  	_ =	swait.ge [sflag:s23], $0x1000  }
0x12c: {  	[sflag:s23] =	ssyncset.done $0x0  }
0x12d: {  	[sflag:s23] =	ssyncadd.s32 $0xFFFFF000  }
0x12e: {  	[spmem:s4] =	stream.indirect.scatter.add.f32 [tilespmem:s17], [sflag:$0x3], $0x20, s14, s16, $0xb8;
	[tilespmem:$0x1D400] =	vst v63  }
0x12f: {  	_ = 	snop  }
0x130: {  	[spmem:s4] =	stream.indirect.scatter.add.f32 [tilespmem:s18], [sflag:$0x3], $0x20, s25, s16, $0xb8;
	[tilespmem:$0x1D400] =	vst v63  }
0x131: {  	_ = 	snop  }
0x132: {  	[spmem:s4] =	stream.indirect.scatter.add.f32 [tilespmem:s20], [sflag:$0x3], $0x20, s26, s16, $0xb8;
	[tilespmem:$0x1D400] =	vst v63  }
0x133: {  	_ = 	snop  }
0x134: {  	[spmem:s4] =	stream.indirect.scatter.add.f32 [tilespmem:s22], [sflag:$0x3], $0x20, s28, s16, $0xb8;
	[tilespmem:$0x1D400] =	vst v63  }
0x135: {  	_ =	swait.ge [sflag:s29], $0x1000  }
0x136: {  	[sflag:s29] =	ssyncset.done $0x0  }
0x137: {  	[sflag:s29] =	ssyncadd.s32 $0xFFFFF000  }
0x138: {  	_ =	swait.ge [sflag:s29], $0x1000  }
0x139: {  	[sflag:s29] =	ssyncset.done $0x0  }
0x13a: {  	[sflag:s29] =	ssyncadd.s32 $0xFFFFF000  }
0x13b: {  	_ =	swait.ge [sflag:s29], $0x1000  }
0x13c: {  	[sflag:s29] =	ssyncset.done $0x0  }
0x13d: {  	[sflag:s29] =	ssyncadd.s32 $0xFFFFF000  }
.Ltmp6:
0x13e: {  	_ =	swait.ge [sflag:s29], $0x1000;
	(pc) =	sbr.rel .LBB2_8-.Ltmp6, $4  }
0x13f: {  	[sflag:s29] =	ssyncset.done $0x0  }
0x140: {  	[sflag:s29] =	ssyncadd.s32 $0xFFFFF000  }
0x141: {  	[bflag:$0x0] =	sbarrier.arrive $0xFFFF  }
0x142: {  	s0 =	rddreg [dreg:$0x5]  }
.LBB2_9:
0x143: {  	_ =	sfence.sel $0x180000  }
0x144: {  	[bflag:$0x0] =	sbarrier.arrive $0xFFFF  }
0x145: {  	_ =	strace $0x9000004D  }
0x146: {  	s0 =	stileid.u32;
	[bflag:$0x2] =	sbarrier.arrive $0xFFFF  }
0x147: {  	p0 =	sne.s32 s0, $0x0;
	s0 =	rddreg [dreg:$0x4]  }
0x148: {  	s0 =	sadd.s32 @!p0 $0x100000, s0  }
0x149: {  	[sflag:s0] =	ssyncadd.tile.s32 @!p0 $0x1;
	_ =	shalt  }
.Lfunc_end2:
_tile_overlayer_lowered:
.L_overlay_start_2:
0x14a: {  	(tag) =	ssettag $0x2  }
0x14b: {  	s0 =	rddreg [dreg:$0x0];
	s2 =	stileid.u32  }
0x14c: {  	s1 =	rddreg [dreg:$0x1];
	p0 =	sne.s32 s2, $0x0  }
0x14d: {  	s3 =	rddreg [dreg:$0x2];
	[bflag:$0x3] =	sbarrier.arrive $0xFFFF;
	s2 =	simm.s32 @!p0 $0x1C04  }
0x14e: {  	[timem:s3], [sflag:s2] =	dma.local @!p0 [hbm:s0], s1  }
0x14f: {  	s0 =	simm.s32 @!p0 $0x4  }
0x150: {  	_ =	swait.ge @!p0 [sflag:s0], s1  }
0x151: {  	s1 =	ssub.s32 @!p0 $0x0, s1;
	[sflag:s0] =	ssyncset.done @!p0 $0x0  }
0x152: {  	[sflag:s0] =	ssyncadd.s32 @!p0 s1  }
0x153: {  	[bflag:$0x3] =	sbarrier.arrive $0xFFFF  }
0x154: {  	_ =	shalt  }

// kernel: kernel.14.cloned.1.call-start
scs
__scs_entry_jumppad:
0x0: {  	(pc) =	sbr.rel $0x88, $3  }
0x1: {  	(tag) =	ssettag $0x0;
	lr =	simm.s32 $0x1  }
0x2: {  	[smem:$0x3F92] =	sst lr;
	_ =	strace $0xD0000000  }
0x3: {  	_ = 	snop  }
0x4: {  	_ = 	snop  }
0x5: {  	_ = 	snop  }
0x6: {  	_ = 	snop  }
0x7: {  	_ = 	snop  }
__scs_overlays_trampoline_lowered:
0x8: {  	[smem:$0x3FA1] =	sst s0  }
0x9: {  	[smem:$0x3FA2] =	sst s1  }
0xa: {  	[smem:$0x3FA3] =	sst s2  }
0xb: {  	[smem:$0x3FA4] =	sst s3  }
0xc: {  	[smem:$0x3FA5] =	sst s4  }
0xd: {  	[smem:$0x3FA6] =	sst s5  }
0xe: {  	[smem:$0x3FA7] =	sst s6  }
0xf: {  	[smem:$0x3FA8] =	sst s7  }
0x10: {  	[smem:$0x3FA9] =	sst s8  }
0x11: {  	[smem:$0x3FAA] =	sst s9;
	s0 =	simm.s32 @!p0 $0x0  }
0x12: {  	s1 =	sld [smem:$0x3F90];
	s0 =	simm.s32 @p0 $0x1  }
0x13: {  	[smem:$0x3FAB] =	sst s0;
	s0 =	simm.s32 @!p1 $0x0  }
0x14: {  	s2 =	sld [smem:$0x3F8F];
	s0 =	simm.s32 @p1 $0x1  }
0x15: {  	[smem:$0x3FAC] =	sst s0;
	s0 =	simm.s32 @!p2 $0x0  }
0x16: {  	s3 =	sld [smem:$0x3FDB];
	s0 =	simm.s32 @p2 $0x1  }
0x17: {  	s4 =	simm.s32 $0x1BF5;
	[smem:$0x3FAE] =	sst s0  }
0x18: {  	s0 =	sld [smem:$0x3F91];
	_ =	swait.ge [sflag:s4], $0x0  }
0x19: {  	s7 =	sld [smem:$0x3F92]  }
0x1a: {  	s8 =	sadd.s32 $0xFFFFE003, lr  }
0x1b: {  	s9 =	sadd.s32 $0xFFFFFEF7, lr;
	s5 =	simm.s32 $0xFFFFFFFF;
	p2 =	slt.u32 s8, $0xFFFFF086  }
0x1c: {  	p1 =	slt.u32 s9, $0xF7A;
	s5 =	simm.s32 @!p2 $0x0  }
0x1d: {  	s5 =	simm.s32 @p1 $0x1;
	p0 =	seq.s32 s7, s2  }
0x1e: {  	s7 =	smul.u32 @!p0 $0xF7A, s2;
	p2 =	seq.s32 @!p0 s5, $0x0  }
0x1f: {  	s9 =	smul.u32 $0xF7A, s1;
	s8 =	simm.s32 @!p0 $0x1BF5;
	p2 =	por !p2, p0  }
0x20: {  	[sflag:s8] =	ssyncset.s32 @!p0 $0xFFFFF086;
	s6 =	sadd.s32 @!p0 s3, s7;
	s7 =	simm.s32 @!p0 $0x108  }
0x21: {  	s3 =	sadd.s32 s3, s9;
	s6 =	sadd.s32 @!p0 $0x88, s6;
	s7 =	simm.s32 @p2 $0x1082  }
0x22: {  	[simem:s7], [sflag:s8] =	dma.local @!p0 [hbm:s6], $0xF7A  }
0x23: {  	s9 =	sor.u32 $0xD0000000, s2;
	s6 =	simm.s32 $0x108;
	_ =	swait.ge @!p0 [sflag:s8], $0x0  }
0x24: {  	s3 =	sadd.s32 $0x88, s3;
	s6 =	simm.s32 @!p1 $0x1082;
	[sflag:s4] =	ssyncset.s32 $0xFFFFF086  }
0x25: {  	[simem:s6], [sflag:s4] =	dma.local [hbm:s3], $0xF7A  }
0x26: {  	[smem:$0x3F92] =	sst s1;
	(tag) =	ssettag s2;
	_ =	strace s9  }
0x27: {  	s1 =	sld [smem:$0x3FA2]  }
0x28: {  	s2 =	sld [smem:$0x3FA3]  }
0x29: {  	s4 =	sld [smem:$0x3FA5]  }
0x2a: {  	p0 =	seq.s32 s5, $0x0;
	s5 =	sld [smem:$0x3FA6]  }
0x2b: {  	s6 =	sld [smem:$0x3FA7]  }
0x2c: {  	s7 =	sld [smem:$0x3FA8]  }
0x2d: {  	s3 =	simm.s32 $0x108;
	s8 =	sld [smem:$0x3FA9]  }
0x2e: {  	s3 =	simm.s32 @!p0 $0x1082;
	s9 =	sld [smem:$0x3FAA]  }
0x2f: {  	lr =	sadd.s32 s0, s3;
	s0 =	sld [smem:$0x3FA1]  }
0x30: {  	s3 =	sld [smem:$0x3FA4]  }
0x31: {  	[smem:$0x3FAD] =	sst s10  }
0x32: {  	s10 =	sld [smem:$0x3FAB];
	_ =	sdelay $0x3  }
0x33: {  	p0 =	seq.s32 s10, $0x1;
	s10 =	sld [smem:$0x3FAD];
	_ =	sdelay $0x3  }
0x34: {  	[smem:$0x3FAD] =	sst s10  }
0x35: {  	s10 =	sld [smem:$0x3FAC];
	_ =	sdelay $0x3  }
0x36: {  	p1 =	seq.s32 s10, $0x1;
	s10 =	sld [smem:$0x3FAD];
	_ =	sdelay $0x3  }
0x37: {  	[smem:$0x3FAD] =	sst s10  }
0x38: {  	s10 =	sld [smem:$0x3FAE]  }
0x39: {  	_ = 	snop;
	(pc) =	sbr.ind lr, $3  }
0x3a: {  	_ = 	snop  }
0x3b: {  	_ = 	snop  }
0x3c: {  	p2 =	seq.s32 s10, $0x1;
	s10 =	sld [smem:$0x3FAD]  }
0x3d: {  	_ =	shalt  }
0x3e: {  	_ =	shalt  }
0x3f: {  	_ =	shalt  }
0x40: {  	_ =	shalt  }
0x41: {  	_ =	shalt  }
0x42: {  	_ =	shalt  }
0x43: {  	_ =	shalt  }
0x44: {  	_ =	shalt  }
0x45: {  	_ =	shalt  }
0x46: {  	_ =	shalt  }
0x47: {  	_ =	shalt  }
0x48: {  	_ =	shalt  }
0x49: {  	_ =	shalt  }
0x4a: {  	_ =	shalt  }
0x4b: {  	_ =	shalt  }
0x4c: {  	_ =	shalt  }
0x4d: {  	_ =	shalt  }
0x4e: {  	_ =	shalt  }
0x4f: {  	_ =	shalt  }
0x50: {  	_ =	shalt  }
0x51: {  	_ =	shalt  }
0x52: {  	_ =	shalt  }
0x53: {  	_ =	shalt  }
0x54: {  	_ =	shalt  }
0x55: {  	_ =	shalt  }
0x56: {  	_ =	shalt  }
0x57: {  	_ =	shalt  }
0x58: {  	_ =	shalt  }
0x59: {  	_ =	shalt  }
0x5a: {  	_ =	shalt  }
0x5b: {  	_ =	shalt  }
0x5c: {  	_ =	shalt  }
0x5d: {  	_ =	shalt  }
0x5e: {  	_ =	shalt  }
0x5f: {  	_ =	shalt  }
0x60: {  	_ =	shalt  }
0x61: {  	_ =	shalt  }
0x62: {  	_ =	shalt  }
0x63: {  	_ =	shalt  }
0x64: {  	_ =	shalt  }
0x65: {  	_ =	shalt  }
0x66: {  	_ =	shalt  }
0x67: {  	_ =	shalt  }
0x68: {  	_ =	shalt  }
0x69: {  	_ =	shalt  }
0x6a: {  	_ =	shalt  }
0x6b: {  	_ =	shalt  }
0x6c: {  	_ =	shalt  }
0x6d: {  	_ =	shalt  }
0x6e: {  	_ =	shalt  }
0x6f: {  	_ =	shalt  }
0x70: {  	_ =	shalt  }
0x71: {  	_ =	shalt  }
0x72: {  	_ =	shalt  }
0x73: {  	_ =	shalt  }
0x74: {  	_ =	shalt  }
0x75: {  	_ =	shalt  }
0x76: {  	_ =	shalt  }
0x77: {  	_ =	shalt  }
0x78: {  	_ =	shalt  }
0x79: {  	_ =	shalt  }
0x7a: {  	_ =	shalt  }
0x7b: {  	_ =	shalt  }
0x7c: {  	_ =	shalt  }
0x7d: {  	_ =	shalt  }
0x7e: {  	_ =	shalt  }
0x7f: {  	_ =	shalt  }
0x80: {  	_ =	shalt  }
0x81: {  	_ =	shalt  }
0x82: {  	_ =	shalt  }
0x83: {  	_ =	shalt  }
0x84: {  	_ =	shalt  }
0x85: {  	_ =	shalt  }
0x86: {  	_ =	shalt  }
0x87: {  	_ =	shalt  }
.Lfunc_end0:
.L_simem_size_0:
called_computation.1_lowered:
.L_overlay_start_0:
0x88: {  	s2 =	sld [smem:$0x3FD9]  }
0x89: {  	s3 =	sld [smem:$0x3FFE];
	_ =	sdelay $0x1  }
0x8a: {  	s1 =	srdreg.scid  }
0x8b: {  	s0 =	sand.u32 $0x1, s1  }
0x8c: {  	s15 =	sshll.u32 s0, $0xA;
	s2 =	sadd.s32 s3, s2  }
0x8d: {  	s2 =	sadd.s32 s2, s15  }
0x8e: {  	[smem:$0x3FB9] =	sst s2  }
0x8f: {  	_ = 	snop  }
0x90: {  	s2 =	sld [smem:$0x3FD0];
	_ =	sdelay $0x2  }
0x91: {  	s4 =	simm.s32 $0xC;
	s16 =	simm.s32 $0x10  }
0x92: {  	[smem:s16], [sflag:s4] =	dma.local [hbm:s2], $0x1  }
0x93: {  	_ =	swait.eq [sflag:s4], $0x1  }
0x94: {  	[sflag:s4] =	ssyncset.done $0x0  }
0x95: {  	s17 =	sld [smem:$0x10];
	[sflag:s4] =	ssyncadd.s32 $0xFFFFFFFF  }
0x96: {  	s18 =	sld [smem:$0x11];
	(tm) =	ssettm $0x1  }
0x97: {  	s19 =	sld [smem:$0x3FFB];
	_ =	sdelay $0x3  }
0x98: {  	_ =	strace s19  }
0x99: {  	s2 =	sld [smem:$0x3FFC];
	_ =	sdelay $0x3  }
0x9a: {  	_ =	strace s2  }
0x9b: {  	s2 =	sld [smem:$0x3FFD];
	_ =	sdelay $0x3  }
0x9c: {  	_ =	strace s2  }
0x9d: {  	_ =	strace $0x8FFFFFFF  }
0x9e: {  	s20 =	sld [smem:$0x3FDB];
	_ =	sdelay $0x1  }
0x9f: {  	s5 =	simm.s32 $_scs_section_size  }
0xa0: {  	s6 =	simm.s32 $_size__tile_overlayer_lowered;
	s7 =	simm.s32 $_tile_overlayer_lowered  }
0xa1: {  	s8 =	simm.s32 $0x1BFF;
	s21 =	sshll.u32 s7, $0x1;
	s5 =	sadd.s32 s5, s20  }
0xa2: {  	s22 =	simm.s32 $0x0;
	s6 =	sshll.u32 s6, $0x1;
	s7 =	sadd.s32 s21, s5  }
0xa3: {  	[timem:s22], [sflag:s8] =	dma.local [hbm:s7], s6  }
0xa4: {  	_ =	swait.ge [sflag:s8], s6  }
0xa5: {  	s6 =	ssub.s32 $0x0, s6;
	[sflag:s8] =	ssyncset.done $0x0  }
0xa6: {  	[sflag:s8] =	ssyncadd.s32 s6;
	_ =	sdelay $0x1  }
0xa7: {  	s23 =	simm.s32 $0x1B8B  }
0xa8: {  	_ =	swait.ge [sflag:s23], $0x1  }
0xa9: {  	[sflag:s23] =	ssyncset.done $0x0  }
0xaa: {  	[sflag:s23] =	ssyncadd.s32 $0xFFFFFFFF  }
0xab: {  	s6 =	sld [smem:$0x0]  }
0xac: {  	s7 =	sand.u32 $0xFFFFFFFE, s1  }
0xad: {  	p0 =	sne.s32 s1, s7  }
0xae: {  	s7 =	sshll.u32 @p0 s7, $0xE  }
0xaf: {  	s7 =	sadd.s32 @p0 $0x11B8D, s7;
	s8 =	sshll.u32 @p0 s6, $0x11  }
0xb0: {  	s7 =	sor.u32 @p0 s8, s7  }
0xb1: {  	[sflag:s7] =	ssyncadd.remote.s32 @p0 $0x1;
	_ =	sdelay $0x1  }
0xb2: {  	s7 =	simm.s32 @p0 $0x1B8D  }
0xb3: {  	_ =	swait.eq @p0 [sflag:s7], $0x1  }
0xb4: {  	[sflag:s7] =	ssyncadd.s32 @p0 $0xFFFFFFFF  }
0xb5: {  	s8 =	sshll.u32 @!p0 s1, $0xE  }
0xb6: {  	s8 =	sor.u32 @!p0 $0x4000, s8;
	s7 =	simm.s32 @!p0 $0x1B8D  }
0xb7: {  	s6 =	sshll.u32 @!p0 s6, $0x11;
	s8 =	sadd.s32 @!p0 $0x11B8D, s8;
	_ =	swait.eq @!p0 [sflag:s7], $0x1  }
0xb8: {  	s6 =	sor.u32 @!p0 s6, s8;
	[sflag:s7] =	ssyncadd.s32 @!p0 $0xFFFFFFFF  }
0xb9: {  	s25 =	simm.s32 $0x1B8E;
	s24 =	sld [smem:$0x3FFE];
	[sflag:s6] =	ssyncadd.remote.s32 @!p0 $0x1  }
0xba: {  	s26 =	simm.s32 $execute0_lowered;
	[smem:$0x3FD2] =	sst s25  }
0xbb: {  	s7 =	sshll.u32 s26, $0x1;
	_ =	strace $0x80000049;
	[dreg:$0x1] =	wrdreg $0xFFFFFFFF  }
0xbc: {  	s28 =	simm.s32 $_size_execute0_lowered;
	s5 =	sadd.s32 s5, s7;
	[dreg:$0x0] =	wrdreg $0x0  }
0xbd: {  	s7 =	sshll.u32 s28, $0x1;
	[dreg:$0x2] =	wrdreg s5  }
0xbe: {  	[dreg:$0x3] =	wrdreg s7  }
0xbf: {  	[dreg:$0x4] =	wrdreg $0xC0  }
0xc0: {  	_ =	task [dreg:s22], $0x5FFFF  }
0xc1: {  	[dreg:$0x1] =	wrdreg $0xFFFFFFFF  }
0xc2: {  	[dreg:$0x0] =	wrdreg $0x60  }
0xc3: {  	[dreg:$0x2] =	wrdreg s24  }
0xc4: {  	[dreg:$0x3] =	wrdreg s17  }
0xc5: {  	[dreg:$0x4] =	wrdreg s18  }
0xc6: {  	[dreg:$0x5] =	wrdreg $0x2800  }
0xc7: {  	[dreg:$0x6] =	wrdreg $0xA  }
0xc8: {  	_ =	task.clear_ibuf [dreg:s22], $0x7FFFF;
	_ =	strace $0x90000049  }
0xc9: {  	s29 =	simm.s32 $0xA;
	_ =	strace $0x8000004B  }
0xca: {  	_ =	swait.ge [sflag:s29], $0x1  }
0xcb: {  	[sflag:s29] =	ssyncadd.s32 $0xFFFFFFFF  }
0xcc: {  	_ =	strace $0x9000004B  }
0xcd: {  	_ =	sfence  }
0xce: {  	s30 =	sld [smem:$0x0];
	_ =	sdelay $0x2  }
0xcf: {  	s31 =	sshll.u32 s1, $0xD;
	s1 =	sshrl.u32 s1, $0x2  }
0xd0: {  	s4 =	sand.u32 $0x4000, s31;
	s1 =	sadd.s32 s1, s30  }
0xd1: {  	s0 =	sor.u32 s4, s0;
	s1 =	sshll.u32 s1, $0x11  }
0xd2: {  	s0 =	sor.u32 s1, s0  }
0xd3: {  	s0 =	sadd.s32 $0x8F2B, s0  }
0xd4: {  	[sflag:s0] =	ssyncadd.remote.s32 $0x1  }
0xd5: {  	_ =	sfence.sel $0xFFFF  }
0xd6: {  	[dreg:$0x0] =	wrdreg $0xFFFFFFFF;
	(pc) =	sbr.abs _section_cstart, $3  }
0xd7: {  	[dreg:$0x1] =	wrdreg $0xFFFFFFFF  }
0xd8: {  	_ =	task.clear_ibuf [dreg:s22], $0x2FFFF;
	_ =	strace $0x9FFFFFFF  }
0xd9: {  	(tm) =	ssettm $0x7FFFFFFF  }
tec
execute0_lowered:
.L_overlay_start_1:
0x0: {  	(tag) =	ssettag $0x1  }
0x1: {  	s6 =	rddreg [dreg:$0x0]  }
0x2: {  	s4 =	rddreg [dreg:$0x1]  }
0x3: {  	s7 =	rddreg [dreg:$0x2]  }
0x4: {  	s2 =	rddreg [dreg:$0x3]  }
0x5: {  	s0 =	rddreg [dreg:$0x4]  }
0x6: {  	s1 =	stileid.u32;
	s5 =	srdreg.scid  }
0x7: {  	s3 =	simm.s32 $0x0;
	s14 =	simm.s32 $0x200;
	s15 =	simm.s32 $0x100  }
0x8: {  	s16 =	simm.s32 $0x180;
	s17 =	simm.s32 $0x2;
	s11 =	smul.u32 $0x1880, s1  }
0x9: {  	s5 =	sand.u32 $0x1, s5;
	[smem:$0x7FF] =	sst s3;
	s9 =	smul.u32 $0xC80, s1  }
0xa: {  	s13 =	sadd.s32 $0x1DD000, s6;
	s31 =	sshll.u32 s1, $0x6;
	s19 =	sadd.s32 $0x1900, s7  }
0xb: {  	s8 =	ssub.s32 $0x2, s5;
	_ =	strace $0x8000004A;
	p0 =	seq.s32 s5, $0x1  }
0xc: {  	s10 =	sshrl.u32 s8, $0x1;
	s12 =	sadd.s32 s11, s6;
	s18 =	sshrl.u32 s9, $0x3  }
.Ltmp0:
0xd: {  	s9 =	sadd.s32 s9, s2;
	s11 =	sadd.s32 s13, s11;
	(pc) =	sbr.rel .LBB2_1-.Ltmp0, $4  }
0xe: {  	s13 =	simm.s32 $0x80;
	s8 =	ssub.s32 s8, s10;
	s4 =	sadd.s32 s4, s18  }
0xf: {  	s5 =	sadd.s32 s7, s18;
	s7 =	sor.u32 $0x1C03, s31;
	s9 =	sshrl.u32 s9, $0x3  }
0x10: {  	s10 =	simm.s32 $0x3;
	s18 =	sadd.s32 s18, s19;
	s19 =	simm.s32 $0x0  }
0x11: {  	v0 =	vimm.f32 $1.000000000e+00;
	s6 =	smax.u32 s8, $0x1;
	s8 =	sadd.s32 $0x1C4800, s12;
	s12 =	simm.s32 $0x1  }
.LBB2_7:
0x12: {  	s20 =	sadd.s32 s20, s11;
	[sflag:s17] =	ssyncadd.s32 $0xFFFFFF80  }
0x13: {  	[tilespmem:s3], [sflag:$0x1] =	stream.linear.gather [hbm4b:s20+s3], $0x200, $0x38;
	[tilespmem:$0xF00] =	vst v63  }
0x14: {  	_ =	swait.ge [sflag:s12], $0x200  }
0x15: {  	[sflag:s12] =	ssyncset.done $0x0  }
0x16: {  	[sflag:s12] =	ssyncadd.s32 $0xFFFFFE00  }
0x17: {  	[spmem:s2] =	stream.indirect.scatter.add.f32 [tilespmem:s14], [sflag:$0x2], $0x1, s3, s13, $0xb8;
	[tilespmem:$0xF00] =	vst v63  }
0x18: {  	_ = 	snop  }
0x19: {  	[spmem:s2] =	stream.indirect.scatter.add.f32 [tilespmem:s14], [sflag:$0x2], $0x1, s13, s13, $0xb8;
	[tilespmem:$0xF00] =	vst v63  }
0x1a: {  	_ = 	snop  }
0x1b: {  	[spmem:s2] =	stream.indirect.scatter.add.f32 [tilespmem:s14], [sflag:$0x2], $0x1, s15, s13, $0xb8;
	[tilespmem:$0xF00] =	vst v63  }
0x1c: {  	_ = 	snop  }
0x1d: {  	[spmem:s2] =	stream.indirect.scatter.add.f32 [tilespmem:s14], [sflag:$0x2], $0x1, s16, s13, $0xb8;
	[tilespmem:$0xF00] =	vst v63  }
0x1e: {  	_ =	swait.ge [sflag:s17], $0x80  }
0x1f: {  	[sflag:s17] =	ssyncset.done $0x0  }
0x20: {  	[sflag:s17] =	ssyncadd.s32 $0xFFFFFF80  }
0x21: {  	_ =	swait.ge [sflag:s17], $0x80  }
0x22: {  	[sflag:s17] =	ssyncset.done $0x0  }
0x23: {  	[sflag:s17] =	ssyncadd.s32 $0xFFFFFF80  }
0x24: {  	_ =	swait.ge [sflag:s17], $0x80  }
0x25: {  	[sflag:s17] =	ssyncset.done $0x0  }
0x26: {  	[sflag:s17] =	ssyncadd.s32 $0xFFFFFF80  }
0x27: {  	_ =	swait.ge [sflag:s17], $0x80  }
0x28: {  	[sflag:s17] =	ssyncset.done $0x0  }
0x29: {  	[sflag:s17] =	ssyncadd.s32 $0xFFFFFF80  }
0x2a: {  	s20 =	smov.u32 s18;
	[bflag:$0x0] =	sbarrier.arrive $0xFFFF  }
.LBB2_8:
0x2b: {  	s19 =	sadd.s32 $0x1, s19  }
0x2c: {  	p1 =	sne.s32 s19, s6  }
.Ltmp1:
0x2d: {  	_ = 	snop;
	(pc) =	sbr.rel @!p1 .LBB2_9-.Ltmp1, $4  }
0x2e: {  	[hbm:s20], [sflag:s7] =	dma.local [spmem:s9], $0x190  }
0x2f: {  	_ =	swait.ge [sflag:s10], $0x190  }
0x30: {  	[sflag:s10] =	ssyncset.done $0x0  }
0x31: {  	[sflag:s10] =	ssyncadd.s32 $0xFFFFFE70  }
.LBB2_1:
0x32: {  	[spmem:s9], [sflag:s7] =	dma.local [hbm:s4], $0x190  }
0x33: {  	_ =	swait.ge [sflag:s10], $0x190  }
0x34: {  	[sflag:s10] =	ssyncset.done $0x0  }
0x35: {  	[sflag:s10] =	ssyncadd.s32 $0xFFFFFE70  }
0x36: {  	[tilespmem:$0x200] =	vst v0  }
0x37: {  	[tilespmem:$0x210] =	vst v0  }
0x38: {  	[tilespmem:$0x220] =	vst v0  }
0x39: {  	[tilespmem:$0x230] =	vst v0  }
0x3a: {  	[tilespmem:$0x240] =	vst v0  }
.Ltmp2:
0x3b: {  	[tilespmem:$0x250] =	vst v0;
	(pc) =	sbr.rel @!p0 .LBB2_2-.Ltmp2, $3  }
0x3c: {  	[tilespmem:$0x260] =	vst v0  }
0x3d: {  	[tilespmem:$0x270] =	vst v0  }
0x3e: {  	[bflag:$0x0] =	sbarrier.arrive $0xFFFF;
	_ =	sdelay $0x1  }
0x3f: {  	s20 =	sadd.s32 $0x0, s11  }
0x40: {  	[tilespmem:s3], [sflag:$0x1] =	stream.linear.gather [hbm4b:s20+s3], $0x200, $0x38;
	[tilespmem:$0xF00] =	vst v63  }
0x41: {  	_ =	swait.ge [sflag:s12], $0x200  }
0x42: {  	[sflag:s12] =	ssyncset.done $0x0  }
0x43: {  	[sflag:s12] =	ssyncadd.s32 $0xFFFFFE00  }
0x44: {  	[spmem:s2] =	stream.indirect.scatter.add.f32 [tilespmem:s14], [sflag:$0x2], $0x1, s3, s13, $0xb8;
	[tilespmem:$0xF00] =	vst v63  }
0x45: {  	_ = 	snop  }
0x46: {  	[spmem:s2] =	stream.indirect.scatter.add.f32 [tilespmem:s14], [sflag:$0x2], $0x1, s13, s13, $0xb8;
	[tilespmem:$0xF00] =	vst v63  }
0x47: {  	_ = 	snop  }
0x48: {  	[spmem:s2] =	stream.indirect.scatter.add.f32 [tilespmem:s14], [sflag:$0x2], $0x1, s15, s13, $0xb8;
	[tilespmem:$0xF00] =	vst v63  }
0x49: {  	_ = 	snop  }
0x4a: {  	[spmem:s2] =	stream.indirect.scatter.add.f32 [tilespmem:s14], [sflag:$0x2], $0x1, s16, s13, $0xb8;
	[tilespmem:$0xF00] =	vst v63  }
0x4b: {  	_ =	swait.ge [sflag:s17], $0x80  }
0x4c: {  	[sflag:s17] =	ssyncset.done $0x0  }
0x4d: {  	[sflag:s17] =	ssyncadd.s32 $0xFFFFFF80  }
0x4e: {  	_ =	swait.ge [sflag:s17], $0x80  }
0x4f: {  	[sflag:s17] =	ssyncset.done $0x0  }
0x50: {  	[sflag:s17] =	ssyncadd.s32 $0xFFFFFF80  }
0x51: {  	_ =	swait.ge [sflag:s17], $0x80  }
0x52: {  	[sflag:s17] =	ssyncset.done $0x0  }
0x53: {  	[sflag:s17] =	ssyncadd.s32 $0xFFFFFF80  }
0x54: {  	_ =	swait.ge [sflag:s17], $0x80  }
0x55: {  	s21 =	simm.s32 $0x80;
	s20 =	simm.s32 $0x40;
	[sflag:s17] =	ssyncset.done $0x0  }
.LBB2_6:
0x56: {  	s22 =	sadd.s32 s20, s11  }
0x57: {  	[sflag:s17] =	ssyncadd.s32 $0xFFFFFF80;
	s20 =	smov.u32 s21;
	s23 =	sadd.s32 $0x40, s21  }
0x58: {  	[tilespmem:s3], [sflag:$0x1] =	stream.linear.gather [hbm4b:s22+s3], $0x200, $0x38;
	[tilespmem:$0xF00] =	vst v63  }
0x59: {  	p1 =	sne.s32 s21, $0x1840;
	_ =	swait.ge [sflag:s12], $0x200  }
0x5a: {  	[sflag:s12] =	ssyncset.done $0x0  }
0x5b: {  	[sflag:s12] =	ssyncadd.s32 $0xFFFFFE00  }
0x5c: {  	[spmem:s2] =	stream.indirect.scatter.add.f32 [tilespmem:s14], [sflag:$0x2], $0x1, s3, s13, $0xb8;
	[tilespmem:$0xF00] =	vst v63  }
0x5d: {  	_ = 	snop  }
0x5e: {  	[spmem:s2] =	stream.indirect.scatter.add.f32 [tilespmem:s14], [sflag:$0x2], $0x1, s13, s13, $0xb8;
	[tilespmem:$0xF00] =	vst v63  }
0x5f: {  	_ = 	snop  }
0x60: {  	[spmem:s2] =	stream.indirect.scatter.add.f32 [tilespmem:s14], [sflag:$0x2], $0x1, s15, s13, $0xb8;
	[tilespmem:$0xF00] =	vst v63  }
0x61: {  	_ = 	snop  }
0x62: {  	[spmem:s2] =	stream.indirect.scatter.add.f32 [tilespmem:s14], [sflag:$0x2], $0x1, s16, s13, $0xb8;
	[tilespmem:$0xF00] =	vst v63  }
0x63: {  	_ =	swait.ge [sflag:s17], $0x80  }
0x64: {  	[sflag:s17] =	ssyncset.done $0x0  }
0x65: {  	[sflag:s17] =	ssyncadd.s32 $0xFFFFFF80  }
0x66: {  	_ =	swait.ge [sflag:s17], $0x80  }
0x67: {  	[sflag:s17] =	ssyncset.done $0x0  }
0x68: {  	[sflag:s17] =	ssyncadd.s32 $0xFFFFFF80  }
.Ltmp3:
0x69: {  	_ =	swait.ge [sflag:s17], $0x80;
	(pc) =	sbr.rel @p1 .LBB2_6-.Ltmp3, $4  }
0x6a: {  	[sflag:s17] =	ssyncset.done $0x0  }
0x6b: {  	[sflag:s17] =	ssyncadd.s32 $0xFFFFFF80  }
0x6c: {  	_ =	swait.ge [sflag:s17], $0x80  }
0x6d: {  	s21 =	smov.u32 s23;
	[sflag:s17] =	ssyncset.done $0x0  }
.Ltmp4:
0x6e: {  	_ = 	snop;
	(pc) =	sbr.rel .LBB2_7-.Ltmp4, $1  }
0x6f: {  	_ =	sdelay $0x3  }
.LBB2_2:
0x70: {  	s20 =	sadd.s32 $0x0, s8  }
0x71: {  	[tilespmem:s3], [sflag:$0x1] =	stream.linear.gather [hbm4b:s20+s3], $0x200, $0x38;
	[tilespmem:$0xF00] =	vst v63  }
0x72: {  	_ =	swait.ge [sflag:s12], $0x200  }
0x73: {  	[sflag:s12] =	ssyncset.done $0x0  }
0x74: {  	[sflag:s12] =	ssyncadd.s32 $0xFFFFFE00  }
0x75: {  	[spmem:s2] =	stream.indirect.scatter.add.f32 [tilespmem:s14], [sflag:$0x2], $0x1, s3, s13, $0xb8;
	[tilespmem:$0xF00] =	vst v63  }
0x76: {  	_ = 	snop  }
0x77: {  	[spmem:s2] =	stream.indirect.scatter.add.f32 [tilespmem:s14], [sflag:$0x2], $0x1, s13, s13, $0xb8;
	[tilespmem:$0xF00] =	vst v63  }
0x78: {  	_ = 	snop  }
0x79: {  	[spmem:s2] =	stream.indirect.scatter.add.f32 [tilespmem:s14], [sflag:$0x2], $0x1, s15, s13, $0xb8;
	[tilespmem:$0xF00] =	vst v63  }
0x7a: {  	_ = 	snop  }
0x7b: {  	[spmem:s2] =	stream.indirect.scatter.add.f32 [tilespmem:s14], [sflag:$0x2], $0x1, s16, s13, $0xb8;
	[tilespmem:$0xF00] =	vst v63  }
0x7c: {  	_ =	swait.ge [sflag:s17], $0x80  }
0x7d: {  	[sflag:s17] =	ssyncset.done $0x0  }
0x7e: {  	[sflag:s17] =	ssyncadd.s32 $0xFFFFFF80  }
0x7f: {  	_ =	swait.ge [sflag:s17], $0x80  }
0x80: {  	[sflag:s17] =	ssyncset.done $0x0  }
0x81: {  	[sflag:s17] =	ssyncadd.s32 $0xFFFFFF80  }
0x82: {  	_ =	swait.ge [sflag:s17], $0x80  }
0x83: {  	[sflag:s17] =	ssyncset.done $0x0  }
0x84: {  	[sflag:s17] =	ssyncadd.s32 $0xFFFFFF80  }
0x85: {  	_ =	swait.ge [sflag:s17], $0x80  }
0x86: {  	s21 =	simm.s32 $0x80;
	s20 =	simm.s32 $0x40;
	[sflag:s17] =	ssyncset.done $0x0  }
.LBB2_3:
0x87: {  	s22 =	sadd.s32 s20, s8  }
0x88: {  	[sflag:s17] =	ssyncadd.s32 $0xFFFFFF80;
	s20 =	smov.u32 s21;
	s23 =	sadd.s32 $0x40, s21  }
0x89: {  	[tilespmem:s3], [sflag:$0x1] =	stream.linear.gather [hbm4b:s22+s3], $0x200, $0x38;
	[tilespmem:$0xF00] =	vst v63  }
0x8a: {  	p1 =	sne.s32 s21, $0x1840;
	_ =	swait.ge [sflag:s12], $0x200  }
0x8b: {  	[sflag:s12] =	ssyncset.done $0x0  }
0x8c: {  	[sflag:s12] =	ssyncadd.s32 $0xFFFFFE00  }
0x8d: {  	[spmem:s2] =	stream.indirect.scatter.add.f32 [tilespmem:s14], [sflag:$0x2], $0x1, s3, s13, $0xb8;
	[tilespmem:$0xF00] =	vst v63  }
0x8e: {  	_ = 	snop  }
0x8f: {  	[spmem:s2] =	stream.indirect.scatter.add.f32 [tilespmem:s14], [sflag:$0x2], $0x1, s13, s13, $0xb8;
	[tilespmem:$0xF00] =	vst v63  }
0x90: {  	_ = 	snop  }
0x91: {  	[spmem:s2] =	stream.indirect.scatter.add.f32 [tilespmem:s14], [sflag:$0x2], $0x1, s15, s13, $0xb8;
	[tilespmem:$0xF00] =	vst v63  }
0x92: {  	_ = 	snop  }
0x93: {  	[spmem:s2] =	stream.indirect.scatter.add.f32 [tilespmem:s14], [sflag:$0x2], $0x1, s16, s13, $0xb8;
	[tilespmem:$0xF00] =	vst v63  }
0x94: {  	_ =	swait.ge [sflag:s17], $0x80  }
0x95: {  	[sflag:s17] =	ssyncset.done $0x0  }
0x96: {  	[sflag:s17] =	ssyncadd.s32 $0xFFFFFF80  }
0x97: {  	_ =	swait.ge [sflag:s17], $0x80  }
0x98: {  	[sflag:s17] =	ssyncset.done $0x0  }
0x99: {  	[sflag:s17] =	ssyncadd.s32 $0xFFFFFF80  }
.Ltmp5:
0x9a: {  	_ =	swait.ge [sflag:s17], $0x80;
	(pc) =	sbr.rel @p1 .LBB2_3-.Ltmp5, $4  }
0x9b: {  	[sflag:s17] =	ssyncset.done $0x0  }
0x9c: {  	[sflag:s17] =	ssyncadd.s32 $0xFFFFFF80  }
0x9d: {  	_ =	swait.ge [sflag:s17], $0x80  }
0x9e: {  	s21 =	smov.u32 s23;
	[sflag:s17] =	ssyncset.done $0x0  }
0x9f: {  	s20 =	sadd.s32 s20, s8;
	[sflag:s17] =	ssyncadd.s32 $0xFFFFFF80  }
0xa0: {  	[tilespmem:s3], [sflag:$0x1] =	stream.linear.gather [hbm4b:s20+s3], $0x200, $0x38;
	[tilespmem:$0xF00] =	vst v63  }
0xa1: {  	_ =	swait.ge [sflag:s12], $0x200  }
0xa2: {  	[sflag:s12] =	ssyncset.done $0x0  }
0xa3: {  	[sflag:s12] =	ssyncadd.s32 $0xFFFFFE00  }
0xa4: {  	[spmem:s2] =	stream.indirect.scatter.add.f32 [tilespmem:s14], [sflag:$0x2], $0x1, s3, s13, $0xb8;
	[tilespmem:$0xF00] =	vst v63  }
0xa5: {  	_ = 	snop  }
0xa6: {  	[spmem:s2] =	stream.indirect.scatter.add.f32 [tilespmem:s14], [sflag:$0x2], $0x1, s13, s13, $0xb8;
	[tilespmem:$0xF00] =	vst v63  }
0xa7: {  	_ = 	snop  }
0xa8: {  	[spmem:s2] =	stream.indirect.scatter.add.f32 [tilespmem:s14], [sflag:$0x2], $0x1, s15, s13, $0xb8;
	[tilespmem:$0xF00] =	vst v63  }
0xa9: {  	_ = 	snop  }
0xaa: {  	[spmem:s2] =	stream.indirect.scatter.add.f32 [tilespmem:s14], [sflag:$0x2], $0x1, s16, s13, $0xb8;
	[tilespmem:$0xF00] =	vst v63  }
0xab: {  	_ =	swait.ge [sflag:s17], $0x80  }
0xac: {  	[sflag:s17] =	ssyncset.done $0x0  }
0xad: {  	[sflag:s17] =	ssyncadd.s32 $0xFFFFFF80  }
0xae: {  	_ =	swait.ge [sflag:s17], $0x80  }
0xaf: {  	[sflag:s17] =	ssyncset.done $0x0  }
0xb0: {  	[sflag:s17] =	ssyncadd.s32 $0xFFFFFF80  }
0xb1: {  	_ =	swait.ge [sflag:s17], $0x80  }
0xb2: {  	[sflag:s17] =	ssyncset.done $0x0  }
0xb3: {  	[sflag:s17] =	ssyncadd.s32 $0xFFFFFF80  }
.Ltmp6:
0xb4: {  	_ =	swait.ge [sflag:s17], $0x80;
	(pc) =	sbr.rel .LBB2_8-.Ltmp6, $4  }
0xb5: {  	[sflag:s17] =	ssyncset.done $0x0  }
0xb6: {  	[sflag:s17] =	ssyncadd.s32 $0xFFFFFF80  }
0xb7: {  	[bflag:$0x0] =	sbarrier.arrive $0xFFFF  }
0xb8: {  	s20 =	smov.u32 s5  }
.LBB2_9:
0xb9: {  	_ =	sfence.sel $0x180000  }
0xba: {  	[bflag:$0x0] =	sbarrier.arrive $0xFFFF  }
0xbb: {  	p0 =	sne.s32 s1, $0x0;
	_ =	strace $0x9000004A  }
0xbc: {  	s0 =	sadd.s32 @!p0 $0x100000, s0;
	[bflag:$0x2] =	sbarrier.arrive $0xFFFF  }
0xbd: {  	[sflag:s0] =	ssyncadd.tile.s32 @!p0 $0x1;
	_ =	shalt  }
.Lfunc_end2:
_tile_overlayer_lowered:
.L_overlay_start_2:
0xbe: {  	(tag) =	ssettag $0x2  }
0xbf: {  	s0 =	rddreg [dreg:$0x0];
	s2 =	stileid.u32  }
0xc0: {  	s1 =	rddreg [dreg:$0x1];
	p0 =	sne.s32 s2, $0x0  }
0xc1: {  	s3 =	rddreg [dreg:$0x2];
	[bflag:$0x3] =	sbarrier.arrive $0xFFFF;
	s2 =	simm.s32 @!p0 $0x1C03  }
0xc2: {  	[timem:s3], [sflag:s2] =	dma.local @!p0 [hbm:s0], s1  }
0xc3: {  	s0 =	simm.s32 @!p0 $0x3  }
0xc4: {  	_ =	swait.ge @!p0 [sflag:s0], s1  }
0xc5: {  	s1 =	ssub.s32 @!p0 $0x0, s1;
	[sflag:s0] =	ssyncset.done @!p0 $0x0  }
0xc6: {  	[sflag:s0] =	ssyncadd.s32 @!p0 s1  }
0xc7: {  	[bflag:$0x3] =	sbarrier.arrive $0xFFFF  }
0xc8: {  	_ =	shalt  }

// kernel: kernel.17.cloned.1.call-start
scs
__scs_entry_jumppad:
0x0: {  	(pc) =	sbr.rel $0x88, $3  }
0x1: {  	(tag) =	ssettag $0x0;
	lr =	simm.s32 $0x1  }
0x2: {  	[smem:$0x3F92] =	sst lr;
	_ =	strace $0xD0000000  }
0x3: {  	_ = 	snop  }
0x4: {  	_ = 	snop  }
0x5: {  	_ = 	snop  }
0x6: {  	_ = 	snop  }
0x7: {  	_ = 	snop  }
__scs_overlays_trampoline_lowered:
0x8: {  	[smem:$0x3FA1] =	sst s0  }
0x9: {  	[smem:$0x3FA2] =	sst s1  }
0xa: {  	[smem:$0x3FA3] =	sst s2  }
0xb: {  	[smem:$0x3FA4] =	sst s3  }
0xc: {  	[smem:$0x3FA5] =	sst s4  }
0xd: {  	[smem:$0x3FA6] =	sst s5  }
0xe: {  	[smem:$0x3FA7] =	sst s6  }
0xf: {  	[smem:$0x3FA8] =	sst s7  }
0x10: {  	[smem:$0x3FA9] =	sst s8  }
0x11: {  	[smem:$0x3FAA] =	sst s9;
	s0 =	simm.s32 @!p0 $0x0  }
0x12: {  	s1 =	sld [smem:$0x3F90];
	s0 =	simm.s32 @p0 $0x1  }
0x13: {  	[smem:$0x3FAB] =	sst s0;
	s0 =	simm.s32 @!p1 $0x0  }
0x14: {  	s2 =	sld [smem:$0x3F8F];
	s0 =	simm.s32 @p1 $0x1  }
0x15: {  	[smem:$0x3FAC] =	sst s0;
	s0 =	simm.s32 @!p2 $0x0  }
0x16: {  	s3 =	sld [smem:$0x3FDB];
	s0 =	simm.s32 @p2 $0x1  }
0x17: {  	s4 =	simm.s32 $0x1BF5;
	[smem:$0x3FAE] =	sst s0  }
0x18: {  	s0 =	sld [smem:$0x3F91];
	_ =	swait.ge [sflag:s4], $0x0  }
0x19: {  	s7 =	sld [smem:$0x3F92]  }
0x1a: {  	s8 =	sadd.s32 $0xFFFFE003, lr  }
0x1b: {  	s9 =	sadd.s32 $0xFFFFFEF7, lr;
	s5 =	simm.s32 $0xFFFFFFFF;
	p2 =	slt.u32 s8, $0xFFFFF086  }
0x1c: {  	p1 =	slt.u32 s9, $0xF7A;
	s5 =	simm.s32 @!p2 $0x0  }
0x1d: {  	s5 =	simm.s32 @p1 $0x1;
	p0 =	seq.s32 s7, s2  }
0x1e: {  	s7 =	smul.u32 @!p0 $0xF7A, s2;
	p2 =	seq.s32 @!p0 s5, $0x0  }
0x1f: {  	s9 =	smul.u32 $0xF7A, s1;
	s8 =	simm.s32 @!p0 $0x1BF5;
	p2 =	por !p2, p0  }
0x20: {  	[sflag:s8] =	ssyncset.s32 @!p0 $0xFFFFF086;
	s6 =	sadd.s32 @!p0 s3, s7;
	s7 =	simm.s32 @!p0 $0x108  }
0x21: {  	s3 =	sadd.s32 s3, s9;
	s6 =	sadd.s32 @!p0 $0x88, s6;
	s7 =	simm.s32 @p2 $0x1082  }
0x22: {  	[simem:s7], [sflag:s8] =	dma.local @!p0 [hbm:s6], $0xF7A  }
0x23: {  	s9 =	sor.u32 $0xD0000000, s2;
	s6 =	simm.s32 $0x108;
	_ =	swait.ge @!p0 [sflag:s8], $0x0  }
0x24: {  	s3 =	sadd.s32 $0x88, s3;
	s6 =	simm.s32 @!p1 $0x1082;
	[sflag:s4] =	ssyncset.s32 $0xFFFFF086  }
0x25: {  	[simem:s6], [sflag:s4] =	dma.local [hbm:s3], $0xF7A  }
0x26: {  	[smem:$0x3F92] =	sst s1;
	(tag) =	ssettag s2;
	_ =	strace s9  }
0x27: {  	s1 =	sld [smem:$0x3FA2]  }
0x28: {  	s2 =	sld [smem:$0x3FA3]  }
0x29: {  	s4 =	sld [smem:$0x3FA5]  }
0x2a: {  	p0 =	seq.s32 s5, $0x0;
	s5 =	sld [smem:$0x3FA6]  }
0x2b: {  	s6 =	sld [smem:$0x3FA7]  }
0x2c: {  	s7 =	sld [smem:$0x3FA8]  }
0x2d: {  	s3 =	simm.s32 $0x108;
	s8 =	sld [smem:$0x3FA9]  }
0x2e: {  	s3 =	simm.s32 @!p0 $0x1082;
	s9 =	sld [smem:$0x3FAA]  }
0x2f: {  	lr =	sadd.s32 s0, s3;
	s0 =	sld [smem:$0x3FA1]  }
0x30: {  	s3 =	sld [smem:$0x3FA4]  }
0x31: {  	[smem:$0x3FAD] =	sst s10  }
0x32: {  	s10 =	sld [smem:$0x3FAB];
	_ =	sdelay $0x3  }
0x33: {  	p0 =	seq.s32 s10, $0x1;
	s10 =	sld [smem:$0x3FAD];
	_ =	sdelay $0x3  }
0x34: {  	[smem:$0x3FAD] =	sst s10  }
0x35: {  	s10 =	sld [smem:$0x3FAC];
	_ =	sdelay $0x3  }
0x36: {  	p1 =	seq.s32 s10, $0x1;
	s10 =	sld [smem:$0x3FAD];
	_ =	sdelay $0x3  }
0x37: {  	[smem:$0x3FAD] =	sst s10  }
0x38: {  	s10 =	sld [smem:$0x3FAE]  }
0x39: {  	_ = 	snop;
	(pc) =	sbr.ind lr, $3  }
0x3a: {  	_ = 	snop  }
0x3b: {  	_ = 	snop  }
0x3c: {  	p2 =	seq.s32 s10, $0x1;
	s10 =	sld [smem:$0x3FAD]  }
0x3d: {  	_ =	shalt  }
0x3e: {  	_ =	shalt  }
0x3f: {  	_ =	shalt  }
0x40: {  	_ =	shalt  }
0x41: {  	_ =	shalt  }
0x42: {  	_ =	shalt  }
0x43: {  	_ =	shalt  }
0x44: {  	_ =	shalt  }
0x45: {  	_ =	shalt  }
0x46: {  	_ =	shalt  }
0x47: {  	_ =	shalt  }
0x48: {  	_ =	shalt  }
0x49: {  	_ =	shalt  }
0x4a: {  	_ =	shalt  }
0x4b: {  	_ =	shalt  }
0x4c: {  	_ =	shalt  }
0x4d: {  	_ =	shalt  }
0x4e: {  	_ =	shalt  }
0x4f: {  	_ =	shalt  }
0x50: {  	_ =	shalt  }
0x51: {  	_ =	shalt  }
0x52: {  	_ =	shalt  }
0x53: {  	_ =	shalt  }
0x54: {  	_ =	shalt  }
0x55: {  	_ =	shalt  }
0x56: {  	_ =	shalt  }
0x57: {  	_ =	shalt  }
0x58: {  	_ =	shalt  }
0x59: {  	_ =	shalt  }
0x5a: {  	_ =	shalt  }
0x5b: {  	_ =	shalt  }
0x5c: {  	_ =	shalt  }
0x5d: {  	_ =	shalt  }
0x5e: {  	_ =	shalt  }
0x5f: {  	_ =	shalt  }
0x60: {  	_ =	shalt  }
0x61: {  	_ =	shalt  }
0x62: {  	_ =	shalt  }
0x63: {  	_ =	shalt  }
0x64: {  	_ =	shalt  }
0x65: {  	_ =	shalt  }
0x66: {  	_ =	shalt  }
0x67: {  	_ =	shalt  }
0x68: {  	_ =	shalt  }
0x69: {  	_ =	shalt  }
0x6a: {  	_ =	shalt  }
0x6b: {  	_ =	shalt  }
0x6c: {  	_ =	shalt  }
0x6d: {  	_ =	shalt  }
0x6e: {  	_ =	shalt  }
0x6f: {  	_ =	shalt  }
0x70: {  	_ =	shalt  }
0x71: {  	_ =	shalt  }
0x72: {  	_ =	shalt  }
0x73: {  	_ =	shalt  }
0x74: {  	_ =	shalt  }
0x75: {  	_ =	shalt  }
0x76: {  	_ =	shalt  }
0x77: {  	_ =	shalt  }
0x78: {  	_ =	shalt  }
0x79: {  	_ =	shalt  }
0x7a: {  	_ =	shalt  }
0x7b: {  	_ =	shalt  }
0x7c: {  	_ =	shalt  }
0x7d: {  	_ =	shalt  }
0x7e: {  	_ =	shalt  }
0x7f: {  	_ =	shalt  }
0x80: {  	_ =	shalt  }
0x81: {  	_ =	shalt  }
0x82: {  	_ =	shalt  }
0x83: {  	_ =	shalt  }
0x84: {  	_ =	shalt  }
0x85: {  	_ =	shalt  }
0x86: {  	_ =	shalt  }
0x87: {  	_ =	shalt  }
.Lfunc_end0:
.L_simem_size_0:
called_computation.2_lowered:
.L_overlay_start_0:
0x88: {  	s2 =	sld [smem:$0x3FD9]  }
0x89: {  	s3 =	sld [smem:$0x3FFE];
	_ =	sdelay $0x1  }
0x8a: {  	s1 =	srdreg.scid  }
0x8b: {  	s0 =	sand.u32 $0x1, s1  }
0x8c: {  	s15 =	sshll.u32 s0, $0xA;
	s2 =	sadd.s32 s3, s2  }
0x8d: {  	s2 =	sadd.s32 s2, s15  }
0x8e: {  	[smem:$0x3FB9] =	sst s2  }
0x8f: {  	_ = 	snop  }
0x90: {  	s2 =	sld [smem:$0x3FD0];
	_ =	sdelay $0x2  }
0x91: {  	s4 =	simm.s32 $0xC;
	s16 =	simm.s32 $0x10  }
0x92: {  	[smem:s16], [sflag:s4] =	dma.local [hbm:s2], $0x1  }
0x93: {  	_ =	swait.eq [sflag:s4], $0x1  }
0x94: {  	[sflag:s4] =	ssyncset.done $0x0  }
0x95: {  	s17 =	sld [smem:$0x12];
	[sflag:s4] =	ssyncadd.s32 $0xFFFFFFFF  }
0x96: {  	s18 =	sld [smem:$0x13];
	(tm) =	ssettm $0x1  }
0x97: {  	s19 =	sld [smem:$0x3FFB];
	_ =	sdelay $0x3  }
0x98: {  	_ =	strace s19  }
0x99: {  	s2 =	sld [smem:$0x3FFC];
	_ =	sdelay $0x3  }
0x9a: {  	_ =	strace s2  }
0x9b: {  	s2 =	sld [smem:$0x3FFD];
	_ =	sdelay $0x3  }
0x9c: {  	_ =	strace s2  }
0x9d: {  	_ =	strace $0x8FFFFFFF  }
0x9e: {  	s20 =	sld [smem:$0x3FDB];
	_ =	sdelay $0x1  }
0x9f: {  	s5 =	simm.s32 $_scs_section_size  }
0xa0: {  	s6 =	simm.s32 $_size__tile_overlayer_lowered;
	s7 =	simm.s32 $_tile_overlayer_lowered  }
0xa1: {  	s8 =	simm.s32 $0x1BFF;
	s21 =	sshll.u32 s7, $0x1;
	s5 =	sadd.s32 s5, s20  }
0xa2: {  	s22 =	simm.s32 $0x0;
	s6 =	sshll.u32 s6, $0x1;
	s7 =	sadd.s32 s21, s5  }
0xa3: {  	[timem:s22], [sflag:s8] =	dma.local [hbm:s7], s6  }
0xa4: {  	_ =	swait.ge [sflag:s8], s6  }
0xa5: {  	s6 =	ssub.s32 $0x0, s6;
	[sflag:s8] =	ssyncset.done $0x0  }
0xa6: {  	[sflag:s8] =	ssyncadd.s32 s6;
	_ =	sdelay $0x1  }
0xa7: {  	s23 =	simm.s32 $0x1B8B  }
0xa8: {  	_ =	swait.ge [sflag:s23], $0x1  }
0xa9: {  	[sflag:s23] =	ssyncset.done $0x0  }
0xaa: {  	[sflag:s23] =	ssyncadd.s32 $0xFFFFFFFF  }
0xab: {  	s6 =	sld [smem:$0x0]  }
0xac: {  	s7 =	sand.u32 $0xFFFFFFFE, s1  }
0xad: {  	p0 =	sne.s32 s1, s7  }
0xae: {  	s7 =	sshll.u32 @p0 s7, $0xE  }
0xaf: {  	s7 =	sadd.s32 @p0 $0x11B8D, s7;
	s8 =	sshll.u32 @p0 s6, $0x11  }
0xb0: {  	s7 =	sor.u32 @p0 s8, s7  }
0xb1: {  	[sflag:s7] =	ssyncadd.remote.s32 @p0 $0x1;
	_ =	sdelay $0x1  }
0xb2: {  	s7 =	simm.s32 @p0 $0x1B8D  }
0xb3: {  	_ =	swait.eq @p0 [sflag:s7], $0x1  }
0xb4: {  	[sflag:s7] =	ssyncadd.s32 @p0 $0xFFFFFFFF  }
0xb5: {  	s8 =	sshll.u32 @!p0 s1, $0xE  }
0xb6: {  	s8 =	sor.u32 @!p0 $0x4000, s8;
	s7 =	simm.s32 @!p0 $0x1B8D  }
0xb7: {  	s6 =	sshll.u32 @!p0 s6, $0x11;
	s8 =	sadd.s32 @!p0 $0x11B8D, s8;
	_ =	swait.eq @!p0 [sflag:s7], $0x1  }
0xb8: {  	s6 =	sor.u32 @!p0 s6, s8;
	[sflag:s7] =	ssyncadd.s32 @!p0 $0xFFFFFFFF  }
0xb9: {  	s25 =	simm.s32 $0x1B8E;
	s24 =	sld [smem:$0x3FFE];
	[sflag:s6] =	ssyncadd.remote.s32 @!p0 $0x1  }
0xba: {  	s26 =	simm.s32 $execute0_lowered;
	[smem:$0x3FD2] =	sst s25  }
0xbb: {  	s7 =	sshll.u32 s26, $0x1;
	_ =	strace $0x80000052;
	[dreg:$0x1] =	wrdreg $0xFFFFFFFF  }
0xbc: {  	s28 =	simm.s32 $_size_execute0_lowered;
	s5 =	sadd.s32 s5, s7;
	[dreg:$0x0] =	wrdreg $0x0  }
0xbd: {  	s7 =	sshll.u32 s28, $0x1;
	[dreg:$0x2] =	wrdreg s5  }
0xbe: {  	[dreg:$0x3] =	wrdreg s7  }
0xbf: {  	[dreg:$0x4] =	wrdreg $0xC0  }
0xc0: {  	_ =	task [dreg:s22], $0x5FFFF  }
0xc1: {  	[dreg:$0x1] =	wrdreg $0xFFFFFFFF  }
0xc2: {  	[dreg:$0x0] =	wrdreg $0x60  }
0xc3: {  	[dreg:$0x2] =	wrdreg s18  }
0xc4: {  	[dreg:$0x3] =	wrdreg s17  }
0xc5: {  	[dreg:$0x4] =	wrdreg s24  }
0xc6: {  	[dreg:$0x5] =	wrdreg $0x44000  }
0xc7: {  	[dreg:$0x6] =	wrdreg $0x9  }
0xc8: {  	_ =	task.clear_ibuf [dreg:s22], $0x7FFFF;
	_ =	strace $0x90000052  }
0xc9: {  	s29 =	simm.s32 $0x9;
	_ =	strace $0x80000054  }
0xca: {  	_ =	swait.ge [sflag:s29], $0x1  }
0xcb: {  	[sflag:s29] =	ssyncadd.s32 $0xFFFFFFFF  }
0xcc: {  	_ =	strace $0x90000054  }
0xcd: {  	_ =	sfence  }
0xce: {  	s30 =	sld [smem:$0x0];
	_ =	sdelay $0x2  }
0xcf: {  	s31 =	sshll.u32 s1, $0xD;
	s1 =	sshrl.u32 s1, $0x2  }
0xd0: {  	s4 =	sand.u32 $0x4000, s31;
	s1 =	sadd.s32 s1, s30  }
0xd1: {  	s0 =	sor.u32 s4, s0;
	s1 =	sshll.u32 s1, $0x11  }
0xd2: {  	s0 =	sor.u32 s1, s0  }
0xd3: {  	s0 =	sadd.s32 $0x8F2B, s0  }
0xd4: {  	[sflag:s0] =	ssyncadd.remote.s32 $0x1  }
0xd5: {  	_ =	sfence.sel $0xFFFF  }
0xd6: {  	[dreg:$0x0] =	wrdreg $0xFFFFFFFF;
	(pc) =	sbr.abs _section_cstart, $3  }
0xd7: {  	[dreg:$0x1] =	wrdreg $0xFFFFFFFF  }
0xd8: {  	_ =	task.clear_ibuf [dreg:s22], $0x2FFFF;
	_ =	strace $0x9FFFFFFF  }
0xd9: {  	(tm) =	ssettm $0x7FFFFFFF  }
tec
execute0_lowered:
.L_overlay_start_1:
0x0: {  	(tag) =	ssettag $0x1  }
0x1: {  	s1 =	rddreg [dreg:$0x0]  }
0x2: {  	s3 =	rddreg [dreg:$0x1]  }
0x3: {  	s0 =	rddreg [dreg:$0x2]  }
0x4: {  	s4 =	rddreg [dreg:$0x3]  }
0x5: {  	s11 =	stileid.u32;
	s5 =	simm.s32 $0x0;
	s6 =	srdreg.scid  }
0x6: {  	s13 =	simm.s32 $0x4;
	s14 =	simm.s32 $0x200;
	s15 =	simm.s32 $0x1  }
0x7: {  	s16 =	simm.s32 $0x80;
	s17 =	simm.s32 $0x400;
	s18 =	simm.s32 $0x1400  }
0x8: {  	s19 =	simm.s32 $0x100;
	s20 =	simm.s32 $0x2400;
	s21 =	simm.s32 $0x180  }
0x9: {  	s22 =	simm.s32 $0x3400;
	s23 =	simm.s32 $0x2;
	s25 =	simm.s32 $0x280  }
0xa: {  	s28 =	simm.s32 $0x380;
	s29 =	simm.s32 $0x3;
	s2 =	smul.u32 $0x1880, s11  }
0xb: {  	s30 =	simm.s32 $0x0;
	[smem:$0x7FF] =	sst s5;
	s7 =	smul.u32 $0x19000, s11  }
0xc: {  	s6 =	sand.u32 $0x1, s6;
	s31 =	sshll.u32 s11, $0x6;
	_ =	strace $0x80000053  }
0xd: {  	s8 =	ssub.s32 $0x2, s6;
	p0 =	seq.s32 s6, $0x1;
	s2 =	sadd.s32 s2, s0  }
0xe: {  	s24 =	sshrl.u32 s7, $0x3;
	s9 =	sshrl.u32 s8, $0x1;
	s12 =	sadd.s32 s7, s4  }
.Ltmp0:
0xf: {  	s10 =	sadd.s32 s24, s0;
	s8 =	ssub.s32 s8, s9;
	(pc) =	sbr.rel .LBB2_1-.Ltmp0, $4  }
0x10: {  	s0 =	sadd.s32 $0x3B200, s0;
	s9 =	sor.u32 $0x1C04, s31;
	s11 =	sadd.s32 $0x116000, s2  }
0x11: {  	s12 =	sshrl.u32 s12, $0x3;
	s6 =	sadd.s32 $0x12E800, s10;
	s26 =	sadd.s32 $0x9200, s10  }
0x12: {  	s8 =	smax.u32 s8, $0x1;
	s0 =	sadd.s32 s24, s0;
	[dreg:$0x5] =	wrdreg s26  }
0x13: {  	s10 =	sadd.s32 $0xFD800, s2;
	[dreg:$0x6] =	wrdreg s0;
	s26 =	simm.s32 $0x300  }
.LBB2_7:
0x14: {  	s0 =	sadd.s32 s31, s11;
	[sflag:s29] =	ssyncadd.s32 $0xFFFFF000  }
0x15: {  	[tilespmem:s5], [sflag:$0x1] =	stream.linear.gather [hbm4b:s0+s5], $0x200, $0x38;
	[tilespmem:$0x1D400] =	vst v63  }
0x16: {  	s31 =	sadd.s32 s31, s10  }
0x17: {  	[tilespmem:s14], [sflag:$0x1] =	stream.linear.gather [hbm4b:s31+s5], $0x200, $0x38;
	[tilespmem:$0x1D400] =	vst v63  }
0x18: {  	_ =	swait.ge [sflag:s15], $0x200  }
0x19: {  	[sflag:s15] =	ssyncset.done $0x0  }
0x1a: {  	[sflag:s15] =	ssyncadd.s32 $0xFFFFFE00  }
0x1b: {  	_ =	swait.ge [sflag:s15], $0x200  }
0x1c: {  	[sflag:s15] =	ssyncset.done $0x0  }
0x1d: {  	[sflag:s15] =	ssyncadd.s32 $0xFFFFFE00  }
0x1e: {  	[tilespmem:s17], [sflag:$0x2] =	stream.indirect.gather [hbm4b:s3+s16], $0x20, s5, s16, $0xb8;
	[tilespmem:$0x1D400] =	vst v63  }
0x1f: {  	_ = 	snop  }
0x20: {  	[tilespmem:s18], [sflag:$0x2] =	stream.indirect.gather [hbm4b:s3+s16], $0x20, s16, s16, $0xb8;
	[tilespmem:$0x1D400] =	vst v63  }
0x21: {  	_ = 	snop  }
0x22: {  	[tilespmem:s20], [sflag:$0x2] =	stream.indirect.gather [hbm4b:s3+s16], $0x20, s19, s16, $0xb8;
	[tilespmem:$0x1D400] =	vst v63  }
0x23: {  	_ = 	snop  }
0x24: {  	[tilespmem:s22], [sflag:$0x2] =	stream.indirect.gather [hbm4b:s3+s16], $0x20, s21, s16, $0xb8;
	[tilespmem:$0x1D400] =	vst v63  }
0x25: {  	_ =	swait.ge [sflag:s23], $0x1000  }
0x26: {  	[sflag:s23] =	ssyncset.done $0x0  }
0x27: {  	[sflag:s23] =	ssyncadd.s32 $0xFFFFF000  }
0x28: {  	_ =	swait.ge [sflag:s23], $0x1000  }
0x29: {  	[sflag:s23] =	ssyncset.done $0x0  }
0x2a: {  	[sflag:s23] =	ssyncadd.s32 $0xFFFFF000  }
0x2b: {  	_ =	swait.ge [sflag:s23], $0x1000  }
0x2c: {  	[sflag:s23] =	ssyncset.done $0x0  }
0x2d: {  	[sflag:s23] =	ssyncadd.s32 $0xFFFFF000  }
0x2e: {  	_ =	swait.ge [sflag:s23], $0x1000  }
0x2f: {  	[sflag:s23] =	ssyncset.done $0x0  }
0x30: {  	[sflag:s23] =	ssyncadd.s32 $0xFFFFF000  }
0x31: {  	[spmem:s4] =	stream.indirect.scatter.add.f32 [tilespmem:s17], [sflag:$0x3], $0x20, s14, s16, $0xb8;
	[tilespmem:$0x1D400] =	vst v63  }
0x32: {  	_ = 	snop  }
0x33: {  	[spmem:s4] =	stream.indirect.scatter.add.f32 [tilespmem:s18], [sflag:$0x3], $0x20, s25, s16, $0xb8;
	[tilespmem:$0x1D400] =	vst v63  }
0x34: {  	_ = 	snop  }
0x35: {  	[spmem:s4] =	stream.indirect.scatter.add.f32 [tilespmem:s20], [sflag:$0x3], $0x20, s26, s16, $0xb8;
	[tilespmem:$0x1D400] =	vst v63  }
0x36: {  	_ = 	snop  }
0x37: {  	[spmem:s4] =	stream.indirect.scatter.add.f32 [tilespmem:s22], [sflag:$0x3], $0x20, s28, s16, $0xb8;
	[tilespmem:$0x1D400] =	vst v63  }
0x38: {  	_ =	swait.ge [sflag:s29], $0x1000  }
0x39: {  	[sflag:s29] =	ssyncset.done $0x0  }
0x3a: {  	[sflag:s29] =	ssyncadd.s32 $0xFFFFF000  }
0x3b: {  	_ =	swait.ge [sflag:s29], $0x1000  }
0x3c: {  	[sflag:s29] =	ssyncset.done $0x0  }
0x3d: {  	[sflag:s29] =	ssyncadd.s32 $0xFFFFF000  }
0x3e: {  	_ =	swait.ge [sflag:s29], $0x1000  }
0x3f: {  	[sflag:s29] =	ssyncset.done $0x0  }
0x40: {  	[sflag:s29] =	ssyncadd.s32 $0xFFFFF000  }
0x41: {  	_ =	swait.ge [sflag:s29], $0x1000  }
0x42: {  	[sflag:s29] =	ssyncset.done $0x0  }
0x43: {  	[sflag:s29] =	ssyncadd.s32 $0xFFFFF000  }
0x44: {  	[bflag:$0x0] =	sbarrier.arrive $0xFFFF  }
0x45: {  	s0 =	rddreg [dreg:$0x6]  }
.LBB2_8:
0x46: {  	s30 =	sadd.s32 $0x1, s30  }
0x47: {  	p1 =	sne.s32 s30, s8  }
.Ltmp1:
0x48: {  	_ = 	snop;
	(pc) =	sbr.rel @!p1 .LBB2_9-.Ltmp1, $4  }
0x49: {  	[hbm:s0], [sflag:s9] =	dma.local [spmem:s12], $0x3200  }
0x4a: {  	_ =	swait.ge [sflag:s13], $0x3200  }
0x4b: {  	[sflag:s13] =	ssyncset.done $0x0  }
0x4c: {  	[sflag:s13] =	ssyncadd.s32 $0xFFFFCE00  }
.LBB2_1:
0x4d: {  	[spmem:s12], [sflag:s9] =	dma.local [hbm:s6], $0x3200  }
.Ltmp2:
0x4e: {  	_ =	swait.ge [sflag:s13], $0x3200;
	(pc) =	sbr.rel @!p0 .LBB2_2-.Ltmp2, $4  }
0x4f: {  	[sflag:s13] =	ssyncset.done $0x0  }
0x50: {  	[sflag:s13] =	ssyncadd.s32 $0xFFFFCE00  }
0x51: {  	[bflag:$0x0] =	sbarrier.arrive $0xFFFF  }
0x52: {  	s0 =	sadd.s32 $0x0, s11  }
0x53: {  	[tilespmem:s5], [sflag:$0x1] =	stream.linear.gather [hbm4b:s0+s5], $0x200, $0x38;
	[tilespmem:$0x1D400] =	vst v63  }
0x54: {  	s24 =	sadd.s32 $0x0, s10  }
0x55: {  	[tilespmem:s14], [sflag:$0x1] =	stream.linear.gather [hbm4b:s24+s5], $0x200, $0x38;
	[tilespmem:$0x1D400] =	vst v63  }
0x56: {  	_ =	swait.ge [sflag:s15], $0x200  }
0x57: {  	[sflag:s15] =	ssyncset.done $0x0  }
0x58: {  	[sflag:s15] =	ssyncadd.s32 $0xFFFFFE00  }
0x59: {  	_ =	swait.ge [sflag:s15], $0x200  }
0x5a: {  	[sflag:s15] =	ssyncset.done $0x0  }
0x5b: {  	[sflag:s15] =	ssyncadd.s32 $0xFFFFFE00  }
0x5c: {  	[tilespmem:s17], [sflag:$0x2] =	stream.indirect.gather [hbm4b:s3+s16], $0x20, s5, s16, $0xb8;
	[tilespmem:$0x1D400] =	vst v63  }
0x5d: {  	_ = 	snop  }
0x5e: {  	[tilespmem:s18], [sflag:$0x2] =	stream.indirect.gather [hbm4b:s3+s16], $0x20, s16, s16, $0xb8;
	[tilespmem:$0x1D400] =	vst v63  }
0x5f: {  	_ = 	snop  }
0x60: {  	[tilespmem:s20], [sflag:$0x2] =	stream.indirect.gather [hbm4b:s3+s16], $0x20, s19, s16, $0xb8;
	[tilespmem:$0x1D400] =	vst v63  }
0x61: {  	_ = 	snop  }
0x62: {  	[tilespmem:s22], [sflag:$0x2] =	stream.indirect.gather [hbm4b:s3+s16], $0x20, s21, s16, $0xb8;
	[tilespmem:$0x1D400] =	vst v63  }
0x63: {  	_ =	swait.ge [sflag:s23], $0x1000  }
0x64: {  	[sflag:s23] =	ssyncset.done $0x0  }
0x65: {  	[sflag:s23] =	ssyncadd.s32 $0xFFFFF000  }
0x66: {  	_ =	swait.ge [sflag:s23], $0x1000  }
0x67: {  	[sflag:s23] =	ssyncset.done $0x0  }
0x68: {  	[sflag:s23] =	ssyncadd.s32 $0xFFFFF000  }
0x69: {  	_ =	swait.ge [sflag:s23], $0x1000  }
0x6a: {  	[sflag:s23] =	ssyncset.done $0x0  }
0x6b: {  	[sflag:s23] =	ssyncadd.s32 $0xFFFFF000  }
0x6c: {  	_ =	swait.ge [sflag:s23], $0x1000  }
0x6d: {  	[sflag:s23] =	ssyncset.done $0x0  }
0x6e: {  	[sflag:s23] =	ssyncadd.s32 $0xFFFFF000  }
0x6f: {  	[spmem:s4] =	stream.indirect.scatter.add.f32 [tilespmem:s17], [sflag:$0x3], $0x20, s14, s16, $0xb8;
	[tilespmem:$0x1D400] =	vst v63  }
0x70: {  	_ = 	snop  }
0x71: {  	[spmem:s4] =	stream.indirect.scatter.add.f32 [tilespmem:s18], [sflag:$0x3], $0x20, s25, s16, $0xb8;
	[tilespmem:$0x1D400] =	vst v63  }
0x72: {  	_ = 	snop  }
0x73: {  	[spmem:s4] =	stream.indirect.scatter.add.f32 [tilespmem:s20], [sflag:$0x3], $0x20, s26, s16, $0xb8;
	[tilespmem:$0x1D400] =	vst v63  }
0x74: {  	_ = 	snop  }
0x75: {  	[spmem:s4] =	stream.indirect.scatter.add.f32 [tilespmem:s22], [sflag:$0x3], $0x20, s28, s16, $0xb8;
	[tilespmem:$0x1D400] =	vst v63  }
0x76: {  	_ =	swait.ge [sflag:s29], $0x1000  }
0x77: {  	[sflag:s29] =	ssyncset.done $0x0  }
0x78: {  	[sflag:s29] =	ssyncadd.s32 $0xFFFFF000  }
0x79: {  	_ =	swait.ge [sflag:s29], $0x1000  }
0x7a: {  	[sflag:s29] =	ssyncset.done $0x0  }
0x7b: {  	[sflag:s29] =	ssyncadd.s32 $0xFFFFF000  }
0x7c: {  	_ =	swait.ge [sflag:s29], $0x1000  }
0x7d: {  	[sflag:s29] =	ssyncset.done $0x0  }
0x7e: {  	[sflag:s29] =	ssyncadd.s32 $0xFFFFF000  }
0x7f: {  	_ =	swait.ge [sflag:s29], $0x1000  }
0x80: {  	s31 =	simm.s32 $0x40;
	s2 =	simm.s32 $0x80;
	[sflag:s29] =	ssyncset.done $0x0  }
.LBB2_6:
0x81: {  	s7 =	sadd.s32 s31, s11  }
0x82: {  	[sflag:s29] =	ssyncadd.s32 $0xFFFFF000;
	s24 =	smov.u32 s2;
	s0 =	sadd.s32 $0x40, s2  }
0x83: {  	[tilespmem:s5], [sflag:$0x1] =	stream.linear.gather [hbm4b:s7+s5], $0x200, $0x38;
	[tilespmem:$0x1D400] =	vst v63  }
0x84: {  	p1 =	sne.s32 s2, $0x1840;
	s2 =	sadd.s32 s31, s10;
	s31 =	smov.u32 s24  }
0x85: {  	[tilespmem:s14], [sflag:$0x1] =	stream.linear.gather [hbm4b:s2+s5], $0x200, $0x38;
	[tilespmem:$0x1D400] =	vst v63  }
0x86: {  	_ =	swait.ge [sflag:s15], $0x200  }
0x87: {  	[sflag:s15] =	ssyncset.done $0x0  }
0x88: {  	[sflag:s15] =	ssyncadd.s32 $0xFFFFFE00  }
0x89: {  	_ =	swait.ge [sflag:s15], $0x200  }
0x8a: {  	[sflag:s15] =	ssyncset.done $0x0  }
0x8b: {  	[sflag:s15] =	ssyncadd.s32 $0xFFFFFE00  }
0x8c: {  	[tilespmem:s17], [sflag:$0x2] =	stream.indirect.gather [hbm4b:s3+s16], $0x20, s5, s16, $0xb8;
	[tilespmem:$0x1D400] =	vst v63  }
0x8d: {  	_ = 	snop  }
0x8e: {  	[tilespmem:s18], [sflag:$0x2] =	stream.indirect.gather [hbm4b:s3+s16], $0x20, s16, s16, $0xb8;
	[tilespmem:$0x1D400] =	vst v63  }
0x8f: {  	_ = 	snop  }
0x90: {  	[tilespmem:s20], [sflag:$0x2] =	stream.indirect.gather [hbm4b:s3+s16], $0x20, s19, s16, $0xb8;
	[tilespmem:$0x1D400] =	vst v63  }
0x91: {  	_ = 	snop  }
0x92: {  	[tilespmem:s22], [sflag:$0x2] =	stream.indirect.gather [hbm4b:s3+s16], $0x20, s21, s16, $0xb8;
	[tilespmem:$0x1D400] =	vst v63  }
0x93: {  	_ =	swait.ge [sflag:s23], $0x1000  }
0x94: {  	[sflag:s23] =	ssyncset.done $0x0  }
0x95: {  	[sflag:s23] =	ssyncadd.s32 $0xFFFFF000  }
0x96: {  	_ =	swait.ge [sflag:s23], $0x1000  }
0x97: {  	[sflag:s23] =	ssyncset.done $0x0  }
0x98: {  	[sflag:s23] =	ssyncadd.s32 $0xFFFFF000  }
0x99: {  	_ =	swait.ge [sflag:s23], $0x1000  }
0x9a: {  	[sflag:s23] =	ssyncset.done $0x0  }
0x9b: {  	[sflag:s23] =	ssyncadd.s32 $0xFFFFF000  }
0x9c: {  	_ =	swait.ge [sflag:s23], $0x1000  }
0x9d: {  	[sflag:s23] =	ssyncset.done $0x0  }
0x9e: {  	[sflag:s23] =	ssyncadd.s32 $0xFFFFF000  }
0x9f: {  	[spmem:s4] =	stream.indirect.scatter.add.f32 [tilespmem:s17], [sflag:$0x3], $0x20, s14, s16, $0xb8;
	[tilespmem:$0x1D400] =	vst v63  }
0xa0: {  	_ = 	snop  }
0xa1: {  	[spmem:s4] =	stream.indirect.scatter.add.f32 [tilespmem:s18], [sflag:$0x3], $0x20, s25, s16, $0xb8;
	[tilespmem:$0x1D400] =	vst v63  }
0xa2: {  	_ = 	snop  }
0xa3: {  	[spmem:s4] =	stream.indirect.scatter.add.f32 [tilespmem:s20], [sflag:$0x3], $0x20, s26, s16, $0xb8;
	[tilespmem:$0x1D400] =	vst v63  }
0xa4: {  	_ = 	snop  }
0xa5: {  	[spmem:s4] =	stream.indirect.scatter.add.f32 [tilespmem:s22], [sflag:$0x3], $0x20, s28, s16, $0xb8;
	[tilespmem:$0x1D400] =	vst v63  }
0xa6: {  	_ =	swait.ge [sflag:s29], $0x1000  }
0xa7: {  	[sflag:s29] =	ssyncset.done $0x0  }
0xa8: {  	[sflag:s29] =	ssyncadd.s32 $0xFFFFF000  }
0xa9: {  	_ =	swait.ge [sflag:s29], $0x1000  }
0xaa: {  	[sflag:s29] =	ssyncset.done $0x0  }
0xab: {  	[sflag:s29] =	ssyncadd.s32 $0xFFFFF000  }
.Ltmp3:
0xac: {  	_ =	swait.ge [sflag:s29], $0x1000;
	(pc) =	sbr.rel @p1 .LBB2_6-.Ltmp3, $4  }
0xad: {  	[sflag:s29] =	ssyncset.done $0x0  }
0xae: {  	[sflag:s29] =	ssyncadd.s32 $0xFFFFF000  }
0xaf: {  	_ =	swait.ge [sflag:s29], $0x1000  }
0xb0: {  	s2 =	smov.u32 s0;
	[sflag:s29] =	ssyncset.done $0x0  }
.Ltmp4:
0xb1: {  	_ = 	snop;
	(pc) =	sbr.rel .LBB2_7-.Ltmp4, $1  }
0xb2: {  	_ =	sdelay $0x3  }
.LBB2_2:
0xb3: {  	[tilespmem:s5], [sflag:$0x1] =	stream.linear.gather [hbm4b:s0+s5], $0x200, $0x38;
	[tilespmem:$0x1D400] =	vst v63  }
0xb4: {  	s24 =	sadd.s32 $0x0, s10  }
0xb5: {  	[tilespmem:s14], [sflag:$0x1] =	stream.linear.gather [hbm4b:s24+s5], $0x200, $0x38;
	[tilespmem:$0x1D400] =	vst v63  }
0xb6: {  	_ =	swait.ge [sflag:s15], $0x200  }
0xb7: {  	[sflag:s15] =	ssyncset.done $0x0  }
0xb8: {  	[sflag:s15] =	ssyncadd.s32 $0xFFFFFE00  }
0xb9: {  	_ =	swait.ge [sflag:s15], $0x200  }
0xba: {  	[sflag:s15] =	ssyncset.done $0x0  }
0xbb: {  	[sflag:s15] =	ssyncadd.s32 $0xFFFFFE00  }
0xbc: {  	[tilespmem:s17], [sflag:$0x2] =	stream.indirect.gather [hbm4b:s1+s16], $0x20, s5, s16, $0xb8;
	[tilespmem:$0x1D400] =	vst v63  }
0xbd: {  	_ = 	snop  }
0xbe: {  	[tilespmem:s18], [sflag:$0x2] =	stream.indirect.gather [hbm4b:s1+s16], $0x20, s16, s16, $0xb8;
	[tilespmem:$0x1D400] =	vst v63  }
0xbf: {  	_ = 	snop  }
0xc0: {  	[tilespmem:s20], [sflag:$0x2] =	stream.indirect.gather [hbm4b:s1+s16], $0x20, s19, s16, $0xb8;
	[tilespmem:$0x1D400] =	vst v63  }
0xc1: {  	_ = 	snop  }
0xc2: {  	[tilespmem:s22], [sflag:$0x2] =	stream.indirect.gather [hbm4b:s1+s16], $0x20, s21, s16, $0xb8;
	[tilespmem:$0x1D400] =	vst v63  }
0xc3: {  	_ =	swait.ge [sflag:s23], $0x1000  }
0xc4: {  	[sflag:s23] =	ssyncset.done $0x0  }
0xc5: {  	[sflag:s23] =	ssyncadd.s32 $0xFFFFF000  }
0xc6: {  	_ =	swait.ge [sflag:s23], $0x1000  }
0xc7: {  	[sflag:s23] =	ssyncset.done $0x0  }
0xc8: {  	[sflag:s23] =	ssyncadd.s32 $0xFFFFF000  }
0xc9: {  	_ =	swait.ge [sflag:s23], $0x1000  }
0xca: {  	[sflag:s23] =	ssyncset.done $0x0  }
0xcb: {  	[sflag:s23] =	ssyncadd.s32 $0xFFFFF000  }
0xcc: {  	_ =	swait.ge [sflag:s23], $0x1000  }
0xcd: {  	[sflag:s23] =	ssyncset.done $0x0  }
0xce: {  	[sflag:s23] =	ssyncadd.s32 $0xFFFFF000  }
0xcf: {  	[spmem:s4] =	stream.indirect.scatter.add.f32 [tilespmem:s17], [sflag:$0x3], $0x20, s14, s16, $0xb8;
	[tilespmem:$0x1D400] =	vst v63  }
0xd0: {  	_ = 	snop  }
0xd1: {  	[spmem:s4] =	stream.indirect.scatter.add.f32 [tilespmem:s18], [sflag:$0x3], $0x20, s25, s16, $0xb8;
	[tilespmem:$0x1D400] =	vst v63  }
0xd2: {  	_ = 	snop  }
0xd3: {  	[spmem:s4] =	stream.indirect.scatter.add.f32 [tilespmem:s20], [sflag:$0x3], $0x20, s26, s16, $0xb8;
	[tilespmem:$0x1D400] =	vst v63  }
0xd4: {  	_ = 	snop  }
0xd5: {  	[spmem:s4] =	stream.indirect.scatter.add.f32 [tilespmem:s22], [sflag:$0x3], $0x20, s28, s16, $0xb8;
	[tilespmem:$0x1D400] =	vst v63  }
0xd6: {  	_ =	swait.ge [sflag:s29], $0x1000  }
0xd7: {  	[sflag:s29] =	ssyncset.done $0x0  }
0xd8: {  	[sflag:s29] =	ssyncadd.s32 $0xFFFFF000  }
0xd9: {  	_ =	swait.ge [sflag:s29], $0x1000  }
0xda: {  	[sflag:s29] =	ssyncset.done $0x0  }
0xdb: {  	[sflag:s29] =	ssyncadd.s32 $0xFFFFF000  }
0xdc: {  	_ =	swait.ge [sflag:s29], $0x1000  }
0xdd: {  	[sflag:s29] =	ssyncset.done $0x0  }
0xde: {  	[sflag:s29] =	ssyncadd.s32 $0xFFFFF000  }
0xdf: {  	_ =	swait.ge [sflag:s29], $0x1000  }
0xe0: {  	s31 =	simm.s32 $0x40;
	s0 =	simm.s32 $0x80;
	[sflag:s29] =	ssyncset.done $0x0  }
.LBB2_3:
0xe1: {  	s7 =	sadd.s32 s31, s11  }
0xe2: {  	[sflag:s29] =	ssyncadd.s32 $0xFFFFF000;
	s24 =	smov.u32 s0;
	s2 =	sadd.s32 $0x40, s0  }
0xe3: {  	[tilespmem:s5], [sflag:$0x1] =	stream.linear.gather [hbm4b:s7+s5], $0x200, $0x38;
	[tilespmem:$0x1D400] =	vst v63  }
0xe4: {  	p1 =	sne.s32 s0, $0x1840;
	s0 =	sadd.s32 s31, s10;
	s31 =	smov.u32 s24  }
0xe5: {  	[tilespmem:s14], [sflag:$0x1] =	stream.linear.gather [hbm4b:s0+s5], $0x200, $0x38;
	[tilespmem:$0x1D400] =	vst v63  }
0xe6: {  	_ =	swait.ge [sflag:s15], $0x200  }
0xe7: {  	[sflag:s15] =	ssyncset.done $0x0  }
0xe8: {  	[sflag:s15] =	ssyncadd.s32 $0xFFFFFE00  }
0xe9: {  	_ =	swait.ge [sflag:s15], $0x200  }
0xea: {  	[sflag:s15] =	ssyncset.done $0x0  }
0xeb: {  	[sflag:s15] =	ssyncadd.s32 $0xFFFFFE00  }
0xec: {  	[tilespmem:s17], [sflag:$0x2] =	stream.indirect.gather [hbm4b:s1+s16], $0x20, s5, s16, $0xb8;
	[tilespmem:$0x1D400] =	vst v63  }
0xed: {  	_ = 	snop  }
0xee: {  	[tilespmem:s18], [sflag:$0x2] =	stream.indirect.gather [hbm4b:s1+s16], $0x20, s16, s16, $0xb8;
	[tilespmem:$0x1D400] =	vst v63  }
0xef: {  	_ = 	snop  }
0xf0: {  	[tilespmem:s20], [sflag:$0x2] =	stream.indirect.gather [hbm4b:s1+s16], $0x20, s19, s16, $0xb8;
	[tilespmem:$0x1D400] =	vst v63  }
0xf1: {  	_ = 	snop  }
0xf2: {  	[tilespmem:s22], [sflag:$0x2] =	stream.indirect.gather [hbm4b:s1+s16], $0x20, s21, s16, $0xb8;
	[tilespmem:$0x1D400] =	vst v63  }
0xf3: {  	_ =	swait.ge [sflag:s23], $0x1000  }
0xf4: {  	[sflag:s23] =	ssyncset.done $0x0  }
0xf5: {  	[sflag:s23] =	ssyncadd.s32 $0xFFFFF000  }
0xf6: {  	_ =	swait.ge [sflag:s23], $0x1000  }
0xf7: {  	[sflag:s23] =	ssyncset.done $0x0  }
0xf8: {  	[sflag:s23] =	ssyncadd.s32 $0xFFFFF000  }
0xf9: {  	_ =	swait.ge [sflag:s23], $0x1000  }
0xfa: {  	[sflag:s23] =	ssyncset.done $0x0  }
0xfb: {  	[sflag:s23] =	ssyncadd.s32 $0xFFFFF000  }
0xfc: {  	_ =	swait.ge [sflag:s23], $0x1000  }
0xfd: {  	[sflag:s23] =	ssyncset.done $0x0  }
0xfe: {  	[sflag:s23] =	ssyncadd.s32 $0xFFFFF000  }
0xff: {  	[spmem:s4] =	stream.indirect.scatter.add.f32 [tilespmem:s17], [sflag:$0x3], $0x20, s14, s16, $0xb8;
	[tilespmem:$0x1D400] =	vst v63  }
0x100: {  	_ = 	snop  }
0x101: {  	[spmem:s4] =	stream.indirect.scatter.add.f32 [tilespmem:s18], [sflag:$0x3], $0x20, s25, s16, $0xb8;
	[tilespmem:$0x1D400] =	vst v63  }
0x102: {  	_ = 	snop  }
0x103: {  	[spmem:s4] =	stream.indirect.scatter.add.f32 [tilespmem:s20], [sflag:$0x3], $0x20, s26, s16, $0xb8;
	[tilespmem:$0x1D400] =	vst v63  }
0x104: {  	_ = 	snop  }
0x105: {  	[spmem:s4] =	stream.indirect.scatter.add.f32 [tilespmem:s22], [sflag:$0x3], $0x20, s28, s16, $0xb8;
	[tilespmem:$0x1D400] =	vst v63  }
0x106: {  	_ =	swait.ge [sflag:s29], $0x1000  }
0x107: {  	[sflag:s29] =	ssyncset.done $0x0  }
0x108: {  	[sflag:s29] =	ssyncadd.s32 $0xFFFFF000  }
0x109: {  	_ =	swait.ge [sflag:s29], $0x1000  }
0x10a: {  	[sflag:s29] =	ssyncset.done $0x0  }
0x10b: {  	[sflag:s29] =	ssyncadd.s32 $0xFFFFF000  }
.Ltmp5:
0x10c: {  	_ =	swait.ge [sflag:s29], $0x1000;
	(pc) =	sbr.rel @p1 .LBB2_3-.Ltmp5, $4  }
0x10d: {  	[sflag:s29] =	ssyncset.done $0x0  }
0x10e: {  	[sflag:s29] =	ssyncadd.s32 $0xFFFFF000  }
0x10f: {  	_ =	swait.ge [sflag:s29], $0x1000  }
0x110: {  	s0 =	smov.u32 s2;
	[sflag:s29] =	ssyncset.done $0x0  }
0x111: {  	s0 =	sadd.s32 s31, s11;
	[sflag:s29] =	ssyncadd.s32 $0xFFFFF000  }
0x112: {  	[tilespmem:s5], [sflag:$0x1] =	stream.linear.gather [hbm4b:s0+s5], $0x200, $0x38;
	[tilespmem:$0x1D400] =	vst v63  }
0x113: {  	s31 =	sadd.s32 s31, s10  }
0x114: {  	[tilespmem:s14], [sflag:$0x1] =	stream.linear.gather [hbm4b:s31+s5], $0x200, $0x38;
	[tilespmem:$0x1D400] =	vst v63  }
0x115: {  	_ =	swait.ge [sflag:s15], $0x200  }
0x116: {  	[sflag:s15] =	ssyncset.done $0x0  }
0x117: {  	[sflag:s15] =	ssyncadd.s32 $0xFFFFFE00  }
0x118: {  	_ =	swait.ge [sflag:s15], $0x200  }
0x119: {  	[sflag:s15] =	ssyncset.done $0x0  }
0x11a: {  	[sflag:s15] =	ssyncadd.s32 $0xFFFFFE00  }
0x11b: {  	[tilespmem:s17], [sflag:$0x2] =	stream.indirect.gather [hbm4b:s1+s16], $0x20, s5, s16, $0xb8;
	[tilespmem:$0x1D400] =	vst v63  }
0x11c: {  	_ = 	snop  }
0x11d: {  	[tilespmem:s18], [sflag:$0x2] =	stream.indirect.gather [hbm4b:s1+s16], $0x20, s16, s16, $0xb8;
	[tilespmem:$0x1D400] =	vst v63  }
0x11e: {  	_ = 	snop  }
0x11f: {  	[tilespmem:s20], [sflag:$0x2] =	stream.indirect.gather [hbm4b:s1+s16], $0x20, s19, s16, $0xb8;
	[tilespmem:$0x1D400] =	vst v63  }
0x120: {  	_ = 	snop  }
0x121: {  	[tilespmem:s22], [sflag:$0x2] =	stream.indirect.gather [hbm4b:s1+s16], $0x20, s21, s16, $0xb8;
	[tilespmem:$0x1D400] =	vst v63  }
0x122: {  	_ =	swait.ge [sflag:s23], $0x1000  }
0x123: {  	[sflag:s23] =	ssyncset.done $0x0  }
0x124: {  	[sflag:s23] =	ssyncadd.s32 $0xFFFFF000  }
0x125: {  	_ =	swait.ge [sflag:s23], $0x1000  }
0x126: {  	[sflag:s23] =	ssyncset.done $0x0  }
0x127: {  	[sflag:s23] =	ssyncadd.s32 $0xFFFFF000  }
0x128: {  	_ =	swait.ge [sflag:s23], $0x1000  }
0x129: {  	[sflag:s23] =	ssyncset.done $0x0  }
0x12a: {  	[sflag:s23] =	ssyncadd.s32 $0xFFFFF000  }
0x12b: {  	_ =	swait.ge [sflag:s23], $0x1000  }
0x12c: {  	[sflag:s23] =	ssyncset.done $0x0  }
0x12d: {  	[sflag:s23] =	ssyncadd.s32 $0xFFFFF000  }
0x12e: {  	[spmem:s4] =	stream.indirect.scatter.add.f32 [tilespmem:s17], [sflag:$0x3], $0x20, s14, s16, $0xb8;
	[tilespmem:$0x1D400] =	vst v63  }
0x12f: {  	_ = 	snop  }
0x130: {  	[spmem:s4] =	stream.indirect.scatter.add.f32 [tilespmem:s18], [sflag:$0x3], $0x20, s25, s16, $0xb8;
	[tilespmem:$0x1D400] =	vst v63  }
0x131: {  	_ = 	snop  }
0x132: {  	[spmem:s4] =	stream.indirect.scatter.add.f32 [tilespmem:s20], [sflag:$0x3], $0x20, s26, s16, $0xb8;
	[tilespmem:$0x1D400] =	vst v63  }
0x133: {  	_ = 	snop  }
0x134: {  	[spmem:s4] =	stream.indirect.scatter.add.f32 [tilespmem:s22], [sflag:$0x3], $0x20, s28, s16, $0xb8;
	[tilespmem:$0x1D400] =	vst v63  }
0x135: {  	_ =	swait.ge [sflag:s29], $0x1000  }
0x136: {  	[sflag:s29] =	ssyncset.done $0x0  }
0x137: {  	[sflag:s29] =	ssyncadd.s32 $0xFFFFF000  }
0x138: {  	_ =	swait.ge [sflag:s29], $0x1000  }
0x139: {  	[sflag:s29] =	ssyncset.done $0x0  }
0x13a: {  	[sflag:s29] =	ssyncadd.s32 $0xFFFFF000  }
0x13b: {  	_ =	swait.ge [sflag:s29], $0x1000  }
0x13c: {  	[sflag:s29] =	ssyncset.done $0x0  }
0x13d: {  	[sflag:s29] =	ssyncadd.s32 $0xFFFFF000  }
.Ltmp6:
0x13e: {  	_ =	swait.ge [sflag:s29], $0x1000;
	(pc) =	sbr.rel .LBB2_8-.Ltmp6, $4  }
0x13f: {  	[sflag:s29] =	ssyncset.done $0x0  }
0x140: {  	[sflag:s29] =	ssyncadd.s32 $0xFFFFF000  }
0x141: {  	[bflag:$0x0] =	sbarrier.arrive $0xFFFF  }
0x142: {  	s0 =	rddreg [dreg:$0x5]  }
.LBB2_9:
0x143: {  	_ =	sfence.sel $0x180000  }
0x144: {  	[bflag:$0x0] =	sbarrier.arrive $0xFFFF  }
0x145: {  	_ =	strace $0x90000053  }
0x146: {  	s0 =	stileid.u32;
	[bflag:$0x2] =	sbarrier.arrive $0xFFFF  }
0x147: {  	p0 =	sne.s32 s0, $0x0;
	s0 =	rddreg [dreg:$0x4]  }
0x148: {  	s0 =	sadd.s32 @!p0 $0x100000, s0  }
0x149: {  	[sflag:s0] =	ssyncadd.tile.s32 @!p0 $0x1;
	_ =	shalt  }
.Lfunc_end2:
_tile_overlayer_lowered:
.L_overlay_start_2:
0x14a: {  	(tag) =	ssettag $0x2  }
0x14b: {  	s0 =	rddreg [dreg:$0x0];
	s2 =	stileid.u32  }
0x14c: {  	s1 =	rddreg [dreg:$0x1];
	p0 =	sne.s32 s2, $0x0  }
0x14d: {  	s3 =	rddreg [dreg:$0x2];
	[bflag:$0x3] =	sbarrier.arrive $0xFFFF;
	s2 =	simm.s32 @!p0 $0x1C04  }
0x14e: {  	[timem:s3], [sflag:s2] =	dma.local @!p0 [hbm:s0], s1  }
0x14f: {  	s0 =	simm.s32 @!p0 $0x4  }
0x150: {  	_ =	swait.ge @!p0 [sflag:s0], s1  }
0x151: {  	s1 =	ssub.s32 @!p0 $0x0, s1;
	[sflag:s0] =	ssyncset.done @!p0 $0x0  }
0x152: {  	[sflag:s0] =	ssyncadd.s32 @!p0 s1  }
0x153: {  	[bflag:$0x3] =	sbarrier.arrive $0xFFFF  }
0x154: {  	_ =	shalt  }

// kernel: kernel.20.cloned.1.call-start
scs
__scs_entry_jumppad:
0x0: {  	(pc) =	sbr.rel $0x88, $3  }
0x1: {  	(tag) =	ssettag $0x0;
	lr =	simm.s32 $0x1  }
0x2: {  	[smem:$0x3F92] =	sst lr;
	_ =	strace $0xD0000000  }
0x3: {  	_ = 	snop  }
0x4: {  	_ = 	snop  }
0x5: {  	_ = 	snop  }
0x6: {  	_ = 	snop  }
0x7: {  	_ = 	snop  }
__scs_overlays_trampoline_lowered:
0x8: {  	[smem:$0x3FA1] =	sst s0  }
0x9: {  	[smem:$0x3FA2] =	sst s1  }
0xa: {  	[smem:$0x3FA3] =	sst s2  }
0xb: {  	[smem:$0x3FA4] =	sst s3  }
0xc: {  	[smem:$0x3FA5] =	sst s4  }
0xd: {  	[smem:$0x3FA6] =	sst s5  }
0xe: {  	[smem:$0x3FA7] =	sst s6  }
0xf: {  	[smem:$0x3FA8] =	sst s7  }
0x10: {  	[smem:$0x3FA9] =	sst s8  }
0x11: {  	[smem:$0x3FAA] =	sst s9;
	s0 =	simm.s32 @!p0 $0x0  }
0x12: {  	s1 =	sld [smem:$0x3F90];
	s0 =	simm.s32 @p0 $0x1  }
0x13: {  	[smem:$0x3FAB] =	sst s0;
	s0 =	simm.s32 @!p1 $0x0  }
0x14: {  	s2 =	sld [smem:$0x3F8F];
	s0 =	simm.s32 @p1 $0x1  }
0x15: {  	[smem:$0x3FAC] =	sst s0;
	s0 =	simm.s32 @!p2 $0x0  }
0x16: {  	s3 =	sld [smem:$0x3FDB];
	s0 =	simm.s32 @p2 $0x1  }
0x17: {  	s4 =	simm.s32 $0x1BF5;
	[smem:$0x3FAE] =	sst s0  }
0x18: {  	s0 =	sld [smem:$0x3F91];
	_ =	swait.ge [sflag:s4], $0x0  }
0x19: {  	s7 =	sld [smem:$0x3F92]  }
0x1a: {  	s8 =	sadd.s32 $0xFFFFE003, lr  }
0x1b: {  	s9 =	sadd.s32 $0xFFFFFEF7, lr;
	s5 =	simm.s32 $0xFFFFFFFF;
	p2 =	slt.u32 s8, $0xFFFFF086  }
0x1c: {  	p1 =	slt.u32 s9, $0xF7A;
	s5 =	simm.s32 @!p2 $0x0  }
0x1d: {  	s5 =	simm.s32 @p1 $0x1;
	p0 =	seq.s32 s7, s2  }
0x1e: {  	s7 =	smul.u32 @!p0 $0xF7A, s2;
	p2 =	seq.s32 @!p0 s5, $0x0  }
0x1f: {  	s9 =	smul.u32 $0xF7A, s1;
	s8 =	simm.s32 @!p0 $0x1BF5;
	p2 =	por !p2, p0  }
0x20: {  	[sflag:s8] =	ssyncset.s32 @!p0 $0xFFFFF086;
	s6 =	sadd.s32 @!p0 s3, s7;
	s7 =	simm.s32 @!p0 $0x108  }
0x21: {  	s3 =	sadd.s32 s3, s9;
	s6 =	sadd.s32 @!p0 $0x88, s6;
	s7 =	simm.s32 @p2 $0x1082  }
0x22: {  	[simem:s7], [sflag:s8] =	dma.local @!p0 [hbm:s6], $0xF7A  }
0x23: {  	s9 =	sor.u32 $0xD0000000, s2;
	s6 =	simm.s32 $0x108;
	_ =	swait.ge @!p0 [sflag:s8], $0x0  }
0x24: {  	s3 =	sadd.s32 $0x88, s3;
	s6 =	simm.s32 @!p1 $0x1082;
	[sflag:s4] =	ssyncset.s32 $0xFFFFF086  }
0x25: {  	[simem:s6], [sflag:s4] =	dma.local [hbm:s3], $0xF7A  }
0x26: {  	[smem:$0x3F92] =	sst s1;
	(tag) =	ssettag s2;
	_ =	strace s9  }
0x27: {  	s1 =	sld [smem:$0x3FA2]  }
0x28: {  	s2 =	sld [smem:$0x3FA3]  }
0x29: {  	s4 =	sld [smem:$0x3FA5]  }
0x2a: {  	p0 =	seq.s32 s5, $0x0;
	s5 =	sld [smem:$0x3FA6]  }
0x2b: {  	s6 =	sld [smem:$0x3FA7]  }
0x2c: {  	s7 =	sld [smem:$0x3FA8]  }
0x2d: {  	s3 =	simm.s32 $0x108;
	s8 =	sld [smem:$0x3FA9]  }
0x2e: {  	s3 =	simm.s32 @!p0 $0x1082;
	s9 =	sld [smem:$0x3FAA]  }
0x2f: {  	lr =	sadd.s32 s0, s3;
	s0 =	sld [smem:$0x3FA1]  }
0x30: {  	s3 =	sld [smem:$0x3FA4]  }
0x31: {  	[smem:$0x3FAD] =	sst s10  }
0x32: {  	s10 =	sld [smem:$0x3FAB];
	_ =	sdelay $0x3  }
0x33: {  	p0 =	seq.s32 s10, $0x1;
	s10 =	sld [smem:$0x3FAD];
	_ =	sdelay $0x3  }
0x34: {  	[smem:$0x3FAD] =	sst s10  }
0x35: {  	s10 =	sld [smem:$0x3FAC];
	_ =	sdelay $0x3  }
0x36: {  	p1 =	seq.s32 s10, $0x1;
	s10 =	sld [smem:$0x3FAD];
	_ =	sdelay $0x3  }
0x37: {  	[smem:$0x3FAD] =	sst s10  }
0x38: {  	s10 =	sld [smem:$0x3FAE]  }
0x39: {  	_ = 	snop;
	(pc) =	sbr.ind lr, $3  }
0x3a: {  	_ = 	snop  }
0x3b: {  	_ = 	snop  }
0x3c: {  	p2 =	seq.s32 s10, $0x1;
	s10 =	sld [smem:$0x3FAD]  }
0x3d: {  	_ =	shalt  }
0x3e: {  	_ =	shalt  }
0x3f: {  	_ =	shalt  }
0x40: {  	_ =	shalt  }
0x41: {  	_ =	shalt  }
0x42: {  	_ =	shalt  }
0x43: {  	_ =	shalt  }
0x44: {  	_ =	shalt  }
0x45: {  	_ =	shalt  }
0x46: {  	_ =	shalt  }
0x47: {  	_ =	shalt  }
0x48: {  	_ =	shalt  }
0x49: {  	_ =	shalt  }
0x4a: {  	_ =	shalt  }
0x4b: {  	_ =	shalt  }
0x4c: {  	_ =	shalt  }
0x4d: {  	_ =	shalt  }
0x4e: {  	_ =	shalt  }
0x4f: {  	_ =	shalt  }
0x50: {  	_ =	shalt  }
0x51: {  	_ =	shalt  }
0x52: {  	_ =	shalt  }
0x53: {  	_ =	shalt  }
0x54: {  	_ =	shalt  }
0x55: {  	_ =	shalt  }
0x56: {  	_ =	shalt  }
0x57: {  	_ =	shalt  }
0x58: {  	_ =	shalt  }
0x59: {  	_ =	shalt  }
0x5a: {  	_ =	shalt  }
0x5b: {  	_ =	shalt  }
0x5c: {  	_ =	shalt  }
0x5d: {  	_ =	shalt  }
0x5e: {  	_ =	shalt  }
0x5f: {  	_ =	shalt  }
0x60: {  	_ =	shalt  }
0x61: {  	_ =	shalt  }
0x62: {  	_ =	shalt  }
0x63: {  	_ =	shalt  }
0x64: {  	_ =	shalt  }
0x65: {  	_ =	shalt  }
0x66: {  	_ =	shalt  }
0x67: {  	_ =	shalt  }
0x68: {  	_ =	shalt  }
0x69: {  	_ =	shalt  }
0x6a: {  	_ =	shalt  }
0x6b: {  	_ =	shalt  }
0x6c: {  	_ =	shalt  }
0x6d: {  	_ =	shalt  }
0x6e: {  	_ =	shalt  }
0x6f: {  	_ =	shalt  }
0x70: {  	_ =	shalt  }
0x71: {  	_ =	shalt  }
0x72: {  	_ =	shalt  }
0x73: {  	_ =	shalt  }
0x74: {  	_ =	shalt  }
0x75: {  	_ =	shalt  }
0x76: {  	_ =	shalt  }
0x77: {  	_ =	shalt  }
0x78: {  	_ =	shalt  }
0x79: {  	_ =	shalt  }
0x7a: {  	_ =	shalt  }
0x7b: {  	_ =	shalt  }
0x7c: {  	_ =	shalt  }
0x7d: {  	_ =	shalt  }
0x7e: {  	_ =	shalt  }
0x7f: {  	_ =	shalt  }
0x80: {  	_ =	shalt  }
0x81: {  	_ =	shalt  }
0x82: {  	_ =	shalt  }
0x83: {  	_ =	shalt  }
0x84: {  	_ =	shalt  }
0x85: {  	_ =	shalt  }
0x86: {  	_ =	shalt  }
0x87: {  	_ =	shalt  }
.Lfunc_end0:
.L_simem_size_0:
called_computation.3_lowered:
.L_overlay_start_0:
0x88: {  	s2 =	sld [smem:$0x3FD9]  }
0x89: {  	s3 =	sld [smem:$0x3FFE];
	_ =	sdelay $0x1  }
0x8a: {  	s1 =	srdreg.scid  }
0x8b: {  	s0 =	sand.u32 $0x1, s1  }
0x8c: {  	s14 =	sshll.u32 s0, $0xA;
	s2 =	sadd.s32 s3, s2  }
0x8d: {  	s2 =	sadd.s32 s2, s14  }
0x8e: {  	[smem:$0x3FB9] =	sst s2  }
0x8f: {  	_ = 	snop  }
0x90: {  	s2 =	sld [smem:$0x3FD0];
	_ =	sdelay $0x2  }
0x91: {  	s15 =	simm.s32 $0xC;
	s4 =	simm.s32 $0x10  }
0x92: {  	[smem:s4], [sflag:s15] =	dma.local [hbm:s2], $0x1  }
0x93: {  	_ =	swait.eq [sflag:s15], $0x1  }
0x94: {  	[sflag:s15] =	ssyncset.done $0x0  }
0x95: {  	s16 =	sld [smem:$0x12];
	[sflag:s15] =	ssyncadd.s32 $0xFFFFFFFF  }
0x96: {  	s17 =	sld [smem:$0x13];
	(tm) =	ssettm $0x1  }
0x97: {  	s18 =	sld [smem:$0x3FFB];
	_ =	sdelay $0x3  }
0x98: {  	_ =	strace s18  }
0x99: {  	s4 =	sld [smem:$0x3FFC];
	_ =	sdelay $0x3  }
0x9a: {  	_ =	strace s4  }
0x9b: {  	s4 =	sld [smem:$0x3FFD];
	_ =	sdelay $0x3  }
0x9c: {  	_ =	strace s4  }
0x9d: {  	_ =	strace $0x8FFFFFFF  }
0x9e: {  	s19 =	sld [smem:$0x3FDB];
	_ =	sdelay $0x1  }
0x9f: {  	s5 =	simm.s32 $_scs_section_size  }
0xa0: {  	s6 =	simm.s32 $_size__tile_overlayer_lowered;
	s7 =	simm.s32 $_tile_overlayer_lowered  }
0xa1: {  	s22 =	simm.s32 $0x1BFF;
	s21 =	sshll.u32 s7, $0x1;
	s4 =	sadd.s32 s5, s19  }
0xa2: {  	s8 =	simm.s32 $0x0;
	s20 =	sshll.u32 s6, $0x1;
	s6 =	sadd.s32 s21, s4  }
0xa3: {  	[timem:s8], [sflag:s22] =	dma.local [hbm:s6], s20  }
0xa4: {  	_ =	swait.ge [sflag:s22], s20  }
0xa5: {  	s5 =	ssub.s32 $0x0, s20;
	[sflag:s22] =	ssyncset.done $0x0  }
0xa6: {  	[sflag:s22] =	ssyncadd.s32 s5;
	_ =	sdelay $0x1  }
0xa7: {  	s23 =	simm.s32 $0x1B8B  }
0xa8: {  	_ =	swait.ge [sflag:s23], $0x1  }
0xa9: {  	[sflag:s23] =	ssyncset.done $0x0  }
0xaa: {  	s25 =	simm.s32 $0x1B8E;
	s24 =	sld [smem:$0x3FFE];
	[sflag:s23] =	ssyncadd.s32 $0xFFFFFFFF  }
0xab: {  	s26 =	simm.s32 $execute0_lowered;
	[smem:$0x3FD2] =	sst s25  }
0xac: {  	s6 =	sshll.u32 s26, $0x1;
	_ =	strace $0x80000046;
	[dreg:$0x1] =	wrdreg $0xFFFFFFFF  }
0xad: {  	s28 =	simm.s32 $_size_execute0_lowered;
	s4 =	sadd.s32 s4, s6;
	[dreg:$0x0] =	wrdreg $0x0  }
0xae: {  	s6 =	sshll.u32 s28, $0x1;
	[dreg:$0x2] =	wrdreg s4  }
0xaf: {  	[dreg:$0x3] =	wrdreg s6  }
0xb0: {  	[dreg:$0x4] =	wrdreg $0xC0  }
0xb1: {  	_ =	task [dreg:s8], $0x5FFFF  }
0xb2: {  	[dreg:$0x1] =	wrdreg $0xFFFFFFFF  }
0xb3: {  	[dreg:$0x0] =	wrdreg $0x60  }
0xb4: {  	[dreg:$0x2] =	wrdreg s17  }
0xb5: {  	[dreg:$0x3] =	wrdreg s16  }
0xb6: {  	[dreg:$0x4] =	wrdreg s24  }
0xb7: {  	[dreg:$0x5] =	wrdreg $0x44000  }
0xb8: {  	[dreg:$0x6] =	wrdreg $0xB  }
0xb9: {  	_ =	task.clear_ibuf [dreg:s8], $0x7FFFF;
	_ =	strace $0x90000046  }
0xba: {  	s29 =	simm.s32 $0xB;
	_ =	strace $0x80000048  }
0xbb: {  	_ =	swait.ge [sflag:s29], $0x1  }
0xbc: {  	[sflag:s29] =	ssyncadd.s32 $0xFFFFFFFF  }
0xbd: {  	_ =	strace $0x90000048  }
0xbe: {  	_ =	sfence  }
0xbf: {  	s30 =	sld [smem:$0x0];
	_ =	sdelay $0x2  }
0xc0: {  	s31 =	sshll.u32 s1, $0xD;
	s1 =	sshrl.u32 s1, $0x2  }
0xc1: {  	s3 =	sand.u32 $0x4000, s31;
	s1 =	sadd.s32 s1, s30  }
0xc2: {  	s0 =	sor.u32 s3, s0;
	s1 =	sshll.u32 s1, $0x11  }
0xc3: {  	s0 =	sor.u32 s1, s0  }
0xc4: {  	s0 =	sadd.s32 $0x8F2B, s0  }
0xc5: {  	[sflag:s0] =	ssyncadd.remote.s32 $0x1  }
0xc6: {  	_ =	sfence.sel $0xFFFF  }
0xc7: {  	[dreg:$0x0] =	wrdreg $0xFFFFFFFF;
	(pc) =	sbr.abs _section_cstart, $3  }
0xc8: {  	[dreg:$0x1] =	wrdreg $0xFFFFFFFF  }
0xc9: {  	_ =	task.clear_ibuf [dreg:s8], $0x2FFFF;
	_ =	strace $0x9FFFFFFF  }
0xca: {  	(tm) =	ssettm $0x7FFFFFFF  }
0xcb: {  	_ =	shalt  }
tec
execute0_lowered:
.L_overlay_start_1:
0x0: {  	(tag) =	ssettag $0x1  }
0x1: {  	s1 =	rddreg [dreg:$0x0]  }
0x2: {  	s3 =	rddreg [dreg:$0x1]  }
0x3: {  	s0 =	rddreg [dreg:$0x2]  }
0x4: {  	s4 =	rddreg [dreg:$0x3]  }
0x5: {  	s11 =	stileid.u32;
	s5 =	simm.s32 $0x0;
	s6 =	srdreg.scid  }
0x6: {  	s13 =	simm.s32 $0x4;
	s14 =	simm.s32 $0x200;
	s15 =	simm.s32 $0x1  }
0x7: {  	s16 =	simm.s32 $0x80;
	s17 =	simm.s32 $0x400;
	s18 =	simm.s32 $0x1400  }
0x8: {  	s19 =	simm.s32 $0x100;
	s20 =	simm.s32 $0x2400;
	s21 =	simm.s32 $0x180  }
0x9: {  	s22 =	simm.s32 $0x3400;
	s23 =	simm.s32 $0x2;
	s25 =	simm.s32 $0x280  }
0xa: {  	s28 =	simm.s32 $0x380;
	s29 =	simm.s32 $0x3;
	s2 =	smul.u32 $0x1880, s11  }
0xb: {  	s30 =	simm.s32 $0x0;
	[smem:$0x7FF] =	sst s5;
	s7 =	smul.u32 $0x19000, s11  }
0xc: {  	s6 =	sand.u32 $0x1, s6;
	s31 =	sshll.u32 s11, $0x6;
	_ =	strace $0x80000047  }
0xd: {  	s8 =	ssub.s32 $0x2, s6;
	p0 =	seq.s32 s6, $0x1;
	s2 =	sadd.s32 s2, s0  }
0xe: {  	s24 =	sshrl.u32 s7, $0x3;
	s9 =	sshrl.u32 s8, $0x1;
	s12 =	sadd.s32 s7, s4  }
.Ltmp0:
0xf: {  	s10 =	sadd.s32 s24, s0;
	s8 =	ssub.s32 s8, s9;
	(pc) =	sbr.rel .LBB2_1-.Ltmp0, $4  }
0x10: {  	s0 =	sadd.s32 $0x192800, s0;
	s9 =	sor.u32 $0x1C04, s31;
	s11 =	sadd.s32 $0x116000, s2  }
0x11: {  	s12 =	sshrl.u32 s12, $0x3;
	s6 =	sadd.s32 $0x12E800, s10;
	s26 =	sadd.s32 $0x160800, s10  }
0x12: {  	s8 =	smax.u32 s8, $0x1;
	s0 =	sadd.s32 s24, s0;
	[dreg:$0x5] =	wrdreg s26  }
0x13: {  	s10 =	sadd.s32 $0xFD800, s2;
	[dreg:$0x6] =	wrdreg s0;
	s26 =	simm.s32 $0x300  }
.LBB2_7:
0x14: {  	s0 =	sadd.s32 s31, s11;
	[sflag:s29] =	ssyncadd.s32 $0xFFFFF000  }
0x15: {  	[tilespmem:s5], [sflag:$0x1] =	stream.linear.gather [hbm4b:s0+s5], $0x200, $0x38;
	[tilespmem:$0x1D400] =	vst v63  }
0x16: {  	s31 =	sadd.s32 s31, s10  }
0x17: {  	[tilespmem:s14], [sflag:$0x1] =	stream.linear.gather [hbm4b:s31+s5], $0x200, $0x38;
	[tilespmem:$0x1D400] =	vst v63  }
0x18: {  	_ =	swait.ge [sflag:s15], $0x200  }
0x19: {  	[sflag:s15] =	ssyncset.done $0x0  }
0x1a: {  	[sflag:s15] =	ssyncadd.s32 $0xFFFFFE00  }
0x1b: {  	_ =	swait.ge [sflag:s15], $0x200  }
0x1c: {  	[sflag:s15] =	ssyncset.done $0x0  }
0x1d: {  	[sflag:s15] =	ssyncadd.s32 $0xFFFFFE00  }
0x1e: {  	[tilespmem:s17], [sflag:$0x2] =	stream.indirect.gather [hbm4b:s3+s16], $0x20, s5, s16, $0xb8;
	[tilespmem:$0x1D400] =	vst v63  }
0x1f: {  	_ = 	snop  }
0x20: {  	[tilespmem:s18], [sflag:$0x2] =	stream.indirect.gather [hbm4b:s3+s16], $0x20, s16, s16, $0xb8;
	[tilespmem:$0x1D400] =	vst v63  }
0x21: {  	_ = 	snop  }
0x22: {  	[tilespmem:s20], [sflag:$0x2] =	stream.indirect.gather [hbm4b:s3+s16], $0x20, s19, s16, $0xb8;
	[tilespmem:$0x1D400] =	vst v63  }
0x23: {  	_ = 	snop  }
0x24: {  	[tilespmem:s22], [sflag:$0x2] =	stream.indirect.gather [hbm4b:s3+s16], $0x20, s21, s16, $0xb8;
	[tilespmem:$0x1D400] =	vst v63  }
0x25: {  	_ =	swait.ge [sflag:s23], $0x1000  }
0x26: {  	[sflag:s23] =	ssyncset.done $0x0  }
0x27: {  	[sflag:s23] =	ssyncadd.s32 $0xFFFFF000  }
0x28: {  	_ =	swait.ge [sflag:s23], $0x1000  }
0x29: {  	[sflag:s23] =	ssyncset.done $0x0  }
0x2a: {  	[sflag:s23] =	ssyncadd.s32 $0xFFFFF000  }
0x2b: {  	_ =	swait.ge [sflag:s23], $0x1000  }
0x2c: {  	[sflag:s23] =	ssyncset.done $0x0  }
0x2d: {  	[sflag:s23] =	ssyncadd.s32 $0xFFFFF000  }
0x2e: {  	_ =	swait.ge [sflag:s23], $0x1000  }
0x2f: {  	[sflag:s23] =	ssyncset.done $0x0  }
0x30: {  	[sflag:s23] =	ssyncadd.s32 $0xFFFFF000  }
0x31: {  	[spmem:s4] =	stream.indirect.scatter.add.f32 [tilespmem:s17], [sflag:$0x3], $0x20, s14, s16, $0xb8;
	[tilespmem:$0x1D400] =	vst v63  }
0x32: {  	_ = 	snop  }
0x33: {  	[spmem:s4] =	stream.indirect.scatter.add.f32 [tilespmem:s18], [sflag:$0x3], $0x20, s25, s16, $0xb8;
	[tilespmem:$0x1D400] =	vst v63  }
0x34: {  	_ = 	snop  }
0x35: {  	[spmem:s4] =	stream.indirect.scatter.add.f32 [tilespmem:s20], [sflag:$0x3], $0x20, s26, s16, $0xb8;
	[tilespmem:$0x1D400] =	vst v63  }
0x36: {  	_ = 	snop  }
0x37: {  	[spmem:s4] =	stream.indirect.scatter.add.f32 [tilespmem:s22], [sflag:$0x3], $0x20, s28, s16, $0xb8;
	[tilespmem:$0x1D400] =	vst v63  }
0x38: {  	_ =	swait.ge [sflag:s29], $0x1000  }
0x39: {  	[sflag:s29] =	ssyncset.done $0x0  }
0x3a: {  	[sflag:s29] =	ssyncadd.s32 $0xFFFFF000  }
0x3b: {  	_ =	swait.ge [sflag:s29], $0x1000  }
0x3c: {  	[sflag:s29] =	ssyncset.done $0x0  }
0x3d: {  	[sflag:s29] =	ssyncadd.s32 $0xFFFFF000  }
0x3e: {  	_ =	swait.ge [sflag:s29], $0x1000  }
0x3f: {  	[sflag:s29] =	ssyncset.done $0x0  }
0x40: {  	[sflag:s29] =	ssyncadd.s32 $0xFFFFF000  }
0x41: {  	_ =	swait.ge [sflag:s29], $0x1000  }
0x42: {  	[sflag:s29] =	ssyncset.done $0x0  }
0x43: {  	[sflag:s29] =	ssyncadd.s32 $0xFFFFF000  }
0x44: {  	[bflag:$0x0] =	sbarrier.arrive $0xFFFF  }
0x45: {  	s0 =	rddreg [dreg:$0x6]  }
.LBB2_8:
0x46: {  	s30 =	sadd.s32 $0x1, s30  }
0x47: {  	p1 =	sne.s32 s30, s8  }
.Ltmp1:
0x48: {  	_ = 	snop;
	(pc) =	sbr.rel @!p1 .LBB2_9-.Ltmp1, $4  }
0x49: {  	[hbm:s0], [sflag:s9] =	dma.local [spmem:s12], $0x3200  }
0x4a: {  	_ =	swait.ge [sflag:s13], $0x3200  }
0x4b: {  	[sflag:s13] =	ssyncset.done $0x0  }
0x4c: {  	[sflag:s13] =	ssyncadd.s32 $0xFFFFCE00  }
.LBB2_1:
0x4d: {  	[spmem:s12], [sflag:s9] =	dma.local [hbm:s6], $0x3200  }
.Ltmp2:
0x4e: {  	_ =	swait.ge [sflag:s13], $0x3200;
	(pc) =	sbr.rel @!p0 .LBB2_2-.Ltmp2, $4  }
0x4f: {  	[sflag:s13] =	ssyncset.done $0x0  }
0x50: {  	[sflag:s13] =	ssyncadd.s32 $0xFFFFCE00  }
0x51: {  	[bflag:$0x0] =	sbarrier.arrive $0xFFFF  }
0x52: {  	s0 =	sadd.s32 $0x0, s11  }
0x53: {  	[tilespmem:s5], [sflag:$0x1] =	stream.linear.gather [hbm4b:s0+s5], $0x200, $0x38;
	[tilespmem:$0x1D400] =	vst v63  }
0x54: {  	s24 =	sadd.s32 $0x0, s10  }
0x55: {  	[tilespmem:s14], [sflag:$0x1] =	stream.linear.gather [hbm4b:s24+s5], $0x200, $0x38;
	[tilespmem:$0x1D400] =	vst v63  }
0x56: {  	_ =	swait.ge [sflag:s15], $0x200  }
0x57: {  	[sflag:s15] =	ssyncset.done $0x0  }
0x58: {  	[sflag:s15] =	ssyncadd.s32 $0xFFFFFE00  }
0x59: {  	_ =	swait.ge [sflag:s15], $0x200  }
0x5a: {  	[sflag:s15] =	ssyncset.done $0x0  }
0x5b: {  	[sflag:s15] =	ssyncadd.s32 $0xFFFFFE00  }
0x5c: {  	[tilespmem:s17], [sflag:$0x2] =	stream.indirect.gather [hbm4b:s3+s16], $0x20, s5, s16, $0xb8;
	[tilespmem:$0x1D400] =	vst v63  }
0x5d: {  	_ = 	snop  }
0x5e: {  	[tilespmem:s18], [sflag:$0x2] =	stream.indirect.gather [hbm4b:s3+s16], $0x20, s16, s16, $0xb8;
	[tilespmem:$0x1D400] =	vst v63  }
0x5f: {  	_ = 	snop  }
0x60: {  	[tilespmem:s20], [sflag:$0x2] =	stream.indirect.gather [hbm4b:s3+s16], $0x20, s19, s16, $0xb8;
	[tilespmem:$0x1D400] =	vst v63  }
0x61: {  	_ = 	snop  }
0x62: {  	[tilespmem:s22], [sflag:$0x2] =	stream.indirect.gather [hbm4b:s3+s16], $0x20, s21, s16, $0xb8;
	[tilespmem:$0x1D400] =	vst v63  }
0x63: {  	_ =	swait.ge [sflag:s23], $0x1000  }
0x64: {  	[sflag:s23] =	ssyncset.done $0x0  }
0x65: {  	[sflag:s23] =	ssyncadd.s32 $0xFFFFF000  }
0x66: {  	_ =	swait.ge [sflag:s23], $0x1000  }
0x67: {  	[sflag:s23] =	ssyncset.done $0x0  }
0x68: {  	[sflag:s23] =	ssyncadd.s32 $0xFFFFF000  }
0x69: {  	_ =	swait.ge [sflag:s23], $0x1000  }
0x6a: {  	[sflag:s23] =	ssyncset.done $0x0  }
0x6b: {  	[sflag:s23] =	ssyncadd.s32 $0xFFFFF000  }
0x6c: {  	_ =	swait.ge [sflag:s23], $0x1000  }
0x6d: {  	[sflag:s23] =	ssyncset.done $0x0  }
0x6e: {  	[sflag:s23] =	ssyncadd.s32 $0xFFFFF000  }
0x6f: {  	[spmem:s4] =	stream.indirect.scatter.add.f32 [tilespmem:s17], [sflag:$0x3], $0x20, s14, s16, $0xb8;
	[tilespmem:$0x1D400] =	vst v63  }
0x70: {  	_ = 	snop  }
0x71: {  	[spmem:s4] =	stream.indirect.scatter.add.f32 [tilespmem:s18], [sflag:$0x3], $0x20, s25, s16, $0xb8;
	[tilespmem:$0x1D400] =	vst v63  }
0x72: {  	_ = 	snop  }
0x73: {  	[spmem:s4] =	stream.indirect.scatter.add.f32 [tilespmem:s20], [sflag:$0x3], $0x20, s26, s16, $0xb8;
	[tilespmem:$0x1D400] =	vst v63  }
0x74: {  	_ = 	snop  }
0x75: {  	[spmem:s4] =	stream.indirect.scatter.add.f32 [tilespmem:s22], [sflag:$0x3], $0x20, s28, s16, $0xb8;
	[tilespmem:$0x1D400] =	vst v63  }
0x76: {  	_ =	swait.ge [sflag:s29], $0x1000  }
0x77: {  	[sflag:s29] =	ssyncset.done $0x0  }
0x78: {  	[sflag:s29] =	ssyncadd.s32 $0xFFFFF000  }
0x79: {  	_ =	swait.ge [sflag:s29], $0x1000  }
0x7a: {  	[sflag:s29] =	ssyncset.done $0x0  }
0x7b: {  	[sflag:s29] =	ssyncadd.s32 $0xFFFFF000  }
0x7c: {  	_ =	swait.ge [sflag:s29], $0x1000  }
0x7d: {  	[sflag:s29] =	ssyncset.done $0x0  }
0x7e: {  	[sflag:s29] =	ssyncadd.s32 $0xFFFFF000  }
0x7f: {  	_ =	swait.ge [sflag:s29], $0x1000  }
0x80: {  	s31 =	simm.s32 $0x40;
	s2 =	simm.s32 $0x80;
	[sflag:s29] =	ssyncset.done $0x0  }
.LBB2_6:
0x81: {  	s7 =	sadd.s32 s31, s11  }
0x82: {  	[sflag:s29] =	ssyncadd.s32 $0xFFFFF000;
	s24 =	smov.u32 s2;
	s0 =	sadd.s32 $0x40, s2  }
0x83: {  	[tilespmem:s5], [sflag:$0x1] =	stream.linear.gather [hbm4b:s7+s5], $0x200, $0x38;
	[tilespmem:$0x1D400] =	vst v63  }
0x84: {  	p1 =	sne.s32 s2, $0x1840;
	s2 =	sadd.s32 s31, s10;
	s31 =	smov.u32 s24  }
0x85: {  	[tilespmem:s14], [sflag:$0x1] =	stream.linear.gather [hbm4b:s2+s5], $0x200, $0x38;
	[tilespmem:$0x1D400] =	vst v63  }
0x86: {  	_ =	swait.ge [sflag:s15], $0x200  }
0x87: {  	[sflag:s15] =	ssyncset.done $0x0  }
0x88: {  	[sflag:s15] =	ssyncadd.s32 $0xFFFFFE00  }
0x89: {  	_ =	swait.ge [sflag:s15], $0x200  }
0x8a: {  	[sflag:s15] =	ssyncset.done $0x0  }
0x8b: {  	[sflag:s15] =	ssyncadd.s32 $0xFFFFFE00  }
0x8c: {  	[tilespmem:s17], [sflag:$0x2] =	stream.indirect.gather [hbm4b:s3+s16], $0x20, s5, s16, $0xb8;
	[tilespmem:$0x1D400] =	vst v63  }
0x8d: {  	_ = 	snop  }
0x8e: {  	[tilespmem:s18], [sflag:$0x2] =	stream.indirect.gather [hbm4b:s3+s16], $0x20, s16, s16, $0xb8;
	[tilespmem:$0x1D400] =	vst v63  }
0x8f: {  	_ = 	snop  }
0x90: {  	[tilespmem:s20], [sflag:$0x2] =	stream.indirect.gather [hbm4b:s3+s16], $0x20, s19, s16, $0xb8;
	[tilespmem:$0x1D400] =	vst v63  }
0x91: {  	_ = 	snop  }
0x92: {  	[tilespmem:s22], [sflag:$0x2] =	stream.indirect.gather [hbm4b:s3+s16], $0x20, s21, s16, $0xb8;
	[tilespmem:$0x1D400] =	vst v63  }
0x93: {  	_ =	swait.ge [sflag:s23], $0x1000  }
0x94: {  	[sflag:s23] =	ssyncset.done $0x0  }
0x95: {  	[sflag:s23] =	ssyncadd.s32 $0xFFFFF000  }
0x96: {  	_ =	swait.ge [sflag:s23], $0x1000  }
0x97: {  	[sflag:s23] =	ssyncset.done $0x0  }
0x98: {  	[sflag:s23] =	ssyncadd.s32 $0xFFFFF000  }
0x99: {  	_ =	swait.ge [sflag:s23], $0x1000  }
0x9a: {  	[sflag:s23] =	ssyncset.done $0x0  }
0x9b: {  	[sflag:s23] =	ssyncadd.s32 $0xFFFFF000  }
0x9c: {  	_ =	swait.ge [sflag:s23], $0x1000  }
0x9d: {  	[sflag:s23] =	ssyncset.done $0x0  }
0x9e: {  	[sflag:s23] =	ssyncadd.s32 $0xFFFFF000  }
0x9f: {  	[spmem:s4] =	stream.indirect.scatter.add.f32 [tilespmem:s17], [sflag:$0x3], $0x20, s14, s16, $0xb8;
	[tilespmem:$0x1D400] =	vst v63  }
0xa0: {  	_ = 	snop  }
0xa1: {  	[spmem:s4] =	stream.indirect.scatter.add.f32 [tilespmem:s18], [sflag:$0x3], $0x20, s25, s16, $0xb8;
	[tilespmem:$0x1D400] =	vst v63  }
0xa2: {  	_ = 	snop  }
0xa3: {  	[spmem:s4] =	stream.indirect.scatter.add.f32 [tilespmem:s20], [sflag:$0x3], $0x20, s26, s16, $0xb8;
	[tilespmem:$0x1D400] =	vst v63  }
0xa4: {  	_ = 	snop  }
0xa5: {  	[spmem:s4] =	stream.indirect.scatter.add.f32 [tilespmem:s22], [sflag:$0x3], $0x20, s28, s16, $0xb8;
	[tilespmem:$0x1D400] =	vst v63  }
0xa6: {  	_ =	swait.ge [sflag:s29], $0x1000  }
0xa7: {  	[sflag:s29] =	ssyncset.done $0x0  }
0xa8: {  	[sflag:s29] =	ssyncadd.s32 $0xFFFFF000  }
0xa9: {  	_ =	swait.ge [sflag:s29], $0x1000  }
0xaa: {  	[sflag:s29] =	ssyncset.done $0x0  }
0xab: {  	[sflag:s29] =	ssyncadd.s32 $0xFFFFF000  }
.Ltmp3:
0xac: {  	_ =	swait.ge [sflag:s29], $0x1000;
	(pc) =	sbr.rel @p1 .LBB2_6-.Ltmp3, $4  }
0xad: {  	[sflag:s29] =	ssyncset.done $0x0  }
0xae: {  	[sflag:s29] =	ssyncadd.s32 $0xFFFFF000  }
0xaf: {  	_ =	swait.ge [sflag:s29], $0x1000  }
0xb0: {  	s2 =	smov.u32 s0;
	[sflag:s29] =	ssyncset.done $0x0  }
.Ltmp4:
0xb1: {  	_ = 	snop;
	(pc) =	sbr.rel .LBB2_7-.Ltmp4, $1  }
0xb2: {  	_ =	sdelay $0x3  }
.LBB2_2:
0xb3: {  	[tilespmem:s5], [sflag:$0x1] =	stream.linear.gather [hbm4b:s0+s5], $0x200, $0x38;
	[tilespmem:$0x1D400] =	vst v63  }
0xb4: {  	s24 =	sadd.s32 $0x0, s10  }
0xb5: {  	[tilespmem:s14], [sflag:$0x1] =	stream.linear.gather [hbm4b:s24+s5], $0x200, $0x38;
	[tilespmem:$0x1D400] =	vst v63  }
0xb6: {  	_ =	swait.ge [sflag:s15], $0x200  }
0xb7: {  	[sflag:s15] =	ssyncset.done $0x0  }
0xb8: {  	[sflag:s15] =	ssyncadd.s32 $0xFFFFFE00  }
0xb9: {  	_ =	swait.ge [sflag:s15], $0x200  }
0xba: {  	[sflag:s15] =	ssyncset.done $0x0  }
0xbb: {  	[sflag:s15] =	ssyncadd.s32 $0xFFFFFE00  }
0xbc: {  	[tilespmem:s17], [sflag:$0x2] =	stream.indirect.gather [hbm4b:s1+s16], $0x20, s5, s16, $0xb8;
	[tilespmem:$0x1D400] =	vst v63  }
0xbd: {  	_ = 	snop  }
0xbe: {  	[tilespmem:s18], [sflag:$0x2] =	stream.indirect.gather [hbm4b:s1+s16], $0x20, s16, s16, $0xb8;
	[tilespmem:$0x1D400] =	vst v63  }
0xbf: {  	_ = 	snop  }
0xc0: {  	[tilespmem:s20], [sflag:$0x2] =	stream.indirect.gather [hbm4b:s1+s16], $0x20, s19, s16, $0xb8;
	[tilespmem:$0x1D400] =	vst v63  }
0xc1: {  	_ = 	snop  }
0xc2: {  	[tilespmem:s22], [sflag:$0x2] =	stream.indirect.gather [hbm4b:s1+s16], $0x20, s21, s16, $0xb8;
	[tilespmem:$0x1D400] =	vst v63  }
0xc3: {  	_ =	swait.ge [sflag:s23], $0x1000  }
0xc4: {  	[sflag:s23] =	ssyncset.done $0x0  }
0xc5: {  	[sflag:s23] =	ssyncadd.s32 $0xFFFFF000  }
0xc6: {  	_ =	swait.ge [sflag:s23], $0x1000  }
0xc7: {  	[sflag:s23] =	ssyncset.done $0x0  }
0xc8: {  	[sflag:s23] =	ssyncadd.s32 $0xFFFFF000  }
0xc9: {  	_ =	swait.ge [sflag:s23], $0x1000  }
0xca: {  	[sflag:s23] =	ssyncset.done $0x0  }
0xcb: {  	[sflag:s23] =	ssyncadd.s32 $0xFFFFF000  }
0xcc: {  	_ =	swait.ge [sflag:s23], $0x1000  }
0xcd: {  	[sflag:s23] =	ssyncset.done $0x0  }
0xce: {  	[sflag:s23] =	ssyncadd.s32 $0xFFFFF000  }
0xcf: {  	[spmem:s4] =	stream.indirect.scatter.add.f32 [tilespmem:s17], [sflag:$0x3], $0x20, s14, s16, $0xb8;
	[tilespmem:$0x1D400] =	vst v63  }
0xd0: {  	_ = 	snop  }
0xd1: {  	[spmem:s4] =	stream.indirect.scatter.add.f32 [tilespmem:s18], [sflag:$0x3], $0x20, s25, s16, $0xb8;
	[tilespmem:$0x1D400] =	vst v63  }
0xd2: {  	_ = 	snop  }
0xd3: {  	[spmem:s4] =	stream.indirect.scatter.add.f32 [tilespmem:s20], [sflag:$0x3], $0x20, s26, s16, $0xb8;
	[tilespmem:$0x1D400] =	vst v63  }
0xd4: {  	_ = 	snop  }
0xd5: {  	[spmem:s4] =	stream.indirect.scatter.add.f32 [tilespmem:s22], [sflag:$0x3], $0x20, s28, s16, $0xb8;
	[tilespmem:$0x1D400] =	vst v63  }
0xd6: {  	_ =	swait.ge [sflag:s29], $0x1000  }
0xd7: {  	[sflag:s29] =	ssyncset.done $0x0  }
0xd8: {  	[sflag:s29] =	ssyncadd.s32 $0xFFFFF000  }
0xd9: {  	_ =	swait.ge [sflag:s29], $0x1000  }
0xda: {  	[sflag:s29] =	ssyncset.done $0x0  }
0xdb: {  	[sflag:s29] =	ssyncadd.s32 $0xFFFFF000  }
0xdc: {  	_ =	swait.ge [sflag:s29], $0x1000  }
0xdd: {  	[sflag:s29] =	ssyncset.done $0x0  }
0xde: {  	[sflag:s29] =	ssyncadd.s32 $0xFFFFF000  }
0xdf: {  	_ =	swait.ge [sflag:s29], $0x1000  }
0xe0: {  	s31 =	simm.s32 $0x40;
	s0 =	simm.s32 $0x80;
	[sflag:s29] =	ssyncset.done $0x0  }
.LBB2_3:
0xe1: {  	s7 =	sadd.s32 s31, s11  }
0xe2: {  	[sflag:s29] =	ssyncadd.s32 $0xFFFFF000;
	s24 =	smov.u32 s0;
	s2 =	sadd.s32 $0x40, s0  }
0xe3: {  	[tilespmem:s5], [sflag:$0x1] =	stream.linear.gather [hbm4b:s7+s5], $0x200, $0x38;
	[tilespmem:$0x1D400] =	vst v63  }
0xe4: {  	p1 =	sne.s32 s0, $0x1840;
	s0 =	sadd.s32 s31, s10;
	s31 =	smov.u32 s24  }
0xe5: {  	[tilespmem:s14], [sflag:$0x1] =	stream.linear.gather [hbm4b:s0+s5], $0x200, $0x38;
	[tilespmem:$0x1D400] =	vst v63  }
0xe6: {  	_ =	swait.ge [sflag:s15], $0x200  }
0xe7: {  	[sflag:s15] =	ssyncset.done $0x0  }
0xe8: {  	[sflag:s15] =	ssyncadd.s32 $0xFFFFFE00  }
0xe9: {  	_ =	swait.ge [sflag:s15], $0x200  }
0xea: {  	[sflag:s15] =	ssyncset.done $0x0  }
0xeb: {  	[sflag:s15] =	ssyncadd.s32 $0xFFFFFE00  }
0xec: {  	[tilespmem:s17], [sflag:$0x2] =	stream.indirect.gather [hbm4b:s1+s16], $0x20, s5, s16, $0xb8;
	[tilespmem:$0x1D400] =	vst v63  }
0xed: {  	_ = 	snop  }
0xee: {  	[tilespmem:s18], [sflag:$0x2] =	stream.indirect.gather [hbm4b:s1+s16], $0x20, s16, s16, $0xb8;
	[tilespmem:$0x1D400] =	vst v63  }
0xef: {  	_ = 	snop  }
0xf0: {  	[tilespmem:s20], [sflag:$0x2] =	stream.indirect.gather [hbm4b:s1+s16], $0x20, s19, s16, $0xb8;
	[tilespmem:$0x1D400] =	vst v63  }
0xf1: {  	_ = 	snop  }
0xf2: {  	[tilespmem:s22], [sflag:$0x2] =	stream.indirect.gather [hbm4b:s1+s16], $0x20, s21, s16, $0xb8;
	[tilespmem:$0x1D400] =	vst v63  }
0xf3: {  	_ =	swait.ge [sflag:s23], $0x1000  }
0xf4: {  	[sflag:s23] =	ssyncset.done $0x0  }
0xf5: {  	[sflag:s23] =	ssyncadd.s32 $0xFFFFF000  }
0xf6: {  	_ =	swait.ge [sflag:s23], $0x1000  }
0xf7: {  	[sflag:s23] =	ssyncset.done $0x0  }
0xf8: {  	[sflag:s23] =	ssyncadd.s32 $0xFFFFF000  }
0xf9: {  	_ =	swait.ge [sflag:s23], $0x1000  }
0xfa: {  	[sflag:s23] =	ssyncset.done $0x0  }
0xfb: {  	[sflag:s23] =	ssyncadd.s32 $0xFFFFF000  }
0xfc: {  	_ =	swait.ge [sflag:s23], $0x1000  }
0xfd: {  	[sflag:s23] =	ssyncset.done $0x0  }
0xfe: {  	[sflag:s23] =	ssyncadd.s32 $0xFFFFF000  }
0xff: {  	[spmem:s4] =	stream.indirect.scatter.add.f32 [tilespmem:s17], [sflag:$0x3], $0x20, s14, s16, $0xb8;
	[tilespmem:$0x1D400] =	vst v63  }
0x100: {  	_ = 	snop  }
0x101: {  	[spmem:s4] =	stream.indirect.scatter.add.f32 [tilespmem:s18], [sflag:$0x3], $0x20, s25, s16, $0xb8;
	[tilespmem:$0x1D400] =	vst v63  }
0x102: {  	_ = 	snop  }
0x103: {  	[spmem:s4] =	stream.indirect.scatter.add.f32 [tilespmem:s20], [sflag:$0x3], $0x20, s26, s16, $0xb8;
	[tilespmem:$0x1D400] =	vst v63  }
0x104: {  	_ = 	snop  }
0x105: {  	[spmem:s4] =	stream.indirect.scatter.add.f32 [tilespmem:s22], [sflag:$0x3], $0x20, s28, s16, $0xb8;
	[tilespmem:$0x1D400] =	vst v63  }
0x106: {  	_ =	swait.ge [sflag:s29], $0x1000  }
0x107: {  	[sflag:s29] =	ssyncset.done $0x0  }
0x108: {  	[sflag:s29] =	ssyncadd.s32 $0xFFFFF000  }
0x109: {  	_ =	swait.ge [sflag:s29], $0x1000  }
0x10a: {  	[sflag:s29] =	ssyncset.done $0x0  }
0x10b: {  	[sflag:s29] =	ssyncadd.s32 $0xFFFFF000  }
.Ltmp5:
0x10c: {  	_ =	swait.ge [sflag:s29], $0x1000;
	(pc) =	sbr.rel @p1 .LBB2_3-.Ltmp5, $4  }
0x10d: {  	[sflag:s29] =	ssyncset.done $0x0  }
0x10e: {  	[sflag:s29] =	ssyncadd.s32 $0xFFFFF000  }
0x10f: {  	_ =	swait.ge [sflag:s29], $0x1000  }
0x110: {  	s0 =	smov.u32 s2;
	[sflag:s29] =	ssyncset.done $0x0  }
0x111: {  	s0 =	sadd.s32 s31, s11;
	[sflag:s29] =	ssyncadd.s32 $0xFFFFF000  }
0x112: {  	[tilespmem:s5], [sflag:$0x1] =	stream.linear.gather [hbm4b:s0+s5], $0x200, $0x38;
	[tilespmem:$0x1D400] =	vst v63  }
0x113: {  	s31 =	sadd.s32 s31, s10  }
0x114: {  	[tilespmem:s14], [sflag:$0x1] =	stream.linear.gather [hbm4b:s31+s5], $0x200, $0x38;
	[tilespmem:$0x1D400] =	vst v63  }
0x115: {  	_ =	swait.ge [sflag:s15], $0x200  }
0x116: {  	[sflag:s15] =	ssyncset.done $0x0  }
0x117: {  	[sflag:s15] =	ssyncadd.s32 $0xFFFFFE00  }
0x118: {  	_ =	swait.ge [sflag:s15], $0x200  }
0x119: {  	[sflag:s15] =	ssyncset.done $0x0  }
0x11a: {  	[sflag:s15] =	ssyncadd.s32 $0xFFFFFE00  }
0x11b: {  	[tilespmem:s17], [sflag:$0x2] =	stream.indirect.gather [hbm4b:s1+s16], $0x20, s5, s16, $0xb8;
	[tilespmem:$0x1D400] =	vst v63  }
0x11c: {  	_ = 	snop  }
0x11d: {  	[tilespmem:s18], [sflag:$0x2] =	stream.indirect.gather [hbm4b:s1+s16], $0x20, s16, s16, $0xb8;
	[tilespmem:$0x1D400] =	vst v63  }
0x11e: {  	_ = 	snop  }
0x11f: {  	[tilespmem:s20], [sflag:$0x2] =	stream.indirect.gather [hbm4b:s1+s16], $0x20, s19, s16, $0xb8;
	[tilespmem:$0x1D400] =	vst v63  }
0x120: {  	_ = 	snop  }
0x121: {  	[tilespmem:s22], [sflag:$0x2] =	stream.indirect.gather [hbm4b:s1+s16], $0x20, s21, s16, $0xb8;
	[tilespmem:$0x1D400] =	vst v63  }
0x122: {  	_ =	swait.ge [sflag:s23], $0x1000  }
0x123: {  	[sflag:s23] =	ssyncset.done $0x0  }
0x124: {  	[sflag:s23] =	ssyncadd.s32 $0xFFFFF000  }
0x125: {  	_ =	swait.ge [sflag:s23], $0x1000  }
0x126: {  	[sflag:s23] =	ssyncset.done $0x0  }
0x127: {  	[sflag:s23] =	ssyncadd.s32 $0xFFFFF000  }
0x128: {  	_ =	swait.ge [sflag:s23], $0x1000  }
0x129: {  	[sflag:s23] =	ssyncset.done $0x0  }
0x12a: {  	[sflag:s23] =	ssyncadd.s32 $0xFFFFF000  }
0x12b: {  	_ =	swait.ge [sflag:s23], $0x1000  }
0x12c: {  	[sflag:s23] =	ssyncset.done $0x0  }
0x12d: {  	[sflag:s23] =	ssyncadd.s32 $0xFFFFF000  }
0x12e: {  	[spmem:s4] =	stream.indirect.scatter.add.f32 [tilespmem:s17], [sflag:$0x3], $0x20, s14, s16, $0xb8;
	[tilespmem:$0x1D400] =	vst v63  }
0x12f: {  	_ = 	snop  }
0x130: {  	[spmem:s4] =	stream.indirect.scatter.add.f32 [tilespmem:s18], [sflag:$0x3], $0x20, s25, s16, $0xb8;
	[tilespmem:$0x1D400] =	vst v63  }
0x131: {  	_ = 	snop  }
0x132: {  	[spmem:s4] =	stream.indirect.scatter.add.f32 [tilespmem:s20], [sflag:$0x3], $0x20, s26, s16, $0xb8;
	[tilespmem:$0x1D400] =	vst v63  }
0x133: {  	_ = 	snop  }
0x134: {  	[spmem:s4] =	stream.indirect.scatter.add.f32 [tilespmem:s22], [sflag:$0x3], $0x20, s28, s16, $0xb8;
	[tilespmem:$0x1D400] =	vst v63  }
0x135: {  	_ =	swait.ge [sflag:s29], $0x1000  }
0x136: {  	[sflag:s29] =	ssyncset.done $0x0  }
0x137: {  	[sflag:s29] =	ssyncadd.s32 $0xFFFFF000  }
0x138: {  	_ =	swait.ge [sflag:s29], $0x1000  }
0x139: {  	[sflag:s29] =	ssyncset.done $0x0  }
0x13a: {  	[sflag:s29] =	ssyncadd.s32 $0xFFFFF000  }
0x13b: {  	_ =	swait.ge [sflag:s29], $0x1000  }
0x13c: {  	[sflag:s29] =	ssyncset.done $0x0  }
0x13d: {  	[sflag:s29] =	ssyncadd.s32 $0xFFFFF000  }
.Ltmp6:
0x13e: {  	_ =	swait.ge [sflag:s29], $0x1000;
	(pc) =	sbr.rel .LBB2_8-.Ltmp6, $4  }
0x13f: {  	[sflag:s29] =	ssyncset.done $0x0  }
0x140: {  	[sflag:s29] =	ssyncadd.s32 $0xFFFFF000  }
0x141: {  	[bflag:$0x0] =	sbarrier.arrive $0xFFFF  }
0x142: {  	s0 =	rddreg [dreg:$0x5]  }
.LBB2_9:
0x143: {  	_ =	sfence.sel $0x180000  }
0x144: {  	[bflag:$0x0] =	sbarrier.arrive $0xFFFF  }
0x145: {  	_ =	strace $0x90000047  }
0x146: {  	s0 =	stileid.u32;
	[bflag:$0x2] =	sbarrier.arrive $0xFFFF  }
0x147: {  	p0 =	sne.s32 s0, $0x0;
	s0 =	rddreg [dreg:$0x4]  }
0x148: {  	s0 =	sadd.s32 @!p0 $0x100000, s0  }
0x149: {  	[sflag:s0] =	ssyncadd.tile.s32 @!p0 $0x1;
	_ =	shalt  }
.Lfunc_end2:
_tile_overlayer_lowered:
.L_overlay_start_2:
0x14a: {  	(tag) =	ssettag $0x2  }
0x14b: {  	s0 =	rddreg [dreg:$0x0];
	s2 =	stileid.u32  }
0x14c: {  	s1 =	rddreg [dreg:$0x1];
	p0 =	sne.s32 s2, $0x0  }
0x14d: {  	s3 =	rddreg [dreg:$0x2];
	[bflag:$0x3] =	sbarrier.arrive $0xFFFF;
	s2 =	simm.s32 @!p0 $0x1C04  }
0x14e: {  	[timem:s3], [sflag:s2] =	dma.local @!p0 [hbm:s0], s1  }
0x14f: {  	s0 =	simm.s32 @!p0 $0x4  }
0x150: {  	_ =	swait.ge @!p0 [sflag:s0], s1  }
0x151: {  	s1 =	ssub.s32 @!p0 $0x0, s1;
	[sflag:s0] =	ssyncset.done @!p0 $0x0  }
0x152: {  	[sflag:s0] =	ssyncadd.s32 @!p0 s1  }
0x153: {  	[bflag:$0x3] =	sbarrier.arrive $0xFFFF  }
0x154: {  	_ =	shalt  }

// kernel: kernel.23.cloned.1.call-start
scs
__scs_entry_jumppad:
0x0: {  	(pc) =	sbr.rel $0x88, $3  }
0x1: {  	(tag) =	ssettag $0x0;
	lr =	simm.s32 $0x1  }
0x2: {  	[smem:$0x3F92] =	sst lr;
	_ =	strace $0xD0000000  }
0x3: {  	_ = 	snop  }
0x4: {  	_ = 	snop  }
0x5: {  	_ = 	snop  }
0x6: {  	_ = 	snop  }
0x7: {  	_ = 	snop  }
__scs_overlays_trampoline_lowered:
0x8: {  	[smem:$0x3FA1] =	sst s0  }
0x9: {  	[smem:$0x3FA2] =	sst s1  }
0xa: {  	[smem:$0x3FA3] =	sst s2  }
0xb: {  	[smem:$0x3FA4] =	sst s3  }
0xc: {  	[smem:$0x3FA5] =	sst s4  }
0xd: {  	[smem:$0x3FA6] =	sst s5  }
0xe: {  	[smem:$0x3FA7] =	sst s6  }
0xf: {  	[smem:$0x3FA8] =	sst s7  }
0x10: {  	[smem:$0x3FA9] =	sst s8  }
0x11: {  	[smem:$0x3FAA] =	sst s9;
	s0 =	simm.s32 @!p0 $0x0  }
0x12: {  	s1 =	sld [smem:$0x3F90];
	s0 =	simm.s32 @p0 $0x1  }
0x13: {  	[smem:$0x3FAB] =	sst s0;
	s0 =	simm.s32 @!p1 $0x0  }
0x14: {  	s2 =	sld [smem:$0x3F8F];
	s0 =	simm.s32 @p1 $0x1  }
0x15: {  	[smem:$0x3FAC] =	sst s0;
	s0 =	simm.s32 @!p2 $0x0  }
0x16: {  	s3 =	sld [smem:$0x3FDB];
	s0 =	simm.s32 @p2 $0x1  }
0x17: {  	s4 =	simm.s32 $0x1BF5;
	[smem:$0x3FAE] =	sst s0  }
0x18: {  	s0 =	sld [smem:$0x3F91];
	_ =	swait.ge [sflag:s4], $0x0  }
0x19: {  	s7 =	sld [smem:$0x3F92]  }
0x1a: {  	s8 =	sadd.s32 $0xFFFFE003, lr  }
0x1b: {  	s9 =	sadd.s32 $0xFFFFFEF7, lr;
	s5 =	simm.s32 $0xFFFFFFFF;
	p2 =	slt.u32 s8, $0xFFFFF086  }
0x1c: {  	p1 =	slt.u32 s9, $0xF7A;
	s5 =	simm.s32 @!p2 $0x0  }
0x1d: {  	s5 =	simm.s32 @p1 $0x1;
	p0 =	seq.s32 s7, s2  }
0x1e: {  	s7 =	smul.u32 @!p0 $0xF7A, s2;
	p2 =	seq.s32 @!p0 s5, $0x0  }
0x1f: {  	s9 =	smul.u32 $0xF7A, s1;
	s8 =	simm.s32 @!p0 $0x1BF5;
	p2 =	por !p2, p0  }
0x20: {  	[sflag:s8] =	ssyncset.s32 @!p0 $0xFFFFF086;
	s6 =	sadd.s32 @!p0 s3, s7;
	s7 =	simm.s32 @!p0 $0x108  }
0x21: {  	s3 =	sadd.s32 s3, s9;
	s6 =	sadd.s32 @!p0 $0x88, s6;
	s7 =	simm.s32 @p2 $0x1082  }
0x22: {  	[simem:s7], [sflag:s8] =	dma.local @!p0 [hbm:s6], $0xF7A  }
0x23: {  	s9 =	sor.u32 $0xD0000000, s2;
	s6 =	simm.s32 $0x108;
	_ =	swait.ge @!p0 [sflag:s8], $0x0  }
0x24: {  	s3 =	sadd.s32 $0x88, s3;
	s6 =	simm.s32 @!p1 $0x1082;
	[sflag:s4] =	ssyncset.s32 $0xFFFFF086  }
0x25: {  	[simem:s6], [sflag:s4] =	dma.local [hbm:s3], $0xF7A  }
0x26: {  	[smem:$0x3F92] =	sst s1;
	(tag) =	ssettag s2;
	_ =	strace s9  }
0x27: {  	s1 =	sld [smem:$0x3FA2]  }
0x28: {  	s2 =	sld [smem:$0x3FA3]  }
0x29: {  	s4 =	sld [smem:$0x3FA5]  }
0x2a: {  	p0 =	seq.s32 s5, $0x0;
	s5 =	sld [smem:$0x3FA6]  }
0x2b: {  	s6 =	sld [smem:$0x3FA7]  }
0x2c: {  	s7 =	sld [smem:$0x3FA8]  }
0x2d: {  	s3 =	simm.s32 $0x108;
	s8 =	sld [smem:$0x3FA9]  }
0x2e: {  	s3 =	simm.s32 @!p0 $0x1082;
	s9 =	sld [smem:$0x3FAA]  }
0x2f: {  	lr =	sadd.s32 s0, s3;
	s0 =	sld [smem:$0x3FA1]  }
0x30: {  	s3 =	sld [smem:$0x3FA4]  }
0x31: {  	[smem:$0x3FAD] =	sst s10  }
0x32: {  	s10 =	sld [smem:$0x3FAB];
	_ =	sdelay $0x3  }
0x33: {  	p0 =	seq.s32 s10, $0x1;
	s10 =	sld [smem:$0x3FAD];
	_ =	sdelay $0x3  }
0x34: {  	[smem:$0x3FAD] =	sst s10  }
0x35: {  	s10 =	sld [smem:$0x3FAC];
	_ =	sdelay $0x3  }
0x36: {  	p1 =	seq.s32 s10, $0x1;
	s10 =	sld [smem:$0x3FAD];
	_ =	sdelay $0x3  }
0x37: {  	[smem:$0x3FAD] =	sst s10  }
0x38: {  	s10 =	sld [smem:$0x3FAE]  }
0x39: {  	_ = 	snop;
	(pc) =	sbr.ind lr, $3  }
0x3a: {  	_ = 	snop  }
0x3b: {  	_ = 	snop  }
0x3c: {  	p2 =	seq.s32 s10, $0x1;
	s10 =	sld [smem:$0x3FAD]  }
0x3d: {  	_ =	shalt  }
0x3e: {  	_ =	shalt  }
0x3f: {  	_ =	shalt  }
0x40: {  	_ =	shalt  }
0x41: {  	_ =	shalt  }
0x42: {  	_ =	shalt  }
0x43: {  	_ =	shalt  }
0x44: {  	_ =	shalt  }
0x45: {  	_ =	shalt  }
0x46: {  	_ =	shalt  }
0x47: {  	_ =	shalt  }
0x48: {  	_ =	shalt  }
0x49: {  	_ =	shalt  }
0x4a: {  	_ =	shalt  }
0x4b: {  	_ =	shalt  }
0x4c: {  	_ =	shalt  }
0x4d: {  	_ =	shalt  }
0x4e: {  	_ =	shalt  }
0x4f: {  	_ =	shalt  }
0x50: {  	_ =	shalt  }
0x51: {  	_ =	shalt  }
0x52: {  	_ =	shalt  }
0x53: {  	_ =	shalt  }
0x54: {  	_ =	shalt  }
0x55: {  	_ =	shalt  }
0x56: {  	_ =	shalt  }
0x57: {  	_ =	shalt  }
0x58: {  	_ =	shalt  }
0x59: {  	_ =	shalt  }
0x5a: {  	_ =	shalt  }
0x5b: {  	_ =	shalt  }
0x5c: {  	_ =	shalt  }
0x5d: {  	_ =	shalt  }
0x5e: {  	_ =	shalt  }
0x5f: {  	_ =	shalt  }
0x60: {  	_ =	shalt  }
0x61: {  	_ =	shalt  }
0x62: {  	_ =	shalt  }
0x63: {  	_ =	shalt  }
0x64: {  	_ =	shalt  }
0x65: {  	_ =	shalt  }
0x66: {  	_ =	shalt  }
0x67: {  	_ =	shalt  }
0x68: {  	_ =	shalt  }
0x69: {  	_ =	shalt  }
0x6a: {  	_ =	shalt  }
0x6b: {  	_ =	shalt  }
0x6c: {  	_ =	shalt  }
0x6d: {  	_ =	shalt  }
0x6e: {  	_ =	shalt  }
0x6f: {  	_ =	shalt  }
0x70: {  	_ =	shalt  }
0x71: {  	_ =	shalt  }
0x72: {  	_ =	shalt  }
0x73: {  	_ =	shalt  }
0x74: {  	_ =	shalt  }
0x75: {  	_ =	shalt  }
0x76: {  	_ =	shalt  }
0x77: {  	_ =	shalt  }
0x78: {  	_ =	shalt  }
0x79: {  	_ =	shalt  }
0x7a: {  	_ =	shalt  }
0x7b: {  	_ =	shalt  }
0x7c: {  	_ =	shalt  }
0x7d: {  	_ =	shalt  }
0x7e: {  	_ =	shalt  }
0x7f: {  	_ =	shalt  }
0x80: {  	_ =	shalt  }
0x81: {  	_ =	shalt  }
0x82: {  	_ =	shalt  }
0x83: {  	_ =	shalt  }
0x84: {  	_ =	shalt  }
0x85: {  	_ =	shalt  }
0x86: {  	_ =	shalt  }
0x87: {  	_ =	shalt  }
.Lfunc_end0:
.L_simem_size_0:
called_computation.4_lowered:
.L_overlay_start_0:
0x88: {  	s2 =	sld [smem:$0x3FD9]  }
0x89: {  	s3 =	sld [smem:$0x3FFE];
	_ =	sdelay $0x1  }
0x8a: {  	s1 =	srdreg.scid  }
0x8b: {  	s0 =	sand.u32 $0x1, s1  }
0x8c: {  	s15 =	sshll.u32 s0, $0xA;
	s2 =	sadd.s32 s3, s2  }
0x8d: {  	s2 =	sadd.s32 s2, s15  }
0x8e: {  	[smem:$0x3FB9] =	sst s2  }
0x8f: {  	_ = 	snop  }
0x90: {  	s2 =	sld [smem:$0x3FD0];
	_ =	sdelay $0x2  }
0x91: {  	s4 =	simm.s32 $0xC;
	s16 =	simm.s32 $0x10  }
0x92: {  	[smem:s16], [sflag:s4] =	dma.local [hbm:s2], $0x1  }
0x93: {  	_ =	swait.eq [sflag:s4], $0x1  }
0x94: {  	[sflag:s4] =	ssyncset.done $0x0  }
0x95: {  	s17 =	sld [smem:$0x10];
	[sflag:s4] =	ssyncadd.s32 $0xFFFFFFFF  }
0x96: {  	s18 =	sld [smem:$0x11];
	(tm) =	ssettm $0x1  }
0x97: {  	s19 =	sld [smem:$0x3FFB];
	_ =	sdelay $0x3  }
0x98: {  	_ =	strace s19  }
0x99: {  	s2 =	sld [smem:$0x3FFC];
	_ =	sdelay $0x3  }
0x9a: {  	_ =	strace s2  }
0x9b: {  	s2 =	sld [smem:$0x3FFD];
	_ =	sdelay $0x3  }
0x9c: {  	_ =	strace s2  }
0x9d: {  	_ =	strace $0x8FFFFFFF  }
0x9e: {  	s20 =	sld [smem:$0x3FDB];
	_ =	sdelay $0x1  }
0x9f: {  	s5 =	simm.s32 $_scs_section_size  }
0xa0: {  	s6 =	simm.s32 $_size__tile_overlayer_lowered;
	s7 =	simm.s32 $_tile_overlayer_lowered  }
0xa1: {  	s8 =	simm.s32 $0x1BFF;
	s21 =	sshll.u32 s7, $0x1;
	s5 =	sadd.s32 s5, s20  }
0xa2: {  	s22 =	simm.s32 $0x0;
	s6 =	sshll.u32 s6, $0x1;
	s7 =	sadd.s32 s21, s5  }
0xa3: {  	[timem:s22], [sflag:s8] =	dma.local [hbm:s7], s6  }
0xa4: {  	_ =	swait.ge [sflag:s8], s6  }
0xa5: {  	s6 =	ssub.s32 $0x0, s6;
	[sflag:s8] =	ssyncset.done $0x0  }
0xa6: {  	[sflag:s8] =	ssyncadd.s32 s6;
	_ =	sdelay $0x1  }
0xa7: {  	s23 =	simm.s32 $0x1B8B  }
0xa8: {  	_ =	swait.ge [sflag:s23], $0x1  }
0xa9: {  	[sflag:s23] =	ssyncset.done $0x0  }
0xaa: {  	[sflag:s23] =	ssyncadd.s32 $0xFFFFFFFF  }
0xab: {  	s6 =	sld [smem:$0x0]  }
0xac: {  	s7 =	sand.u32 $0xFFFFFFFE, s1  }
0xad: {  	p0 =	sne.s32 s1, s7  }
0xae: {  	s7 =	sshll.u32 @p0 s7, $0xE  }
0xaf: {  	s7 =	sadd.s32 @p0 $0x11B8D, s7;
	s8 =	sshll.u32 @p0 s6, $0x11  }
0xb0: {  	s7 =	sor.u32 @p0 s8, s7  }
0xb1: {  	[sflag:s7] =	ssyncadd.remote.s32 @p0 $0x1;
	_ =	sdelay $0x1  }
0xb2: {  	s7 =	simm.s32 @p0 $0x1B8D  }
0xb3: {  	_ =	swait.eq @p0 [sflag:s7], $0x1  }
0xb4: {  	[sflag:s7] =	ssyncadd.s32 @p0 $0xFFFFFFFF  }
0xb5: {  	s8 =	sshll.u32 @!p0 s1, $0xE  }
0xb6: {  	s8 =	sor.u32 @!p0 $0x4000, s8;
	s7 =	simm.s32 @!p0 $0x1B8D  }
0xb7: {  	s6 =	sshll.u32 @!p0 s6, $0x11;
	s8 =	sadd.s32 @!p0 $0x11B8D, s8;
	_ =	swait.eq @!p0 [sflag:s7], $0x1  }
0xb8: {  	s6 =	sor.u32 @!p0 s6, s8;
	[sflag:s7] =	ssyncadd.s32 @!p0 $0xFFFFFFFF  }
0xb9: {  	s25 =	simm.s32 $0x1B8E;
	s24 =	sld [smem:$0x3FFE];
	[sflag:s6] =	ssyncadd.remote.s32 @!p0 $0x1  }
0xba: {  	s26 =	simm.s32 $execute0_lowered;
	[smem:$0x3FD2] =	sst s25  }
0xbb: {  	s7 =	sshll.u32 s26, $0x1;
	_ =	strace $0x8000004F;
	[dreg:$0x1] =	wrdreg $0xFFFFFFFF  }
0xbc: {  	s28 =	simm.s32 $_size_execute0_lowered;
	s5 =	sadd.s32 s5, s7;
	[dreg:$0x0] =	wrdreg $0x0  }
0xbd: {  	s7 =	sshll.u32 s28, $0x1;
	[dreg:$0x2] =	wrdreg s5  }
0xbe: {  	[dreg:$0x3] =	wrdreg s7  }
0xbf: {  	[dreg:$0x4] =	wrdreg $0xC0  }
0xc0: {  	_ =	task [dreg:s22], $0x5FFFF  }
0xc1: {  	[dreg:$0x1] =	wrdreg $0xFFFFFFFF  }
0xc2: {  	[dreg:$0x0] =	wrdreg $0x60  }
0xc3: {  	[dreg:$0x2] =	wrdreg s18  }
0xc4: {  	[dreg:$0x3] =	wrdreg s17  }
0xc5: {  	[dreg:$0x4] =	wrdreg s24  }
0xc6: {  	[dreg:$0x5] =	wrdreg $0x44000  }
0xc7: {  	[dreg:$0x6] =	wrdreg $0xA  }
0xc8: {  	_ =	task.clear_ibuf [dreg:s22], $0x7FFFF;
	_ =	strace $0x9000004F  }
0xc9: {  	s29 =	simm.s32 $0xA;
	_ =	strace $0x80000051  }
0xca: {  	_ =	swait.ge [sflag:s29], $0x1  }
0xcb: {  	[sflag:s29] =	ssyncadd.s32 $0xFFFFFFFF  }
0xcc: {  	_ =	strace $0x90000051  }
0xcd: {  	_ =	sfence  }
0xce: {  	s30 =	sld [smem:$0x0];
	_ =	sdelay $0x2  }
0xcf: {  	s31 =	sshll.u32 s1, $0xD;
	s1 =	sshrl.u32 s1, $0x2  }
0xd0: {  	s4 =	sand.u32 $0x4000, s31;
	s1 =	sadd.s32 s1, s30  }
0xd1: {  	s0 =	sor.u32 s4, s0;
	s1 =	sshll.u32 s1, $0x11  }
0xd2: {  	s0 =	sor.u32 s1, s0  }
0xd3: {  	s0 =	sadd.s32 $0x8F2B, s0  }
0xd4: {  	[sflag:s0] =	ssyncadd.remote.s32 $0x1  }
0xd5: {  	_ =	sfence.sel $0xFFFF  }
0xd6: {  	[dreg:$0x0] =	wrdreg $0xFFFFFFFF;
	(pc) =	sbr.abs _section_cstart, $3  }
0xd7: {  	[dreg:$0x1] =	wrdreg $0xFFFFFFFF  }
0xd8: {  	_ =	task.clear_ibuf [dreg:s22], $0x2FFFF;
	_ =	strace $0x9FFFFFFF  }
0xd9: {  	(tm) =	ssettm $0x7FFFFFFF  }
tec
execute0_lowered:
.L_overlay_start_1:
0x0: {  	(tag) =	ssettag $0x1  }
0x1: {  	s1 =	rddreg [dreg:$0x0]  }
0x2: {  	s3 =	rddreg [dreg:$0x1]  }
0x3: {  	s0 =	rddreg [dreg:$0x2]  }
0x4: {  	s4 =	rddreg [dreg:$0x3]  }
0x5: {  	s11 =	stileid.u32;
	s5 =	simm.s32 $0x0;
	s6 =	srdreg.scid  }
0x6: {  	s13 =	simm.s32 $0x4;
	s14 =	simm.s32 $0x200;
	s15 =	simm.s32 $0x1  }
0x7: {  	s16 =	simm.s32 $0x80;
	s17 =	simm.s32 $0x400;
	s18 =	simm.s32 $0x1400  }
0x8: {  	s19 =	simm.s32 $0x100;
	s20 =	simm.s32 $0x2400;
	s21 =	simm.s32 $0x180  }
0x9: {  	s22 =	simm.s32 $0x3400;
	s23 =	simm.s32 $0x2;
	s25 =	simm.s32 $0x280  }
0xa: {  	s28 =	simm.s32 $0x380;
	s29 =	simm.s32 $0x3;
	s2 =	smul.u32 $0x1880, s11  }
0xb: {  	s30 =	simm.s32 $0x0;
	[smem:$0x7FF] =	sst s5;
	s7 =	smul.u32 $0x19000, s11  }
0xc: {  	s6 =	sand.u32 $0x1, s6;
	s31 =	sshll.u32 s11, $0x6;
	_ =	strace $0x80000050  }
0xd: {  	s8 =	ssub.s32 $0x2, s6;
	p0 =	seq.s32 s6, $0x1;
	s2 =	sadd.s32 s2, s0  }
0xe: {  	s24 =	sshrl.u32 s7, $0x3;
	s9 =	sshrl.u32 s8, $0x1;
	s12 =	sadd.s32 s7, s4  }
.Ltmp0:
0xf: {  	s10 =	sadd.s32 s24, s0;
	s8 =	ssub.s32 s8, s9;
	(pc) =	sbr.rel .LBB2_1-.Ltmp0, $4  }
0x10: {  	s0 =	sadd.s32 $0x192800, s0;
	s9 =	sor.u32 $0x1C04, s31;
	s11 =	sadd.s32 $0xCC800, s2  }
0x11: {  	s12 =	sshrl.u32 s12, $0x3;
	s6 =	sadd.s32 $0x12E800, s10;
	s26 =	sadd.s32 $0x160800, s10  }
0x12: {  	s8 =	smax.u32 s8, $0x1;
	s0 =	sadd.s32 s24, s0;
	[dreg:$0x5] =	wrdreg s26  }
0x13: {  	s10 =	sadd.s32 $0xE5000, s2;
	[dreg:$0x6] =	wrdreg s0;
	s26 =	simm.s32 $0x300  }
.LBB2_7:
0x14: {  	s0 =	sadd.s32 s31, s11;
	[sflag:s29] =	ssyncadd.s32 $0xFFFFF000  }
0x15: {  	[tilespmem:s5], [sflag:$0x1] =	stream.linear.gather [hbm4b:s0+s5], $0x200, $0x38;
	[tilespmem:$0x1D400] =	vst v63  }
0x16: {  	s31 =	sadd.s32 s31, s10  }
0x17: {  	[tilespmem:s14], [sflag:$0x1] =	stream.linear.gather [hbm4b:s31+s5], $0x200, $0x38;
	[tilespmem:$0x1D400] =	vst v63  }
0x18: {  	_ =	swait.ge [sflag:s15], $0x200  }
0x19: {  	[sflag:s15] =	ssyncset.done $0x0  }
0x1a: {  	[sflag:s15] =	ssyncadd.s32 $0xFFFFFE00  }
0x1b: {  	_ =	swait.ge [sflag:s15], $0x200  }
0x1c: {  	[sflag:s15] =	ssyncset.done $0x0  }
0x1d: {  	[sflag:s15] =	ssyncadd.s32 $0xFFFFFE00  }
0x1e: {  	[tilespmem:s17], [sflag:$0x2] =	stream.indirect.gather [hbm4b:s3+s16], $0x20, s5, s16, $0xb8;
	[tilespmem:$0x1D400] =	vst v63  }
0x1f: {  	_ = 	snop  }
0x20: {  	[tilespmem:s18], [sflag:$0x2] =	stream.indirect.gather [hbm4b:s3+s16], $0x20, s16, s16, $0xb8;
	[tilespmem:$0x1D400] =	vst v63  }
0x21: {  	_ = 	snop  }
0x22: {  	[tilespmem:s20], [sflag:$0x2] =	stream.indirect.gather [hbm4b:s3+s16], $0x20, s19, s16, $0xb8;
	[tilespmem:$0x1D400] =	vst v63  }
0x23: {  	_ = 	snop  }
0x24: {  	[tilespmem:s22], [sflag:$0x2] =	stream.indirect.gather [hbm4b:s3+s16], $0x20, s21, s16, $0xb8;
	[tilespmem:$0x1D400] =	vst v63  }
0x25: {  	_ =	swait.ge [sflag:s23], $0x1000  }
0x26: {  	[sflag:s23] =	ssyncset.done $0x0  }
0x27: {  	[sflag:s23] =	ssyncadd.s32 $0xFFFFF000  }
0x28: {  	_ =	swait.ge [sflag:s23], $0x1000  }
0x29: {  	[sflag:s23] =	ssyncset.done $0x0  }
0x2a: {  	[sflag:s23] =	ssyncadd.s32 $0xFFFFF000  }
0x2b: {  	_ =	swait.ge [sflag:s23], $0x1000  }
0x2c: {  	[sflag:s23] =	ssyncset.done $0x0  }
0x2d: {  	[sflag:s23] =	ssyncadd.s32 $0xFFFFF000  }
0x2e: {  	_ =	swait.ge [sflag:s23], $0x1000  }
0x2f: {  	[sflag:s23] =	ssyncset.done $0x0  }
0x30: {  	[sflag:s23] =	ssyncadd.s32 $0xFFFFF000  }
0x31: {  	[spmem:s4] =	stream.indirect.scatter.add.f32 [tilespmem:s17], [sflag:$0x3], $0x20, s14, s16, $0xb8;
	[tilespmem:$0x1D400] =	vst v63  }
0x32: {  	_ = 	snop  }
0x33: {  	[spmem:s4] =	stream.indirect.scatter.add.f32 [tilespmem:s18], [sflag:$0x3], $0x20, s25, s16, $0xb8;
	[tilespmem:$0x1D400] =	vst v63  }
0x34: {  	_ = 	snop  }
0x35: {  	[spmem:s4] =	stream.indirect.scatter.add.f32 [tilespmem:s20], [sflag:$0x3], $0x20, s26, s16, $0xb8;
	[tilespmem:$0x1D400] =	vst v63  }
0x36: {  	_ = 	snop  }
0x37: {  	[spmem:s4] =	stream.indirect.scatter.add.f32 [tilespmem:s22], [sflag:$0x3], $0x20, s28, s16, $0xb8;
	[tilespmem:$0x1D400] =	vst v63  }
0x38: {  	_ =	swait.ge [sflag:s29], $0x1000  }
0x39: {  	[sflag:s29] =	ssyncset.done $0x0  }
0x3a: {  	[sflag:s29] =	ssyncadd.s32 $0xFFFFF000  }
0x3b: {  	_ =	swait.ge [sflag:s29], $0x1000  }
0x3c: {  	[sflag:s29] =	ssyncset.done $0x0  }
0x3d: {  	[sflag:s29] =	ssyncadd.s32 $0xFFFFF000  }
0x3e: {  	_ =	swait.ge [sflag:s29], $0x1000  }
0x3f: {  	[sflag:s29] =	ssyncset.done $0x0  }
0x40: {  	[sflag:s29] =	ssyncadd.s32 $0xFFFFF000  }
0x41: {  	_ =	swait.ge [sflag:s29], $0x1000  }
0x42: {  	[sflag:s29] =	ssyncset.done $0x0  }
0x43: {  	[sflag:s29] =	ssyncadd.s32 $0xFFFFF000  }
0x44: {  	[bflag:$0x0] =	sbarrier.arrive $0xFFFF  }
0x45: {  	s0 =	rddreg [dreg:$0x6]  }
.LBB2_8:
0x46: {  	s30 =	sadd.s32 $0x1, s30  }
0x47: {  	p1 =	sne.s32 s30, s8  }
.Ltmp1:
0x48: {  	_ = 	snop;
	(pc) =	sbr.rel @!p1 .LBB2_9-.Ltmp1, $4  }
0x49: {  	[hbm:s0], [sflag:s9] =	dma.local [spmem:s12], $0x3200  }
0x4a: {  	_ =	swait.ge [sflag:s13], $0x3200  }
0x4b: {  	[sflag:s13] =	ssyncset.done $0x0  }
0x4c: {  	[sflag:s13] =	ssyncadd.s32 $0xFFFFCE00  }
.LBB2_1:
0x4d: {  	[spmem:s12], [sflag:s9] =	dma.local [hbm:s6], $0x3200  }
.Ltmp2:
0x4e: {  	_ =	swait.ge [sflag:s13], $0x3200;
	(pc) =	sbr.rel @!p0 .LBB2_2-.Ltmp2, $4  }
0x4f: {  	[sflag:s13] =	ssyncset.done $0x0  }
0x50: {  	[sflag:s13] =	ssyncadd.s32 $0xFFFFCE00  }
0x51: {  	[bflag:$0x0] =	sbarrier.arrive $0xFFFF  }
0x52: {  	s0 =	sadd.s32 $0x0, s11  }
0x53: {  	[tilespmem:s5], [sflag:$0x1] =	stream.linear.gather [hbm4b:s0+s5], $0x200, $0x38;
	[tilespmem:$0x1D400] =	vst v63  }
0x54: {  	s24 =	sadd.s32 $0x0, s10  }
0x55: {  	[tilespmem:s14], [sflag:$0x1] =	stream.linear.gather [hbm4b:s24+s5], $0x200, $0x38;
	[tilespmem:$0x1D400] =	vst v63  }
0x56: {  	_ =	swait.ge [sflag:s15], $0x200  }
0x57: {  	[sflag:s15] =	ssyncset.done $0x0  }
0x58: {  	[sflag:s15] =	ssyncadd.s32 $0xFFFFFE00  }
0x59: {  	_ =	swait.ge [sflag:s15], $0x200  }
0x5a: {  	[sflag:s15] =	ssyncset.done $0x0  }
0x5b: {  	[sflag:s15] =	ssyncadd.s32 $0xFFFFFE00  }
0x5c: {  	[tilespmem:s17], [sflag:$0x2] =	stream.indirect.gather [hbm4b:s3+s16], $0x20, s5, s16, $0xb8;
	[tilespmem:$0x1D400] =	vst v63  }
0x5d: {  	_ = 	snop  }
0x5e: {  	[tilespmem:s18], [sflag:$0x2] =	stream.indirect.gather [hbm4b:s3+s16], $0x20, s16, s16, $0xb8;
	[tilespmem:$0x1D400] =	vst v63  }
0x5f: {  	_ = 	snop  }
0x60: {  	[tilespmem:s20], [sflag:$0x2] =	stream.indirect.gather [hbm4b:s3+s16], $0x20, s19, s16, $0xb8;
	[tilespmem:$0x1D400] =	vst v63  }
0x61: {  	_ = 	snop  }
0x62: {  	[tilespmem:s22], [sflag:$0x2] =	stream.indirect.gather [hbm4b:s3+s16], $0x20, s21, s16, $0xb8;
	[tilespmem:$0x1D400] =	vst v63  }
0x63: {  	_ =	swait.ge [sflag:s23], $0x1000  }
0x64: {  	[sflag:s23] =	ssyncset.done $0x0  }
0x65: {  	[sflag:s23] =	ssyncadd.s32 $0xFFFFF000  }
0x66: {  	_ =	swait.ge [sflag:s23], $0x1000  }
0x67: {  	[sflag:s23] =	ssyncset.done $0x0  }
0x68: {  	[sflag:s23] =	ssyncadd.s32 $0xFFFFF000  }
0x69: {  	_ =	swait.ge [sflag:s23], $0x1000  }
0x6a: {  	[sflag:s23] =	ssyncset.done $0x0  }
0x6b: {  	[sflag:s23] =	ssyncadd.s32 $0xFFFFF000  }
0x6c: {  	_ =	swait.ge [sflag:s23], $0x1000  }
0x6d: {  	[sflag:s23] =	ssyncset.done $0x0  }
0x6e: {  	[sflag:s23] =	ssyncadd.s32 $0xFFFFF000  }
0x6f: {  	[spmem:s4] =	stream.indirect.scatter.add.f32 [tilespmem:s17], [sflag:$0x3], $0x20, s14, s16, $0xb8;
	[tilespmem:$0x1D400] =	vst v63  }
0x70: {  	_ = 	snop  }
0x71: {  	[spmem:s4] =	stream.indirect.scatter.add.f32 [tilespmem:s18], [sflag:$0x3], $0x20, s25, s16, $0xb8;
	[tilespmem:$0x1D400] =	vst v63  }
0x72: {  	_ = 	snop  }
0x73: {  	[spmem:s4] =	stream.indirect.scatter.add.f32 [tilespmem:s20], [sflag:$0x3], $0x20, s26, s16, $0xb8;
	[tilespmem:$0x1D400] =	vst v63  }
0x74: {  	_ = 	snop  }
0x75: {  	[spmem:s4] =	stream.indirect.scatter.add.f32 [tilespmem:s22], [sflag:$0x3], $0x20, s28, s16, $0xb8;
	[tilespmem:$0x1D400] =	vst v63  }
0x76: {  	_ =	swait.ge [sflag:s29], $0x1000  }
0x77: {  	[sflag:s29] =	ssyncset.done $0x0  }
0x78: {  	[sflag:s29] =	ssyncadd.s32 $0xFFFFF000  }
0x79: {  	_ =	swait.ge [sflag:s29], $0x1000  }
0x7a: {  	[sflag:s29] =	ssyncset.done $0x0  }
0x7b: {  	[sflag:s29] =	ssyncadd.s32 $0xFFFFF000  }
0x7c: {  	_ =	swait.ge [sflag:s29], $0x1000  }
0x7d: {  	[sflag:s29] =	ssyncset.done $0x0  }
0x7e: {  	[sflag:s29] =	ssyncadd.s32 $0xFFFFF000  }
0x7f: {  	_ =	swait.ge [sflag:s29], $0x1000  }
0x80: {  	s31 =	simm.s32 $0x40;
	s2 =	simm.s32 $0x80;
	[sflag:s29] =	ssyncset.done $0x0  }
.LBB2_6:
0x81: {  	s7 =	sadd.s32 s31, s11  }
0x82: {  	[sflag:s29] =	ssyncadd.s32 $0xFFFFF000;
	s24 =	smov.u32 s2;
	s0 =	sadd.s32 $0x40, s2  }
0x83: {  	[tilespmem:s5], [sflag:$0x1] =	stream.linear.gather [hbm4b:s7+s5], $0x200, $0x38;
	[tilespmem:$0x1D400] =	vst v63  }
0x84: {  	p1 =	sne.s32 s2, $0x1840;
	s2 =	sadd.s32 s31, s10;
	s31 =	smov.u32 s24  }
0x85: {  	[tilespmem:s14], [sflag:$0x1] =	stream.linear.gather [hbm4b:s2+s5], $0x200, $0x38;
	[tilespmem:$0x1D400] =	vst v63  }
0x86: {  	_ =	swait.ge [sflag:s15], $0x200  }
0x87: {  	[sflag:s15] =	ssyncset.done $0x0  }
0x88: {  	[sflag:s15] =	ssyncadd.s32 $0xFFFFFE00  }
0x89: {  	_ =	swait.ge [sflag:s15], $0x200  }
0x8a: {  	[sflag:s15] =	ssyncset.done $0x0  }
0x8b: {  	[sflag:s15] =	ssyncadd.s32 $0xFFFFFE00  }
0x8c: {  	[tilespmem:s17], [sflag:$0x2] =	stream.indirect.gather [hbm4b:s3+s16], $0x20, s5, s16, $0xb8;
	[tilespmem:$0x1D400] =	vst v63  }
0x8d: {  	_ = 	snop  }
0x8e: {  	[tilespmem:s18], [sflag:$0x2] =	stream.indirect.gather [hbm4b:s3+s16], $0x20, s16, s16, $0xb8;
	[tilespmem:$0x1D400] =	vst v63  }
0x8f: {  	_ = 	snop  }
0x90: {  	[tilespmem:s20], [sflag:$0x2] =	stream.indirect.gather [hbm4b:s3+s16], $0x20, s19, s16, $0xb8;
	[tilespmem:$0x1D400] =	vst v63  }
0x91: {  	_ = 	snop  }
0x92: {  	[tilespmem:s22], [sflag:$0x2] =	stream.indirect.gather [hbm4b:s3+s16], $0x20, s21, s16, $0xb8;
	[tilespmem:$0x1D400] =	vst v63  }
0x93: {  	_ =	swait.ge [sflag:s23], $0x1000  }
0x94: {  	[sflag:s23] =	ssyncset.done $0x0  }
0x95: {  	[sflag:s23] =	ssyncadd.s32 $0xFFFFF000  }
0x96: {  	_ =	swait.ge [sflag:s23], $0x1000  }
0x97: {  	[sflag:s23] =	ssyncset.done $0x0  }
0x98: {  	[sflag:s23] =	ssyncadd.s32 $0xFFFFF000  }
0x99: {  	_ =	swait.ge [sflag:s23], $0x1000  }
0x9a: {  	[sflag:s23] =	ssyncset.done $0x0  }
0x9b: {  	[sflag:s23] =	ssyncadd.s32 $0xFFFFF000  }
0x9c: {  	_ =	swait.ge [sflag:s23], $0x1000  }
0x9d: {  	[sflag:s23] =	ssyncset.done $0x0  }
0x9e: {  	[sflag:s23] =	ssyncadd.s32 $0xFFFFF000  }
0x9f: {  	[spmem:s4] =	stream.indirect.scatter.add.f32 [tilespmem:s17], [sflag:$0x3], $0x20, s14, s16, $0xb8;
	[tilespmem:$0x1D400] =	vst v63  }
0xa0: {  	_ = 	snop  }
0xa1: {  	[spmem:s4] =	stream.indirect.scatter.add.f32 [tilespmem:s18], [sflag:$0x3], $0x20, s25, s16, $0xb8;
	[tilespmem:$0x1D400] =	vst v63  }
0xa2: {  	_ = 	snop  }
0xa3: {  	[spmem:s4] =	stream.indirect.scatter.add.f32 [tilespmem:s20], [sflag:$0x3], $0x20, s26, s16, $0xb8;
	[tilespmem:$0x1D400] =	vst v63  }
0xa4: {  	_ = 	snop  }
0xa5: {  	[spmem:s4] =	stream.indirect.scatter.add.f32 [tilespmem:s22], [sflag:$0x3], $0x20, s28, s16, $0xb8;
	[tilespmem:$0x1D400] =	vst v63  }
0xa6: {  	_ =	swait.ge [sflag:s29], $0x1000  }
0xa7: {  	[sflag:s29] =	ssyncset.done $0x0  }
0xa8: {  	[sflag:s29] =	ssyncadd.s32 $0xFFFFF000  }
0xa9: {  	_ =	swait.ge [sflag:s29], $0x1000  }
0xaa: {  	[sflag:s29] =	ssyncset.done $0x0  }
0xab: {  	[sflag:s29] =	ssyncadd.s32 $0xFFFFF000  }
.Ltmp3:
0xac: {  	_ =	swait.ge [sflag:s29], $0x1000;
	(pc) =	sbr.rel @p1 .LBB2_6-.Ltmp3, $4  }
0xad: {  	[sflag:s29] =	ssyncset.done $0x0  }
0xae: {  	[sflag:s29] =	ssyncadd.s32 $0xFFFFF000  }
0xaf: {  	_ =	swait.ge [sflag:s29], $0x1000  }
0xb0: {  	s2 =	smov.u32 s0;
	[sflag:s29] =	ssyncset.done $0x0  }
.Ltmp4:
0xb1: {  	_ = 	snop;
	(pc) =	sbr.rel .LBB2_7-.Ltmp4, $1  }
0xb2: {  	_ =	sdelay $0x3  }
.LBB2_2:
0xb3: {  	[tilespmem:s5], [sflag:$0x1] =	stream.linear.gather [hbm4b:s0+s5], $0x200, $0x38;
	[tilespmem:$0x1D400] =	vst v63  }
0xb4: {  	s24 =	sadd.s32 $0x0, s10  }
0xb5: {  	[tilespmem:s14], [sflag:$0x1] =	stream.linear.gather [hbm4b:s24+s5], $0x200, $0x38;
	[tilespmem:$0x1D400] =	vst v63  }
0xb6: {  	_ =	swait.ge [sflag:s15], $0x200  }
0xb7: {  	[sflag:s15] =	ssyncset.done $0x0  }
0xb8: {  	[sflag:s15] =	ssyncadd.s32 $0xFFFFFE00  }
0xb9: {  	_ =	swait.ge [sflag:s15], $0x200  }
0xba: {  	[sflag:s15] =	ssyncset.done $0x0  }
0xbb: {  	[sflag:s15] =	ssyncadd.s32 $0xFFFFFE00  }
0xbc: {  	[tilespmem:s17], [sflag:$0x2] =	stream.indirect.gather [hbm4b:s1+s16], $0x20, s5, s16, $0xb8;
	[tilespmem:$0x1D400] =	vst v63  }
0xbd: {  	_ = 	snop  }
0xbe: {  	[tilespmem:s18], [sflag:$0x2] =	stream.indirect.gather [hbm4b:s1+s16], $0x20, s16, s16, $0xb8;
	[tilespmem:$0x1D400] =	vst v63  }
0xbf: {  	_ = 	snop  }
0xc0: {  	[tilespmem:s20], [sflag:$0x2] =	stream.indirect.gather [hbm4b:s1+s16], $0x20, s19, s16, $0xb8;
	[tilespmem:$0x1D400] =	vst v63  }
0xc1: {  	_ = 	snop  }
0xc2: {  	[tilespmem:s22], [sflag:$0x2] =	stream.indirect.gather [hbm4b:s1+s16], $0x20, s21, s16, $0xb8;
	[tilespmem:$0x1D400] =	vst v63  }
0xc3: {  	_ =	swait.ge [sflag:s23], $0x1000  }
0xc4: {  	[sflag:s23] =	ssyncset.done $0x0  }
0xc5: {  	[sflag:s23] =	ssyncadd.s32 $0xFFFFF000  }
0xc6: {  	_ =	swait.ge [sflag:s23], $0x1000  }
0xc7: {  	[sflag:s23] =	ssyncset.done $0x0  }
0xc8: {  	[sflag:s23] =	ssyncadd.s32 $0xFFFFF000  }
0xc9: {  	_ =	swait.ge [sflag:s23], $0x1000  }
0xca: {  	[sflag:s23] =	ssyncset.done $0x0  }
0xcb: {  	[sflag:s23] =	ssyncadd.s32 $0xFFFFF000  }
0xcc: {  	_ =	swait.ge [sflag:s23], $0x1000  }
0xcd: {  	[sflag:s23] =	ssyncset.done $0x0  }
0xce: {  	[sflag:s23] =	ssyncadd.s32 $0xFFFFF000  }
0xcf: {  	[spmem:s4] =	stream.indirect.scatter.add.f32 [tilespmem:s17], [sflag:$0x3], $0x20, s14, s16, $0xb8;
	[tilespmem:$0x1D400] =	vst v63  }
0xd0: {  	_ = 	snop  }
0xd1: {  	[spmem:s4] =	stream.indirect.scatter.add.f32 [tilespmem:s18], [sflag:$0x3], $0x20, s25, s16, $0xb8;
	[tilespmem:$0x1D400] =	vst v63  }
0xd2: {  	_ = 	snop  }
0xd3: {  	[spmem:s4] =	stream.indirect.scatter.add.f32 [tilespmem:s20], [sflag:$0x3], $0x20, s26, s16, $0xb8;
	[tilespmem:$0x1D400] =	vst v63  }
0xd4: {  	_ = 	snop  }
0xd5: {  	[spmem:s4] =	stream.indirect.scatter.add.f32 [tilespmem:s22], [sflag:$0x3], $0x20, s28, s16, $0xb8;
	[tilespmem:$0x1D400] =	vst v63  }
0xd6: {  	_ =	swait.ge [sflag:s29], $0x1000  }
0xd7: {  	[sflag:s29] =	ssyncset.done $0x0  }
0xd8: {  	[sflag:s29] =	ssyncadd.s32 $0xFFFFF000  }
0xd9: {  	_ =	swait.ge [sflag:s29], $0x1000  }
0xda: {  	[sflag:s29] =	ssyncset.done $0x0  }
0xdb: {  	[sflag:s29] =	ssyncadd.s32 $0xFFFFF000  }
0xdc: {  	_ =	swait.ge [sflag:s29], $0x1000  }
0xdd: {  	[sflag:s29] =	ssyncset.done $0x0  }
0xde: {  	[sflag:s29] =	ssyncadd.s32 $0xFFFFF000  }
0xdf: {  	_ =	swait.ge [sflag:s29], $0x1000  }
0xe0: {  	s31 =	simm.s32 $0x40;
	s0 =	simm.s32 $0x80;
	[sflag:s29] =	ssyncset.done $0x0  }
.LBB2_3:
0xe1: {  	s7 =	sadd.s32 s31, s11  }
0xe2: {  	[sflag:s29] =	ssyncadd.s32 $0xFFFFF000;
	s24 =	smov.u32 s0;
	s2 =	sadd.s32 $0x40, s0  }
0xe3: {  	[tilespmem:s5], [sflag:$0x1] =	stream.linear.gather [hbm4b:s7+s5], $0x200, $0x38;
	[tilespmem:$0x1D400] =	vst v63  }
0xe4: {  	p1 =	sne.s32 s0, $0x1840;
	s0 =	sadd.s32 s31, s10;
	s31 =	smov.u32 s24  }
0xe5: {  	[tilespmem:s14], [sflag:$0x1] =	stream.linear.gather [hbm4b:s0+s5], $0x200, $0x38;
	[tilespmem:$0x1D400] =	vst v63  }
0xe6: {  	_ =	swait.ge [sflag:s15], $0x200  }
0xe7: {  	[sflag:s15] =	ssyncset.done $0x0  }
0xe8: {  	[sflag:s15] =	ssyncadd.s32 $0xFFFFFE00  }
0xe9: {  	_ =	swait.ge [sflag:s15], $0x200  }
0xea: {  	[sflag:s15] =	ssyncset.done $0x0  }
0xeb: {  	[sflag:s15] =	ssyncadd.s32 $0xFFFFFE00  }
0xec: {  	[tilespmem:s17], [sflag:$0x2] =	stream.indirect.gather [hbm4b:s1+s16], $0x20, s5, s16, $0xb8;
	[tilespmem:$0x1D400] =	vst v63  }
0xed: {  	_ = 	snop  }
0xee: {  	[tilespmem:s18], [sflag:$0x2] =	stream.indirect.gather [hbm4b:s1+s16], $0x20, s16, s16, $0xb8;
	[tilespmem:$0x1D400] =	vst v63  }
0xef: {  	_ = 	snop  }
0xf0: {  	[tilespmem:s20], [sflag:$0x2] =	stream.indirect.gather [hbm4b:s1+s16], $0x20, s19, s16, $0xb8;
	[tilespmem:$0x1D400] =	vst v63  }
0xf1: {  	_ = 	snop  }
0xf2: {  	[tilespmem:s22], [sflag:$0x2] =	stream.indirect.gather [hbm4b:s1+s16], $0x20, s21, s16, $0xb8;
	[tilespmem:$0x1D400] =	vst v63  }
0xf3: {  	_ =	swait.ge [sflag:s23], $0x1000  }
0xf4: {  	[sflag:s23] =	ssyncset.done $0x0  }
0xf5: {  	[sflag:s23] =	ssyncadd.s32 $0xFFFFF000  }
0xf6: {  	_ =	swait.ge [sflag:s23], $0x1000  }
0xf7: {  	[sflag:s23] =	ssyncset.done $0x0  }
0xf8: {  	[sflag:s23] =	ssyncadd.s32 $0xFFFFF000  }
0xf9: {  	_ =	swait.ge [sflag:s23], $0x1000  }
0xfa: {  	[sflag:s23] =	ssyncset.done $0x0  }
0xfb: {  	[sflag:s23] =	ssyncadd.s32 $0xFFFFF000  }
0xfc: {  	_ =	swait.ge [sflag:s23], $0x1000  }
0xfd: {  	[sflag:s23] =	ssyncset.done $0x0  }
0xfe: {  	[sflag:s23] =	ssyncadd.s32 $0xFFFFF000  }
0xff: {  	[spmem:s4] =	stream.indirect.scatter.add.f32 [tilespmem:s17], [sflag:$0x3], $0x20, s14, s16, $0xb8;
	[tilespmem:$0x1D400] =	vst v63  }
0x100: {  	_ = 	snop  }
0x101: {  	[spmem:s4] =	stream.indirect.scatter.add.f32 [tilespmem:s18], [sflag:$0x3], $0x20, s25, s16, $0xb8;
	[tilespmem:$0x1D400] =	vst v63  }
0x102: {  	_ = 	snop  }
0x103: {  	[spmem:s4] =	stream.indirect.scatter.add.f32 [tilespmem:s20], [sflag:$0x3], $0x20, s26, s16, $0xb8;
	[tilespmem:$0x1D400] =	vst v63  }
0x104: {  	_ = 	snop  }
0x105: {  	[spmem:s4] =	stream.indirect.scatter.add.f32 [tilespmem:s22], [sflag:$0x3], $0x20, s28, s16, $0xb8;
	[tilespmem:$0x1D400] =	vst v63  }
0x106: {  	_ =	swait.ge [sflag:s29], $0x1000  }
0x107: {  	[sflag:s29] =	ssyncset.done $0x0  }
0x108: {  	[sflag:s29] =	ssyncadd.s32 $0xFFFFF000  }
0x109: {  	_ =	swait.ge [sflag:s29], $0x1000  }
0x10a: {  	[sflag:s29] =	ssyncset.done $0x0  }
0x10b: {  	[sflag:s29] =	ssyncadd.s32 $0xFFFFF000  }
.Ltmp5:
0x10c: {  	_ =	swait.ge [sflag:s29], $0x1000;
	(pc) =	sbr.rel @p1 .LBB2_3-.Ltmp5, $4  }
0x10d: {  	[sflag:s29] =	ssyncset.done $0x0  }
0x10e: {  	[sflag:s29] =	ssyncadd.s32 $0xFFFFF000  }
0x10f: {  	_ =	swait.ge [sflag:s29], $0x1000  }
0x110: {  	s0 =	smov.u32 s2;
	[sflag:s29] =	ssyncset.done $0x0  }
0x111: {  	s0 =	sadd.s32 s31, s11;
	[sflag:s29] =	ssyncadd.s32 $0xFFFFF000  }
0x112: {  	[tilespmem:s5], [sflag:$0x1] =	stream.linear.gather [hbm4b:s0+s5], $0x200, $0x38;
	[tilespmem:$0x1D400] =	vst v63  }
0x113: {  	s31 =	sadd.s32 s31, s10  }
0x114: {  	[tilespmem:s14], [sflag:$0x1] =	stream.linear.gather [hbm4b:s31+s5], $0x200, $0x38;
	[tilespmem:$0x1D400] =	vst v63  }
0x115: {  	_ =	swait.ge [sflag:s15], $0x200  }
0x116: {  	[sflag:s15] =	ssyncset.done $0x0  }
0x117: {  	[sflag:s15] =	ssyncadd.s32 $0xFFFFFE00  }
0x118: {  	_ =	swait.ge [sflag:s15], $0x200  }
0x119: {  	[sflag:s15] =	ssyncset.done $0x0  }
0x11a: {  	[sflag:s15] =	ssyncadd.s32 $0xFFFFFE00  }
0x11b: {  	[tilespmem:s17], [sflag:$0x2] =	stream.indirect.gather [hbm4b:s1+s16], $0x20, s5, s16, $0xb8;
	[tilespmem:$0x1D400] =	vst v63  }
0x11c: {  	_ = 	snop  }
0x11d: {  	[tilespmem:s18], [sflag:$0x2] =	stream.indirect.gather [hbm4b:s1+s16], $0x20, s16, s16, $0xb8;
	[tilespmem:$0x1D400] =	vst v63  }
0x11e: {  	_ = 	snop  }
0x11f: {  	[tilespmem:s20], [sflag:$0x2] =	stream.indirect.gather [hbm4b:s1+s16], $0x20, s19, s16, $0xb8;
	[tilespmem:$0x1D400] =	vst v63  }
0x120: {  	_ = 	snop  }
0x121: {  	[tilespmem:s22], [sflag:$0x2] =	stream.indirect.gather [hbm4b:s1+s16], $0x20, s21, s16, $0xb8;
	[tilespmem:$0x1D400] =	vst v63  }
0x122: {  	_ =	swait.ge [sflag:s23], $0x1000  }
0x123: {  	[sflag:s23] =	ssyncset.done $0x0  }
0x124: {  	[sflag:s23] =	ssyncadd.s32 $0xFFFFF000  }
0x125: {  	_ =	swait.ge [sflag:s23], $0x1000  }
0x126: {  	[sflag:s23] =	ssyncset.done $0x0  }
0x127: {  	[sflag:s23] =	ssyncadd.s32 $0xFFFFF000  }
0x128: {  	_ =	swait.ge [sflag:s23], $0x1000  }
0x129: {  	[sflag:s23] =	ssyncset.done $0x0  }
0x12a: {  	[sflag:s23] =	ssyncadd.s32 $0xFFFFF000  }
0x12b: {  	_ =	swait.ge [sflag:s23], $0x1000  }
0x12c: {  	[sflag:s23] =	ssyncset.done $0x0  }
0x12d: {  	[sflag:s23] =	ssyncadd.s32 $0xFFFFF000  }
0x12e: {  	[spmem:s4] =	stream.indirect.scatter.add.f32 [tilespmem:s17], [sflag:$0x3], $0x20, s14, s16, $0xb8;
	[tilespmem:$0x1D400] =	vst v63  }
0x12f: {  	_ = 	snop  }
0x130: {  	[spmem:s4] =	stream.indirect.scatter.add.f32 [tilespmem:s18], [sflag:$0x3], $0x20, s25, s16, $0xb8;
	[tilespmem:$0x1D400] =	vst v63  }
0x131: {  	_ = 	snop  }
0x132: {  	[spmem:s4] =	stream.indirect.scatter.add.f32 [tilespmem:s20], [sflag:$0x3], $0x20, s26, s16, $0xb8;
	[tilespmem:$0x1D400] =	vst v63  }
0x133: {  	_ = 	snop  }
0x134: {  	[spmem:s4] =	stream.indirect.scatter.add.f32 [tilespmem:s22], [sflag:$0x3], $0x20, s28, s16, $0xb8;
	[tilespmem:$0x1D400] =	vst v63  }
0x135: {  	_ =	swait.ge [sflag:s29], $0x1000  }
0x136: {  	[sflag:s29] =	ssyncset.done $0x0  }
0x137: {  	[sflag:s29] =	ssyncadd.s32 $0xFFFFF000  }
0x138: {  	_ =	swait.ge [sflag:s29], $0x1000  }
0x139: {  	[sflag:s29] =	ssyncset.done $0x0  }
0x13a: {  	[sflag:s29] =	ssyncadd.s32 $0xFFFFF000  }
0x13b: {  	_ =	swait.ge [sflag:s29], $0x1000  }
0x13c: {  	[sflag:s29] =	ssyncset.done $0x0  }
0x13d: {  	[sflag:s29] =	ssyncadd.s32 $0xFFFFF000  }
.Ltmp6:
0x13e: {  	_ =	swait.ge [sflag:s29], $0x1000;
	(pc) =	sbr.rel .LBB2_8-.Ltmp6, $4  }
0x13f: {  	[sflag:s29] =	ssyncset.done $0x0  }
0x140: {  	[sflag:s29] =	ssyncadd.s32 $0xFFFFF000  }
0x141: {  	[bflag:$0x0] =	sbarrier.arrive $0xFFFF  }
0x142: {  	s0 =	rddreg [dreg:$0x5]  }
.LBB2_9:
0x143: {  	_ =	sfence.sel $0x180000  }
0x144: {  	[bflag:$0x0] =	sbarrier.arrive $0xFFFF  }
0x145: {  	_ =	strace $0x90000050  }
0x146: {  	s0 =	stileid.u32;
	[bflag:$0x2] =	sbarrier.arrive $0xFFFF  }
0x147: {  	p0 =	sne.s32 s0, $0x0;
	s0 =	rddreg [dreg:$0x4]  }
0x148: {  	s0 =	sadd.s32 @!p0 $0x100000, s0  }
0x149: {  	[sflag:s0] =	ssyncadd.tile.s32 @!p0 $0x1;
	_ =	shalt  }
.Lfunc_end2:
_tile_overlayer_lowered:
.L_overlay_start_2:
0x14a: {  	(tag) =	ssettag $0x2  }
0x14b: {  	s0 =	rddreg [dreg:$0x0];
	s2 =	stileid.u32  }
0x14c: {  	s1 =	rddreg [dreg:$0x1];
	p0 =	sne.s32 s2, $0x0  }
0x14d: {  	s3 =	rddreg [dreg:$0x2];
	[bflag:$0x3] =	sbarrier.arrive $0xFFFF;
	s2 =	simm.s32 @!p0 $0x1C04  }
0x14e: {  	[timem:s3], [sflag:s2] =	dma.local @!p0 [hbm:s0], s1  }
0x14f: {  	s0 =	simm.s32 @!p0 $0x4  }
0x150: {  	_ =	swait.ge @!p0 [sflag:s0], s1  }
0x151: {  	s1 =	ssub.s32 @!p0 $0x0, s1;
	[sflag:s0] =	ssyncset.done @!p0 $0x0  }
0x152: {  	[sflag:s0] =	ssyncadd.s32 @!p0 s1  }
0x153: {  	[bflag:$0x3] =	sbarrier.arrive $0xFFFF  }
0x154: {  	_ =	shalt  }

</sc_bundles>
